<compile_context>
chip_gen: v7x
topology: tpu7x:2x2x1
jax: 0.10.2.dev20260603
libtpu: 0.0.44.dev20260713+nightly
codegen_flags: <defaults>
</compile_context>

<pallas_src>
import functools

import jax
import jax.numpy as jnp
from jax import lax
from jax.experimental import pallas as pl
from jax.experimental.pallas import tpu as pltpu
from jax.experimental.pallas import tpu_sc as plsc

_N = 10000
_E = 320000
_H = 128
_G = 16

_NC = 2
_NS = 16
_NW = _NC * _NS
_CH = 128
_EPW = _E // _NW
_CPW = 80
_WCH = 40
_EPWP = _CPW * _CH
_NPAD = 10112
_RPT = _NPAD // _NS
_DW = 16

@functools.cache
def _mesh():
    return plsc.VectorSubcoreMesh(core_axis_name="c", subcore_axis_name="s",
                                  num_cores=_NC, num_subcores=_NS)


def _sc_deg_body(dstp_hbm, out_hbm, dst_v, ones_v, zb_v, acc_sh):
    c = lax.axis_index("c")
    s = lax.axis_index("s")
    wid = s * _NC + c

    lane = lax.iota(jnp.int32, 16)
    onehot = jnp.where(lane == 0, 1.0, 0.0).astype(jnp.float32)
    z16 = jnp.zeros((16,), jnp.float32)

    def fill(r, carry):
        ones_v[r, :] = onehot
        zb_v[r, :] = z16
        return carry

    lax.fori_loop(0, _CH, fill, 0)

    base = s * _RPT
    nfull = _RPT // _CH
    for k in range(nfull):
        pltpu.sync_copy(zb_v, acc_sh.at[pl.ds(base + k * _CH, _CH)])
    rem = _RPT - nfull * _CH
    if rem:
        pltpu.sync_copy(zb_v.at[pl.ds(0, rem)],
                        acc_sh.at[pl.ds(base + nfull * _CH, rem)])

    pltpu.sync_copy(dstp_hbm.at[wid], dst_v)
    plsc.subcore_barrier()

    def step(j, carry):
        pltpu.sync_copy(ones_v, acc_sh.at[dst_v.at[j]], add=True)
        return carry

    lax.fori_loop(0, _CPW, step, 0)
    plsc.subcore_barrier()
    pltpu.sync_copy(acc_sh.at[pl.ds(base, _RPT)],
                    out_hbm.at[c, pl.ds(base, _RPT)])


@functools.cache
def _sc_deg():
    return pl.kernel(
        _sc_deg_body,
        out_type=jax.ShapeDtypeStruct((_NC, _NPAD, _DW), jnp.float32),
        mesh=_mesh(),
        scratch_types=[
            pltpu.VMEM((_CPW, _CH), jnp.int32),
            pltpu.VMEM((_CH, _DW), jnp.float32),
            pltpu.VMEM((_CH, _DW), jnp.float32),
            pltpu.VMEM_SHARED((_NPAD, _DW), jnp.float32),
        ],
    )


def _sc_msg_body(u_hbm, srcp_hbm, dstp_hbm, out_hbm,
                 src_v, dst_v, rows0_v, acc_sh, sem_g0, sem_g1):
    c = lax.axis_index("c")
    s = lax.axis_index("s")
    wid = s * _NC + c

    z16 = jnp.zeros((16,), jnp.float32)

    def zfill(r, carry):
        for cc in range(_H // 16):
            rows0_v[0, r, pl.ds(cc * 16, 16)] = z16
        return carry

    lax.fori_loop(0, _CH, zfill, 0)

    base = s * _RPT
    nfull = _RPT // _CH
    for k in range(nfull):
        pltpu.sync_copy(rows0_v.at[0], acc_sh.at[pl.ds(base + k * _CH, _CH)])
    rem = _RPT - nfull * _CH
    if rem:
        pltpu.sync_copy(rows0_v.at[0, pl.ds(0, rem)],
                        acc_sh.at[pl.ds(base + nfull * _CH, rem)])

    plsc.subcore_barrier()

    def gather(j, p, sem):
        return pltpu.async_copy(u_hbm.at[src_v.at[j]], rows0_v.at[p], sem)

    def wait_gather(p, sem):
        pltpu.make_async_copy(u_hbm.at[src_v.at[0]], rows0_v.at[p], sem).wait()

    def scatter(j, p):
        pltpu.sync_copy(rows0_v.at[p], acc_sh.at[dst_v.at[j]], add=True)

    def pair(k, carry):
        j0 = 2 * k
        gather(j0 + 1, 1, sem_g1)
        wait_gather(0, sem_g0)
        scatter(j0, 0)
        gather(j0 + 2, 0, sem_g0)
        wait_gather(1, sem_g1)
        scatter(j0 + 1, 1)
        return carry

    for h in range(2):
        pltpu.sync_copy(srcp_hbm.at[wid, pl.ds(h * _WCH, _WCH)], src_v)
        pltpu.sync_copy(dstp_hbm.at[wid, pl.ds(h * _WCH, _WCH)], dst_v)
        gather(0, 0, sem_g0)
        lax.fori_loop(0, _WCH // 2 - 1, pair, 0)
        gather(_WCH - 1, 1, sem_g1)
        wait_gather(0, sem_g0)
        scatter(_WCH - 2, 0)
        wait_gather(1, sem_g1)
        scatter(_WCH - 1, 1)

    plsc.subcore_barrier()
    pltpu.sync_copy(acc_sh.at[pl.ds(base, _RPT)],
                    out_hbm.at[c, pl.ds(base, _RPT)])


@functools.cache
def _sc_msg():
    return pl.kernel(
        _sc_msg_body,
        out_type=jax.ShapeDtypeStruct((_NC, _NPAD, _H), jnp.float32),
        mesh=_mesh(),
        scratch_types=[
            pltpu.VMEM((_WCH, _CH), jnp.int32),
            pltpu.VMEM((_WCH, _CH), jnp.int32),
            pltpu.VMEM((2, _CH, _H), jnp.float32),
            pltpu.VMEM_SHARED((_NPAD, _H), jnp.float32),
            pltpu.SemaphoreType.DMA,
            pltpu.SemaphoreType.DMA,
        ],
    )


def _tc_enc_body(lc, w1, b1, w2, b2, h_out):
    h = jnp.maximum(lc[...] * w1[...] + b1[...], 0.0)
    h_out[...] = jnp.dot(h, w2[...], preferred_element_type=jnp.float32) + b2[...]


def _tc_pre_body(henc, wg0, degp, u0_out, dinv_out):
    deg = (jnp.sum(degp[0, :_N, :], axis=-1, keepdims=True)
           + jnp.sum(degp[1, :_N, :], axis=-1, keepdims=True) + 1.0)
    dinv = lax.rsqrt(deg)
    u0_out[...] = dinv * jnp.dot(henc[...], wg0[...],
                                 preferred_element_type=jnp.float32)
    dinv_out[...] = dinv


def _ln_relu(agg, lng, lnb):
    m = jnp.mean(agg, axis=-1, keepdims=True)
    v = jnp.mean((agg - m) ** 2, axis=-1, keepdims=True)
    h = (agg - m) * lax.rsqrt(v + 1e-5) * lng + lnb
    return jnp.maximum(h, 0.0)


def _tc_mid_body(residual, Sp, u, dinv, hprev, bg, lng, lnb, wgn,
                 h_out, un_out):
    S = Sp[0, :_N, :] + Sp[1, :_N, :]
    agg = dinv[...] * (S + u[...]) + bg[...]
    h = _ln_relu(agg, lng[...], lnb[...])
    if residual:
        h = h + hprev[...]
    h_out[...] = h
    un_out[...] = dinv[...] * jnp.dot(h, wgn[...],
                                      preferred_element_type=jnp.float32)


def _tc_post_body(Sp, u, dinv, hprev, bg, lng, lnb, batch,
                  wh1, bh1, wh2, bh2, wh3, bh3, out):
    S = Sp[0, :_N, :] + Sp[1, :_N, :]
    agg = dinv[...] * (S + u[...]) + bg[...]
    h = _ln_relu(agg, lng[...], lnb[...]) + hprev[...]
    mask = (batch[...] == lax.broadcasted_iota(jnp.int32, (_G, _N), 0))
    mask = mask.astype(jnp.float32)
    counts = jnp.sum(mask, axis=1, keepdims=True)
    pooled = jnp.dot(mask, h, preferred_element_type=jnp.float32)
    pooled = pooled / jnp.maximum(counts, 1.0)
    x = jnp.maximum(jnp.dot(pooled, wh1[...],
                            preferred_element_type=jnp.float32) + bh1[...], 0.0)
    x = jnp.maximum(jnp.dot(x, wh2[...],
                            preferred_element_type=jnp.float32) + bh2[...], 0.0)
    y = jnp.dot(x, wh3[...], preferred_element_type=jnp.float32) + bh3[...]
    out[...] = jnp.maximum(y, 0.0) + jnp.log(1.0 + jnp.exp(-jnp.abs(y)))


_f32 = jnp.float32
_nh = jax.ShapeDtypeStruct((_N, _H), _f32)

_tc_enc = pl.pallas_call(_tc_enc_body, out_shape=_nh)
_tc_pre = pl.pallas_call(_tc_pre_body,
                         out_shape=(_nh, jax.ShapeDtypeStruct((_N, 1), _f32)))
_tc_mid0 = pl.pallas_call(functools.partial(_tc_mid_body, False),
                          out_shape=(_nh, _nh))
_tc_mid1 = pl.pallas_call(functools.partial(_tc_mid_body, True),
                          out_shape=(_nh, _nh))
_tc_post = pl.pallas_call(_tc_post_body,
                          out_shape=jax.ShapeDtypeStruct((_G, 1), _f32))


def kernel(lightcurve, edge_index, batch,
           W_enc1, b_enc1, W_enc2, b_enc2,
           W_g0, b_g0, ln_g0, ln_b0,
           W_g1, b_g1, ln_g1, ln_b1,
           W_g2, b_g2, ln_g2, ln_b2,
           W_h1, b_h1, W_h2, b_h2, W_h3, b_h3):
    pad = _EPWP - _EPW
    src = edge_index[0].reshape(_NW, _EPW)
    dst = edge_index[1].reshape(_NW, _EPW)
    fake = jnp.arange(pad, dtype=jnp.int32) * 41 % _N
    srcp = jnp.concatenate(
        [src, jnp.broadcast_to(fake, (_NW, pad))],
        axis=1).reshape(_NW, _CPW, _CH)
    sink = _N + (jnp.arange(pad, dtype=jnp.int32) % (_NPAD - _N))
    dstp = jnp.concatenate(
        [dst, jnp.broadcast_to(sink, (_NW, pad))],
        axis=1).reshape(_NW, _CPW, _CH)

    r = lambda a: a.reshape(1, -1)

    sc_deg, sc_msg = _sc_deg(), _sc_msg()
    degp = sc_deg(dstp)
    henc = _tc_enc(lightcurve, r(W_enc1), r(b_enc1), W_enc2, r(b_enc2))
    u0, dinv = _tc_pre(henc, W_g0, degp)
    S0 = sc_msg(u0, srcp, dstp)
    h1, u1 = _tc_mid0(S0, u0, dinv, u0, r(b_g0), r(ln_g0), r(ln_b0), W_g1)
    S1 = sc_msg(u1, srcp, dstp)
    h2, u2 = _tc_mid1(S1, u1, dinv, h1, r(b_g1), r(ln_g1), r(ln_b1), W_g2)
    S2 = sc_msg(u2, srcp, dstp)
    out = _tc_post(S2, u2, dinv, h2, r(b_g2), r(ln_g2), r(ln_b2), r(batch),
                   W_h1, r(b_h1), W_h2, r(b_h2), W_h3, r(b_h3))
    return out

# --- scband reference (transcript-rebuilt; emitter-appended) ---
"""Pipeline reference for scband-alcdeftemporal-gnn-42477226557518 (READ-ONLY COPY).

The authoritative reference and input builder live on the scoring server;
editing this copy changes nothing except your own understanding.
"""

import jax, jax.numpy as jnp
import numpy as np

N = 10000
E = 320000
H = 128
G = 16


def setup_inputs(seed: int = 0) -> dict:
    key = jax.random.key(seed)
    k = [jax.random.fold_in(key, i) for i in range(32)]

    def w(kk, shape, fan_in):
        return jax.random.normal(kk, shape, dtype=jnp.float32) * (1.0 / np.sqrt(fan_in))

    inp = {}
    inp['lightcurve'] = jax.random.normal(k[0], (N, 1), dtype=jnp.float32)
    inp['edge_index'] = jax.random.randint(k[1], (2, E), 0, N, dtype=jnp.int32)
    inp['batch'] = jnp.sort(jax.random.randint(k[2], (N,), 0, G, dtype=jnp.int32))
    inp['W_enc1'] = w(k[3], (1, H), 1)
    inp['b_enc1'] = jnp.zeros((H,), jnp.float32)
    inp['W_enc2'] = w(k[4], (H, H), H)
    inp['b_enc2'] = jnp.zeros((H,), jnp.float32)
    for i in range(3):
        inp['W_g%d' % i] = w(k[5 + i], (H, H), H)
        inp['b_g%d' % i] = jnp.zeros((H,), jnp.float32)
        inp['ln_g%d' % i] = jnp.ones((H,), jnp.float32)
        inp['ln_b%d' % i] = jnp.zeros((H,), jnp.float32)
    inp['W_h1'] = w(k[10], (H, H // 2), H)
    inp['b_h1'] = jnp.zeros((H // 2,), jnp.float32)
    inp['W_h2'] = w(k[11], (H // 2, H // 4), H // 2)
    inp['b_h2'] = jnp.zeros((H // 4,), jnp.float32)
    inp['W_h3'] = w(k[12], (H // 4, 1), H // 4)
    inp['b_h3'] = jnp.zeros((1,), jnp.float32)
    return inp


def _layernorm(x, g, b):
    m = jnp.mean(x, axis=-1, keepdims=True)
    v = jnp.var(x, axis=-1, keepdims=True)
    return (x - m) / jnp.sqrt(v + 1e-5) * g + b


def _forward(lightcurve, edge_index, batch, W_enc1, b_enc1, W_enc2, b_enc2, Wg, bg, lng, lnb, W_h1, b_h1, W_h2, b_h2, W_h3, b_h3):
    # GCN normalization with self loops (PyG GCNConv semantics)
    loops = jnp.arange(N, dtype=edge_index.dtype)
    src = jnp.concatenate([edge_index[0], loops])
    dst = jnp.concatenate([edge_index[1], loops])
    deg = jax.ops.segment_sum(jnp.ones_like(src, dtype=jnp.float32), dst, num_segments=N)
    dinv = jnp.where(deg > 0, 1.0 / jnp.sqrt(deg), 0.0)
    norm = dinv[src] * dinv[dst]
    # Lightcurve encoder (MLP)
    h = jax.nn.relu(lightcurve @ W_enc1 + b_enc1)
    h = h @ W_enc2 + b_enc2
    for i in range(3):
        h_prev = h
        hw = h @ Wg[i]
        msg = hw[src] * norm[:, None]
        h = jax.ops.segment_sum(msg, dst, num_segments=N) + bg[i]
        h = _layernorm(h, lng[i], lnb[i])
        h = jax.nn.relu(h)
        # eval mode: dropout disabled
        if i > 0:
            h = h + h_prev
    counts = jax.ops.segment_sum(jnp.ones((N,), jnp.float32), batch, num_segments=G)
    pooled = jax.ops.segment_sum(h, batch, num_segments=G) / jnp.maximum(counts, 1.0)[:, None]
    # PeriodDetectionHead
    x = jax.nn.relu(pooled @ W_h1 + b_h1)
    x = jax.nn.relu(x @ W_h2 + b_h2)
    out = jax.nn.softplus(x @ W_h3 + b_h3)
    return out


def reference(lightcurve, edge_index, batch, W_enc1, b_enc1, W_enc2, b_enc2, W_g0, b_g0, ln_g0, ln_b0, W_g1, b_g1, ln_g1, ln_b1, W_g2, b_g2, ln_g2, ln_b2, W_h1, b_h1, W_h2, b_h2, W_h3, b_h3):
    return _forward(lightcurve, edge_index, batch, W_enc1, b_enc1, W_enc2, b_enc2,
                    [W_g0, W_g1, W_g2], [b_g0, b_g1, b_g2],
                    [ln_g0, ln_g1, ln_g2], [ln_b0, ln_b1, ln_b2],
                    W_h1, b_h1, W_h2, b_h2, W_h3, b_h3)

if __name__ == "__main__":
    import jax
    _d = setup_inputs()
    print(jax.jit(kernel)(*tuple(_d.values())))

</pallas_src>

<mosaic_0001>
#map = affine_map<(d0, d1) -> (0, 0)>
#map1 = affine_map<(d0, d1) -> (0, 0, 0)>
module attributes {stable_mosaic.version = 14 : i64} {
  func.func @_sc_msg_body(%arg0: i32, %arg1: i32, %arg2: memref<10000x128xf32, #tpu.memory_space<hbm>>, %arg3: memref<32x80x128xi32, #tpu.memory_space<hbm>>, %arg4: memref<32x80x128xi32, #tpu.memory_space<hbm>>, %arg5: memref<2x10112x128xf32, #tpu.memory_space<hbm>>, %arg6: memref<40x128xi32, #tpu.memory_space<vmem>>, %arg7: memref<40x128xi32, #tpu.memory_space<vmem>>, %arg8: memref<2x128x128xf32, #tpu.memory_space<vmem>>, %arg9: memref<10112x128xf32, #tpu.memory_space<vmem_shared>>, %arg10: memref<!tpu.dma_semaphore, #tpu.memory_space<semaphore_mem>>, %arg11: memref<!tpu.dma_semaphore, #tpu.memory_space<semaphore_mem>>) attributes {dimension_semantics = [#tpu.dimension_semantics<core_parallel>, #tpu.dimension_semantics<subcore_parallel>], iteration_bounds = array<i64: 2, 16>, scalar_prefetch = 0 : i64, scratch_operands = 6 : i64, tpu.core_type = #tpu.core_type<sc_vector_subcore>, window_params = [{transform_indices = #map}, {transform_indices = #map1}, {transform_indices = #map1}, {transform_indices = #map1}]} {
    %mul3A = arith.constant 2 : i32
    %mul3A_0 = arith.muli %arg1, %mul3A : i32
    %add3A = arith.addi %mul3A_0, %arg0 : i32
    %broadcast_in_dim3A = arith.constant 0.000000e+00 : f32
    %broadcast_in_dim3A_1 = vector.broadcast %broadcast_in_dim3A : f32 to vector<16xf32>
    %scan3A = arith.constant 0 : i32
    %scan3A_2 = arith.constant 0 : i32
    %scan3A_3 = arith.constant 128 : i32
    %scan3A_4 = arith.addi %scan3A_2, %scan3A_3 : i32
    %scan3A_5 = arith.constant 1 : i32
    scf.for %scan3A_138 = %scan3A_2 to %scan3A_4 step %scan3A_5  : i32 {
      %swap3A = arith.constant 0 : i32
      %swap3A_139 = arith.index_cast %swap3A : i32 to index
      %swap3A_140 = arith.index_cast %scan3A_138 : i32 to index
      %swap3A_141 = arith.constant 0 : index
      %swap3A_142 = tpu.vector_load %arg8[%swap3A_139, %swap3A_140, %swap3A_141] {strides = array<i32>} : memref<2x128x128xf32, #tpu.memory_space<vmem>>, vector<1x1x16xf32>,
      %swap3A_143 = vector.shape_cast %swap3A_142 : vector<1x1x16xf32> to vector<16xf32>
      %swap3A_144 = vector.shape_cast %broadcast_in_dim3A_1 : vector<16xf32> to vector<1x1x16xf32>
      tpu.vector_store %arg8[%swap3A_139, %swap3A_140, %swap3A_141], %swap3A_144 {strides = array<i32>} : memref<2x128x128xf32, #tpu.memory_space<vmem>>, vector<1x1x16xf32>,
      %swap3A_145 = arith.constant 0 : i32
      %swap3A_146 = arith.index_cast %swap3A_145 : i32 to index
      %swap3A_147 = arith.index_cast %scan3A_138 : i32 to index
      %swap3A_148 = arith.constant 16 : index
      %swap3A_149 = tpu.vector_load %arg8[%swap3A_146, %swap3A_147, %swap3A_148] {strides = array<i32>} : memref<2x128x128xf32, #tpu.memory_space<vmem>>, vector<1x1x16xf32>,
      %swap3A_150 = vector.shape_cast %swap3A_149 : vector<1x1x16xf32> to vector<16xf32>
      %swap3A_151 = vector.shape_cast %broadcast_in_dim3A_1 : vector<16xf32> to vector<1x1x16xf32>
      tpu.vector_store %arg8[%swap3A_146, %swap3A_147, %swap3A_148], %swap3A_151 {strides = array<i32>} : memref<2x128x128xf32, #tpu.memory_space<vmem>>, vector<1x1x16xf32>,
      %swap3A_152 = arith.constant 0 : i32
      %swap3A_153 = arith.index_cast %swap3A_152 : i32 to index
      %swap3A_154 = arith.index_cast %scan3A_138 : i32 to index
      %swap3A_155 = arith.constant 32 : index
      %swap3A_156 = tpu.vector_load %arg8[%swap3A_153, %swap3A_154, %swap3A_155] {strides = array<i32>} : memref<2x128x128xf32, #tpu.memory_space<vmem>>, vector<1x1x16xf32>,
      %swap3A_157 = vector.shape_cast %swap3A_156 : vector<1x1x16xf32> to vector<16xf32>
      %swap3A_158 = vector.shape_cast %broadcast_in_dim3A_1 : vector<16xf32> to vector<1x1x16xf32>
      tpu.vector_store %arg8[%swap3A_153, %swap3A_154, %swap3A_155], %swap3A_158 {strides = array<i32>} : memref<2x128x128xf32, #tpu.memory_space<vmem>>, vector<1x1x16xf32>,
      %swap3A_159 = arith.constant 0 : i32
      %swap3A_160 = arith.index_cast %swap3A_159 : i32 to index
      %swap3A_161 = arith.index_cast %scan3A_138 : i32 to index
      %swap3A_162 = arith.constant 48 : index
      %swap3A_163 = tpu.vector_load %arg8[%swap3A_160, %swap3A_161, %swap3A_162] {strides = array<i32>} : memref<2x128x128xf32, #tpu.memory_space<vmem>>, vector<1x1x16xf32>,
      %swap3A_164 = vector.shape_cast %swap3A_163 : vector<1x1x16xf32> to vector<16xf32>
      %swap3A_165 = vector.shape_cast %broadcast_in_dim3A_1 : vector<16xf32> to vector<1x1x16xf32>
      tpu.vector_store %arg8[%swap3A_160, %swap3A_161, %swap3A_162], %swap3A_165 {strides = array<i32>} : memref<2x128x128xf32, #tpu.memory_space<vmem>>, vector<1x1x16xf32>,
      %swap3A_166 = arith.constant 0 : i32
      %swap3A_167 = arith.index_cast %swap3A_166 : i32 to index
      %swap3A_168 = arith.index_cast %scan3A_138 : i32 to index
      %swap3A_169 = arith.constant 64 : index
      %swap3A_170 = tpu.vector_load %arg8[%swap3A_167, %swap3A_168, %swap3A_169] {strides = array<i32>} : memref<2x128x128xf32, #tpu.memory_space<vmem>>, vector<1x1x16xf32>,
      %swap3A_171 = vector.shape_cast %swap3A_170 : vector<1x1x16xf32> to vector<16xf32>
      %swap3A_172 = vector.shape_cast %broadcast_in_dim3A_1 : vector<16xf32> to vector<1x1x16xf32>
      tpu.vector_store %arg8[%swap3A_167, %swap3A_168, %swap3A_169], %swap3A_172 {strides = array<i32>} : memref<2x128x128xf32, #tpu.memory_space<vmem>>, vector<1x1x16xf32>,
      %swap3A_173 = arith.constant 0 : i32
      %swap3A_174 = arith.index_cast %swap3A_173 : i32 to index
      %swap3A_175 = arith.index_cast %scan3A_138 : i32 to index
      %swap3A_176 = arith.constant 80 : index
      %swap3A_177 = tpu.vector_load %arg8[%swap3A_174, %swap3A_175, %swap3A_176] {strides = array<i32>} : memref<2x128x128xf32, #tpu.memory_space<vmem>>, vector<1x1x16xf32>,
      %swap3A_178 = vector.shape_cast %swap3A_177 : vector<1x1x16xf32> to vector<16xf32>
      %swap3A_179 = vector.shape_cast %broadcast_in_dim3A_1 : vector<16xf32> to vector<1x1x16xf32>
      tpu.vector_store %arg8[%swap3A_174, %swap3A_175, %swap3A_176], %swap3A_179 {strides = array<i32>} : memref<2x128x128xf32, #tpu.memory_space<vmem>>, vector<1x1x16xf32>,
      %swap3A_180 = arith.constant 0 : i32
      %swap3A_181 = arith.index_cast %swap3A_180 : i32 to index
      %swap3A_182 = arith.index_cast %scan3A_138 : i32 to index
      %swap3A_183 = arith.constant 96 : index
      %swap3A_184 = tpu.vector_load %arg8[%swap3A_181, %swap3A_182, %swap3A_183] {strides = array<i32>} : memref<2x128x128xf32, #tpu.memory_space<vmem>>, vector<1x1x16xf32>,
      %swap3A_185 = vector.shape_cast %swap3A_184 : vector<1x1x16xf32> to vector<16xf32>
      %swap3A_186 = vector.shape_cast %broadcast_in_dim3A_1 : vector<16xf32> to vector<1x1x16xf32>
      tpu.vector_store %arg8[%swap3A_181, %swap3A_182, %swap3A_183], %swap3A_186 {strides = array<i32>} : memref<2x128x128xf32, #tpu.memory_space<vmem>>, vector<1x1x16xf32>,
      %swap3A_187 = arith.constant 0 : i32
      %swap3A_188 = arith.index_cast %swap3A_187 : i32 to index
      %swap3A_189 = arith.index_cast %scan3A_138 : i32 to index
      %swap3A_190 = arith.constant 112 : index
      %swap3A_191 = tpu.vector_load %arg8[%swap3A_188, %swap3A_189, %swap3A_190] {strides = array<i32>} : memref<2x128x128xf32, #tpu.memory_space<vmem>>, vector<1x1x16xf32>,
      %swap3A_192 = vector.shape_cast %swap3A_191 : vector<1x1x16xf32> to vector<16xf32>
      %swap3A_193 = vector.shape_cast %broadcast_in_dim3A_1 : vector<16xf32> to vector<1x1x16xf32>
      tpu.vector_store %arg8[%swap3A_188, %swap3A_189, %swap3A_190], %swap3A_193 {strides = array<i32>} : memref<2x128x128xf32, #tpu.memory_space<vmem>>, vector<1x1x16xf32>,
    }
    %scan3A_6 = arith.constant 128 : i32
    %mul3A_7 = arith.constant 632 : i32
    %mul3A_8 = arith.muli %arg1, %mul3A_7 : i32
    %add3A_9 = arith.constant 0 : i32
    %add3A_10 = arith.addi %mul3A_8, %add3A_9 : i32
    %run_scoped3A = arith.constant 0 : i32
    "tpu.region"() ({
      %run_scoped3A_138 = tpu.sem_alloc : memref<!tpu.dma_semaphore, #tpu.memory_space<semaphore_mem>>
      %dma_start3A_139 = arith.constant 0 : i32
      %dma_start3A_140 = arith.constant 0 : i32
      %dma_start3A_141 = tpu.memref_slice %arg8[%run_scoped3A, %dma_start3A_139, %dma_start3A_140] : memref<2x128x128xf32, #tpu.memory_space<vmem>> -> memref<1x128x128xf32, #tpu.memory_space<vmem>>
      %dma_start3A_142 = tpu.memref_squeeze %dma_start3A_141 : memref<1x128x128xf32, #tpu.memory_space<vmem>> -> memref<128x128xf32, #tpu.memory_space<vmem>>
      %dma_start3A_143 = arith.constant 0 : i32
      %dma_start3A_144 = tpu.memref_slice %arg9[%add3A_10, %dma_start3A_143] : memref<10112x128xf32, #tpu.memory_space<vmem_shared>> -> memref<128x128xf32, #tpu.memory_space<vmem_shared>>
      %dma_start3A_145 = arith.constant 0 : i32
      %dma_start3A_146 = tpu.memref_slice %arg9[%add3A_10, %dma_start3A_145] : memref<10112x128xf32, #tpu.memory_space<vmem_shared>> -> memref<128x128xf32, #tpu.memory_space<vmem_shared>>
      %dma_start3A_147 = arith.constant 0 : i32
      %dma_start3A_148 = arith.constant 0 : i32
      %dma_start3A_149 = tpu.memref_slice %arg8[%run_scoped3A, %dma_start3A_147, %dma_start3A_148] : memref<2x128x128xf32, #tpu.memory_space<vmem>> -> memref<1x128x128xf32, #tpu.memory_space<vmem>>
      %dma_start3A_150 = tpu.memref_squeeze %dma_start3A_149 : memref<1x128x128xf32, #tpu.memory_space<vmem>> -> memref<128x128xf32, #tpu.memory_space<vmem>>
      tpu.enqueue_dma source(%dma_start3A_150 : memref<128x128xf32, #tpu.memory_space<vmem>>) target(%dma_start3A_146 : memref<128x128xf32, #tpu.memory_space<vmem_shared>>) target_semaphore(%run_scoped3A_138 : memref<!tpu.dma_semaphore, #tpu.memory_space<semaphore_mem>>)
      %dma_wait3A_151 = arith.constant 0 : i32
      %dma_wait3A_152 = arith.constant 0 : i32
      %dma_wait3A_153 = tpu.memref_slice %arg8[%run_scoped3A, %dma_wait3A_151, %dma_wait3A_152] : memref<2x128x128xf32, #tpu.memory_space<vmem>> -> memref<1x128x128xf32, #tpu.memory_space<vmem>>
      %dma_wait3A_154 = tpu.memref_squeeze %dma_wait3A_153 : memref<1x128x128xf32, #tpu.memory_space<vmem>> -> memref<128x128xf32, #tpu.memory_space<vmem>>
      %dma_wait3A_155 = arith.constant 0 : i32
      %dma_wait3A_156 = tpu.memref_slice %arg9[%add3A_10, %dma_wait3A_155] : memref<10112x128xf32, #tpu.memory_space<vmem_shared>> -> memref<128x128xf32, #tpu.memory_space<vmem_shared>>
      %dma_wait3A_157 = arith.constant 0 : i32
      %dma_wait3A_158 = tpu.memref_slice %arg9[%add3A_10, %dma_wait3A_157] : memref<10112x128xf32, #tpu.memory_space<vmem_shared>> -> memref<128x128xf32, #tpu.memory_space<vmem_shared>>
      %dma_wait3A_159 = arith.constant 0 : i32
      %dma_wait3A_160 = arith.constant 0 : i32
      %dma_wait3A_161 = tpu.memref_slice %arg8[%run_scoped3A, %dma_wait3A_159, %dma_wait3A_160] : memref<2x128x128xf32, #tpu.memory_space<vmem>> -> memref<1x128x128xf32, #tpu.memory_space<vmem>>
      %dma_wait3A_162 = tpu.memref_squeeze %dma_wait3A_161 : memref<1x128x128xf32, #tpu.memory_space<vmem>> -> memref<128x128xf32, #tpu.memory_space<vmem>>
      tpu.wait_dma2 semaphore(%run_scoped3A_138 : memref<!tpu.dma_semaphore, #tpu.memory_space<semaphore_mem>>) src(%dma_wait3A_162 : memref<128x128xf32, #tpu.memory_space<vmem>>) dst(%dma_wait3A_158 : memref<128x128xf32, #tpu.memory_space<vmem_shared>>)
      tpu.yield
    }) : () -> ()
    %add3A_11 = arith.constant 128 : i32
    %add3A_12 = arith.addi %mul3A_8, %add3A_11 : i32
    %run_scoped3A_13 = arith.constant 0 : i32
    "tpu.region"() ({
      %run_scoped3A_138 = tpu.sem_alloc : memref<!tpu.dma_semaphore, #tpu.memory_space<semaphore_mem>>
      %dma_start3A_139 = arith.constant 0 : i32
      %dma_start3A_140 = arith.constant 0 : i32
      %dma_start3A_141 = tpu.memref_slice %arg8[%run_scoped3A_13, %dma_start3A_139, %dma_start3A_140] : memref<2x128x128xf32, #tpu.memory_space<vmem>> -> memref<1x128x128xf32, #tpu.memory_space<vmem>>
      %dma_start3A_142 = tpu.memref_squeeze %dma_start3A_141 : memref<1x128x128xf32, #tpu.memory_space<vmem>> -> memref<128x128xf32, #tpu.memory_space<vmem>>
      %dma_start3A_143 = arith.constant 0 : i32
      %dma_start3A_144 = tpu.memref_slice %arg9[%add3A_12, %dma_start3A_143] : memref<10112x128xf32, #tpu.memory_space<vmem_shared>> -> memref<128x128xf32, #tpu.memory_space<vmem_shared>>
      %dma_start3A_145 = arith.constant 0 : i32
      %dma_start3A_146 = tpu.memref_slice %arg9[%add3A_12, %dma_start3A_145] : memref<10112x128xf32, #tpu.memory_space<vmem_shared>> -> memref<128x128xf32, #tpu.memory_space<vmem_shared>>
      %dma_start3A_147 = arith.constant 0 : i32
      %dma_start3A_148 = arith.constant 0 : i32
      %dma_start3A_149 = tpu.memref_slice %arg8[%run_scoped3A_13, %dma_start3A_147, %dma_start3A_148] : memref<2x128x128xf32, #tpu.memory_space<vmem>> -> memref<1x128x128xf32, #tpu.memory_space<vmem>>
      %dma_start3A_150 = tpu.memref_squeeze %dma_start3A_149 : memref<1x128x128xf32, #tpu.memory_space<vmem>> -> memref<128x128xf32, #tpu.memory_space<vmem>>
      tpu.enqueue_dma source(%dma_start3A_150 : memref<128x128xf32, #tpu.memory_space<vmem>>) target(%dma_start3A_146 : memref<128x128xf32, #tpu.memory_space<vmem_shared>>) target_semaphore(%run_scoped3A_138 : memref<!tpu.dma_semaphore, #tpu.memory_space<semaphore_mem>>)
      %dma_wait3A_151 = arith.constant 0 : i32
      %dma_wait3A_152 = arith.constant 0 : i32
      %dma_wait3A_153 = tpu.memref_slice %arg8[%run_scoped3A_13, %dma_wait3A_151, %dma_wait3A_152] : memref<2x128x128xf32, #tpu.memory_space<vmem>> -> memref<1x128x128xf32, #tpu.memory_space<vmem>>
      %dma_wait3A_154 = tpu.memref_squeeze %dma_wait3A_153 : memref<1x128x128xf32, #tpu.memory_space<vmem>> -> memref<128x128xf32, #tpu.memory_space<vmem>>
      %dma_wait3A_155 = arith.constant 0 : i32
      %dma_wait3A_156 = tpu.memref_slice %arg9[%add3A_12, %dma_wait3A_155] : memref<10112x128xf32, #tpu.memory_space<vmem_shared>> -> memref<128x128xf32, #tpu.memory_space<vmem_shared>>
      %dma_wait3A_157 = arith.constant 0 : i32
      %dma_wait3A_158 = tpu.memref_slice %arg9[%add3A_12, %dma_wait3A_157] : memref<10112x128xf32, #tpu.memory_space<vmem_shared>> -> memref<128x128xf32, #tpu.memory_space<vmem_shared>>
      %dma_wait3A_159 = arith.constant 0 : i32
      %dma_wait3A_160 = arith.constant 0 : i32
      %dma_wait3A_161 = tpu.memref_slice %arg8[%run_scoped3A_13, %dma_wait3A_159, %dma_wait3A_160] : memref<2x128x128xf32, #tpu.memory_space<vmem>> -> memref<1x128x128xf32, #tpu.memory_space<vmem>>
      %dma_wait3A_162 = tpu.memref_squeeze %dma_wait3A_161 : memref<1x128x128xf32, #tpu.memory_space<vmem>> -> memref<128x128xf32, #tpu.memory_space<vmem>>
      tpu.wait_dma2 semaphore(%run_scoped3A_138 : memref<!tpu.dma_semaphore, #tpu.memory_space<semaphore_mem>>) src(%dma_wait3A_162 : memref<128x128xf32, #tpu.memory_space<vmem>>) dst(%dma_wait3A_158 : memref<128x128xf32, #tpu.memory_space<vmem_shared>>)
      tpu.yield
    }) : () -> ()
    %add3A_14 = arith.constant 256 : i32
    %add3A_15 = arith.addi %mul3A_8, %add3A_14 : i32
    %run_scoped3A_16 = arith.constant 0 : i32
    "tpu.region"() ({
      %run_scoped3A_138 = tpu.sem_alloc : memref<!tpu.dma_semaphore, #tpu.memory_space<semaphore_mem>>
      %dma_start3A_139 = arith.constant 0 : i32
      %dma_start3A_140 = arith.constant 0 : i32
      %dma_start3A_141 = tpu.memref_slice %arg8[%run_scoped3A_16, %dma_start3A_139, %dma_start3A_140] : memref<2x128x128xf32, #tpu.memory_space<vmem>> -> memref<1x128x128xf32, #tpu.memory_space<vmem>>
      %dma_start3A_142 = tpu.memref_squeeze %dma_start3A_141 : memref<1x128x128xf32, #tpu.memory_space<vmem>> -> memref<128x128xf32, #tpu.memory_space<vmem>>
      %dma_start3A_143 = arith.constant 0 : i32
      %dma_start3A_144 = tpu.memref_slice %arg9[%add3A_15, %dma_start3A_143] : memref<10112x128xf32, #tpu.memory_space<vmem_shared>> -> memref<128x128xf32, #tpu.memory_space<vmem_shared>>
      %dma_start3A_145 = arith.constant 0 : i32
      %dma_start3A_146 = tpu.memref_slice %arg9[%add3A_15, %dma_start3A_145] : memref<10112x128xf32, #tpu.memory_space<vmem_shared>> -> memref<128x128xf32, #tpu.memory_space<vmem_shared>>
      %dma_start3A_147 = arith.constant 0 : i32
      %dma_start3A_148 = arith.constant 0 : i32
      %dma_start3A_149 = tpu.memref_slice %arg8[%run_scoped3A_16, %dma_start3A_147, %dma_start3A_148] : memref<2x128x128xf32, #tpu.memory_space<vmem>> -> memref<1x128x128xf32, #tpu.memory_space<vmem>>
      %dma_start3A_150 = tpu.memref_squeeze %dma_start3A_149 : memref<1x128x128xf32, #tpu.memory_space<vmem>> -> memref<128x128xf32, #tpu.memory_space<vmem>>
      tpu.enqueue_dma source(%dma_start3A_150 : memref<128x128xf32, #tpu.memory_space<vmem>>) target(%dma_start3A_146 : memref<128x128xf32, #tpu.memory_space<vmem_shared>>) target_semaphore(%run_scoped3A_138 : memref<!tpu.dma_semaphore, #tpu.memory_space<semaphore_mem>>)
      %dma_wait3A_151 = arith.constant 0 : i32
      %dma_wait3A_152 = arith.constant 0 : i32
      %dma_wait3A_153 = tpu.memref_slice %arg8[%run_scoped3A_16, %dma_wait3A_151, %dma_wait3A_152] : memref<2x128x128xf32, #tpu.memory_space<vmem>> -> memref<1x128x128xf32, #tpu.memory_space<vmem>>
      %dma_wait3A_154 = tpu.memref_squeeze %dma_wait3A_153 : memref<1x128x128xf32, #tpu.memory_space<vmem>> -> memref<128x128xf32, #tpu.memory_space<vmem>>
      %dma_wait3A_155 = arith.constant 0 : i32
      %dma_wait3A_156 = tpu.memref_slice %arg9[%add3A_15, %dma_wait3A_155] : memref<10112x128xf32, #tpu.memory_space<vmem_shared>> -> memref<128x128xf32, #tpu.memory_space<vmem_shared>>
      %dma_wait3A_157 = arith.constant 0 : i32
      %dma_wait3A_158 = tpu.memref_slice %arg9[%add3A_15, %dma_wait3A_157] : memref<10112x128xf32, #tpu.memory_space<vmem_shared>> -> memref<128x128xf32, #tpu.memory_space<vmem_shared>>
      %dma_wait3A_159 = arith.constant 0 : i32
      %dma_wait3A_160 = arith.constant 0 : i32
      %dma_wait3A_161 = tpu.memref_slice %arg8[%run_scoped3A_16, %dma_wait3A_159, %dma_wait3A_160] : memref<2x128x128xf32, #tpu.memory_space<vmem>> -> memref<1x128x128xf32, #tpu.memory_space<vmem>>
      %dma_wait3A_162 = tpu.memref_squeeze %dma_wait3A_161 : memref<1x128x128xf32, #tpu.memory_space<vmem>> -> memref<128x128xf32, #tpu.memory_space<vmem>>
      tpu.wait_dma2 semaphore(%run_scoped3A_138 : memref<!tpu.dma_semaphore, #tpu.memory_space<semaphore_mem>>) src(%dma_wait3A_162 : memref<128x128xf32, #tpu.memory_space<vmem>>) dst(%dma_wait3A_158 : memref<128x128xf32, #tpu.memory_space<vmem_shared>>)
      tpu.yield
    }) : () -> ()
    %add3A_17 = arith.constant 384 : i32
    %add3A_18 = arith.addi %mul3A_8, %add3A_17 : i32
    %run_scoped3A_19 = arith.constant 0 : i32
    "tpu.region"() ({
      %run_scoped3A_138 = tpu.sem_alloc : memref<!tpu.dma_semaphore, #tpu.memory_space<semaphore_mem>>
      %dma_start3A_139 = arith.constant 0 : i32
      %dma_start3A_140 = arith.constant 0 : i32
      %dma_start3A_141 = tpu.memref_slice %arg8[%run_scoped3A_19, %dma_start3A_139, %dma_start3A_140] : memref<2x128x128xf32, #tpu.memory_space<vmem>> -> memref<1x128x128xf32, #tpu.memory_space<vmem>>
      %dma_start3A_142 = tpu.memref_squeeze %dma_start3A_141 : memref<1x128x128xf32, #tpu.memory_space<vmem>> -> memref<128x128xf32, #tpu.memory_space<vmem>>
      %dma_start3A_143 = arith.constant 0 : i32
      %dma_start3A_144 = tpu.memref_slice %arg9[%add3A_18, %dma_start3A_143] : memref<10112x128xf32, #tpu.memory_space<vmem_shared>> -> memref<128x128xf32, #tpu.memory_space<vmem_shared>>
      %dma_start3A_145 = arith.constant 0 : i32
      %dma_start3A_146 = tpu.memref_slice %arg9[%add3A_18, %dma_start3A_145] : memref<10112x128xf32, #tpu.memory_space<vmem_shared>> -> memref<128x128xf32, #tpu.memory_space<vmem_shared>>
      %dma_start3A_147 = arith.constant 0 : i32
      %dma_start3A_148 = arith.constant 0 : i32
      %dma_start3A_149 = tpu.memref_slice %arg8[%run_scoped3A_19, %dma_start3A_147, %dma_start3A_148] : memref<2x128x128xf32, #tpu.memory_space<vmem>> -> memref<1x128x128xf32, #tpu.memory_space<vmem>>
      %dma_start3A_150 = tpu.memref_squeeze %dma_start3A_149 : memref<1x128x128xf32, #tpu.memory_space<vmem>> -> memref<128x128xf32, #tpu.memory_space<vmem>>
      tpu.enqueue_dma source(%dma_start3A_150 : memref<128x128xf32, #tpu.memory_space<vmem>>) target(%dma_start3A_146 : memref<128x128xf32, #tpu.memory_space<vmem_shared>>) target_semaphore(%run_scoped3A_138 : memref<!tpu.dma_semaphore, #tpu.memory_space<semaphore_mem>>)
      %dma_wait3A_151 = arith.constant 0 : i32
      %dma_wait3A_152 = arith.constant 0 : i32
      %dma_wait3A_153 = tpu.memref_slice %arg8[%run_scoped3A_19, %dma_wait3A_151, %dma_wait3A_152] : memref<2x128x128xf32, #tpu.memory_space<vmem>> -> memref<1x128x128xf32, #tpu.memory_space<vmem>>
      %dma_wait3A_154 = tpu.memref_squeeze %dma_wait3A_153 : memref<1x128x128xf32, #tpu.memory_space<vmem>> -> memref<128x128xf32, #tpu.memory_space<vmem>>
      %dma_wait3A_155 = arith.constant 0 : i32
      %dma_wait3A_156 = tpu.memref_slice %arg9[%add3A_18, %dma_wait3A_155] : memref<10112x128xf32, #tpu.memory_space<vmem_shared>> -> memref<128x128xf32, #tpu.memory_space<vmem_shared>>
      %dma_wait3A_157 = arith.constant 0 : i32
      %dma_wait3A_158 = tpu.memref_slice %arg9[%add3A_18, %dma_wait3A_157] : memref<10112x128xf32, #tpu.memory_space<vmem_shared>> -> memref<128x128xf32, #tpu.memory_space<vmem_shared>>
      %dma_wait3A_159 = arith.constant 0 : i32
      %dma_wait3A_160 = arith.constant 0 : i32
      %dma_wait3A_161 = tpu.memref_slice %arg8[%run_scoped3A_19, %dma_wait3A_159, %dma_wait3A_160] : memref<2x128x128xf32, #tpu.memory_space<vmem>> -> memref<1x128x128xf32, #tpu.memory_space<vmem>>
      %dma_wait3A_162 = tpu.memref_squeeze %dma_wait3A_161 : memref<1x128x128xf32, #tpu.memory_space<vmem>> -> memref<128x128xf32, #tpu.memory_space<vmem>>
      tpu.wait_dma2 semaphore(%run_scoped3A_138 : memref<!tpu.dma_semaphore, #tpu.memory_space<semaphore_mem>>) src(%dma_wait3A_162 : memref<128x128xf32, #tpu.memory_space<vmem>>) dst(%dma_wait3A_158 : memref<128x128xf32, #tpu.memory_space<vmem_shared>>)
      tpu.yield
    }) : () -> ()
    %add3A_20 = arith.constant 512 : i32
    %add3A_21 = arith.addi %mul3A_8, %add3A_20 : i32
    %run_scoped3A_22 = arith.constant 0 : i32
    "tpu.region"() ({
      %run_scoped3A_138 = tpu.sem_alloc : memref<!tpu.dma_semaphore, #tpu.memory_space<semaphore_mem>>
      %dma_start3A_139 = arith.constant 0 : i32
      %dma_start3A_140 = arith.constant 0 : i32
      %dma_start3A_141 = tpu.memref_slice %arg8[%run_scoped3A_22, %dma_start3A_139, %dma_start3A_140] : memref<2x128x128xf32, #tpu.memory_space<vmem>> -> memref<1x120x128xf32, #tpu.memory_space<vmem>>
      %dma_start3A_142 = tpu.memref_squeeze %dma_start3A_141 : memref<1x120x128xf32, #tpu.memory_space<vmem>> -> memref<120x128xf32, #tpu.memory_space<vmem>>
      %dma_start3A_143 = arith.constant 0 : i32
      %dma_start3A_144 = tpu.memref_slice %arg9[%add3A_21, %dma_start3A_143] : memref<10112x128xf32, #tpu.memory_space<vmem_shared>> -> memref<120x128xf32, #tpu.memory_space<vmem_shared>>
      %dma_start3A_145 = arith.constant 0 : i32
      %dma_start3A_146 = tpu.memref_slice %arg9[%add3A_21, %dma_start3A_145] : memref<10112x128xf32, #tpu.memory_space<vmem_shared>> -> memref<120x128xf32, #tpu.memory_space<vmem_shared>>
      %dma_start3A_147 = arith.constant 0 : i32
      %dma_start3A_148 = arith.constant 0 : i32
      %dma_start3A_149 = tpu.memref_slice %arg8[%run_scoped3A_22, %dma_start3A_147, %dma_start3A_148] : memref<2x128x128xf32, #tpu.memory_space<vmem>> -> memref<1x120x128xf32, #tpu.memory_space<vmem>>
      %dma_start3A_150 = tpu.memref_squeeze %dma_start3A_149 : memref<1x120x128xf32, #tpu.memory_space<vmem>> -> memref<120x128xf32, #tpu.memory_space<vmem>>
      tpu.enqueue_dma source(%dma_start3A_150 : memref<120x128xf32, #tpu.memory_space<vmem>>) target(%dma_start3A_146 : memref<120x128xf32, #tpu.memory_space<vmem_shared>>) target_semaphore(%run_scoped3A_138 : memref<!tpu.dma_semaphore, #tpu.memory_space<semaphore_mem>>)
      %dma_wait3A_151 = arith.constant 0 : i32
      %dma_wait3A_152 = arith.constant 0 : i32
      %dma_wait3A_153 = tpu.memref_slice %arg8[%run_scoped3A_22, %dma_wait3A_151, %dma_wait3A_152] : memref<2x128x128xf32, #tpu.memory_space<vmem>> -> memref<1x120x128xf32, #tpu.memory_space<vmem>>
      %dma_wait3A_154 = tpu.memref_squeeze %dma_wait3A_153 : memref<1x120x128xf32, #tpu.memory_space<vmem>> -> memref<120x128xf32, #tpu.memory_space<vmem>>
      %dma_wait3A_155 = arith.constant 0 : i32
      %dma_wait3A_156 = tpu.memref_slice %arg9[%add3A_21, %dma_wait3A_155] : memref<10112x128xf32, #tpu.memory_space<vmem_shared>> -> memref<120x128xf32, #tpu.memory_space<vmem_shared>>
      %dma_wait3A_157 = arith.constant 0 : i32
      %dma_wait3A_158 = tpu.memref_slice %arg9[%add3A_21, %dma_wait3A_157] : memref<10112x128xf32, #tpu.memory_space<vmem_shared>> -> memref<120x128xf32, #tpu.memory_space<vmem_shared>>
      %dma_wait3A_159 = arith.constant 0 : i32
      %dma_wait3A_160 = arith.constant 0 : i32
      %dma_wait3A_161 = tpu.memref_slice %arg8[%run_scoped3A_22, %dma_wait3A_159, %dma_wait3A_160] : memref<2x128x128xf32, #tpu.memory_space<vmem>> -> memref<1x120x128xf32, #tpu.memory_space<vmem>>
      %dma_wait3A_162 = tpu.memref_squeeze %dma_wait3A_161 : memref<1x120x128xf32, #tpu.memory_space<vmem>> -> memref<120x128xf32, #tpu.memory_space<vmem>>
      tpu.wait_dma2 semaphore(%run_scoped3A_138 : memref<!tpu.dma_semaphore, #tpu.memory_space<semaphore_mem>>) src(%dma_wait3A_162 : memref<120x128xf32, #tpu.memory_space<vmem>>) dst(%dma_wait3A_158 : memref<120x128xf32, #tpu.memory_space<vmem_shared>>)
      tpu.yield
    }) : () -> ()
    %barrier3A = arith.constant 0 : index
    tpu.barrier barrier_id(%barrier3A)
    "tpu.region"() ({
      %run_scoped3A_138 = tpu.sem_alloc : memref<!tpu.dma_semaphore, #tpu.memory_space<semaphore_mem>>
      %dma_start3A_139 = arith.constant 0 : i32
      %dma_start3A_140 = arith.constant 0 : i32
      %dma_start3A_141 = tpu.memref_slice %arg3[%add3A, %dma_start3A_139, %dma_start3A_140] : memref<32x80x128xi32, #tpu.memory_space<hbm>> -> memref<1x40x128xi32, #tpu.memory_space<hbm>>
      %dma_start3A_142 = tpu.memref_squeeze %dma_start3A_141 : memref<1x40x128xi32, #tpu.memory_space<hbm>> -> memref<40x128xi32, #tpu.memory_space<hbm>>
      %dma_start3A_143 = arith.constant 0 : i32
      %dma_start3A_144 = arith.constant 0 : i32
      %dma_start3A_145 = tpu.memref_slice %arg3[%add3A, %dma_start3A_143, %dma_start3A_144] : memref<32x80x128xi32, #tpu.memory_space<hbm>> -> memref<1x40x128xi32, #tpu.memory_space<hbm>>
      %dma_start3A_146 = tpu.memref_squeeze %dma_start3A_145 : memref<1x40x128xi32, #tpu.memory_space<hbm>> -> memref<40x128xi32, #tpu.memory_space<hbm>>
      tpu.enqueue_dma source(%dma_start3A_146 : memref<40x128xi32, #tpu.memory_space<hbm>>) target(%arg6 : memref<40x128xi32, #tpu.memory_space<vmem>>) target_semaphore(%run_scoped3A_138 : memref<!tpu.dma_semaphore, #tpu.memory_space<semaphore_mem>>)
      %dma_wait3A_147 = arith.constant 0 : i32
      %dma_wait3A_148 = arith.constant 0 : i32
      %dma_wait3A_149 = tpu.memref_slice %arg3[%add3A, %dma_wait3A_147, %dma_wait3A_148] : memref<32x80x128xi32, #tpu.memory_space<hbm>> -> memref<1x40x128xi32, #tpu.memory_space<hbm>>
      %dma_wait3A_150 = tpu.memref_squeeze %dma_wait3A_149 : memref<1x40x128xi32, #tpu.memory_space<hbm>> -> memref<40x128xi32, #tpu.memory_space<hbm>>
      %dma_wait3A_151 = arith.constant 0 : i32
      %dma_wait3A_152 = arith.constant 0 : i32
      %dma_wait3A_153 = tpu.memref_slice %arg3[%add3A, %dma_wait3A_151, %dma_wait3A_152] : memref<32x80x128xi32, #tpu.memory_space<hbm>> -> memref<1x40x128xi32, #tpu.memory_space<hbm>>
      %dma_wait3A_154 = tpu.memref_squeeze %dma_wait3A_153 : memref<1x40x128xi32, #tpu.memory_space<hbm>> -> memref<40x128xi32, #tpu.memory_space<hbm>>
      tpu.wait_dma2 semaphore(%run_scoped3A_138 : memref<!tpu.dma_semaphore, #tpu.memory_space<semaphore_mem>>) src(%dma_wait3A_154 : memref<40x128xi32, #tpu.memory_space<hbm>>) dst(%arg6 : memref<40x128xi32, #tpu.memory_space<vmem>>)
      tpu.yield
    }) : () -> ()
    "tpu.region"() ({
      %run_scoped3A_138 = tpu.sem_alloc : memref<!tpu.dma_semaphore, #tpu.memory_space<semaphore_mem>>
      %dma_start3A_139 = arith.constant 0 : i32
      %dma_start3A_140 = arith.constant 0 : i32
      %dma_start3A_141 = tpu.memref_slice %arg4[%add3A, %dma_start3A_139, %dma_start3A_140] : memref<32x80x128xi32, #tpu.memory_space<hbm>> -> memref<1x40x128xi32, #tpu.memory_space<hbm>>
      %dma_start3A_142 = tpu.memref_squeeze %dma_start3A_141 : memref<1x40x128xi32, #tpu.memory_space<hbm>> -> memref<40x128xi32, #tpu.memory_space<hbm>>
      %dma_start3A_143 = arith.constant 0 : i32
      %dma_start3A_144 = arith.constant 0 : i32
      %dma_start3A_145 = tpu.memref_slice %arg4[%add3A, %dma_start3A_143, %dma_start3A_144] : memref<32x80x128xi32, #tpu.memory_space<hbm>> -> memref<1x40x128xi32, #tpu.memory_space<hbm>>
      %dma_start3A_146 = tpu.memref_squeeze %dma_start3A_145 : memref<1x40x128xi32, #tpu.memory_space<hbm>> -> memref<40x128xi32, #tpu.memory_space<hbm>>
      tpu.enqueue_dma source(%dma_start3A_146 : memref<40x128xi32, #tpu.memory_space<hbm>>) target(%arg7 : memref<40x128xi32, #tpu.memory_space<vmem>>) target_semaphore(%run_scoped3A_138 : memref<!tpu.dma_semaphore, #tpu.memory_space<semaphore_mem>>)
      %dma_wait3A_147 = arith.constant 0 : i32
      %dma_wait3A_148 = arith.constant 0 : i32
      %dma_wait3A_149 = tpu.memref_slice %arg4[%add3A, %dma_wait3A_147, %dma_wait3A_148] : memref<32x80x128xi32, #tpu.memory_space<hbm>> -> memref<1x40x128xi32, #tpu.memory_space<hbm>>
      %dma_wait3A_150 = tpu.memref_squeeze %dma_wait3A_149 : memref<1x40x128xi32, #tpu.memory_space<hbm>> -> memref<40x128xi32, #tpu.memory_space<hbm>>
      %dma_wait3A_151 = arith.constant 0 : i32
      %dma_wait3A_152 = arith.constant 0 : i32
      %dma_wait3A_153 = tpu.memref_slice %arg4[%add3A, %dma_wait3A_151, %dma_wait3A_152] : memref<32x80x128xi32, #tpu.memory_space<hbm>> -> memref<1x40x128xi32, #tpu.memory_space<hbm>>
      %dma_wait3A_154 = tpu.memref_squeeze %dma_wait3A_153 : memref<1x40x128xi32, #tpu.memory_space<hbm>> -> memref<40x128xi32, #tpu.memory_space<hbm>>
      tpu.wait_dma2 semaphore(%run_scoped3A_138 : memref<!tpu.dma_semaphore, #tpu.memory_space<semaphore_mem>>) src(%dma_wait3A_154 : memref<40x128xi32, #tpu.memory_space<hbm>>) dst(%arg7 : memref<40x128xi32, #tpu.memory_space<vmem>>)
      tpu.yield
    }) : () -> ()
    %dma_start3A = arith.constant 0 : i32
    %dma_start3A_23 = arith.constant 0 : i32
    %dma_start3A_24 = arith.constant 0 : i32
    %dma_start3A_25 = arith.constant 0 : i32
    %dma_start3A_26 = tpu.memref_slice %arg8[%dma_start3A_23, %dma_start3A_24, %dma_start3A_25] : memref<2x128x128xf32, #tpu.memory_space<vmem>> -> memref<1x128x128xf32, #tpu.memory_space<vmem>>
    %dma_start3A_27 = tpu.memref_squeeze %dma_start3A_26 : memref<1x128x128xf32, #tpu.memory_space<vmem>> -> memref<128x128xf32, #tpu.memory_space<vmem>>
    %dma_start3A_28 = arith.constant 0 : i32
    %dma_start3A_29 = tpu.memref_slice %arg6[%dma_start3A, %dma_start3A_28] : memref<40x128xi32, #tpu.memory_space<vmem>> -> memref<1x128xi32, #tpu.memory_space<vmem>>
    %dma_start3A_30 = tpu.memref_squeeze %dma_start3A_29 : memref<1x128xi32, #tpu.memory_space<vmem>> -> memref<128xi32, #tpu.memory_space<vmem>>
    %dma_start3A_31 = arith.constant 0 : i32
    %dma_start3A_32 = arith.constant 0 : i32
    %dma_start3A_33 = tpu.memref_slice %arg2[%dma_start3A_31, %dma_start3A_32] : memref<10000x128xf32, #tpu.memory_space<hbm>> -> memref<10000x128xf32, #tpu.memory_space<hbm>>
    tpu.enqueue_indirect_dma source(%dma_start3A_33 : memref<10000x128xf32, #tpu.memory_space<hbm>>) target(%dma_start3A_27 : memref<128x128xf32, #tpu.memory_space<vmem>>) offsets(%dma_start3A_30 : memref<128xi32, #tpu.memory_space<vmem>>) semaphore(%arg10 : memref<!tpu.dma_semaphore, #tpu.memory_space<semaphore_mem>>)
    %scan3A_34 = arith.constant 0 : i32
    %scan3A_35 = arith.constant 0 : i32
    %scan3A_36 = arith.constant 19 : i32
    %scan3A_37 = arith.addi %scan3A_35, %scan3A_36 : i32
    %scan3A_38 = arith.constant 1 : i32
    scf.for %scan3A_138 = %scan3A_35 to %scan3A_37 step %scan3A_38  : i32 {
      %mul3A_139 = arith.constant 2 : i32
      %mul3A_140 = arith.muli %mul3A_139, %scan3A_138 : i32
      %add3A_141 = arith.constant 1 : i32
      %add3A_142 = arith.addi %mul3A_140, %add3A_141 : i32
      %dma_start3A_143 = arith.constant 1 : i32
      %dma_start3A_144 = arith.constant 0 : i32
      %dma_start3A_145 = arith.constant 0 : i32
      %dma_start3A_146 = tpu.memref_slice %arg8[%dma_start3A_143, %dma_start3A_144, %dma_start3A_145] : memref<2x128x128xf32, #tpu.memory_space<vmem>> -> memref<1x128x128xf32, #tpu.memory_space<vmem>>
      %dma_start3A_147 = tpu.memref_squeeze %dma_start3A_146 : memref<1x128x128xf32, #tpu.memory_space<vmem>> -> memref<128x128xf32, #tpu.memory_space<vmem>>
      %dma_start3A_148 = arith.constant 0 : i32
      %dma_start3A_149 = tpu.memref_slice %arg6[%add3A_142, %dma_start3A_148] : memref<40x128xi32, #tpu.memory_space<vmem>> -> memref<1x128xi32, #tpu.memory_space<vmem>>
      %dma_start3A_150 = tpu.memref_squeeze %dma_start3A_149 : memref<1x128xi32, #tpu.memory_space<vmem>> -> memref<128xi32, #tpu.memory_space<vmem>>
      %dma_start3A_151 = arith.constant 0 : i32
      %dma_start3A_152 = arith.constant 0 : i32
      %dma_start3A_153 = tpu.memref_slice %arg2[%dma_start3A_151, %dma_start3A_152] : memref<10000x128xf32, #tpu.memory_space<hbm>> -> memref<10000x128xf32, #tpu.memory_space<hbm>>
      tpu.enqueue_indirect_dma source(%dma_start3A_153 : memref<10000x128xf32, #tpu.memory_space<hbm>>) target(%dma_start3A_147 : memref<128x128xf32, #tpu.memory_space<vmem>>) offsets(%dma_start3A_150 : memref<128xi32, #tpu.memory_space<vmem>>) semaphore(%arg11 : memref<!tpu.dma_semaphore, #tpu.memory_space<semaphore_mem>>)
      %dma_wait3A_154 = arith.constant 0 : i32
      %dma_wait3A_155 = arith.constant 0 : i32
      %dma_wait3A_156 = arith.constant 0 : i32
      %dma_wait3A_157 = arith.constant 0 : i32
      %dma_wait3A_158 = tpu.memref_slice %arg8[%dma_wait3A_155, %dma_wait3A_156, %dma_wait3A_157] : memref<2x128x128xf32, #tpu.memory_space<vmem>> -> memref<1x128x128xf32, #tpu.memory_space<vmem>>
      %dma_wait3A_159 = tpu.memref_squeeze %dma_wait3A_158 : memref<1x128x128xf32, #tpu.memory_space<vmem>> -> memref<128x128xf32, #tpu.memory_space<vmem>>
      %dma_wait3A_160 = arith.constant 0 : i32
      %dma_wait3A_161 = tpu.memref_slice %arg6[%dma_wait3A_154, %dma_wait3A_160] : memref<40x128xi32, #tpu.memory_space<vmem>> -> memref<1x128xi32, #tpu.memory_space<vmem>>
      %dma_wait3A_162 = tpu.memref_squeeze %dma_wait3A_161 : memref<1x128xi32, #tpu.memory_space<vmem>> -> memref<128xi32, #tpu.memory_space<vmem>>
      %dma_wait3A_163 = arith.constant 0 : i32
      %dma_wait3A_164 = arith.constant 0 : i32
      %dma_wait3A_165 = tpu.memref_slice %arg2[%dma_wait3A_163, %dma_wait3A_164] : memref<10000x128xf32, #tpu.memory_space<hbm>> -> memref<10000x128xf32, #tpu.memory_space<hbm>>
      tpu.wait_indirect_dma semaphore(%arg10 : memref<!tpu.dma_semaphore, #tpu.memory_space<semaphore_mem>>) src(%dma_wait3A_165 : memref<10000x128xf32, #tpu.memory_space<hbm>>) dst(%dma_wait3A_159 : memref<128x128xf32, #tpu.memory_space<vmem>>)
      %run_scoped3A_166 = arith.constant 0 : i32
      "tpu.region"() ({
        %run_scoped3A_195 = tpu.sem_alloc : memref<!tpu.dma_semaphore, #tpu.memory_space<semaphore_mem>>
        %dma_start3A_196 = arith.constant 0 : i32
        %dma_start3A_197 = arith.constant 0 : i32
        %dma_start3A_198 = tpu.memref_slice %arg8[%run_scoped3A_166, %dma_start3A_196, %dma_start3A_197] : memref<2x128x128xf32, #tpu.memory_space<vmem>> -> memref<1x128x128xf32, #tpu.memory_space<vmem>>
        %dma_start3A_199 = tpu.memref_squeeze %dma_start3A_198 : memref<1x128x128xf32, #tpu.memory_space<vmem>> -> memref<128x128xf32, #tpu.memory_space<vmem>>
        %dma_start3A_200 = arith.constant 0 : i32
        %dma_start3A_201 = tpu.memref_slice %arg7[%mul3A_140, %dma_start3A_200] : memref<40x128xi32, #tpu.memory_space<vmem>> -> memref<1x128xi32, #tpu.memory_space<vmem>>
        %dma_start3A_202 = tpu.memref_squeeze %dma_start3A_201 : memref<1x128xi32, #tpu.memory_space<vmem>> -> memref<128xi32, #tpu.memory_space<vmem>>
        %dma_start3A_203 = arith.constant 0 : i32
        %dma_start3A_204 = arith.constant 0 : i32
        %dma_start3A_205 = tpu.memref_slice %arg9[%dma_start3A_203, %dma_start3A_204] : memref<10112x128xf32, #tpu.memory_space<vmem_shared>> -> memref<10112x128xf32, #tpu.memory_space<vmem_shared>>
        tpu.enqueue_indirect_dma source(%dma_start3A_199 : memref<128x128xf32, #tpu.memory_space<vmem>>) target(%dma_start3A_205 : memref<10112x128xf32, #tpu.memory_space<vmem_shared>>) offsets(%dma_start3A_202 : memref<128xi32, #tpu.memory_space<vmem>>) semaphore(%run_scoped3A_195 : memref<!tpu.dma_semaphore, #tpu.memory_space<semaphore_mem>>) {add = true}
        %dma_wait3A_206 = arith.constant 0 : i32
        %dma_wait3A_207 = arith.constant 0 : i32
        %dma_wait3A_208 = tpu.memref_slice %arg8[%run_scoped3A_166, %dma_wait3A_206, %dma_wait3A_207] : memref<2x128x128xf32, #tpu.memory_space<vmem>> -> memref<1x128x128xf32, #tpu.memory_space<vmem>>
        %dma_wait3A_209 = tpu.memref_squeeze %dma_wait3A_208 : memref<1x128x128xf32, #tpu.memory_space<vmem>> -> memref<128x128xf32, #tpu.memory_space<vmem>>
        %dma_wait3A_210 = arith.constant 0 : i32
        %dma_wait3A_211 = tpu.memref_slice %arg7[%mul3A_140, %dma_wait3A_210] : memref<40x128xi32, #tpu.memory_space<vmem>> -> memref<1x128xi32, #tpu.memory_space<vmem>>
        %dma_wait3A_212 = tpu.memref_squeeze %dma_wait3A_211 : memref<1x128xi32, #tpu.memory_space<vmem>> -> memref<128xi32, #tpu.memory_space<vmem>>
        %dma_wait3A_213 = arith.constant 0 : i32
        %dma_wait3A_214 = arith.constant 0 : i32
        %dma_wait3A_215 = tpu.memref_slice %arg9[%dma_wait3A_213, %dma_wait3A_214] : memref<10112x128xf32, #tpu.memory_space<vmem_shared>> -> memref<10112x128xf32, #tpu.memory_space<vmem_shared>>
        tpu.wait_indirect_dma semaphore(%run_scoped3A_195 : memref<!tpu.dma_semaphore, #tpu.memory_space<semaphore_mem>>) src(%dma_wait3A_209 : memref<128x128xf32, #tpu.memory_space<vmem>>) dst(%dma_wait3A_215 : memref<10112x128xf32, #tpu.memory_space<vmem_shared>>)
        tpu.yield
      }) : () -> ()
      %add3A_167 = arith.constant 2 : i32
      %add3A_168 = arith.addi %mul3A_140, %add3A_167 : i32
      %dma_start3A_169 = arith.constant 0 : i32
      %dma_start3A_170 = arith.constant 0 : i32
      %dma_start3A_171 = arith.constant 0 : i32
      %dma_start3A_172 = tpu.memref_slice %arg8[%dma_start3A_169, %dma_start3A_170, %dma_start3A_171] : memref<2x128x128xf32, #tpu.memory_space<vmem>> -> memref<1x128x128xf32, #tpu.memory_space<vmem>>
      %dma_start3A_173 = tpu.memref_squeeze %dma_start3A_172 : memref<1x128x128xf32, #tpu.memory_space<vmem>> -> memref<128x128xf32, #tpu.memory_space<vmem>>
      %dma_start3A_174 = arith.constant 0 : i32
      %dma_start3A_175 = tpu.memref_slice %arg6[%add3A_168, %dma_start3A_174] : memref<40x128xi32, #tpu.memory_space<vmem>> -> memref<1x128xi32, #tpu.memory_space<vmem>>
      %dma_start3A_176 = tpu.memref_squeeze %dma_start3A_175 : memref<1x128xi32, #tpu.memory_space<vmem>> -> memref<128xi32, #tpu.memory_space<vmem>>
      %dma_start3A_177 = arith.constant 0 : i32
      %dma_start3A_178 = arith.constant 0 : i32
      %dma_start3A_179 = tpu.memref_slice %arg2[%dma_start3A_177, %dma_start3A_178] : memref<10000x128xf32, #tpu.memory_space<hbm>> -> memref<10000x128xf32, #tpu.memory_space<hbm>>
      tpu.enqueue_indirect_dma source(%dma_start3A_179 : memref<10000x128xf32, #tpu.memory_space<hbm>>) target(%dma_start3A_173 : memref<128x128xf32, #tpu.memory_space<vmem>>) offsets(%dma_start3A_176 : memref<128xi32, #tpu.memory_space<vmem>>) semaphore(%arg10 : memref<!tpu.dma_semaphore, #tpu.memory_space<semaphore_mem>>)
      %dma_wait3A_180 = arith.constant 0 : i32
      %dma_wait3A_181 = arith.constant 1 : i32
      %dma_wait3A_182 = arith.constant 0 : i32
      %dma_wait3A_183 = arith.constant 0 : i32
      %dma_wait3A_184 = tpu.memref_slice %arg8[%dma_wait3A_181, %dma_wait3A_182, %dma_wait3A_183] : memref<2x128x128xf32, #tpu.memory_space<vmem>> -> memref<1x128x128xf32, #tpu.memory_space<vmem>>
      %dma_wait3A_185 = tpu.memref_squeeze %dma_wait3A_184 : memref<1x128x128xf32, #tpu.memory_space<vmem>> -> memref<128x128xf32, #tpu.memory_space<vmem>>
      %dma_wait3A_186 = arith.constant 0 : i32
      %dma_wait3A_187 = tpu.memref_slice %arg6[%dma_wait3A_180, %dma_wait3A_186] : memref<40x128xi32, #tpu.memory_space<vmem>> -> memref<1x128xi32, #tpu.memory_space<vmem>>
      %dma_wait3A_188 = tpu.memref_squeeze %dma_wait3A_187 : memref<1x128xi32, #tpu.memory_space<vmem>> -> memref<128xi32, #tpu.memory_space<vmem>>
      %dma_wait3A_189 = arith.constant 0 : i32
      %dma_wait3A_190 = arith.constant 0 : i32
      %dma_wait3A_191 = tpu.memref_slice %arg2[%dma_wait3A_189, %dma_wait3A_190] : memref<10000x128xf32, #tpu.memory_space<hbm>> -> memref<10000x128xf32, #tpu.memory_space<hbm>>
      tpu.wait_indirect_dma semaphore(%arg11 : memref<!tpu.dma_semaphore, #tpu.memory_space<semaphore_mem>>) src(%dma_wait3A_191 : memref<10000x128xf32, #tpu.memory_space<hbm>>) dst(%dma_wait3A_185 : memref<128x128xf32, #tpu.memory_space<vmem>>)
      %add3A_192 = arith.constant 1 : i32
      %add3A_193 = arith.addi %mul3A_140, %add3A_192 : i32
      %run_scoped3A_194 = arith.constant 1 : i32
      "tpu.region"() ({
        %run_scoped3A_195 = tpu.sem_alloc : memref<!tpu.dma_semaphore, #tpu.memory_space<semaphore_mem>>
        %dma_start3A_196 = arith.constant 0 : i32
        %dma_start3A_197 = arith.constant 0 : i32
        %dma_start3A_198 = tpu.memref_slice %arg8[%run_scoped3A_194, %dma_start3A_196, %dma_start3A_197] : memref<2x128x128xf32, #tpu.memory_space<vmem>> -> memref<1x128x128xf32, #tpu.memory_space<vmem>>
        %dma_start3A_199 = tpu.memref_squeeze %dma_start3A_198 : memref<1x128x128xf32, #tpu.memory_space<vmem>> -> memref<128x128xf32, #tpu.memory_space<vmem>>
        %dma_start3A_200 = arith.constant 0 : i32
        %dma_start3A_201 = tpu.memref_slice %arg7[%add3A_193, %dma_start3A_200] : memref<40x128xi32, #tpu.memory_space<vmem>> -> memref<1x128xi32, #tpu.memory_space<vmem>>
        %dma_start3A_202 = tpu.memref_squeeze %dma_start3A_201 : memref<1x128xi32, #tpu.memory_space<vmem>> -> memref<128xi32, #tpu.memory_space<vmem>>
        %dma_start3A_203 = arith.constant 0 : i32
        %dma_start3A_204 = arith.constant 0 : i32
        %dma_start3A_205 = tpu.memref_slice %arg9[%dma_start3A_203, %dma_start3A_204] : memref<10112x128xf32, #tpu.memory_space<vmem_shared>> -> memref<10112x128xf32, #tpu.memory_space<vmem_shared>>
        tpu.enqueue_indirect_dma source(%dma_start3A_199 : memref<128x128xf32, #tpu.memory_space<vmem>>) target(%dma_start3A_205 : memref<10112x128xf32, #tpu.memory_space<vmem_shared>>) offsets(%dma_start3A_202 : memref<128xi32, #tpu.memory_space<vmem>>) semaphore(%run_scoped3A_195 : memref<!tpu.dma_semaphore, #tpu.memory_space<semaphore_mem>>) {add = true}
        %dma_wait3A_206 = arith.constant 0 : i32
        %dma_wait3A_207 = arith.constant 0 : i32
        %dma_wait3A_208 = tpu.memref_slice %arg8[%run_scoped3A_194, %dma_wait3A_206, %dma_wait3A_207] : memref<2x128x128xf32, #tpu.memory_space<vmem>> -> memref<1x128x128xf32, #tpu.memory_space<vmem>>
        %dma_wait3A_209 = tpu.memref_squeeze %dma_wait3A_208 : memref<1x128x128xf32, #tpu.memory_space<vmem>> -> memref<128x128xf32, #tpu.memory_space<vmem>>
        %dma_wait3A_210 = arith.constant 0 : i32
        %dma_wait3A_211 = tpu.memref_slice %arg7[%add3A_193, %dma_wait3A_210] : memref<40x128xi32, #tpu.memory_space<vmem>> -> memref<1x128xi32, #tpu.memory_space<vmem>>
        %dma_wait3A_212 = tpu.memref_squeeze %dma_wait3A_211 : memref<1x128xi32, #tpu.memory_space<vmem>> -> memref<128xi32, #tpu.memory_space<vmem>>
        %dma_wait3A_213 = arith.constant 0 : i32
        %dma_wait3A_214 = arith.constant 0 : i32
        %dma_wait3A_215 = tpu.memref_slice %arg9[%dma_wait3A_213, %dma_wait3A_214] : memref<10112x128xf32, #tpu.memory_space<vmem_shared>> -> memref<10112x128xf32, #tpu.memory_space<vmem_shared>>
        tpu.wait_indirect_dma semaphore(%run_scoped3A_195 : memref<!tpu.dma_semaphore, #tpu.memory_space<semaphore_mem>>) src(%dma_wait3A_209 : memref<128x128xf32, #tpu.memory_space<vmem>>) dst(%dma_wait3A_215 : memref<10112x128xf32, #tpu.memory_space<vmem_shared>>)
        tpu.yield
      }) : () -> ()
    }
    %scan3A_39 = arith.constant 19 : i32
    %dma_start3A_40 = arith.constant 39 : i32
    %dma_start3A_41 = arith.constant 1 : i32
    %dma_start3A_42 = arith.constant 0 : i32
    %dma_start3A_43 = arith.constant 0 : i32
    %dma_start3A_44 = tpu.memref_slice %arg8[%dma_start3A_41, %dma_start3A_42, %dma_start3A_43] : memref<2x128x128xf32, #tpu.memory_space<vmem>> -> memref<1x128x128xf32, #tpu.memory_space<vmem>>
    %dma_start3A_45 = tpu.memref_squeeze %dma_start3A_44 : memref<1x128x128xf32, #tpu.memory_space<vmem>> -> memref<128x128xf32, #tpu.memory_space<vmem>>
    %dma_start3A_46 = arith.constant 0 : i32
    %dma_start3A_47 = tpu.memref_slice %arg6[%dma_start3A_40, %dma_start3A_46] : memref<40x128xi32, #tpu.memory_space<vmem>> -> memref<1x128xi32, #tpu.memory_space<vmem>>
    %dma_start3A_48 = tpu.memref_squeeze %dma_start3A_47 : memref<1x128xi32, #tpu.memory_space<vmem>> -> memref<128xi32, #tpu.memory_space<vmem>>
    %dma_start3A_49 = arith.constant 0 : i32
    %dma_start3A_50 = arith.constant 0 : i32
    %dma_start3A_51 = tpu.memref_slice %arg2[%dma_start3A_49, %dma_start3A_50] : memref<10000x128xf32, #tpu.memory_space<hbm>> -> memref<10000x128xf32, #tpu.memory_space<hbm>>
    tpu.enqueue_indirect_dma source(%dma_start3A_51 : memref<10000x128xf32, #tpu.memory_space<hbm>>) target(%dma_start3A_45 : memref<128x128xf32, #tpu.memory_space<vmem>>) offsets(%dma_start3A_48 : memref<128xi32, #tpu.memory_space<vmem>>) semaphore(%arg11 : memref<!tpu.dma_semaphore, #tpu.memory_space<semaphore_mem>>)
    %dma_wait3A = arith.constant 0 : i32
    %dma_wait3A_52 = arith.constant 0 : i32
    %dma_wait3A_53 = arith.constant 0 : i32
    %dma_wait3A_54 = arith.constant 0 : i32
    %dma_wait3A_55 = tpu.memref_slice %arg8[%dma_wait3A_52, %dma_wait3A_53, %dma_wait3A_54] : memref<2x128x128xf32, #tpu.memory_space<vmem>> -> memref<1x128x128xf32, #tpu.memory_space<vmem>>
    %dma_wait3A_56 = tpu.memref_squeeze %dma_wait3A_55 : memref<1x128x128xf32, #tpu.memory_space<vmem>> -> memref<128x128xf32, #tpu.memory_space<vmem>>
    %dma_wait3A_57 = arith.constant 0 : i32
    %dma_wait3A_58 = tpu.memref_slice %arg6[%dma_wait3A, %dma_wait3A_57] : memref<40x128xi32, #tpu.memory_space<vmem>> -> memref<1x128xi32, #tpu.memory_space<vmem>>
    %dma_wait3A_59 = tpu.memref_squeeze %dma_wait3A_58 : memref<1x128xi32, #tpu.memory_space<vmem>> -> memref<128xi32, #tpu.memory_space<vmem>>
    %dma_wait3A_60 = arith.constant 0 : i32
    %dma_wait3A_61 = arith.constant 0 : i32
    %dma_wait3A_62 = tpu.memref_slice %arg2[%dma_wait3A_60, %dma_wait3A_61] : memref<10000x128xf32, #tpu.memory_space<hbm>> -> memref<10000x128xf32, #tpu.memory_space<hbm>>
    tpu.wait_indirect_dma semaphore(%arg10 : memref<!tpu.dma_semaphore, #tpu.memory_space<semaphore_mem>>) src(%dma_wait3A_62 : memref<10000x128xf32, #tpu.memory_space<hbm>>) dst(%dma_wait3A_56 : memref<128x128xf32, #tpu.memory_space<vmem>>)
    %run_scoped3A_63 = arith.constant 0 : i32
    %run_scoped3A_64 = arith.constant 38 : i32
    "tpu.region"() ({
      %run_scoped3A_138 = tpu.sem_alloc : memref<!tpu.dma_semaphore, #tpu.memory_space<semaphore_mem>>
      %dma_start3A_139 = arith.constant 0 : i32
      %dma_start3A_140 = arith.constant 0 : i32
      %dma_start3A_141 = tpu.memref_slice %arg8[%run_scoped3A_63, %dma_start3A_139, %dma_start3A_140] : memref<2x128x128xf32, #tpu.memory_space<vmem>> -> memref<1x128x128xf32, #tpu.memory_space<vmem>>
      %dma_start3A_142 = tpu.memref_squeeze %dma_start3A_141 : memref<1x128x128xf32, #tpu.memory_space<vmem>> -> memref<128x128xf32, #tpu.memory_space<vmem>>
      %dma_start3A_143 = arith.constant 0 : i32
      %dma_start3A_144 = tpu.memref_slice %arg7[%run_scoped3A_64, %dma_start3A_143] : memref<40x128xi32, #tpu.memory_space<vmem>> -> memref<1x128xi32, #tpu.memory_space<vmem>>
      %dma_start3A_145 = tpu.memref_squeeze %dma_start3A_144 : memref<1x128xi32, #tpu.memory_space<vmem>> -> memref<128xi32, #tpu.memory_space<vmem>>
      %dma_start3A_146 = arith.constant 0 : i32
      %dma_start3A_147 = arith.constant 0 : i32
      %dma_start3A_148 = tpu.memref_slice %arg9[%dma_start3A_146, %dma_start3A_147] : memref<10112x128xf32, #tpu.memory_space<vmem_shared>> -> memref<10112x128xf32, #tpu.memory_space<vmem_shared>>
      tpu.enqueue_indirect_dma source(%dma_start3A_142 : memref<128x128xf32, #tpu.memory_space<vmem>>) target(%dma_start3A_148 : memref<10112x128xf32, #tpu.memory_space<vmem_shared>>) offsets(%dma_start3A_145 : memref<128xi32, #tpu.memory_space<vmem>>) semaphore(%run_scoped3A_138 : memref<!tpu.dma_semaphore, #tpu.memory_space<semaphore_mem>>) {add = true}
      %dma_wait3A_149 = arith.constant 0 : i32
      %dma_wait3A_150 = arith.constant 0 : i32
      %dma_wait3A_151 = tpu.memref_slice %arg8[%run_scoped3A_63, %dma_wait3A_149, %dma_wait3A_150] : memref<2x128x128xf32, #tpu.memory_space<vmem>> -> memref<1x128x128xf32, #tpu.memory_space<vmem>>
      %dma_wait3A_152 = tpu.memref_squeeze %dma_wait3A_151 : memref<1x128x128xf32, #tpu.memory_space<vmem>> -> memref<128x128xf32, #tpu.memory_space<vmem>>
      %dma_wait3A_153 = arith.constant 0 : i32
      %dma_wait3A_154 = tpu.memref_slice %arg7[%run_scoped3A_64, %dma_wait3A_153] : memref<40x128xi32, #tpu.memory_space<vmem>> -> memref<1x128xi32, #tpu.memory_space<vmem>>
      %dma_wait3A_155 = tpu.memref_squeeze %dma_wait3A_154 : memref<1x128xi32, #tpu.memory_space<vmem>> -> memref<128xi32, #tpu.memory_space<vmem>>
      %dma_wait3A_156 = arith.constant 0 : i32
      %dma_wait3A_157 = arith.constant 0 : i32
      %dma_wait3A_158 = tpu.memref_slice %arg9[%dma_wait3A_156, %dma_wait3A_157] : memref<10112x128xf32, #tpu.memory_space<vmem_shared>> -> memref<10112x128xf32, #tpu.memory_space<vmem_shared>>
      tpu.wait_indirect_dma semaphore(%run_scoped3A_138 : memref<!tpu.dma_semaphore, #tpu.memory_space<semaphore_mem>>) src(%dma_wait3A_152 : memref<128x128xf32, #tpu.memory_space<vmem>>) dst(%dma_wait3A_158 : memref<10112x128xf32, #tpu.memory_space<vmem_shared>>)
      tpu.yield
    }) : () -> ()
    %dma_wait3A_65 = arith.constant 0 : i32
    %dma_wait3A_66 = arith.constant 1 : i32
    %dma_wait3A_67 = arith.constant 0 : i32
    %dma_wait3A_68 = arith.constant 0 : i32
    %dma_wait3A_69 = tpu.memref_slice %arg8[%dma_wait3A_66, %dma_wait3A_67, %dma_wait3A_68] : memref<2x128x128xf32, #tpu.memory_space<vmem>> -> memref<1x128x128xf32, #tpu.memory_space<vmem>>
    %dma_wait3A_70 = tpu.memref_squeeze %dma_wait3A_69 : memref<1x128x128xf32, #tpu.memory_space<vmem>> -> memref<128x128xf32, #tpu.memory_space<vmem>>
    %dma_wait3A_71 = arith.constant 0 : i32
    %dma_wait3A_72 = tpu.memref_slice %arg6[%dma_wait3A_65, %dma_wait3A_71] : memref<40x128xi32, #tpu.memory_space<vmem>> -> memref<1x128xi32, #tpu.memory_space<vmem>>
    %dma_wait3A_73 = tpu.memref_squeeze %dma_wait3A_72 : memref<1x128xi32, #tpu.memory_space<vmem>> -> memref<128xi32, #tpu.memory_space<vmem>>
    %dma_wait3A_74 = arith.constant 0 : i32
    %dma_wait3A_75 = arith.constant 0 : i32
    %dma_wait3A_76 = tpu.memref_slice %arg2[%dma_wait3A_74, %dma_wait3A_75] : memref<10000x128xf32, #tpu.memory_space<hbm>> -> memref<10000x128xf32, #tpu.memory_space<hbm>>
    tpu.wait_indirect_dma semaphore(%arg11 : memref<!tpu.dma_semaphore, #tpu.memory_space<semaphore_mem>>) src(%dma_wait3A_76 : memref<10000x128xf32, #tpu.memory_space<hbm>>) dst(%dma_wait3A_70 : memref<128x128xf32, #tpu.memory_space<vmem>>)
    %run_scoped3A_77 = arith.constant 1 : i32
    %run_scoped3A_78 = arith.constant 39 : i32
    "tpu.region"() ({
      %run_scoped3A_138 = tpu.sem_alloc : memref<!tpu.dma_semaphore, #tpu.memory_space<semaphore_mem>>
      %dma_start3A_139 = arith.constant 0 : i32
      %dma_start3A_140 = arith.constant 0 : i32
      %dma_start3A_141 = tpu.memref_slice %arg8[%run_scoped3A_77, %dma_start3A_139, %dma_start3A_140] : memref<2x128x128xf32, #tpu.memory_space<vmem>> -> memref<1x128x128xf32, #tpu.memory_space<vmem>>
      %dma_start3A_142 = tpu.memref_squeeze %dma_start3A_141 : memref<1x128x128xf32, #tpu.memory_space<vmem>> -> memref<128x128xf32, #tpu.memory_space<vmem>>
      %dma_start3A_143 = arith.constant 0 : i32
      %dma_start3A_144 = tpu.memref_slice %arg7[%run_scoped3A_78, %dma_start3A_143] : memref<40x128xi32, #tpu.memory_space<vmem>> -> memref<1x128xi32, #tpu.memory_space<vmem>>
      %dma_start3A_145 = tpu.memref_squeeze %dma_start3A_144 : memref<1x128xi32, #tpu.memory_space<vmem>> -> memref<128xi32, #tpu.memory_space<vmem>>
      %dma_start3A_146 = arith.constant 0 : i32
      %dma_start3A_147 = arith.constant 0 : i32
      %dma_start3A_148 = tpu.memref_slice %arg9[%dma_start3A_146, %dma_start3A_147] : memref<10112x128xf32, #tpu.memory_space<vmem_shared>> -> memref<10112x128xf32, #tpu.memory_space<vmem_shared>>
      tpu.enqueue_indirect_dma source(%dma_start3A_142 : memref<128x128xf32, #tpu.memory_space<vmem>>) target(%dma_start3A_148 : memref<10112x128xf32, #tpu.memory_space<vmem_shared>>) offsets(%dma_start3A_145 : memref<128xi32, #tpu.memory_space<vmem>>) semaphore(%run_scoped3A_138 : memref<!tpu.dma_semaphore, #tpu.memory_space<semaphore_mem>>) {add = true}
      %dma_wait3A_149 = arith.constant 0 : i32
      %dma_wait3A_150 = arith.constant 0 : i32
      %dma_wait3A_151 = tpu.memref_slice %arg8[%run_scoped3A_77, %dma_wait3A_149, %dma_wait3A_150] : memref<2x128x128xf32, #tpu.memory_space<vmem>> -> memref<1x128x128xf32, #tpu.memory_space<vmem>>
      %dma_wait3A_152 = tpu.memref_squeeze %dma_wait3A_151 : memref<1x128x128xf32, #tpu.memory_space<vmem>> -> memref<128x128xf32, #tpu.memory_space<vmem>>
      %dma_wait3A_153 = arith.constant 0 : i32
      %dma_wait3A_154 = tpu.memref_slice %arg7[%run_scoped3A_78, %dma_wait3A_153] : memref<40x128xi32, #tpu.memory_space<vmem>> -> memref<1x128xi32, #tpu.memory_space<vmem>>
      %dma_wait3A_155 = tpu.memref_squeeze %dma_wait3A_154 : memref<1x128xi32, #tpu.memory_space<vmem>> -> memref<128xi32, #tpu.memory_space<vmem>>
      %dma_wait3A_156 = arith.constant 0 : i32
      %dma_wait3A_157 = arith.constant 0 : i32
      %dma_wait3A_158 = tpu.memref_slice %arg9[%dma_wait3A_156, %dma_wait3A_157] : memref<10112x128xf32, #tpu.memory_space<vmem_shared>> -> memref<10112x128xf32, #tpu.memory_space<vmem_shared>>
      tpu.wait_indirect_dma semaphore(%run_scoped3A_138 : memref<!tpu.dma_semaphore, #tpu.memory_space<semaphore_mem>>) src(%dma_wait3A_152 : memref<128x128xf32, #tpu.memory_space<vmem>>) dst(%dma_wait3A_158 : memref<10112x128xf32, #tpu.memory_space<vmem_shared>>)
      tpu.yield
    }) : () -> ()
    "tpu.region"() ({
      %run_scoped3A_138 = tpu.sem_alloc : memref<!tpu.dma_semaphore, #tpu.memory_space<semaphore_mem>>
      %dma_start3A_139 = arith.constant 40 : i32
      %dma_start3A_140 = arith.constant 0 : i32
      %dma_start3A_141 = tpu.memref_slice %arg3[%add3A, %dma_start3A_139, %dma_start3A_140] : memref<32x80x128xi32, #tpu.memory_space<hbm>> -> memref<1x40x128xi32, #tpu.memory_space<hbm>>
      %dma_start3A_142 = tpu.memref_squeeze %dma_start3A_141 : memref<1x40x128xi32, #tpu.memory_space<hbm>> -> memref<40x128xi32, #tpu.memory_space<hbm>>
      %dma_start3A_143 = arith.constant 40 : i32
      %dma_start3A_144 = arith.constant 0 : i32
      %dma_start3A_145 = tpu.memref_slice %arg3[%add3A, %dma_start3A_143, %dma_start3A_144] : memref<32x80x128xi32, #tpu.memory_space<hbm>> -> memref<1x40x128xi32, #tpu.memory_space<hbm>>
      %dma_start3A_146 = tpu.memref_squeeze %dma_start3A_145 : memref<1x40x128xi32, #tpu.memory_space<hbm>> -> memref<40x128xi32, #tpu.memory_space<hbm>>
      tpu.enqueue_dma source(%dma_start3A_146 : memref<40x128xi32, #tpu.memory_space<hbm>>) target(%arg6 : memref<40x128xi32, #tpu.memory_space<vmem>>) target_semaphore(%run_scoped3A_138 : memref<!tpu.dma_semaphore, #tpu.memory_space<semaphore_mem>>)
      %dma_wait3A_147 = arith.constant 40 : i32
      %dma_wait3A_148 = arith.constant 0 : i32
      %dma_wait3A_149 = tpu.memref_slice %arg3[%add3A, %dma_wait3A_147, %dma_wait3A_148] : memref<32x80x128xi32, #tpu.memory_space<hbm>> -> memref<1x40x128xi32, #tpu.memory_space<hbm>>
      %dma_wait3A_150 = tpu.memref_squeeze %dma_wait3A_149 : memref<1x40x128xi32, #tpu.memory_space<hbm>> -> memref<40x128xi32, #tpu.memory_space<hbm>>
      %dma_wait3A_151 = arith.constant 40 : i32
      %dma_wait3A_152 = arith.constant 0 : i32
      %dma_wait3A_153 = tpu.memref_slice %arg3[%add3A, %dma_wait3A_151, %dma_wait3A_152] : memref<32x80x128xi32, #tpu.memory_space<hbm>> -> memref<1x40x128xi32, #tpu.memory_space<hbm>>
      %dma_wait3A_154 = tpu.memref_squeeze %dma_wait3A_153 : memref<1x40x128xi32, #tpu.memory_space<hbm>> -> memref<40x128xi32, #tpu.memory_space<hbm>>
      tpu.wait_dma2 semaphore(%run_scoped3A_138 : memref<!tpu.dma_semaphore, #tpu.memory_space<semaphore_mem>>) src(%dma_wait3A_154 : memref<40x128xi32, #tpu.memory_space<hbm>>) dst(%arg6 : memref<40x128xi32, #tpu.memory_space<vmem>>)
      tpu.yield
    }) : () -> ()
    "tpu.region"() ({
      %run_scoped3A_138 = tpu.sem_alloc : memref<!tpu.dma_semaphore, #tpu.memory_space<semaphore_mem>>
      %dma_start3A_139 = arith.constant 40 : i32
      %dma_start3A_140 = arith.constant 0 : i32
      %dma_start3A_141 = tpu.memref_slice %arg4[%add3A, %dma_start3A_139, %dma_start3A_140] : memref<32x80x128xi32, #tpu.memory_space<hbm>> -> memref<1x40x128xi32, #tpu.memory_space<hbm>>
      %dma_start3A_142 = tpu.memref_squeeze %dma_start3A_141 : memref<1x40x128xi32, #tpu.memory_space<hbm>> -> memref<40x128xi32, #tpu.memory_space<hbm>>
      %dma_start3A_143 = arith.constant 40 : i32
      %dma_start3A_144 = arith.constant 0 : i32
      %dma_start3A_145 = tpu.memref_slice %arg4[%add3A, %dma_start3A_143, %dma_start3A_144] : memref<32x80x128xi32, #tpu.memory_space<hbm>> -> memref<1x40x128xi32, #tpu.memory_space<hbm>>
      %dma_start3A_146 = tpu.memref_squeeze %dma_start3A_145 : memref<1x40x128xi32, #tpu.memory_space<hbm>> -> memref<40x128xi32, #tpu.memory_space<hbm>>
      tpu.enqueue_dma source(%dma_start3A_146 : memref<40x128xi32, #tpu.memory_space<hbm>>) target(%arg7 : memref<40x128xi32, #tpu.memory_space<vmem>>) target_semaphore(%run_scoped3A_138 : memref<!tpu.dma_semaphore, #tpu.memory_space<semaphore_mem>>)
      %dma_wait3A_147 = arith.constant 40 : i32
      %dma_wait3A_148 = arith.constant 0 : i32
      %dma_wait3A_149 = tpu.memref_slice %arg4[%add3A, %dma_wait3A_147, %dma_wait3A_148] : memref<32x80x128xi32, #tpu.memory_space<hbm>> -> memref<1x40x128xi32, #tpu.memory_space<hbm>>
      %dma_wait3A_150 = tpu.memref_squeeze %dma_wait3A_149 : memref<1x40x128xi32, #tpu.memory_space<hbm>> -> memref<40x128xi32, #tpu.memory_space<hbm>>
      %dma_wait3A_151 = arith.constant 40 : i32
      %dma_wait3A_152 = arith.constant 0 : i32
      %dma_wait3A_153 = tpu.memref_slice %arg4[%add3A, %dma_wait3A_151, %dma_wait3A_152] : memref<32x80x128xi32, #tpu.memory_space<hbm>> -> memref<1x40x128xi32, #tpu.memory_space<hbm>>
      %dma_wait3A_154 = tpu.memref_squeeze %dma_wait3A_153 : memref<1x40x128xi32, #tpu.memory_space<hbm>> -> memref<40x128xi32, #tpu.memory_space<hbm>>
      tpu.wait_dma2 semaphore(%run_scoped3A_138 : memref<!tpu.dma_semaphore, #tpu.memory_space<semaphore_mem>>) src(%dma_wait3A_154 : memref<40x128xi32, #tpu.memory_space<hbm>>) dst(%arg7 : memref<40x128xi32, #tpu.memory_space<vmem>>)
      tpu.yield
    }) : () -> ()
    %dma_start3A_79 = arith.constant 0 : i32
    %dma_start3A_80 = arith.constant 0 : i32
    %dma_start3A_81 = arith.constant 0 : i32
    %dma_start3A_82 = arith.constant 0 : i32
    %dma_start3A_83 = tpu.memref_slice %arg8[%dma_start3A_80, %dma_start3A_81, %dma_start3A_82] : memref<2x128x128xf32, #tpu.memory_space<vmem>> -> memref<1x128x128xf32, #tpu.memory_space<vmem>>
    %dma_start3A_84 = tpu.memref_squeeze %dma_start3A_83 : memref<1x128x128xf32, #tpu.memory_space<vmem>> -> memref<128x128xf32, #tpu.memory_space<vmem>>
    %dma_start3A_85 = arith.constant 0 : i32
    %dma_start3A_86 = tpu.memref_slice %arg6[%dma_start3A_79, %dma_start3A_85] : memref<40x128xi32, #tpu.memory_space<vmem>> -> memref<1x128xi32, #tpu.memory_space<vmem>>
    %dma_start3A_87 = tpu.memref_squeeze %dma_start3A_86 : memref<1x128xi32, #tpu.memory_space<vmem>> -> memref<128xi32, #tpu.memory_space<vmem>>
    %dma_start3A_88 = arith.constant 0 : i32
    %dma_start3A_89 = arith.constant 0 : i32
    %dma_start3A_90 = tpu.memref_slice %arg2[%dma_start3A_88, %dma_start3A_89] : memref<10000x128xf32, #tpu.memory_space<hbm>> -> memref<10000x128xf32, #tpu.memory_space<hbm>>
    tpu.enqueue_indirect_dma source(%dma_start3A_90 : memref<10000x128xf32, #tpu.memory_space<hbm>>) target(%dma_start3A_84 : memref<128x128xf32, #tpu.memory_space<vmem>>) offsets(%dma_start3A_87 : memref<128xi32, #tpu.memory_space<vmem>>) semaphore(%arg10 : memref<!tpu.dma_semaphore, #tpu.memory_space<semaphore_mem>>)
    %scan3A_91 = arith.constant 0 : i32
    %scan3A_92 = arith.constant 0 : i32
    %scan3A_93 = arith.constant 19 : i32
    %scan3A_94 = arith.addi %scan3A_92, %scan3A_93 : i32
    %scan3A_95 = arith.constant 1 : i32
    scf.for %scan3A_138 = %scan3A_92 to %scan3A_94 step %scan3A_95  : i32 {
      %mul3A_139 = arith.constant 2 : i32
      %mul3A_140 = arith.muli %mul3A_139, %scan3A_138 : i32
      %add3A_141 = arith.constant 1 : i32
      %add3A_142 = arith.addi %mul3A_140, %add3A_141 : i32
      %dma_start3A_143 = arith.constant 1 : i32
      %dma_start3A_144 = arith.constant 0 : i32
      %dma_start3A_145 = arith.constant 0 : i32
      %dma_start3A_146 = tpu.memref_slice %arg8[%dma_start3A_143, %dma_start3A_144, %dma_start3A_145] : memref<2x128x128xf32, #tpu.memory_space<vmem>> -> memref<1x128x128xf32, #tpu.memory_space<vmem>>
      %dma_start3A_147 = tpu.memref_squeeze %dma_start3A_146 : memref<1x128x128xf32, #tpu.memory_space<vmem>> -> memref<128x128xf32, #tpu.memory_space<vmem>>
      %dma_start3A_148 = arith.constant 0 : i32
      %dma_start3A_149 = tpu.memref_slice %arg6[%add3A_142, %dma_start3A_148] : memref<40x128xi32, #tpu.memory_space<vmem>> -> memref<1x128xi32, #tpu.memory_space<vmem>>
      %dma_start3A_150 = tpu.memref_squeeze %dma_start3A_149 : memref<1x128xi32, #tpu.memory_space<vmem>> -> memref<128xi32, #tpu.memory_space<vmem>>
      %dma_start3A_151 = arith.constant 0 : i32
      %dma_start3A_152 = arith.constant 0 : i32
      %dma_start3A_153 = tpu.memref_slice %arg2[%dma_start3A_151, %dma_start3A_152] : memref<10000x128xf32, #tpu.memory_space<hbm>> -> memref<10000x128xf32, #tpu.memory_space<hbm>>
      tpu.enqueue_indirect_dma source(%dma_start3A_153 : memref<10000x128xf32, #tpu.memory_space<hbm>>) target(%dma_start3A_147 : memref<128x128xf32, #tpu.memory_space<vmem>>) offsets(%dma_start3A_150 : memref<128xi32, #tpu.memory_space<vmem>>) semaphore(%arg11 : memref<!tpu.dma_semaphore, #tpu.memory_space<semaphore_mem>>)
      %dma_wait3A_154 = arith.constant 0 : i32
      %dma_wait3A_155 = arith.constant 0 : i32
      %dma_wait3A_156 = arith.constant 0 : i32
      %dma_wait3A_157 = arith.constant 0 : i32
      %dma_wait3A_158 = tpu.memref_slice %arg8[%dma_wait3A_155, %dma_wait3A_156, %dma_wait3A_157] : memref<2x128x128xf32, #tpu.memory_space<vmem>> -> memref<1x128x128xf32, #tpu.memory_space<vmem>>
      %dma_wait3A_159 = tpu.memref_squeeze %dma_wait3A_158 : memref<1x128x128xf32, #tpu.memory_space<vmem>> -> memref<128x128xf32, #tpu.memory_space<vmem>>
      %dma_wait3A_160 = arith.constant 0 : i32
      %dma_wait3A_161 = tpu.memref_slice %arg6[%dma_wait3A_154, %dma_wait3A_160] : memref<40x128xi32, #tpu.memory_space<vmem>> -> memref<1x128xi32, #tpu.memory_space<vmem>>
      %dma_wait3A_162 = tpu.memref_squeeze %dma_wait3A_161 : memref<1x128xi32, #tpu.memory_space<vmem>> -> memref<128xi32, #tpu.memory_space<vmem>>
      %dma_wait3A_163 = arith.constant 0 : i32
      %dma_wait3A_164 = arith.constant 0 : i32
      %dma_wait3A_165 = tpu.memref_slice %arg2[%dma_wait3A_163, %dma_wait3A_164] : memref<10000x128xf32, #tpu.memory_space<hbm>> -> memref<10000x128xf32, #tpu.memory_space<hbm>>
      tpu.wait_indirect_dma semaphore(%arg10 : memref<!tpu.dma_semaphore, #tpu.memory_space<semaphore_mem>>) src(%dma_wait3A_165 : memref<10000x128xf32, #tpu.memory_space<hbm>>) dst(%dma_wait3A_159 : memref<128x128xf32, #tpu.memory_space<vmem>>)
      %run_scoped3A_166 = arith.constant 0 : i32
      "tpu.region"() ({
        %run_scoped3A_195 = tpu.sem_alloc : memref<!tpu.dma_semaphore, #tpu.memory_space<semaphore_mem>>
        %dma_start3A_196 = arith.constant 0 : i32
        %dma_start3A_197 = arith.constant 0 : i32
        %dma_start3A_198 = tpu.memref_slice %arg8[%run_scoped3A_166, %dma_start3A_196, %dma_start3A_197] : memref<2x128x128xf32, #tpu.memory_space<vmem>> -> memref<1x128x128xf32, #tpu.memory_space<vmem>>
        %dma_start3A_199 = tpu.memref_squeeze %dma_start3A_198 : memref<1x128x128xf32, #tpu.memory_space<vmem>> -> memref<128x128xf32, #tpu.memory_space<vmem>>
        %dma_start3A_200 = arith.constant 0 : i32
        %dma_start3A_201 = tpu.memref_slice %arg7[%mul3A_140, %dma_start3A_200] : memref<40x128xi32, #tpu.memory_space<vmem>> -> memref<1x128xi32, #tpu.memory_space<vmem>>
        %dma_start3A_202 = tpu.memref_squeeze %dma_start3A_201 : memref<1x128xi32, #tpu.memory_space<vmem>> -> memref<128xi32, #tpu.memory_space<vmem>>
        %dma_start3A_203 = arith.constant 0 : i32
        %dma_start3A_204 = arith.constant 0 : i32
        %dma_start3A_205 = tpu.memref_slice %arg9[%dma_start3A_203, %dma_start3A_204] : memref<10112x128xf32, #tpu.memory_space<vmem_shared>> -> memref<10112x128xf32, #tpu.memory_space<vmem_shared>>
        tpu.enqueue_indirect_dma source(%dma_start3A_199 : memref<128x128xf32, #tpu.memory_space<vmem>>) target(%dma_start3A_205 : memref<10112x128xf32, #tpu.memory_space<vmem_shared>>) offsets(%dma_start3A_202 : memref<128xi32, #tpu.memory_space<vmem>>) semaphore(%run_scoped3A_195 : memref<!tpu.dma_semaphore, #tpu.memory_space<semaphore_mem>>) {add = true}
        %dma_wait3A_206 = arith.constant 0 : i32
        %dma_wait3A_207 = arith.constant 0 : i32
        %dma_wait3A_208 = tpu.memref_slice %arg8[%run_scoped3A_166, %dma_wait3A_206, %dma_wait3A_207] : memref<2x128x128xf32, #tpu.memory_space<vmem>> -> memref<1x128x128xf32, #tpu.memory_space<vmem>>
        %dma_wait3A_209 = tpu.memref_squeeze %dma_wait3A_208 : memref<1x128x128xf32, #tpu.memory_space<vmem>> -> memref<128x128xf32, #tpu.memory_space<vmem>>
        %dma_wait3A_210 = arith.constant 0 : i32
        %dma_wait3A_211 = tpu.memref_slice %arg7[%mul3A_140, %dma_wait3A_210] : memref<40x128xi32, #tpu.memory_space<vmem>> -> memref<1x128xi32, #tpu.memory_space<vmem>>
        %dma_wait3A_212 = tpu.memref_squeeze %dma_wait3A_211 : memref<1x128xi32, #tpu.memory_space<vmem>> -> memref<128xi32, #tpu.memory_space<vmem>>
        %dma_wait3A_213 = arith.constant 0 : i32
        %dma_wait3A_214 = arith.constant 0 : i32
        %dma_wait3A_215 = tpu.memref_slice %arg9[%dma_wait3A_213, %dma_wait3A_214] : memref<10112x128xf32, #tpu.memory_space<vmem_shared>> -> memref<10112x128xf32, #tpu.memory_space<vmem_shared>>
        tpu.wait_indirect_dma semaphore(%run_scoped3A_195 : memref<!tpu.dma_semaphore, #tpu.memory_space<semaphore_mem>>) src(%dma_wait3A_209 : memref<128x128xf32, #tpu.memory_space<vmem>>) dst(%dma_wait3A_215 : memref<10112x128xf32, #tpu.memory_space<vmem_shared>>)
        tpu.yield
      }) : () -> ()
      %add3A_167 = arith.constant 2 : i32
      %add3A_168 = arith.addi %mul3A_140, %add3A_167 : i32
      %dma_start3A_169 = arith.constant 0 : i32
      %dma_start3A_170 = arith.constant 0 : i32
      %dma_start3A_171 = arith.constant 0 : i32
      %dma_start3A_172 = tpu.memref_slice %arg8[%dma_start3A_169, %dma_start3A_170, %dma_start3A_171] : memref<2x128x128xf32, #tpu.memory_space<vmem>> -> memref<1x128x128xf32, #tpu.memory_space<vmem>>
      %dma_start3A_173 = tpu.memref_squeeze %dma_start3A_172 : memref<1x128x128xf32, #tpu.memory_space<vmem>> -> memref<128x128xf32, #tpu.memory_space<vmem>>
      %dma_start3A_174 = arith.constant 0 : i32
      %dma_start3A_175 = tpu.memref_slice %arg6[%add3A_168, %dma_start3A_174] : memref<40x128xi32, #tpu.memory_space<vmem>> -> memref<1x128xi32, #tpu.memory_space<vmem>>
      %dma_start3A_176 = tpu.memref_squeeze %dma_start3A_175 : memref<1x128xi32, #tpu.memory_space<vmem>> -> memref<128xi32, #tpu.memory_space<vmem>>
      %dma_start3A_177 = arith.constant 0 : i32
      %dma_start3A_178 = arith.constant 0 : i32
      %dma_start3A_179 = tpu.memref_slice %arg2[%dma_start3A_177, %dma_start3A_178] : memref<10000x128xf32, #tpu.memory_space<hbm>> -> memref<10000x128xf32, #tpu.memory_space<hbm>>
      tpu.enqueue_indirect_dma source(%dma_start3A_179 : memref<10000x128xf32, #tpu.memory_space<hbm>>) target(%dma_start3A_173 : memref<128x128xf32, #tpu.memory_space<vmem>>) offsets(%dma_start3A_176 : memref<128xi32, #tpu.memory_space<vmem>>) semaphore(%arg10 : memref<!tpu.dma_semaphore, #tpu.memory_space<semaphore_mem>>)
      %dma_wait3A_180 = arith.constant 0 : i32
      %dma_wait3A_181 = arith.constant 1 : i32
      %dma_wait3A_182 = arith.constant 0 : i32
      %dma_wait3A_183 = arith.constant 0 : i32
      %dma_wait3A_184 = tpu.memref_slice %arg8[%dma_wait3A_181, %dma_wait3A_182, %dma_wait3A_183] : memref<2x128x128xf32, #tpu.memory_space<vmem>> -> memref<1x128x128xf32, #tpu.memory_space<vmem>>
      %dma_wait3A_185 = tpu.memref_squeeze %dma_wait3A_184 : memref<1x128x128xf32, #tpu.memory_space<vmem>> -> memref<128x128xf32, #tpu.memory_space<vmem>>
      %dma_wait3A_186 = arith.constant 0 : i32
      %dma_wait3A_187 = tpu.memref_slice %arg6[%dma_wait3A_180, %dma_wait3A_186] : memref<40x128xi32, #tpu.memory_space<vmem>> -> memref<1x128xi32, #tpu.memory_space<vmem>>
      %dma_wait3A_188 = tpu.memref_squeeze %dma_wait3A_187 : memref<1x128xi32, #tpu.memory_space<vmem>> -> memref<128xi32, #tpu.memory_space<vmem>>
      %dma_wait3A_189 = arith.constant 0 : i32
      %dma_wait3A_190 = arith.constant 0 : i32
      %dma_wait3A_191 = tpu.memref_slice %arg2[%dma_wait3A_189, %dma_wait3A_190] : memref<10000x128xf32, #tpu.memory_space<hbm>> -> memref<10000x128xf32, #tpu.memory_space<hbm>>
      tpu.wait_indirect_dma semaphore(%arg11 : memref<!tpu.dma_semaphore, #tpu.memory_space<semaphore_mem>>) src(%dma_wait3A_191 : memref<10000x128xf32, #tpu.memory_space<hbm>>) dst(%dma_wait3A_185 : memref<128x128xf32, #tpu.memory_space<vmem>>)
      %add3A_192 = arith.constant 1 : i32
      %add3A_193 = arith.addi %mul3A_140, %add3A_192 : i32
      %run_scoped3A_194 = arith.constant 1 : i32
      "tpu.region"() ({
        %run_scoped3A_195 = tpu.sem_alloc : memref<!tpu.dma_semaphore, #tpu.memory_space<semaphore_mem>>
        %dma_start3A_196 = arith.constant 0 : i32
        %dma_start3A_197 = arith.constant 0 : i32
        %dma_start3A_198 = tpu.memref_slice %arg8[%run_scoped3A_194, %dma_start3A_196, %dma_start3A_197] : memref<2x128x128xf32, #tpu.memory_space<vmem>> -> memref<1x128x128xf32, #tpu.memory_space<vmem>>
        %dma_start3A_199 = tpu.memref_squeeze %dma_start3A_198 : memref<1x128x128xf32, #tpu.memory_space<vmem>> -> memref<128x128xf32, #tpu.memory_space<vmem>>
        %dma_start3A_200 = arith.constant 0 : i32
        %dma_start3A_201 = tpu.memref_slice %arg7[%add3A_193, %dma_start3A_200] : memref<40x128xi32, #tpu.memory_space<vmem>> -> memref<1x128xi32, #tpu.memory_space<vmem>>
        %dma_start3A_202 = tpu.memref_squeeze %dma_start3A_201 : memref<1x128xi32, #tpu.memory_space<vmem>> -> memref<128xi32, #tpu.memory_space<vmem>>
        %dma_start3A_203 = arith.constant 0 : i32
        %dma_start3A_204 = arith.constant 0 : i32
        %dma_start3A_205 = tpu.memref_slice %arg9[%dma_start3A_203, %dma_start3A_204] : memref<10112x128xf32, #tpu.memory_space<vmem_shared>> -> memref<10112x128xf32, #tpu.memory_space<vmem_shared>>
        tpu.enqueue_indirect_dma source(%dma_start3A_199 : memref<128x128xf32, #tpu.memory_space<vmem>>) target(%dma_start3A_205 : memref<10112x128xf32, #tpu.memory_space<vmem_shared>>) offsets(%dma_start3A_202 : memref<128xi32, #tpu.memory_space<vmem>>) semaphore(%run_scoped3A_195 : memref<!tpu.dma_semaphore, #tpu.memory_space<semaphore_mem>>) {add = true}
        %dma_wait3A_206 = arith.constant 0 : i32
        %dma_wait3A_207 = arith.constant 0 : i32
        %dma_wait3A_208 = tpu.memref_slice %arg8[%run_scoped3A_194, %dma_wait3A_206, %dma_wait3A_207] : memref<2x128x128xf32, #tpu.memory_space<vmem>> -> memref<1x128x128xf32, #tpu.memory_space<vmem>>
        %dma_wait3A_209 = tpu.memref_squeeze %dma_wait3A_208 : memref<1x128x128xf32, #tpu.memory_space<vmem>> -> memref<128x128xf32, #tpu.memory_space<vmem>>
        %dma_wait3A_210 = arith.constant 0 : i32
        %dma_wait3A_211 = tpu.memref_slice %arg7[%add3A_193, %dma_wait3A_210] : memref<40x128xi32, #tpu.memory_space<vmem>> -> memref<1x128xi32, #tpu.memory_space<vmem>>
        %dma_wait3A_212 = tpu.memref_squeeze %dma_wait3A_211 : memref<1x128xi32, #tpu.memory_space<vmem>> -> memref<128xi32, #tpu.memory_space<vmem>>
        %dma_wait3A_213 = arith.constant 0 : i32
        %dma_wait3A_214 = arith.constant 0 : i32
        %dma_wait3A_215 = tpu.memref_slice %arg9[%dma_wait3A_213, %dma_wait3A_214] : memref<10112x128xf32, #tpu.memory_space<vmem_shared>> -> memref<10112x128xf32, #tpu.memory_space<vmem_shared>>
        tpu.wait_indirect_dma semaphore(%run_scoped3A_195 : memref<!tpu.dma_semaphore, #tpu.memory_space<semaphore_mem>>) src(%dma_wait3A_209 : memref<128x128xf32, #tpu.memory_space<vmem>>) dst(%dma_wait3A_215 : memref<10112x128xf32, #tpu.memory_space<vmem_shared>>)
        tpu.yield
      }) : () -> ()
    }
    %scan3A_96 = arith.constant 19 : i32
    %dma_start3A_97 = arith.constant 39 : i32
    %dma_start3A_98 = arith.constant 1 : i32
    %dma_start3A_99 = arith.constant 0 : i32
    %dma_start3A_100 = arith.constant 0 : i32
    %dma_start3A_101 = tpu.memref_slice %arg8[%dma_start3A_98, %dma_start3A_99, %dma_start3A_100] : memref<2x128x128xf32, #tpu.memory_space<vmem>> -> memref<1x128x128xf32, #tpu.memory_space<vmem>>
    %dma_start3A_102 = tpu.memref_squeeze %dma_start3A_101 : memref<1x128x128xf32, #tpu.memory_space<vmem>> -> memref<128x128xf32, #tpu.memory_space<vmem>>
    %dma_start3A_103 = arith.constant 0 : i32
    %dma_start3A_104 = tpu.memref_slice %arg6[%dma_start3A_97, %dma_start3A_103] : memref<40x128xi32, #tpu.memory_space<vmem>> -> memref<1x128xi32, #tpu.memory_space<vmem>>
    %dma_start3A_105 = tpu.memref_squeeze %dma_start3A_104 : memref<1x128xi32, #tpu.memory_space<vmem>> -> memref<128xi32, #tpu.memory_space<vmem>>
    %dma_start3A_106 = arith.constant 0 : i32
    %dma_start3A_107 = arith.constant 0 : i32
    %dma_start3A_108 = tpu.memref_slice %arg2[%dma_start3A_106, %dma_start3A_107] : memref<10000x128xf32, #tpu.memory_space<hbm>> -> memref<10000x128xf32, #tpu.memory_space<hbm>>
    tpu.enqueue_indirect_dma source(%dma_start3A_108 : memref<10000x128xf32, #tpu.memory_space<hbm>>) target(%dma_start3A_102 : memref<128x128xf32, #tpu.memory_space<vmem>>) offsets(%dma_start3A_105 : memref<128xi32, #tpu.memory_space<vmem>>) semaphore(%arg11 : memref<!tpu.dma_semaphore, #tpu.memory_space<semaphore_mem>>)
    %dma_wait3A_109 = arith.constant 0 : i32
    %dma_wait3A_110 = arith.constant 0 : i32
    %dma_wait3A_111 = arith.constant 0 : i32
    %dma_wait3A_112 = arith.constant 0 : i32
    %dma_wait3A_113 = tpu.memref_slice %arg8[%dma_wait3A_110, %dma_wait3A_111, %dma_wait3A_112] : memref<2x128x128xf32, #tpu.memory_space<vmem>> -> memref<1x128x128xf32, #tpu.memory_space<vmem>>
    %dma_wait3A_114 = tpu.memref_squeeze %dma_wait3A_113 : memref<1x128x128xf32, #tpu.memory_space<vmem>> -> memref<128x128xf32, #tpu.memory_space<vmem>>
    %dma_wait3A_115 = arith.constant 0 : i32
    %dma_wait3A_116 = tpu.memref_slice %arg6[%dma_wait3A_109, %dma_wait3A_115] : memref<40x128xi32, #tpu.memory_space<vmem>> -> memref<1x128xi32, #tpu.memory_space<vmem>>
    %dma_wait3A_117 = tpu.memref_squeeze %dma_wait3A_116 : memref<1x128xi32, #tpu.memory_space<vmem>> -> memref<128xi32, #tpu.memory_space<vmem>>
    %dma_wait3A_118 = arith.constant 0 : i32
    %dma_wait3A_119 = arith.constant 0 : i32
    %dma_wait3A_120 = tpu.memref_slice %arg2[%dma_wait3A_118, %dma_wait3A_119] : memref<10000x128xf32, #tpu.memory_space<hbm>> -> memref<10000x128xf32, #tpu.memory_space<hbm>>
    tpu.wait_indirect_dma semaphore(%arg10 : memref<!tpu.dma_semaphore, #tpu.memory_space<semaphore_mem>>) src(%dma_wait3A_120 : memref<10000x128xf32, #tpu.memory_space<hbm>>) dst(%dma_wait3A_114 : memref<128x128xf32, #tpu.memory_space<vmem>>)
    %run_scoped3A_121 = arith.constant 0 : i32
    %run_scoped3A_122 = arith.constant 38 : i32
    "tpu.region"() ({
      %run_scoped3A_138 = tpu.sem_alloc : memref<!tpu.dma_semaphore, #tpu.memory_space<semaphore_mem>>
      %dma_start3A_139 = arith.constant 0 : i32
      %dma_start3A_140 = arith.constant 0 : i32
      %dma_start3A_141 = tpu.memref_slice %arg8[%run_scoped3A_121, %dma_start3A_139, %dma_start3A_140] : memref<2x128x128xf32, #tpu.memory_space<vmem>> -> memref<1x128x128xf32, #tpu.memory_space<vmem>>
      %dma_start3A_142 = tpu.memref_squeeze %dma_start3A_141 : memref<1x128x128xf32, #tpu.memory_space<vmem>> -> memref<128x128xf32, #tpu.memory_space<vmem>>
      %dma_start3A_143 = arith.constant 0 : i32
      %dma_start3A_144 = tpu.memref_slice %arg7[%run_scoped3A_122, %dma_start3A_143] : memref<40x128xi32, #tpu.memory_space<vmem>> -> memref<1x128xi32, #tpu.memory_space<vmem>>
      %dma_start3A_145 = tpu.memref_squeeze %dma_start3A_144 : memref<1x128xi32, #tpu.memory_space<vmem>> -> memref<128xi32, #tpu.memory_space<vmem>>
      %dma_start3A_146 = arith.constant 0 : i32
      %dma_start3A_147 = arith.constant 0 : i32
      %dma_start3A_148 = tpu.memref_slice %arg9[%dma_start3A_146, %dma_start3A_147] : memref<10112x128xf32, #tpu.memory_space<vmem_shared>> -> memref<10112x128xf32, #tpu.memory_space<vmem_shared>>
      tpu.enqueue_indirect_dma source(%dma_start3A_142 : memref<128x128xf32, #tpu.memory_space<vmem>>) target(%dma_start3A_148 : memref<10112x128xf32, #tpu.memory_space<vmem_shared>>) offsets(%dma_start3A_145 : memref<128xi32, #tpu.memory_space<vmem>>) semaphore(%run_scoped3A_138 : memref<!tpu.dma_semaphore, #tpu.memory_space<semaphore_mem>>) {add = true}
      %dma_wait3A_149 = arith.constant 0 : i32
      %dma_wait3A_150 = arith.constant 0 : i32
      %dma_wait3A_151 = tpu.memref_slice %arg8[%run_scoped3A_121, %dma_wait3A_149, %dma_wait3A_150] : memref<2x128x128xf32, #tpu.memory_space<vmem>> -> memref<1x128x128xf32, #tpu.memory_space<vmem>>
      %dma_wait3A_152 = tpu.memref_squeeze %dma_wait3A_151 : memref<1x128x128xf32, #tpu.memory_space<vmem>> -> memref<128x128xf32, #tpu.memory_space<vmem>>
      %dma_wait3A_153 = arith.constant 0 : i32
      %dma_wait3A_154 = tpu.memref_slice %arg7[%run_scoped3A_122, %dma_wait3A_153] : memref<40x128xi32, #tpu.memory_space<vmem>> -> memref<1x128xi32, #tpu.memory_space<vmem>>
      %dma_wait3A_155 = tpu.memref_squeeze %dma_wait3A_154 : memref<1x128xi32, #tpu.memory_space<vmem>> -> memref<128xi32, #tpu.memory_space<vmem>>
      %dma_wait3A_156 = arith.constant 0 : i32
      %dma_wait3A_157 = arith.constant 0 : i32
      %dma_wait3A_158 = tpu.memref_slice %arg9[%dma_wait3A_156, %dma_wait3A_157] : memref<10112x128xf32, #tpu.memory_space<vmem_shared>> -> memref<10112x128xf32, #tpu.memory_space<vmem_shared>>
      tpu.wait_indirect_dma semaphore(%run_scoped3A_138 : memref<!tpu.dma_semaphore, #tpu.memory_space<semaphore_mem>>) src(%dma_wait3A_152 : memref<128x128xf32, #tpu.memory_space<vmem>>) dst(%dma_wait3A_158 : memref<10112x128xf32, #tpu.memory_space<vmem_shared>>)
      tpu.yield
    }) : () -> ()
    %dma_wait3A_123 = arith.constant 0 : i32
    %dma_wait3A_124 = arith.constant 1 : i32
    %dma_wait3A_125 = arith.constant 0 : i32
    %dma_wait3A_126 = arith.constant 0 : i32
    %dma_wait3A_127 = tpu.memref_slice %arg8[%dma_wait3A_124, %dma_wait3A_125, %dma_wait3A_126] : memref<2x128x128xf32, #tpu.memory_space<vmem>> -> memref<1x128x128xf32, #tpu.memory_space<vmem>>
    %dma_wait3A_128 = tpu.memref_squeeze %dma_wait3A_127 : memref<1x128x128xf32, #tpu.memory_space<vmem>> -> memref<128x128xf32, #tpu.memory_space<vmem>>
    %dma_wait3A_129 = arith.constant 0 : i32
    %dma_wait3A_130 = tpu.memref_slice %arg6[%dma_wait3A_123, %dma_wait3A_129] : memref<40x128xi32, #tpu.memory_space<vmem>> -> memref<1x128xi32, #tpu.memory_space<vmem>>
    %dma_wait3A_131 = tpu.memref_squeeze %dma_wait3A_130 : memref<1x128xi32, #tpu.memory_space<vmem>> -> memref<128xi32, #tpu.memory_space<vmem>>
    %dma_wait3A_132 = arith.constant 0 : i32
    %dma_wait3A_133 = arith.constant 0 : i32
    %dma_wait3A_134 = tpu.memref_slice %arg2[%dma_wait3A_132, %dma_wait3A_133] : memref<10000x128xf32, #tpu.memory_space<hbm>> -> memref<10000x128xf32, #tpu.memory_space<hbm>>
    tpu.wait_indirect_dma semaphore(%arg11 : memref<!tpu.dma_semaphore, #tpu.memory_space<semaphore_mem>>) src(%dma_wait3A_134 : memref<10000x128xf32, #tpu.memory_space<hbm>>) dst(%dma_wait3A_128 : memref<128x128xf32, #tpu.memory_space<vmem>>)
    %run_scoped3A_135 = arith.constant 1 : i32
    %run_scoped3A_136 = arith.constant 39 : i32
    "tpu.region"() ({
      %run_scoped3A_138 = tpu.sem_alloc : memref<!tpu.dma_semaphore, #tpu.memory_space<semaphore_mem>>
      %dma_start3A_139 = arith.constant 0 : i32
      %dma_start3A_140 = arith.constant 0 : i32
      %dma_start3A_141 = tpu.memref_slice %arg8[%run_scoped3A_135, %dma_start3A_139, %dma_start3A_140] : memref<2x128x128xf32, #tpu.memory_space<vmem>> -> memref<1x128x128xf32, #tpu.memory_space<vmem>>
      %dma_start3A_142 = tpu.memref_squeeze %dma_start3A_141 : memref<1x128x128xf32, #tpu.memory_space<vmem>> -> memref<128x128xf32, #tpu.memory_space<vmem>>
      %dma_start3A_143 = arith.constant 0 : i32
      %dma_start3A_144 = tpu.memref_slice %arg7[%run_scoped3A_136, %dma_start3A_143] : memref<40x128xi32, #tpu.memory_space<vmem>> -> memref<1x128xi32, #tpu.memory_space<vmem>>
      %dma_start3A_145 = tpu.memref_squeeze %dma_start3A_144 : memref<1x128xi32, #tpu.memory_space<vmem>> -> memref<128xi32, #tpu.memory_space<vmem>>
      %dma_start3A_146 = arith.constant 0 : i32
      %dma_start3A_147 = arith.constant 0 : i32
      %dma_start3A_148 = tpu.memref_slice %arg9[%dma_start3A_146, %dma_start3A_147] : memref<10112x128xf32, #tpu.memory_space<vmem_shared>> -> memref<10112x128xf32, #tpu.memory_space<vmem_shared>>
      tpu.enqueue_indirect_dma source(%dma_start3A_142 : memref<128x128xf32, #tpu.memory_space<vmem>>) target(%dma_start3A_148 : memref<10112x128xf32, #tpu.memory_space<vmem_shared>>) offsets(%dma_start3A_145 : memref<128xi32, #tpu.memory_space<vmem>>) semaphore(%run_scoped3A_138 : memref<!tpu.dma_semaphore, #tpu.memory_space<semaphore_mem>>) {add = true}
      %dma_wait3A_149 = arith.constant 0 : i32
      %dma_wait3A_150 = arith.constant 0 : i32
      %dma_wait3A_151 = tpu.memref_slice %arg8[%run_scoped3A_135, %dma_wait3A_149, %dma_wait3A_150] : memref<2x128x128xf32, #tpu.memory_space<vmem>> -> memref<1x128x128xf32, #tpu.memory_space<vmem>>
      %dma_wait3A_152 = tpu.memref_squeeze %dma_wait3A_151 : memref<1x128x128xf32, #tpu.memory_space<vmem>> -> memref<128x128xf32, #tpu.memory_space<vmem>>
      %dma_wait3A_153 = arith.constant 0 : i32
      %dma_wait3A_154 = tpu.memref_slice %arg7[%run_scoped3A_136, %dma_wait3A_153] : memref<40x128xi32, #tpu.memory_space<vmem>> -> memref<1x128xi32, #tpu.memory_space<vmem>>
      %dma_wait3A_155 = tpu.memref_squeeze %dma_wait3A_154 : memref<1x128xi32, #tpu.memory_space<vmem>> -> memref<128xi32, #tpu.memory_space<vmem>>
      %dma_wait3A_156 = arith.constant 0 : i32
      %dma_wait3A_157 = arith.constant 0 : i32
      %dma_wait3A_158 = tpu.memref_slice %arg9[%dma_wait3A_156, %dma_wait3A_157] : memref<10112x128xf32, #tpu.memory_space<vmem_shared>> -> memref<10112x128xf32, #tpu.memory_space<vmem_shared>>
      tpu.wait_indirect_dma semaphore(%run_scoped3A_138 : memref<!tpu.dma_semaphore, #tpu.memory_space<semaphore_mem>>) src(%dma_wait3A_152 : memref<128x128xf32, #tpu.memory_space<vmem>>) dst(%dma_wait3A_158 : memref<10112x128xf32, #tpu.memory_space<vmem_shared>>)
      tpu.yield
    }) : () -> ()
    %barrier3A_137 = arith.constant 0 : index
    tpu.barrier barrier_id(%barrier3A_137)
    "tpu.region"() ({
      %run_scoped3A_138 = tpu.sem_alloc : memref<!tpu.dma_semaphore, #tpu.memory_space<semaphore_mem>>
      %dma_start3A_139 = arith.constant 0 : i32
      %dma_start3A_140 = tpu.memref_slice %arg5[%arg0, %mul3A_8, %dma_start3A_139] : memref<2x10112x128xf32, #tpu.memory_space<hbm>> -> memref<1x632x128xf32, #tpu.memory_space<hbm>>
      %dma_start3A_141 = tpu.memref_squeeze %dma_start3A_140 : memref<1x632x128xf32, #tpu.memory_space<hbm>> -> memref<632x128xf32, #tpu.memory_space<hbm>>
      %dma_start3A_142 = arith.constant 0 : i32
      %dma_start3A_143 = tpu.memref_slice %arg9[%mul3A_8, %dma_start3A_142] : memref<10112x128xf32, #tpu.memory_space<vmem_shared>> -> memref<632x128xf32, #tpu.memory_space<vmem_shared>>
      tpu.enqueue_dma source(%dma_start3A_143 : memref<632x128xf32, #tpu.memory_space<vmem_shared>>) target(%dma_start3A_141 : memref<632x128xf32, #tpu.memory_space<hbm>>) target_semaphore(%run_scoped3A_138 : memref<!tpu.dma_semaphore, #tpu.memory_space<semaphore_mem>>)
      %dma_wait3A_144 = arith.constant 0 : i32
      %dma_wait3A_145 = tpu.memref_slice %arg5[%arg0, %mul3A_8, %dma_wait3A_144] : memref<2x10112x128xf32, #tpu.memory_space<hbm>> -> memref<1x632x128xf32, #tpu.memory_space<hbm>>
      %dma_wait3A_146 = tpu.memref_squeeze %dma_wait3A_145 : memref<1x632x128xf32, #tpu.memory_space<hbm>> -> memref<632x128xf32, #tpu.memory_space<hbm>>
      %dma_wait3A_147 = arith.constant 0 : i32
      %dma_wait3A_148 = tpu.memref_slice %arg9[%mul3A_8, %dma_wait3A_147] : memref<10112x128xf32, #tpu.memory_space<vmem_shared>> -> memref<632x128xf32, #tpu.memory_space<vmem_shared>>
      tpu.wait_dma2 semaphore(%run_scoped3A_138 : memref<!tpu.dma_semaphore, #tpu.memory_space<semaphore_mem>>) src(%dma_wait3A_148 : memref<632x128xf32, #tpu.memory_space<vmem_shared>>) dst(%dma_wait3A_146 : memref<632x128xf32, #tpu.memory_space<hbm>>)
      tpu.yield
    }) : () -> ()
    return
  }
}

#map = affine_map<(d0, d1) -> (0, 0, 0)>
module attributes {stable_mosaic.version = 14 : i64} {
  func.func @_sc_deg_body(%arg0: i32, %arg1: i32, %arg2: memref<32x80x128xi32, #tpu.memory_space<hbm>>, %arg3: memref<2x10112x16xf32, #tpu.memory_space<hbm>>, %arg4: memref<80x128xi32, #tpu.memory_space<vmem>>, %arg5: memref<128x16xf32, #tpu.memory_space<vmem>>, %arg6: memref<128x16xf32, #tpu.memory_space<vmem>>, %arg7: memref<10112x16xf32, #tpu.memory_space<vmem_shared>>) attributes {dimension_semantics = [#tpu.dimension_semantics<core_parallel>, #tpu.dimension_semantics<subcore_parallel>], iteration_bounds = array<i64: 2, 16>, scalar_prefetch = 0 : i64, scratch_operands = 4 : i64, tpu.core_type = #tpu.core_type<sc_vector_subcore>, window_params = [{transform_indices = #map}, {transform_indices = #map}]} {
    %mul3A = arith.constant 2 : i32
    %mul3A_0 = arith.muli %arg1, %mul3A : i32
    %add3A = arith.addi %mul3A_0, %arg0 : i32
    %iota3A = tpu.iota {dimensions = array<i32: 0>} : vector<16xi32>
    %eq3A = arith.constant 0 : i32
    %eq3A_1 = vector.broadcast %eq3A : i32 to vector<16xi32>
    %eq3A_2 = arith.cmpi eq, %iota3A, %eq3A_1 : vector<16xi32>
    %jit3A = arith.constant 1.000000e+00 : f32
    %jit3A_3 = arith.constant 0.000000e+00 : f32
    %broadcast_in_dim3A = vector.broadcast %jit3A : f32 to vector<16xf32>
    %broadcast_in_dim3A_4 = vector.broadcast %jit3A_3 : f32 to vector<16xf32>
    %select_n3A = arith.select %eq3A_2, %broadcast_in_dim3A, %broadcast_in_dim3A_4 : vector<16xi1>, vector<16xf32>
    %broadcast_in_dim3A_5 = arith.constant 0.000000e+00 : f32
    %broadcast_in_dim3A_6 = vector.broadcast %broadcast_in_dim3A_5 : f32 to vector<16xf32>
    %scan3A = arith.constant 0 : i32
    %scan3A_7 = arith.constant 0 : i32
    %scan3A_8 = arith.constant 128 : i32
    %scan3A_9 = arith.addi %scan3A_7, %scan3A_8 : i32
    %scan3A_10 = arith.constant 1 : i32
    scf.for %scan3A_31 = %scan3A_7 to %scan3A_9 step %scan3A_10  : i32 {
      %swap3A = arith.index_cast %scan3A_31 : i32 to index
      %swap3A_32 = arith.constant 0 : index
      %swap3A_33 = tpu.vector_load %arg5[%swap3A, %swap3A_32] {strides = array<i32>} : memref<128x16xf32, #tpu.memory_space<vmem>>, vector<1x16xf32>,
      %swap3A_34 = vector.shape_cast %swap3A_33 : vector<1x16xf32> to vector<16xf32>
      %swap3A_35 = vector.shape_cast %select_n3A : vector<16xf32> to vector<1x16xf32>
      tpu.vector_store %arg5[%swap3A, %swap3A_32], %swap3A_35 {strides = array<i32>} : memref<128x16xf32, #tpu.memory_space<vmem>>, vector<1x16xf32>,
      %swap3A_36 = arith.index_cast %scan3A_31 : i32 to index
      %swap3A_37 = arith.constant 0 : index
      %swap3A_38 = tpu.vector_load %arg6[%swap3A_36, %swap3A_37] {strides = array<i32>} : memref<128x16xf32, #tpu.memory_space<vmem>>, vector<1x16xf32>,
      %swap3A_39 = vector.shape_cast %swap3A_38 : vector<1x16xf32> to vector<16xf32>
      %swap3A_40 = vector.shape_cast %broadcast_in_dim3A_6 : vector<16xf32> to vector<1x16xf32>
      tpu.vector_store %arg6[%swap3A_36, %swap3A_37], %swap3A_40 {strides = array<i32>} : memref<128x16xf32, #tpu.memory_space<vmem>>, vector<1x16xf32>,
    }
    %scan3A_11 = arith.constant 128 : i32
    %mul3A_12 = arith.constant 632 : i32
    %mul3A_13 = arith.muli %arg1, %mul3A_12 : i32
    %add3A_14 = arith.constant 0 : i32
    %add3A_15 = arith.addi %mul3A_13, %add3A_14 : i32
    "tpu.region"() ({
      %run_scoped3A = tpu.sem_alloc : memref<!tpu.dma_semaphore, #tpu.memory_space<semaphore_mem>>
      %dma_start3A = arith.constant 0 : i32
      %dma_start3A_31 = tpu.memref_slice %arg7[%add3A_15, %dma_start3A] : memref<10112x16xf32, #tpu.memory_space<vmem_shared>> -> memref<128x16xf32, #tpu.memory_space<vmem_shared>>
      %dma_start3A_32 = arith.constant 0 : i32
      %dma_start3A_33 = tpu.memref_slice %arg7[%add3A_15, %dma_start3A_32] : memref<10112x16xf32, #tpu.memory_space<vmem_shared>> -> memref<128x16xf32, #tpu.memory_space<vmem_shared>>
      tpu.enqueue_dma source(%arg6 : memref<128x16xf32, #tpu.memory_space<vmem>>) target(%dma_start3A_33 : memref<128x16xf32, #tpu.memory_space<vmem_shared>>) target_semaphore(%run_scoped3A : memref<!tpu.dma_semaphore, #tpu.memory_space<semaphore_mem>>)
      %dma_wait3A = arith.constant 0 : i32
      %dma_wait3A_34 = tpu.memref_slice %arg7[%add3A_15, %dma_wait3A] : memref<10112x16xf32, #tpu.memory_space<vmem_shared>> -> memref<128x16xf32, #tpu.memory_space<vmem_shared>>
      %dma_wait3A_35 = arith.constant 0 : i32
      %dma_wait3A_36 = tpu.memref_slice %arg7[%add3A_15, %dma_wait3A_35] : memref<10112x16xf32, #tpu.memory_space<vmem_shared>> -> memref<128x16xf32, #tpu.memory_space<vmem_shared>>
      tpu.wait_dma2 semaphore(%run_scoped3A : memref<!tpu.dma_semaphore, #tpu.memory_space<semaphore_mem>>) src(%arg6 : memref<128x16xf32, #tpu.memory_space<vmem>>) dst(%dma_wait3A_36 : memref<128x16xf32, #tpu.memory_space<vmem_shared>>)
      tpu.yield
    }) : () -> ()
    %add3A_16 = arith.constant 128 : i32
    %add3A_17 = arith.addi %mul3A_13, %add3A_16 : i32
    "tpu.region"() ({
      %run_scoped3A = tpu.sem_alloc : memref<!tpu.dma_semaphore, #tpu.memory_space<semaphore_mem>>
      %dma_start3A = arith.constant 0 : i32
      %dma_start3A_31 = tpu.memref_slice %arg7[%add3A_17, %dma_start3A] : memref<10112x16xf32, #tpu.memory_space<vmem_shared>> -> memref<128x16xf32, #tpu.memory_space<vmem_shared>>
      %dma_start3A_32 = arith.constant 0 : i32
      %dma_start3A_33 = tpu.memref_slice %arg7[%add3A_17, %dma_start3A_32] : memref<10112x16xf32, #tpu.memory_space<vmem_shared>> -> memref<128x16xf32, #tpu.memory_space<vmem_shared>>
      tpu.enqueue_dma source(%arg6 : memref<128x16xf32, #tpu.memory_space<vmem>>) target(%dma_start3A_33 : memref<128x16xf32, #tpu.memory_space<vmem_shared>>) target_semaphore(%run_scoped3A : memref<!tpu.dma_semaphore, #tpu.memory_space<semaphore_mem>>)
      %dma_wait3A = arith.constant 0 : i32
      %dma_wait3A_34 = tpu.memref_slice %arg7[%add3A_17, %dma_wait3A] : memref<10112x16xf32, #tpu.memory_space<vmem_shared>> -> memref<128x16xf32, #tpu.memory_space<vmem_shared>>
      %dma_wait3A_35 = arith.constant 0 : i32
      %dma_wait3A_36 = tpu.memref_slice %arg7[%add3A_17, %dma_wait3A_35] : memref<10112x16xf32, #tpu.memory_space<vmem_shared>> -> memref<128x16xf32, #tpu.memory_space<vmem_shared>>
      tpu.wait_dma2 semaphore(%run_scoped3A : memref<!tpu.dma_semaphore, #tpu.memory_space<semaphore_mem>>) src(%arg6 : memref<128x16xf32, #tpu.memory_space<vmem>>) dst(%dma_wait3A_36 : memref<128x16xf32, #tpu.memory_space<vmem_shared>>)
      tpu.yield
    }) : () -> ()
    %add3A_18 = arith.constant 256 : i32
    %add3A_19 = arith.addi %mul3A_13, %add3A_18 : i32
    "tpu.region"() ({
      %run_scoped3A = tpu.sem_alloc : memref<!tpu.dma_semaphore, #tpu.memory_space<semaphore_mem>>
      %dma_start3A = arith.constant 0 : i32
      %dma_start3A_31 = tpu.memref_slice %arg7[%add3A_19, %dma_start3A] : memref<10112x16xf32, #tpu.memory_space<vmem_shared>> -> memref<128x16xf32, #tpu.memory_space<vmem_shared>>
      %dma_start3A_32 = arith.constant 0 : i32
      %dma_start3A_33 = tpu.memref_slice %arg7[%add3A_19, %dma_start3A_32] : memref<10112x16xf32, #tpu.memory_space<vmem_shared>> -> memref<128x16xf32, #tpu.memory_space<vmem_shared>>
      tpu.enqueue_dma source(%arg6 : memref<128x16xf32, #tpu.memory_space<vmem>>) target(%dma_start3A_33 : memref<128x16xf32, #tpu.memory_space<vmem_shared>>) target_semaphore(%run_scoped3A : memref<!tpu.dma_semaphore, #tpu.memory_space<semaphore_mem>>)
      %dma_wait3A = arith.constant 0 : i32
      %dma_wait3A_34 = tpu.memref_slice %arg7[%add3A_19, %dma_wait3A] : memref<10112x16xf32, #tpu.memory_space<vmem_shared>> -> memref<128x16xf32, #tpu.memory_space<vmem_shared>>
      %dma_wait3A_35 = arith.constant 0 : i32
      %dma_wait3A_36 = tpu.memref_slice %arg7[%add3A_19, %dma_wait3A_35] : memref<10112x16xf32, #tpu.memory_space<vmem_shared>> -> memref<128x16xf32, #tpu.memory_space<vmem_shared>>
      tpu.wait_dma2 semaphore(%run_scoped3A : memref<!tpu.dma_semaphore, #tpu.memory_space<semaphore_mem>>) src(%arg6 : memref<128x16xf32, #tpu.memory_space<vmem>>) dst(%dma_wait3A_36 : memref<128x16xf32, #tpu.memory_space<vmem_shared>>)
      tpu.yield
    }) : () -> ()
    %add3A_20 = arith.constant 384 : i32
    %add3A_21 = arith.addi %mul3A_13, %add3A_20 : i32
    "tpu.region"() ({
      %run_scoped3A = tpu.sem_alloc : memref<!tpu.dma_semaphore, #tpu.memory_space<semaphore_mem>>
      %dma_start3A = arith.constant 0 : i32
      %dma_start3A_31 = tpu.memref_slice %arg7[%add3A_21, %dma_start3A] : memref<10112x16xf32, #tpu.memory_space<vmem_shared>> -> memref<128x16xf32, #tpu.memory_space<vmem_shared>>
      %dma_start3A_32 = arith.constant 0 : i32
      %dma_start3A_33 = tpu.memref_slice %arg7[%add3A_21, %dma_start3A_32] : memref<10112x16xf32, #tpu.memory_space<vmem_shared>> -> memref<128x16xf32, #tpu.memory_space<vmem_shared>>
      tpu.enqueue_dma source(%arg6 : memref<128x16xf32, #tpu.memory_space<vmem>>) target(%dma_start3A_33 : memref<128x16xf32, #tpu.memory_space<vmem_shared>>) target_semaphore(%run_scoped3A : memref<!tpu.dma_semaphore, #tpu.memory_space<semaphore_mem>>)
      %dma_wait3A = arith.constant 0 : i32
      %dma_wait3A_34 = tpu.memref_slice %arg7[%add3A_21, %dma_wait3A] : memref<10112x16xf32, #tpu.memory_space<vmem_shared>> -> memref<128x16xf32, #tpu.memory_space<vmem_shared>>
      %dma_wait3A_35 = arith.constant 0 : i32
      %dma_wait3A_36 = tpu.memref_slice %arg7[%add3A_21, %dma_wait3A_35] : memref<10112x16xf32, #tpu.memory_space<vmem_shared>> -> memref<128x16xf32, #tpu.memory_space<vmem_shared>>
      tpu.wait_dma2 semaphore(%run_scoped3A : memref<!tpu.dma_semaphore, #tpu.memory_space<semaphore_mem>>) src(%arg6 : memref<128x16xf32, #tpu.memory_space<vmem>>) dst(%dma_wait3A_36 : memref<128x16xf32, #tpu.memory_space<vmem_shared>>)
      tpu.yield
    }) : () -> ()
    %add3A_22 = arith.constant 512 : i32
    %add3A_23 = arith.addi %mul3A_13, %add3A_22 : i32
    "tpu.region"() ({
      %run_scoped3A = tpu.sem_alloc : memref<!tpu.dma_semaphore, #tpu.memory_space<semaphore_mem>>
      %dma_start3A = arith.constant 0 : i32
      %dma_start3A_31 = arith.constant 0 : i32
      %dma_start3A_32 = tpu.memref_slice %arg6[%dma_start3A, %dma_start3A_31] : memref<128x16xf32, #tpu.memory_space<vmem>> -> memref<120x16xf32, #tpu.memory_space<vmem>>
      %dma_start3A_33 = arith.constant 0 : i32
      %dma_start3A_34 = tpu.memref_slice %arg7[%add3A_23, %dma_start3A_33] : memref<10112x16xf32, #tpu.memory_space<vmem_shared>> -> memref<120x16xf32, #tpu.memory_space<vmem_shared>>
      %dma_start3A_35 = arith.constant 0 : i32
      %dma_start3A_36 = tpu.memref_slice %arg7[%add3A_23, %dma_start3A_35] : memref<10112x16xf32, #tpu.memory_space<vmem_shared>> -> memref<120x16xf32, #tpu.memory_space<vmem_shared>>
      %dma_start3A_37 = arith.constant 0 : i32
      %dma_start3A_38 = arith.constant 0 : i32
      %dma_start3A_39 = tpu.memref_slice %arg6[%dma_start3A_37, %dma_start3A_38] : memref<128x16xf32, #tpu.memory_space<vmem>> -> memref<120x16xf32, #tpu.memory_space<vmem>>
      tpu.enqueue_dma source(%dma_start3A_39 : memref<120x16xf32, #tpu.memory_space<vmem>>) target(%dma_start3A_36 : memref<120x16xf32, #tpu.memory_space<vmem_shared>>) target_semaphore(%run_scoped3A : memref<!tpu.dma_semaphore, #tpu.memory_space<semaphore_mem>>)
      %dma_wait3A = arith.constant 0 : i32
      %dma_wait3A_40 = arith.constant 0 : i32
      %dma_wait3A_41 = tpu.memref_slice %arg6[%dma_wait3A, %dma_wait3A_40] : memref<128x16xf32, #tpu.memory_space<vmem>> -> memref<120x16xf32, #tpu.memory_space<vmem>>
      %dma_wait3A_42 = arith.constant 0 : i32
      %dma_wait3A_43 = tpu.memref_slice %arg7[%add3A_23, %dma_wait3A_42] : memref<10112x16xf32, #tpu.memory_space<vmem_shared>> -> memref<120x16xf32, #tpu.memory_space<vmem_shared>>
      %dma_wait3A_44 = arith.constant 0 : i32
      %dma_wait3A_45 = tpu.memref_slice %arg7[%add3A_23, %dma_wait3A_44] : memref<10112x16xf32, #tpu.memory_space<vmem_shared>> -> memref<120x16xf32, #tpu.memory_space<vmem_shared>>
      %dma_wait3A_46 = arith.constant 0 : i32
      %dma_wait3A_47 = arith.constant 0 : i32
      %dma_wait3A_48 = tpu.memref_slice %arg6[%dma_wait3A_46, %dma_wait3A_47] : memref<128x16xf32, #tpu.memory_space<vmem>> -> memref<120x16xf32, #tpu.memory_space<vmem>>
      tpu.wait_dma2 semaphore(%run_scoped3A : memref<!tpu.dma_semaphore, #tpu.memory_space<semaphore_mem>>) src(%dma_wait3A_48 : memref<120x16xf32, #tpu.memory_space<vmem>>) dst(%dma_wait3A_45 : memref<120x16xf32, #tpu.memory_space<vmem_shared>>)
      tpu.yield
    }) : () -> ()
    "tpu.region"() ({
      %run_scoped3A = tpu.sem_alloc : memref<!tpu.dma_semaphore, #tpu.memory_space<semaphore_mem>>
      %dma_start3A = arith.constant 0 : i32
      %dma_start3A_31 = arith.constant 0 : i32
      %dma_start3A_32 = tpu.memref_slice %arg2[%add3A, %dma_start3A, %dma_start3A_31] : memref<32x80x128xi32, #tpu.memory_space<hbm>> -> memref<1x80x128xi32, #tpu.memory_space<hbm>>
      %dma_start3A_33 = tpu.memref_squeeze %dma_start3A_32 : memref<1x80x128xi32, #tpu.memory_space<hbm>> -> memref<80x128xi32, #tpu.memory_space<hbm>>
      %dma_start3A_34 = arith.constant 0 : i32
      %dma_start3A_35 = arith.constant 0 : i32
      %dma_start3A_36 = tpu.memref_slice %arg2[%add3A, %dma_start3A_34, %dma_start3A_35] : memref<32x80x128xi32, #tpu.memory_space<hbm>> -> memref<1x80x128xi32, #tpu.memory_space<hbm>>
      %dma_start3A_37 = tpu.memref_squeeze %dma_start3A_36 : memref<1x80x128xi32, #tpu.memory_space<hbm>> -> memref<80x128xi32, #tpu.memory_space<hbm>>
      tpu.enqueue_dma source(%dma_start3A_37 : memref<80x128xi32, #tpu.memory_space<hbm>>) target(%arg4 : memref<80x128xi32, #tpu.memory_space<vmem>>) target_semaphore(%run_scoped3A : memref<!tpu.dma_semaphore, #tpu.memory_space<semaphore_mem>>)
      %dma_wait3A = arith.constant 0 : i32
      %dma_wait3A_38 = arith.constant 0 : i32
      %dma_wait3A_39 = tpu.memref_slice %arg2[%add3A, %dma_wait3A, %dma_wait3A_38] : memref<32x80x128xi32, #tpu.memory_space<hbm>> -> memref<1x80x128xi32, #tpu.memory_space<hbm>>
      %dma_wait3A_40 = tpu.memref_squeeze %dma_wait3A_39 : memref<1x80x128xi32, #tpu.memory_space<hbm>> -> memref<80x128xi32, #tpu.memory_space<hbm>>
      %dma_wait3A_41 = arith.constant 0 : i32
      %dma_wait3A_42 = arith.constant 0 : i32
      %dma_wait3A_43 = tpu.memref_slice %arg2[%add3A, %dma_wait3A_41, %dma_wait3A_42] : memref<32x80x128xi32, #tpu.memory_space<hbm>> -> memref<1x80x128xi32, #tpu.memory_space<hbm>>
      %dma_wait3A_44 = tpu.memref_squeeze %dma_wait3A_43 : memref<1x80x128xi32, #tpu.memory_space<hbm>> -> memref<80x128xi32, #tpu.memory_space<hbm>>
      tpu.wait_dma2 semaphore(%run_scoped3A : memref<!tpu.dma_semaphore, #tpu.memory_space<semaphore_mem>>) src(%dma_wait3A_44 : memref<80x128xi32, #tpu.memory_space<hbm>>) dst(%arg4 : memref<80x128xi32, #tpu.memory_space<vmem>>)
      tpu.yield
    }) : () -> ()
    %barrier3A = arith.constant 0 : index
    tpu.barrier barrier_id(%barrier3A)
    %scan3A_24 = arith.constant 0 : i32
    %scan3A_25 = arith.constant 0 : i32
    %scan3A_26 = arith.constant 80 : i32
    %scan3A_27 = arith.addi %scan3A_25, %scan3A_26 : i32
    %scan3A_28 = arith.constant 1 : i32
    scf.for %scan3A_31 = %scan3A_25 to %scan3A_27 step %scan3A_28  : i32 {
      "tpu.region"() ({
        %run_scoped3A = tpu.sem_alloc : memref<!tpu.dma_semaphore, #tpu.memory_space<semaphore_mem>>
        %dma_start3A = arith.constant 0 : i32
        %dma_start3A_32 = tpu.memref_slice %arg4[%scan3A_31, %dma_start3A] : memref<80x128xi32, #tpu.memory_space<vmem>> -> memref<1x128xi32, #tpu.memory_space<vmem>>
        %dma_start3A_33 = tpu.memref_squeeze %dma_start3A_32 : memref<1x128xi32, #tpu.memory_space<vmem>> -> memref<128xi32, #tpu.memory_space<vmem>>
        %dma_start3A_34 = arith.constant 0 : i32
        %dma_start3A_35 = arith.constant 0 : i32
        %dma_start3A_36 = tpu.memref_slice %arg7[%dma_start3A_34, %dma_start3A_35] : memref<10112x16xf32, #tpu.memory_space<vmem_shared>> -> memref<10112x16xf32, #tpu.memory_space<vmem_shared>>
        tpu.enqueue_indirect_dma source(%arg5 : memref<128x16xf32, #tpu.memory_space<vmem>>) target(%dma_start3A_36 : memref<10112x16xf32, #tpu.memory_space<vmem_shared>>) offsets(%dma_start3A_33 : memref<128xi32, #tpu.memory_space<vmem>>) semaphore(%run_scoped3A : memref<!tpu.dma_semaphore, #tpu.memory_space<semaphore_mem>>) {add = true}
        %dma_wait3A = arith.constant 0 : i32
        %dma_wait3A_37 = tpu.memref_slice %arg4[%scan3A_31, %dma_wait3A] : memref<80x128xi32, #tpu.memory_space<vmem>> -> memref<1x128xi32, #tpu.memory_space<vmem>>
        %dma_wait3A_38 = tpu.memref_squeeze %dma_wait3A_37 : memref<1x128xi32, #tpu.memory_space<vmem>> -> memref<128xi32, #tpu.memory_space<vmem>>
        %dma_wait3A_39 = arith.constant 0 : i32
        %dma_wait3A_40 = arith.constant 0 : i32
        %dma_wait3A_41 = tpu.memref_slice %arg7[%dma_wait3A_39, %dma_wait3A_40] : memref<10112x16xf32, #tpu.memory_space<vmem_shared>> -> memref<10112x16xf32, #tpu.memory_space<vmem_shared>>
        tpu.wait_indirect_dma semaphore(%run_scoped3A : memref<!tpu.dma_semaphore, #tpu.memory_space<semaphore_mem>>) src(%arg5 : memref<128x16xf32, #tpu.memory_space<vmem>>) dst(%dma_wait3A_41 : memref<10112x16xf32, #tpu.memory_space<vmem_shared>>)
        tpu.yield
      }) : () -> ()
    }
    %scan3A_29 = arith.constant 80 : i32
    %barrier3A_30 = arith.constant 0 : index
    tpu.barrier barrier_id(%barrier3A_30)
    "tpu.region"() ({
      %run_scoped3A = tpu.sem_alloc : memref<!tpu.dma_semaphore, #tpu.memory_space<semaphore_mem>>
      %dma_start3A = arith.constant 0 : i32
      %dma_start3A_31 = tpu.memref_slice %arg3[%arg0, %mul3A_13, %dma_start3A] : memref<2x10112x16xf32, #tpu.memory_space<hbm>> -> memref<1x632x16xf32, #tpu.memory_space<hbm>>
      %dma_start3A_32 = tpu.memref_squeeze %dma_start3A_31 : memref<1x632x16xf32, #tpu.memory_space<hbm>> -> memref<632x16xf32, #tpu.memory_space<hbm>>
      %dma_start3A_33 = arith.constant 0 : i32
      %dma_start3A_34 = tpu.memref_slice %arg7[%mul3A_13, %dma_start3A_33] : memref<10112x16xf32, #tpu.memory_space<vmem_shared>> -> memref<632x16xf32, #tpu.memory_space<vmem_shared>>
      tpu.enqueue_dma source(%dma_start3A_34 : memref<632x16xf32, #tpu.memory_space<vmem_shared>>) target(%dma_start3A_32 : memref<632x16xf32, #tpu.memory_space<hbm>>) target_semaphore(%run_scoped3A : memref<!tpu.dma_semaphore, #tpu.memory_space<semaphore_mem>>)
      %dma_wait3A = arith.constant 0 : i32
      %dma_wait3A_35 = tpu.memref_slice %arg3[%arg0, %mul3A_13, %dma_wait3A] : memref<2x10112x16xf32, #tpu.memory_space<hbm>> -> memref<1x632x16xf32, #tpu.memory_space<hbm>>
      %dma_wait3A_36 = tpu.memref_squeeze %dma_wait3A_35 : memref<1x632x16xf32, #tpu.memory_space<hbm>> -> memref<632x16xf32, #tpu.memory_space<hbm>>
      %dma_wait3A_37 = arith.constant 0 : i32
      %dma_wait3A_38 = tpu.memref_slice %arg7[%mul3A_13, %dma_wait3A_37] : memref<10112x16xf32, #tpu.memory_space<vmem_shared>> -> memref<632x16xf32, #tpu.memory_space<vmem_shared>>
      tpu.wait_dma2 semaphore(%run_scoped3A : memref<!tpu.dma_semaphore, #tpu.memory_space<semaphore_mem>>) src(%dma_wait3A_38 : memref<632x16xf32, #tpu.memory_space<vmem_shared>>) dst(%dma_wait3A_36 : memref<632x16xf32, #tpu.memory_space<hbm>>)
      tpu.yield
    }) : () -> ()
    return
  }
}

#map = affine_map<(d0, d1) -> (0, 0)>
#map1 = affine_map<(d0, d1) -> (0, 0, 0)>
module attributes {stable_mosaic.version = 14 : i64} {
  func.func @_sc_msg_body(%arg0: i32, %arg1: i32, %arg2: memref<10000x128xf32, #tpu.memory_space<hbm>>, %arg3: memref<32x80x128xi32, #tpu.memory_space<hbm>>, %arg4: memref<32x80x128xi32, #tpu.memory_space<hbm>>, %arg5: memref<2x10112x128xf32, #tpu.memory_space<hbm>>, %arg6: memref<40x128xi32, #tpu.memory_space<vmem>>, %arg7: memref<40x128xi32, #tpu.memory_space<vmem>>, %arg8: memref<2x128x128xf32, #tpu.memory_space<vmem>>, %arg9: memref<10112x128xf32, #tpu.memory_space<vmem_shared>>, %arg10: memref<!tpu.dma_semaphore, #tpu.memory_space<semaphore_mem>>, %arg11: memref<!tpu.dma_semaphore, #tpu.memory_space<semaphore_mem>>) attributes {dimension_semantics = [#tpu.dimension_semantics<core_parallel>, #tpu.dimension_semantics<subcore_parallel>], iteration_bounds = array<i64: 2, 16>, scalar_prefetch = 0 : i64, scratch_operands = 6 : i64, tpu.core_type = #tpu.core_type<sc_vector_subcore>, window_params = [{transform_indices = #map}, {transform_indices = #map1}, {transform_indices = #map1}, {transform_indices = #map1}]} {
    %mul3A = arith.constant 2 : i32
    %mul3A_0 = arith.muli %arg1, %mul3A : i32
    %add3A = arith.addi %mul3A_0, %arg0 : i32
    %broadcast_in_dim3A = arith.constant 0.000000e+00 : f32
    %broadcast_in_dim3A_1 = vector.broadcast %broadcast_in_dim3A : f32 to vector<16xf32>
    %scan3A = arith.constant 0 : i32
    %scan3A_2 = arith.constant 0 : i32
    %scan3A_3 = arith.constant 128 : i32
    %scan3A_4 = arith.addi %scan3A_2, %scan3A_3 : i32
    %scan3A_5 = arith.constant 1 : i32
    scf.for %scan3A_138 = %scan3A_2 to %scan3A_4 step %scan3A_5  : i32 {
      %swap3A = arith.constant 0 : i32
      %swap3A_139 = arith.index_cast %swap3A : i32 to index
      %swap3A_140 = arith.index_cast %scan3A_138 : i32 to index
      %swap3A_141 = arith.constant 0 : index
      %swap3A_142 = tpu.vector_load %arg8[%swap3A_139, %swap3A_140, %swap3A_141] {strides = array<i32>} : memref<2x128x128xf32, #tpu.memory_space<vmem>>, vector<1x1x16xf32>,
      %swap3A_143 = vector.shape_cast %swap3A_142 : vector<1x1x16xf32> to vector<16xf32>
      %swap3A_144 = vector.shape_cast %broadcast_in_dim3A_1 : vector<16xf32> to vector<1x1x16xf32>
      tpu.vector_store %arg8[%swap3A_139, %swap3A_140, %swap3A_141], %swap3A_144 {strides = array<i32>} : memref<2x128x128xf32, #tpu.memory_space<vmem>>, vector<1x1x16xf32>,
      %swap3A_145 = arith.constant 0 : i32
      %swap3A_146 = arith.index_cast %swap3A_145 : i32 to index
      %swap3A_147 = arith.index_cast %scan3A_138 : i32 to index
      %swap3A_148 = arith.constant 16 : index
      %swap3A_149 = tpu.vector_load %arg8[%swap3A_146, %swap3A_147, %swap3A_148] {strides = array<i32>} : memref<2x128x128xf32, #tpu.memory_space<vmem>>, vector<1x1x16xf32>,
      %swap3A_150 = vector.shape_cast %swap3A_149 : vector<1x1x16xf32> to vector<16xf32>
      %swap3A_151 = vector.shape_cast %broadcast_in_dim3A_1 : vector<16xf32> to vector<1x1x16xf32>
      tpu.vector_store %arg8[%swap3A_146, %swap3A_147, %swap3A_148], %swap3A_151 {strides = array<i32>} : memref<2x128x128xf32, #tpu.memory_space<vmem>>, vector<1x1x16xf32>,
      %swap3A_152 = arith.constant 0 : i32
      %swap3A_153 = arith.index_cast %swap3A_152 : i32 to index
      %swap3A_154 = arith.index_cast %scan3A_138 : i32 to index
      %swap3A_155 = arith.constant 32 : index
      %swap3A_156 = tpu.vector_load %arg8[%swap3A_153, %swap3A_154, %swap3A_155] {strides = array<i32>} : memref<2x128x128xf32, #tpu.memory_space<vmem>>, vector<1x1x16xf32>,
      %swap3A_157 = vector.shape_cast %swap3A_156 : vector<1x1x16xf32> to vector<16xf32>
      %swap3A_158 = vector.shape_cast %broadcast_in_dim3A_1 : vector<16xf32> to vector<1x1x16xf32>
      tpu.vector_store %arg8[%swap3A_153, %swap3A_154, %swap3A_155], %swap3A_158 {strides = array<i32>} : memref<2x128x128xf32, #tpu.memory_space<vmem>>, vector<1x1x16xf32>,
      %swap3A_159 = arith.constant 0 : i32
      %swap3A_160 = arith.index_cast %swap3A_159 : i32 to index
      %swap3A_161 = arith.index_cast %scan3A_138 : i32 to index
      %swap3A_162 = arith.constant 48 : index
      %swap3A_163 = tpu.vector_load %arg8[%swap3A_160, %swap3A_161, %swap3A_162] {strides = array<i32>} : memref<2x128x128xf32, #tpu.memory_space<vmem>>, vector<1x1x16xf32>,
      %swap3A_164 = vector.shape_cast %swap3A_163 : vector<1x1x16xf32> to vector<16xf32>
      %swap3A_165 = vector.shape_cast %broadcast_in_dim3A_1 : vector<16xf32> to vector<1x1x16xf32>
      tpu.vector_store %arg8[%swap3A_160, %swap3A_161, %swap3A_162], %swap3A_165 {strides = array<i32>} : memref<2x128x128xf32, #tpu.memory_space<vmem>>, vector<1x1x16xf32>,
      %swap3A_166 = arith.constant 0 : i32
      %swap3A_167 = arith.index_cast %swap3A_166 : i32 to index
      %swap3A_168 = arith.index_cast %scan3A_138 : i32 to index
      %swap3A_169 = arith.constant 64 : index
      %swap3A_170 = tpu.vector_load %arg8[%swap3A_167, %swap3A_168, %swap3A_169] {strides = array<i32>} : memref<2x128x128xf32, #tpu.memory_space<vmem>>, vector<1x1x16xf32>,
      %swap3A_171 = vector.shape_cast %swap3A_170 : vector<1x1x16xf32> to vector<16xf32>
      %swap3A_172 = vector.shape_cast %broadcast_in_dim3A_1 : vector<16xf32> to vector<1x1x16xf32>
      tpu.vector_store %arg8[%swap3A_167, %swap3A_168, %swap3A_169], %swap3A_172 {strides = array<i32>} : memref<2x128x128xf32, #tpu.memory_space<vmem>>, vector<1x1x16xf32>,
      %swap3A_173 = arith.constant 0 : i32
      %swap3A_174 = arith.index_cast %swap3A_173 : i32 to index
      %swap3A_175 = arith.index_cast %scan3A_138 : i32 to index
      %swap3A_176 = arith.constant 80 : index
      %swap3A_177 = tpu.vector_load %arg8[%swap3A_174, %swap3A_175, %swap3A_176] {strides = array<i32>} : memref<2x128x128xf32, #tpu.memory_space<vmem>>, vector<1x1x16xf32>,
      %swap3A_178 = vector.shape_cast %swap3A_177 : vector<1x1x16xf32> to vector<16xf32>
      %swap3A_179 = vector.shape_cast %broadcast_in_dim3A_1 : vector<16xf32> to vector<1x1x16xf32>
      tpu.vector_store %arg8[%swap3A_174, %swap3A_175, %swap3A_176], %swap3A_179 {strides = array<i32>} : memref<2x128x128xf32, #tpu.memory_space<vmem>>, vector<1x1x16xf32>,
      %swap3A_180 = arith.constant 0 : i32
      %swap3A_181 = arith.index_cast %swap3A_180 : i32 to index
      %swap3A_182 = arith.index_cast %scan3A_138 : i32 to index
      %swap3A_183 = arith.constant 96 : index
      %swap3A_184 = tpu.vector_load %arg8[%swap3A_181, %swap3A_182, %swap3A_183] {strides = array<i32>} : memref<2x128x128xf32, #tpu.memory_space<vmem>>, vector<1x1x16xf32>,
      %swap3A_185 = vector.shape_cast %swap3A_184 : vector<1x1x16xf32> to vector<16xf32>
      %swap3A_186 = vector.shape_cast %broadcast_in_dim3A_1 : vector<16xf32> to vector<1x1x16xf32>
      tpu.vector_store %arg8[%swap3A_181, %swap3A_182, %swap3A_183], %swap3A_186 {strides = array<i32>} : memref<2x128x128xf32, #tpu.memory_space<vmem>>, vector<1x1x16xf32>,
      %swap3A_187 = arith.constant 0 : i32
      %swap3A_188 = arith.index_cast %swap3A_187 : i32 to index
      %swap3A_189 = arith.index_cast %scan3A_138 : i32 to index
      %swap3A_190 = arith.constant 112 : index
      %swap3A_191 = tpu.vector_load %arg8[%swap3A_188, %swap3A_189, %swap3A_190] {strides = array<i32>} : memref<2x128x128xf32, #tpu.memory_space<vmem>>, vector<1x1x16xf32>,
      %swap3A_192 = vector.shape_cast %swap3A_191 : vector<1x1x16xf32> to vector<16xf32>
      %swap3A_193 = vector.shape_cast %broadcast_in_dim3A_1 : vector<16xf32> to vector<1x1x16xf32>
      tpu.vector_store %arg8[%swap3A_188, %swap3A_189, %swap3A_190], %swap3A_193 {strides = array<i32>} : memref<2x128x128xf32, #tpu.memory_space<vmem>>, vector<1x1x16xf32>,
    }
    %scan3A_6 = arith.constant 128 : i32
    %mul3A_7 = arith.constant 632 : i32
    %mul3A_8 = arith.muli %arg1, %mul3A_7 : i32
    %add3A_9 = arith.constant 0 : i32
    %add3A_10 = arith.addi %mul3A_8, %add3A_9 : i32
    %run_scoped3A = arith.constant 0 : i32
    "tpu.region"() ({
      %run_scoped3A_138 = tpu.sem_alloc : memref<!tpu.dma_semaphore, #tpu.memory_space<semaphore_mem>>
      %dma_start3A_139 = arith.constant 0 : i32
      %dma_start3A_140 = arith.constant 0 : i32
      %dma_start3A_141 = tpu.memref_slice %arg8[%run_scoped3A, %dma_start3A_139, %dma_start3A_140] : memref<2x128x128xf32, #tpu.memory_space<vmem>> -> memref<1x128x128xf32, #tpu.memory_space<vmem>>
      %dma_start3A_142 = tpu.memref_squeeze %dma_start3A_141 : memref<1x128x128xf32, #tpu.memory_space<vmem>> -> memref<128x128xf32, #tpu.memory_space<vmem>>
      %dma_start3A_143 = arith.constant 0 : i32
      %dma_start3A_144 = tpu.memref_slice %arg9[%add3A_10, %dma_start3A_143] : memref<10112x128xf32, #tpu.memory_space<vmem_shared>> -> memref<128x128xf32, #tpu.memory_space<vmem_shared>>
      %dma_start3A_145 = arith.constant 0 : i32
      %dma_start3A_146 = tpu.memref_slice %arg9[%add3A_10, %dma_start3A_145] : memref<10112x128xf32, #tpu.memory_space<vmem_shared>> -> memref<128x128xf32, #tpu.memory_space<vmem_shared>>
      %dma_start3A_147 = arith.constant 0 : i32
      %dma_start3A_148 = arith.constant 0 : i32
      %dma_start3A_149 = tpu.memref_slice %arg8[%run_scoped3A, %dma_start3A_147, %dma_start3A_148] : memref<2x128x128xf32, #tpu.memory_space<vmem>> -> memref<1x128x128xf32, #tpu.memory_space<vmem>>
      %dma_start3A_150 = tpu.memref_squeeze %dma_start3A_149 : memref<1x128x128xf32, #tpu.memory_space<vmem>> -> memref<128x128xf32, #tpu.memory_space<vmem>>
      tpu.enqueue_dma source(%dma_start3A_150 : memref<128x128xf32, #tpu.memory_space<vmem>>) target(%dma_start3A_146 : memref<128x128xf32, #tpu.memory_space<vmem_shared>>) target_semaphore(%run_scoped3A_138 : memref<!tpu.dma_semaphore, #tpu.memory_space<semaphore_mem>>)
      %dma_wait3A_151 = arith.constant 0 : i32
      %dma_wait3A_152 = arith.constant 0 : i32
      %dma_wait3A_153 = tpu.memref_slice %arg8[%run_scoped3A, %dma_wait3A_151, %dma_wait3A_152] : memref<2x128x128xf32, #tpu.memory_space<vmem>> -> memref<1x128x128xf32, #tpu.memory_space<vmem>>
      %dma_wait3A_154 = tpu.memref_squeeze %dma_wait3A_153 : memref<1x128x128xf32, #tpu.memory_space<vmem>> -> memref<128x128xf32, #tpu.memory_space<vmem>>
      %dma_wait3A_155 = arith.constant 0 : i32
      %dma_wait3A_156 = tpu.memref_slice %arg9[%add3A_10, %dma_wait3A_155] : memref<10112x128xf32, #tpu.memory_space<vmem_shared>> -> memref<128x128xf32, #tpu.memory_space<vmem_shared>>
      %dma_wait3A_157 = arith.constant 0 : i32
      %dma_wait3A_158 = tpu.memref_slice %arg9[%add3A_10, %dma_wait3A_157] : memref<10112x128xf32, #tpu.memory_space<vmem_shared>> -> memref<128x128xf32, #tpu.memory_space<vmem_shared>>
      %dma_wait3A_159 = arith.constant 0 : i32
      %dma_wait3A_160 = arith.constant 0 : i32
      %dma_wait3A_161 = tpu.memref_slice %arg8[%run_scoped3A, %dma_wait3A_159, %dma_wait3A_160] : memref<2x128x128xf32, #tpu.memory_space<vmem>> -> memref<1x128x128xf32, #tpu.memory_space<vmem>>
      %dma_wait3A_162 = tpu.memref_squeeze %dma_wait3A_161 : memref<1x128x128xf32, #tpu.memory_space<vmem>> -> memref<128x128xf32, #tpu.memory_space<vmem>>
      tpu.wait_dma2 semaphore(%run_scoped3A_138 : memref<!tpu.dma_semaphore, #tpu.memory_space<semaphore_mem>>) src(%dma_wait3A_162 : memref<128x128xf32, #tpu.memory_space<vmem>>) dst(%dma_wait3A_158 : memref<128x128xf32, #tpu.memory_space<vmem_shared>>)
      tpu.yield
    }) : () -> ()
    %add3A_11 = arith.constant 128 : i32
    %add3A_12 = arith.addi %mul3A_8, %add3A_11 : i32
    %run_scoped3A_13 = arith.constant 0 : i32
    "tpu.region"() ({
      %run_scoped3A_138 = tpu.sem_alloc : memref<!tpu.dma_semaphore, #tpu.memory_space<semaphore_mem>>
      %dma_start3A_139 = arith.constant 0 : i32
      %dma_start3A_140 = arith.constant 0 : i32
      %dma_start3A_141 = tpu.memref_slice %arg8[%run_scoped3A_13, %dma_start3A_139, %dma_start3A_140] : memref<2x128x128xf32, #tpu.memory_space<vmem>> -> memref<1x128x128xf32, #tpu.memory_space<vmem>>
      %dma_start3A_142 = tpu.memref_squeeze %dma_start3A_141 : memref<1x128x128xf32, #tpu.memory_space<vmem>> -> memref<128x128xf32, #tpu.memory_space<vmem>>
      %dma_start3A_143 = arith.constant 0 : i32
      %dma_start3A_144 = tpu.memref_slice %arg9[%add3A_12, %dma_start3A_143] : memref<10112x128xf32, #tpu.memory_space<vmem_shared>> -> memref<128x128xf32, #tpu.memory_space<vmem_shared>>
      %dma_start3A_145 = arith.constant 0 : i32
      %dma_start3A_146 = tpu.memref_slice %arg9[%add3A_12, %dma_start3A_145] : memref<10112x128xf32, #tpu.memory_space<vmem_shared>> -> memref<128x128xf32, #tpu.memory_space<vmem_shared>>
      %dma_start3A_147 = arith.constant 0 : i32
      %dma_start3A_148 = arith.constant 0 : i32
      %dma_start3A_149 = tpu.memref_slice %arg8[%run_scoped3A_13, %dma_start3A_147, %dma_start3A_148] : memref<2x128x128xf32, #tpu.memory_space<vmem>> -> memref<1x128x128xf32, #tpu.memory_space<vmem>>
      %dma_start3A_150 = tpu.memref_squeeze %dma_start3A_149 : memref<1x128x128xf32, #tpu.memory_space<vmem>> -> memref<128x128xf32, #tpu.memory_space<vmem>>
      tpu.enqueue_dma source(%dma_start3A_150 : memref<128x128xf32, #tpu.memory_space<vmem>>) target(%dma_start3A_146 : memref<128x128xf32, #tpu.memory_space<vmem_shared>>) target_semaphore(%run_scoped3A_138 : memref<!tpu.dma_semaphore, #tpu.memory_space<semaphore_mem>>)
      %dma_wait3A_151 = arith.constant 0 : i32
      %dma_wait3A_152 = arith.constant 0 : i32
      %dma_wait3A_153 = tpu.memref_slice %arg8[%run_scoped3A_13, %dma_wait3A_151, %dma_wait3A_152] : memref<2x128x128xf32, #tpu.memory_space<vmem>> -> memref<1x128x128xf32, #tpu.memory_space<vmem>>
      %dma_wait3A_154 = tpu.memref_squeeze %dma_wait3A_153 : memref<1x128x128xf32, #tpu.memory_space<vmem>> -> memref<128x128xf32, #tpu.memory_space<vmem>>
      %dma_wait3A_155 = arith.constant 0 : i32
      %dma_wait3A_156 = tpu.memref_slice %arg9[%add3A_12, %dma_wait3A_155] : memref<10112x128xf32, #tpu.memory_space<vmem_shared>> -> memref<128x128xf32, #tpu.memory_space<vmem_shared>>
      %dma_wait3A_157 = arith.constant 0 : i32
      %dma_wait3A_158 = tpu.memref_slice %arg9[%add3A_12, %dma_wait3A_157] : memref<10112x128xf32, #tpu.memory_space<vmem_shared>> -> memref<128x128xf32, #tpu.memory_space<vmem_shared>>
      %dma_wait3A_159 = arith.constant 0 : i32
      %dma_wait3A_160 = arith.constant 0 : i32
      %dma_wait3A_161 = tpu.memref_slice %arg8[%run_scoped3A_13, %dma_wait3A_159, %dma_wait3A_160] : memref<2x128x128xf32, #tpu.memory_space<vmem>> -> memref<1x128x128xf32, #tpu.memory_space<vmem>>
      %dma_wait3A_162 = tpu.memref_squeeze %dma_wait3A_161 : memref<1x128x128xf32, #tpu.memory_space<vmem>> -> memref<128x128xf32, #tpu.memory_space<vmem>>
      tpu.wait_dma2 semaphore(%run_scoped3A_138 : memref<!tpu.dma_semaphore, #tpu.memory_space<semaphore_mem>>) src(%dma_wait3A_162 : memref<128x128xf32, #tpu.memory_space<vmem>>) dst(%dma_wait3A_158 : memref<128x128xf32, #tpu.memory_space<vmem_shared>>)
      tpu.yield
    }) : () -> ()
    %add3A_14 = arith.constant 256 : i32
    %add3A_15 = arith.addi %mul3A_8, %add3A_14 : i32
    %run_scoped3A_16 = arith.constant 0 : i32
    "tpu.region"() ({
      %run_scoped3A_138 = tpu.sem_alloc : memref<!tpu.dma_semaphore, #tpu.memory_space<semaphore_mem>>
      %dma_start3A_139 = arith.constant 0 : i32
      %dma_start3A_140 = arith.constant 0 : i32
      %dma_start3A_141 = tpu.memref_slice %arg8[%run_scoped3A_16, %dma_start3A_139, %dma_start3A_140] : memref<2x128x128xf32, #tpu.memory_space<vmem>> -> memref<1x128x128xf32, #tpu.memory_space<vmem>>
      %dma_start3A_142 = tpu.memref_squeeze %dma_start3A_141 : memref<1x128x128xf32, #tpu.memory_space<vmem>> -> memref<128x128xf32, #tpu.memory_space<vmem>>
      %dma_start3A_143 = arith.constant 0 : i32
      %dma_start3A_144 = tpu.memref_slice %arg9[%add3A_15, %dma_start3A_143] : memref<10112x128xf32, #tpu.memory_space<vmem_shared>> -> memref<128x128xf32, #tpu.memory_space<vmem_shared>>
      %dma_start3A_145 = arith.constant 0 : i32
      %dma_start3A_146 = tpu.memref_slice %arg9[%add3A_15, %dma_start3A_145] : memref<10112x128xf32, #tpu.memory_space<vmem_shared>> -> memref<128x128xf32, #tpu.memory_space<vmem_shared>>
      %dma_start3A_147 = arith.constant 0 : i32
      %dma_start3A_148 = arith.constant 0 : i32
      %dma_start3A_149 = tpu.memref_slice %arg8[%run_scoped3A_16, %dma_start3A_147, %dma_start3A_148] : memref<2x128x128xf32, #tpu.memory_space<vmem>> -> memref<1x128x128xf32, #tpu.memory_space<vmem>>
      %dma_start3A_150 = tpu.memref_squeeze %dma_start3A_149 : memref<1x128x128xf32, #tpu.memory_space<vmem>> -> memref<128x128xf32, #tpu.memory_space<vmem>>
      tpu.enqueue_dma source(%dma_start3A_150 : memref<128x128xf32, #tpu.memory_space<vmem>>) target(%dma_start3A_146 : memref<128x128xf32, #tpu.memory_space<vmem_shared>>) target_semaphore(%run_scoped3A_138 : memref<!tpu.dma_semaphore, #tpu.memory_space<semaphore_mem>>)
      %dma_wait3A_151 = arith.constant 0 : i32
      %dma_wait3A_152 = arith.constant 0 : i32
      %dma_wait3A_153 = tpu.memref_slice %arg8[%run_scoped3A_16, %dma_wait3A_151, %dma_wait3A_152] : memref<2x128x128xf32, #tpu.memory_space<vmem>> -> memref<1x128x128xf32, #tpu.memory_space<vmem>>
      %dma_wait3A_154 = tpu.memref_squeeze %dma_wait3A_153 : memref<1x128x128xf32, #tpu.memory_space<vmem>> -> memref<128x128xf32, #tpu.memory_space<vmem>>
      %dma_wait3A_155 = arith.constant 0 : i32
      %dma_wait3A_156 = tpu.memref_slice %arg9[%add3A_15, %dma_wait3A_155] : memref<10112x128xf32, #tpu.memory_space<vmem_shared>> -> memref<128x128xf32, #tpu.memory_space<vmem_shared>>
      %dma_wait3A_157 = arith.constant 0 : i32
      %dma_wait3A_158 = tpu.memref_slice %arg9[%add3A_15, %dma_wait3A_157] : memref<10112x128xf32, #tpu.memory_space<vmem_shared>> -> memref<128x128xf32, #tpu.memory_space<vmem_shared>>
      %dma_wait3A_159 = arith.constant 0 : i32
      %dma_wait3A_160 = arith.constant 0 : i32
      %dma_wait3A_161 = tpu.memref_slice %arg8[%run_scoped3A_16, %dma_wait3A_159, %dma_wait3A_160] : memref<2x128x128xf32, #tpu.memory_space<vmem>> -> memref<1x128x128xf32, #tpu.memory_space<vmem>>
      %dma_wait3A_162 = tpu.memref_squeeze %dma_wait3A_161 : memref<1x128x128xf32, #tpu.memory_space<vmem>> -> memref<128x128xf32, #tpu.memory_space<vmem>>
      tpu.wait_dma2 semaphore(%run_scoped3A_138 : memref<!tpu.dma_semaphore, #tpu.memory_space<semaphore_mem>>) src(%dma_wait3A_162 : memref<128x128xf32, #tpu.memory_space<vmem>>) dst(%dma_wait3A_158 : memref<128x128xf32, #tpu.memory_space<vmem_shared>>)
      tpu.yield
    }) : () -> ()
    %add3A_17 = arith.constant 384 : i32
    %add3A_18 = arith.addi %mul3A_8, %add3A_17 : i32
    %run_scoped3A_19 = arith.constant 0 : i32
    "tpu.region"() ({
      %run_scoped3A_138 = tpu.sem_alloc : memref<!tpu.dma_semaphore, #tpu.memory_space<semaphore_mem>>
      %dma_start3A_139 = arith.constant 0 : i32
      %dma_start3A_140 = arith.constant 0 : i32
      %dma_start3A_141 = tpu.memref_slice %arg8[%run_scoped3A_19, %dma_start3A_139, %dma_start3A_140] : memref<2x128x128xf32, #tpu.memory_space<vmem>> -> memref<1x128x128xf32, #tpu.memory_space<vmem>>
      %dma_start3A_142 = tpu.memref_squeeze %dma_start3A_141 : memref<1x128x128xf32, #tpu.memory_space<vmem>> -> memref<128x128xf32, #tpu.memory_space<vmem>>
      %dma_start3A_143 = arith.constant 0 : i32
      %dma_start3A_144 = tpu.memref_slice %arg9[%add3A_18, %dma_start3A_143] : memref<10112x128xf32, #tpu.memory_space<vmem_shared>> -> memref<128x128xf32, #tpu.memory_space<vmem_shared>>
      %dma_start3A_145 = arith.constant 0 : i32
      %dma_start3A_146 = tpu.memref_slice %arg9[%add3A_18, %dma_start3A_145] : memref<10112x128xf32, #tpu.memory_space<vmem_shared>> -> memref<128x128xf32, #tpu.memory_space<vmem_shared>>
      %dma_start3A_147 = arith.constant 0 : i32
      %dma_start3A_148 = arith.constant 0 : i32
      %dma_start3A_149 = tpu.memref_slice %arg8[%run_scoped3A_19, %dma_start3A_147, %dma_start3A_148] : memref<2x128x128xf32, #tpu.memory_space<vmem>> -> memref<1x128x128xf32, #tpu.memory_space<vmem>>
      %dma_start3A_150 = tpu.memref_squeeze %dma_start3A_149 : memref<1x128x128xf32, #tpu.memory_space<vmem>> -> memref<128x128xf32, #tpu.memory_space<vmem>>
      tpu.enqueue_dma source(%dma_start3A_150 : memref<128x128xf32, #tpu.memory_space<vmem>>) target(%dma_start3A_146 : memref<128x128xf32, #tpu.memory_space<vmem_shared>>) target_semaphore(%run_scoped3A_138 : memref<!tpu.dma_semaphore, #tpu.memory_space<semaphore_mem>>)
      %dma_wait3A_151 = arith.constant 0 : i32
      %dma_wait3A_152 = arith.constant 0 : i32
      %dma_wait3A_153 = tpu.memref_slice %arg8[%run_scoped3A_19, %dma_wait3A_151, %dma_wait3A_152] : memref<2x128x128xf32, #tpu.memory_space<vmem>> -> memref<1x128x128xf32, #tpu.memory_space<vmem>>
      %dma_wait3A_154 = tpu.memref_squeeze %dma_wait3A_153 : memref<1x128x128xf32, #tpu.memory_space<vmem>> -> memref<128x128xf32, #tpu.memory_space<vmem>>
      %dma_wait3A_155 = arith.constant 0 : i32
      %dma_wait3A_156 = tpu.memref_slice %arg9[%add3A_18, %dma_wait3A_155] : memref<10112x128xf32, #tpu.memory_space<vmem_shared>> -> memref<128x128xf32, #tpu.memory_space<vmem_shared>>
      %dma_wait3A_157 = arith.constant 0 : i32
      %dma_wait3A_158 = tpu.memref_slice %arg9[%add3A_18, %dma_wait3A_157] : memref<10112x128xf32, #tpu.memory_space<vmem_shared>> -> memref<128x128xf32, #tpu.memory_space<vmem_shared>>
      %dma_wait3A_159 = arith.constant 0 : i32
      %dma_wait3A_160 = arith.constant 0 : i32
      %dma_wait3A_161 = tpu.memref_slice %arg8[%run_scoped3A_19, %dma_wait3A_159, %dma_wait3A_160] : memref<2x128x128xf32, #tpu.memory_space<vmem>> -> memref<1x128x128xf32, #tpu.memory_space<vmem>>
      %dma_wait3A_162 = tpu.memref_squeeze %dma_wait3A_161 : memref<1x128x128xf32, #tpu.memory_space<vmem>> -> memref<128x128xf32, #tpu.memory_space<vmem>>
      tpu.wait_dma2 semaphore(%run_scoped3A_138 : memref<!tpu.dma_semaphore, #tpu.memory_space<semaphore_mem>>) src(%dma_wait3A_162 : memref<128x128xf32, #tpu.memory_space<vmem>>) dst(%dma_wait3A_158 : memref<128x128xf32, #tpu.memory_space<vmem_shared>>)
      tpu.yield
    }) : () -> ()
    %add3A_20 = arith.constant 512 : i32
    %add3A_21 = arith.addi %mul3A_8, %add3A_20 : i32
    %run_scoped3A_22 = arith.constant 0 : i32
    "tpu.region"() ({
      %run_scoped3A_138 = tpu.sem_alloc : memref<!tpu.dma_semaphore, #tpu.memory_space<semaphore_mem>>
      %dma_start3A_139 = arith.constant 0 : i32
      %dma_start3A_140 = arith.constant 0 : i32
      %dma_start3A_141 = tpu.memref_slice %arg8[%run_scoped3A_22, %dma_start3A_139, %dma_start3A_140] : memref<2x128x128xf32, #tpu.memory_space<vmem>> -> memref<1x120x128xf32, #tpu.memory_space<vmem>>
      %dma_start3A_142 = tpu.memref_squeeze %dma_start3A_141 : memref<1x120x128xf32, #tpu.memory_space<vmem>> -> memref<120x128xf32, #tpu.memory_space<vmem>>
      %dma_start3A_143 = arith.constant 0 : i32
      %dma_start3A_144 = tpu.memref_slice %arg9[%add3A_21, %dma_start3A_143] : memref<10112x128xf32, #tpu.memory_space<vmem_shared>> -> memref<120x128xf32, #tpu.memory_space<vmem_shared>>
      %dma_start3A_145 = arith.constant 0 : i32
      %dma_start3A_146 = tpu.memref_slice %arg9[%add3A_21, %dma_start3A_145] : memref<10112x128xf32, #tpu.memory_space<vmem_shared>> -> memref<120x128xf32, #tpu.memory_space<vmem_shared>>
      %dma_start3A_147 = arith.constant 0 : i32
      %dma_start3A_148 = arith.constant 0 : i32
      %dma_start3A_149 = tpu.memref_slice %arg8[%run_scoped3A_22, %dma_start3A_147, %dma_start3A_148] : memref<2x128x128xf32, #tpu.memory_space<vmem>> -> memref<1x120x128xf32, #tpu.memory_space<vmem>>
      %dma_start3A_150 = tpu.memref_squeeze %dma_start3A_149 : memref<1x120x128xf32, #tpu.memory_space<vmem>> -> memref<120x128xf32, #tpu.memory_space<vmem>>
      tpu.enqueue_dma source(%dma_start3A_150 : memref<120x128xf32, #tpu.memory_space<vmem>>) target(%dma_start3A_146 : memref<120x128xf32, #tpu.memory_space<vmem_shared>>) target_semaphore(%run_scoped3A_138 : memref<!tpu.dma_semaphore, #tpu.memory_space<semaphore_mem>>)
      %dma_wait3A_151 = arith.constant 0 : i32
      %dma_wait3A_152 = arith.constant 0 : i32
      %dma_wait3A_153 = tpu.memref_slice %arg8[%run_scoped3A_22, %dma_wait3A_151, %dma_wait3A_152] : memref<2x128x128xf32, #tpu.memory_space<vmem>> -> memref<1x120x128xf32, #tpu.memory_space<vmem>>
      %dma_wait3A_154 = tpu.memref_squeeze %dma_wait3A_153 : memref<1x120x128xf32, #tpu.memory_space<vmem>> -> memref<120x128xf32, #tpu.memory_space<vmem>>
      %dma_wait3A_155 = arith.constant 0 : i32
      %dma_wait3A_156 = tpu.memref_slice %arg9[%add3A_21, %dma_wait3A_155] : memref<10112x128xf32, #tpu.memory_space<vmem_shared>> -> memref<120x128xf32, #tpu.memory_space<vmem_shared>>
      %dma_wait3A_157 = arith.constant 0 : i32
      %dma_wait3A_158 = tpu.memref_slice %arg9[%add3A_21, %dma_wait3A_157] : memref<10112x128xf32, #tpu.memory_space<vmem_shared>> -> memref<120x128xf32, #tpu.memory_space<vmem_shared>>
      %dma_wait3A_159 = arith.constant 0 : i32
      %dma_wait3A_160 = arith.constant 0 : i32
      %dma_wait3A_161 = tpu.memref_slice %arg8[%run_scoped3A_22, %dma_wait3A_159, %dma_wait3A_160] : memref<2x128x128xf32, #tpu.memory_space<vmem>> -> memref<1x120x128xf32, #tpu.memory_space<vmem>>
      %dma_wait3A_162 = tpu.memref_squeeze %dma_wait3A_161 : memref<1x120x128xf32, #tpu.memory_space<vmem>> -> memref<120x128xf32, #tpu.memory_space<vmem>>
      tpu.wait_dma2 semaphore(%run_scoped3A_138 : memref<!tpu.dma_semaphore, #tpu.memory_space<semaphore_mem>>) src(%dma_wait3A_162 : memref<120x128xf32, #tpu.memory_space<vmem>>) dst(%dma_wait3A_158 : memref<120x128xf32, #tpu.memory_space<vmem_shared>>)
      tpu.yield
    }) : () -> ()
    %barrier3A = arith.constant 0 : index
    tpu.barrier barrier_id(%barrier3A)
    "tpu.region"() ({
      %run_scoped3A_138 = tpu.sem_alloc : memref<!tpu.dma_semaphore, #tpu.memory_space<semaphore_mem>>
      %dma_start3A_139 = arith.constant 0 : i32
      %dma_start3A_140 = arith.constant 0 : i32
      %dma_start3A_141 = tpu.memref_slice %arg3[%add3A, %dma_start3A_139, %dma_start3A_140] : memref<32x80x128xi32, #tpu.memory_space<hbm>> -> memref<1x40x128xi32, #tpu.memory_space<hbm>>
      %dma_start3A_142 = tpu.memref_squeeze %dma_start3A_141 : memref<1x40x128xi32, #tpu.memory_space<hbm>> -> memref<40x128xi32, #tpu.memory_space<hbm>>
      %dma_start3A_143 = arith.constant 0 : i32
      %dma_start3A_144 = arith.constant 0 : i32
      %dma_start3A_145 = tpu.memref_slice %arg3[%add3A, %dma_start3A_143, %dma_start3A_144] : memref<32x80x128xi32, #tpu.memory_space<hbm>> -> memref<1x40x128xi32, #tpu.memory_space<hbm>>
      %dma_start3A_146 = tpu.memref_squeeze %dma_start3A_145 : memref<1x40x128xi32, #tpu.memory_space<hbm>> -> memref<40x128xi32, #tpu.memory_space<hbm>>
      tpu.enqueue_dma source(%dma_start3A_146 : memref<40x128xi32, #tpu.memory_space<hbm>>) target(%arg6 : memref<40x128xi32, #tpu.memory_space<vmem>>) target_semaphore(%run_scoped3A_138 : memref<!tpu.dma_semaphore, #tpu.memory_space<semaphore_mem>>)
      %dma_wait3A_147 = arith.constant 0 : i32
      %dma_wait3A_148 = arith.constant 0 : i32
      %dma_wait3A_149 = tpu.memref_slice %arg3[%add3A, %dma_wait3A_147, %dma_wait3A_148] : memref<32x80x128xi32, #tpu.memory_space<hbm>> -> memref<1x40x128xi32, #tpu.memory_space<hbm>>
      %dma_wait3A_150 = tpu.memref_squeeze %dma_wait3A_149 : memref<1x40x128xi32, #tpu.memory_space<hbm>> -> memref<40x128xi32, #tpu.memory_space<hbm>>
      %dma_wait3A_151 = arith.constant 0 : i32
      %dma_wait3A_152 = arith.constant 0 : i32
      %dma_wait3A_153 = tpu.memref_slice %arg3[%add3A, %dma_wait3A_151, %dma_wait3A_152] : memref<32x80x128xi32, #tpu.memory_space<hbm>> -> memref<1x40x128xi32, #tpu.memory_space<hbm>>
      %dma_wait3A_154 = tpu.memref_squeeze %dma_wait3A_153 : memref<1x40x128xi32, #tpu.memory_space<hbm>> -> memref<40x128xi32, #tpu.memory_space<hbm>>
      tpu.wait_dma2 semaphore(%run_scoped3A_138 : memref<!tpu.dma_semaphore, #tpu.memory_space<semaphore_mem>>) src(%dma_wait3A_154 : memref<40x128xi32, #tpu.memory_space<hbm>>) dst(%arg6 : memref<40x128xi32, #tpu.memory_space<vmem>>)
      tpu.yield
    }) : () -> ()
    "tpu.region"() ({
      %run_scoped3A_138 = tpu.sem_alloc : memref<!tpu.dma_semaphore, #tpu.memory_space<semaphore_mem>>
      %dma_start3A_139 = arith.constant 0 : i32
      %dma_start3A_140 = arith.constant 0 : i32
      %dma_start3A_141 = tpu.memref_slice %arg4[%add3A, %dma_start3A_139, %dma_start3A_140] : memref<32x80x128xi32, #tpu.memory_space<hbm>> -> memref<1x40x128xi32, #tpu.memory_space<hbm>>
      %dma_start3A_142 = tpu.memref_squeeze %dma_start3A_141 : memref<1x40x128xi32, #tpu.memory_space<hbm>> -> memref<40x128xi32, #tpu.memory_space<hbm>>
      %dma_start3A_143 = arith.constant 0 : i32
      %dma_start3A_144 = arith.constant 0 : i32
      %dma_start3A_145 = tpu.memref_slice %arg4[%add3A, %dma_start3A_143, %dma_start3A_144] : memref<32x80x128xi32, #tpu.memory_space<hbm>> -> memref<1x40x128xi32, #tpu.memory_space<hbm>>
      %dma_start3A_146 = tpu.memref_squeeze %dma_start3A_145 : memref<1x40x128xi32, #tpu.memory_space<hbm>> -> memref<40x128xi32, #tpu.memory_space<hbm>>
      tpu.enqueue_dma source(%dma_start3A_146 : memref<40x128xi32, #tpu.memory_space<hbm>>) target(%arg7 : memref<40x128xi32, #tpu.memory_space<vmem>>) target_semaphore(%run_scoped3A_138 : memref<!tpu.dma_semaphore, #tpu.memory_space<semaphore_mem>>)
      %dma_wait3A_147 = arith.constant 0 : i32
      %dma_wait3A_148 = arith.constant 0 : i32
      %dma_wait3A_149 = tpu.memref_slice %arg4[%add3A, %dma_wait3A_147, %dma_wait3A_148] : memref<32x80x128xi32, #tpu.memory_space<hbm>> -> memref<1x40x128xi32, #tpu.memory_space<hbm>>
      %dma_wait3A_150 = tpu.memref_squeeze %dma_wait3A_149 : memref<1x40x128xi32, #tpu.memory_space<hbm>> -> memref<40x128xi32, #tpu.memory_space<hbm>>
      %dma_wait3A_151 = arith.constant 0 : i32
      %dma_wait3A_152 = arith.constant 0 : i32
      %dma_wait3A_153 = tpu.memref_slice %arg4[%add3A, %dma_wait3A_151, %dma_wait3A_152] : memref<32x80x128xi32, #tpu.memory_space<hbm>> -> memref<1x40x128xi32, #tpu.memory_space<hbm>>
      %dma_wait3A_154 = tpu.memref_squeeze %dma_wait3A_153 : memref<1x40x128xi32, #tpu.memory_space<hbm>> -> memref<40x128xi32, #tpu.memory_space<hbm>>
      tpu.wait_dma2 semaphore(%run_scoped3A_138 : memref<!tpu.dma_semaphore, #tpu.memory_space<semaphore_mem>>) src(%dma_wait3A_154 : memref<40x128xi32, #tpu.memory_space<hbm>>) dst(%arg7 : memref<40x128xi32, #tpu.memory_space<vmem>>)
      tpu.yield
    }) : () -> ()
    %dma_start3A = arith.constant 0 : i32
    %dma_start3A_23 = arith.constant 0 : i32
    %dma_start3A_24 = arith.constant 0 : i32
    %dma_start3A_25 = arith.constant 0 : i32
    %dma_start3A_26 = tpu.memref_slice %arg8[%dma_start3A_23, %dma_start3A_24, %dma_start3A_25] : memref<2x128x128xf32, #tpu.memory_space<vmem>> -> memref<1x128x128xf32, #tpu.memory_space<vmem>>
    %dma_start3A_27 = tpu.memref_squeeze %dma_start3A_26 : memref<1x128x128xf32, #tpu.memory_space<vmem>> -> memref<128x128xf32, #tpu.memory_space<vmem>>
    %dma_start3A_28 = arith.constant 0 : i32
    %dma_start3A_29 = tpu.memref_slice %arg6[%dma_start3A, %dma_start3A_28] : memref<40x128xi32, #tpu.memory_space<vmem>> -> memref<1x128xi32, #tpu.memory_space<vmem>>
    %dma_start3A_30 = tpu.memref_squeeze %dma_start3A_29 : memref<1x128xi32, #tpu.memory_space<vmem>> -> memref<128xi32, #tpu.memory_space<vmem>>
    %dma_start3A_31 = arith.constant 0 : i32
    %dma_start3A_32 = arith.constant 0 : i32
    %dma_start3A_33 = tpu.memref_slice %arg2[%dma_start3A_31, %dma_start3A_32] : memref<10000x128xf32, #tpu.memory_space<hbm>> -> memref<10000x128xf32, #tpu.memory_space<hbm>>
    tpu.enqueue_indirect_dma source(%dma_start3A_33 : memref<10000x128xf32, #tpu.memory_space<hbm>>) target(%dma_start3A_27 : memref<128x128xf32, #tpu.memory_space<vmem>>) offsets(%dma_start3A_30 : memref<128xi32, #tpu.memory_space<vmem>>) semaphore(%arg10 : memref<!tpu.dma_semaphore, #tpu.memory_space<semaphore_mem>>)
    %scan3A_34 = arith.constant 0 : i32
    %scan3A_35 = arith.constant 0 : i32
    %scan3A_36 = arith.constant 19 : i32
    %scan3A_37 = arith.addi %scan3A_35, %scan3A_36 : i32
    %scan3A_38 = arith.constant 1 : i32
    scf.for %scan3A_138 = %scan3A_35 to %scan3A_37 step %scan3A_38  : i32 {
      %mul3A_139 = arith.constant 2 : i32
      %mul3A_140 = arith.muli %mul3A_139, %scan3A_138 : i32
      %add3A_141 = arith.constant 1 : i32
      %add3A_142 = arith.addi %mul3A_140, %add3A_141 : i32
      %dma_start3A_143 = arith.constant 1 : i32
      %dma_start3A_144 = arith.constant 0 : i32
      %dma_start3A_145 = arith.constant 0 : i32
      %dma_start3A_146 = tpu.memref_slice %arg8[%dma_start3A_143, %dma_start3A_144, %dma_start3A_145] : memref<2x128x128xf32, #tpu.memory_space<vmem>> -> memref<1x128x128xf32, #tpu.memory_space<vmem>>
      %dma_start3A_147 = tpu.memref_squeeze %dma_start3A_146 : memref<1x128x128xf32, #tpu.memory_space<vmem>> -> memref<128x128xf32, #tpu.memory_space<vmem>>
      %dma_start3A_148 = arith.constant 0 : i32
      %dma_start3A_149 = tpu.memref_slice %arg6[%add3A_142, %dma_start3A_148] : memref<40x128xi32, #tpu.memory_space<vmem>> -> memref<1x128xi32, #tpu.memory_space<vmem>>
      %dma_start3A_150 = tpu.memref_squeeze %dma_start3A_149 : memref<1x128xi32, #tpu.memory_space<vmem>> -> memref<128xi32, #tpu.memory_space<vmem>>
      %dma_start3A_151 = arith.constant 0 : i32
      %dma_start3A_152 = arith.constant 0 : i32
      %dma_start3A_153 = tpu.memref_slice %arg2[%dma_start3A_151, %dma_start3A_152] : memref<10000x128xf32, #tpu.memory_space<hbm>> -> memref<10000x128xf32, #tpu.memory_space<hbm>>
      tpu.enqueue_indirect_dma source(%dma_start3A_153 : memref<10000x128xf32, #tpu.memory_space<hbm>>) target(%dma_start3A_147 : memref<128x128xf32, #tpu.memory_space<vmem>>) offsets(%dma_start3A_150 : memref<128xi32, #tpu.memory_space<vmem>>) semaphore(%arg11 : memref<!tpu.dma_semaphore, #tpu.memory_space<semaphore_mem>>)
      %dma_wait3A_154 = arith.constant 0 : i32
      %dma_wait3A_155 = arith.constant 0 : i32
      %dma_wait3A_156 = arith.constant 0 : i32
      %dma_wait3A_157 = arith.constant 0 : i32
      %dma_wait3A_158 = tpu.memref_slice %arg8[%dma_wait3A_155, %dma_wait3A_156, %dma_wait3A_157] : memref<2x128x128xf32, #tpu.memory_space<vmem>> -> memref<1x128x128xf32, #tpu.memory_space<vmem>>
      %dma_wait3A_159 = tpu.memref_squeeze %dma_wait3A_158 : memref<1x128x128xf32, #tpu.memory_space<vmem>> -> memref<128x128xf32, #tpu.memory_space<vmem>>
      %dma_wait3A_160 = arith.constant 0 : i32
      %dma_wait3A_161 = tpu.memref_slice %arg6[%dma_wait3A_154, %dma_wait3A_160] : memref<40x128xi32, #tpu.memory_space<vmem>> -> memref<1x128xi32, #tpu.memory_space<vmem>>
      %dma_wait3A_162 = tpu.memref_squeeze %dma_wait3A_161 : memref<1x128xi32, #tpu.memory_space<vmem>> -> memref<128xi32, #tpu.memory_space<vmem>>
      %dma_wait3A_163 = arith.constant 0 : i32
      %dma_wait3A_164 = arith.constant 0 : i32
      %dma_wait3A_165 = tpu.memref_slice %arg2[%dma_wait3A_163, %dma_wait3A_164] : memref<10000x128xf32, #tpu.memory_space<hbm>> -> memref<10000x128xf32, #tpu.memory_space<hbm>>
      tpu.wait_indirect_dma semaphore(%arg10 : memref<!tpu.dma_semaphore, #tpu.memory_space<semaphore_mem>>) src(%dma_wait3A_165 : memref<10000x128xf32, #tpu.memory_space<hbm>>) dst(%dma_wait3A_159 : memref<128x128xf32, #tpu.memory_space<vmem>>)
      %run_scoped3A_166 = arith.constant 0 : i32
      "tpu.region"() ({
        %run_scoped3A_195 = tpu.sem_alloc : memref<!tpu.dma_semaphore, #tpu.memory_space<semaphore_mem>>
        %dma_start3A_196 = arith.constant 0 : i32
        %dma_start3A_197 = arith.constant 0 : i32
        %dma_start3A_198 = tpu.memref_slice %arg8[%run_scoped3A_166, %dma_start3A_196, %dma_start3A_197] : memref<2x128x128xf32, #tpu.memory_space<vmem>> -> memref<1x128x128xf32, #tpu.memory_space<vmem>>
        %dma_start3A_199 = tpu.memref_squeeze %dma_start3A_198 : memref<1x128x128xf32, #tpu.memory_space<vmem>> -> memref<128x128xf32, #tpu.memory_space<vmem>>
        %dma_start3A_200 = arith.constant 0 : i32
        %dma_start3A_201 = tpu.memref_slice %arg7[%mul3A_140, %dma_start3A_200] : memref<40x128xi32, #tpu.memory_space<vmem>> -> memref<1x128xi32, #tpu.memory_space<vmem>>
        %dma_start3A_202 = tpu.memref_squeeze %dma_start3A_201 : memref<1x128xi32, #tpu.memory_space<vmem>> -> memref<128xi32, #tpu.memory_space<vmem>>
        %dma_start3A_203 = arith.constant 0 : i32
        %dma_start3A_204 = arith.constant 0 : i32
        %dma_start3A_205 = tpu.memref_slice %arg9[%dma_start3A_203, %dma_start3A_204] : memref<10112x128xf32, #tpu.memory_space<vmem_shared>> -> memref<10112x128xf32, #tpu.memory_space<vmem_shared>>
        tpu.enqueue_indirect_dma source(%dma_start3A_199 : memref<128x128xf32, #tpu.memory_space<vmem>>) target(%dma_start3A_205 : memref<10112x128xf32, #tpu.memory_space<vmem_shared>>) offsets(%dma_start3A_202 : memref<128xi32, #tpu.memory_space<vmem>>) semaphore(%run_scoped3A_195 : memref<!tpu.dma_semaphore, #tpu.memory_space<semaphore_mem>>) {add = true}
        %dma_wait3A_206 = arith.constant 0 : i32
        %dma_wait3A_207 = arith.constant 0 : i32
        %dma_wait3A_208 = tpu.memref_slice %arg8[%run_scoped3A_166, %dma_wait3A_206, %dma_wait3A_207] : memref<2x128x128xf32, #tpu.memory_space<vmem>> -> memref<1x128x128xf32, #tpu.memory_space<vmem>>
        %dma_wait3A_209 = tpu.memref_squeeze %dma_wait3A_208 : memref<1x128x128xf32, #tpu.memory_space<vmem>> -> memref<128x128xf32, #tpu.memory_space<vmem>>
        %dma_wait3A_210 = arith.constant 0 : i32
        %dma_wait3A_211 = tpu.memref_slice %arg7[%mul3A_140, %dma_wait3A_210] : memref<40x128xi32, #tpu.memory_space<vmem>> -> memref<1x128xi32, #tpu.memory_space<vmem>>
        %dma_wait3A_212 = tpu.memref_squeeze %dma_wait3A_211 : memref<1x128xi32, #tpu.memory_space<vmem>> -> memref<128xi32, #tpu.memory_space<vmem>>
        %dma_wait3A_213 = arith.constant 0 : i32
        %dma_wait3A_214 = arith.constant 0 : i32
        %dma_wait3A_215 = tpu.memref_slice %arg9[%dma_wait3A_213, %dma_wait3A_214] : memref<10112x128xf32, #tpu.memory_space<vmem_shared>> -> memref<10112x128xf32, #tpu.memory_space<vmem_shared>>
        tpu.wait_indirect_dma semaphore(%run_scoped3A_195 : memref<!tpu.dma_semaphore, #tpu.memory_space<semaphore_mem>>) src(%dma_wait3A_209 : memref<128x128xf32, #tpu.memory_space<vmem>>) dst(%dma_wait3A_215 : memref<10112x128xf32, #tpu.memory_space<vmem_shared>>)
        tpu.yield
      }) : () -> ()
      %add3A_167 = arith.constant 2 : i32
      %add3A_168 = arith.addi %mul3A_140, %add3A_167 : i32
      %dma_start3A_169 = arith.constant 0 : i32
      %dma_start3A_170 = arith.constant 0 : i32
      %dma_start3A_171 = arith.constant 0 : i32
      %dma_start3A_172 = tpu.memref_slice %arg8[%dma_start3A_169, %dma_start3A_170, %dma_start3A_171] : memref<2x128x128xf32, #tpu.memory_space<vmem>> -> memref<1x128x128xf32, #tpu.memory_space<vmem>>
      %dma_start3A_173 = tpu.memref_squeeze %dma_start3A_172 : memref<1x128x128xf32, #tpu.memory_space<vmem>> -> memref<128x128xf32, #tpu.memory_space<vmem>>
      %dma_start3A_174 = arith.constant 0 : i32
      %dma_start3A_175 = tpu.memref_slice %arg6[%add3A_168, %dma_start3A_174] : memref<40x128xi32, #tpu.memory_space<vmem>> -> memref<1x128xi32, #tpu.memory_space<vmem>>
      %dma_start3A_176 = tpu.memref_squeeze %dma_start3A_175 : memref<1x128xi32, #tpu.memory_space<vmem>> -> memref<128xi32, #tpu.memory_space<vmem>>
      %dma_start3A_177 = arith.constant 0 : i32
      %dma_start3A_178 = arith.constant 0 : i32
      %dma_start3A_179 = tpu.memref_slice %arg2[%dma_start3A_177, %dma_start3A_178] : memref<10000x128xf32, #tpu.memory_space<hbm>> -> memref<10000x128xf32, #tpu.memory_space<hbm>>
      tpu.enqueue_indirect_dma source(%dma_start3A_179 : memref<10000x128xf32, #tpu.memory_space<hbm>>) target(%dma_start3A_173 : memref<128x128xf32, #tpu.memory_space<vmem>>) offsets(%dma_start3A_176 : memref<128xi32, #tpu.memory_space<vmem>>) semaphore(%arg10 : memref<!tpu.dma_semaphore, #tpu.memory_space<semaphore_mem>>)
      %dma_wait3A_180 = arith.constant 0 : i32
      %dma_wait3A_181 = arith.constant 1 : i32
      %dma_wait3A_182 = arith.constant 0 : i32
      %dma_wait3A_183 = arith.constant 0 : i32
      %dma_wait3A_184 = tpu.memref_slice %arg8[%dma_wait3A_181, %dma_wait3A_182, %dma_wait3A_183] : memref<2x128x128xf32, #tpu.memory_space<vmem>> -> memref<1x128x128xf32, #tpu.memory_space<vmem>>
      %dma_wait3A_185 = tpu.memref_squeeze %dma_wait3A_184 : memref<1x128x128xf32, #tpu.memory_space<vmem>> -> memref<128x128xf32, #tpu.memory_space<vmem>>
      %dma_wait3A_186 = arith.constant 0 : i32
      %dma_wait3A_187 = tpu.memref_slice %arg6[%dma_wait3A_180, %dma_wait3A_186] : memref<40x128xi32, #tpu.memory_space<vmem>> -> memref<1x128xi32, #tpu.memory_space<vmem>>
      %dma_wait3A_188 = tpu.memref_squeeze %dma_wait3A_187 : memref<1x128xi32, #tpu.memory_space<vmem>> -> memref<128xi32, #tpu.memory_space<vmem>>
      %dma_wait3A_189 = arith.constant 0 : i32
      %dma_wait3A_190 = arith.constant 0 : i32
      %dma_wait3A_191 = tpu.memref_slice %arg2[%dma_wait3A_189, %dma_wait3A_190] : memref<10000x128xf32, #tpu.memory_space<hbm>> -> memref<10000x128xf32, #tpu.memory_space<hbm>>
      tpu.wait_indirect_dma semaphore(%arg11 : memref<!tpu.dma_semaphore, #tpu.memory_space<semaphore_mem>>) src(%dma_wait3A_191 : memref<10000x128xf32, #tpu.memory_space<hbm>>) dst(%dma_wait3A_185 : memref<128x128xf32, #tpu.memory_space<vmem>>)
      %add3A_192 = arith.constant 1 : i32
      %add3A_193 = arith.addi %mul3A_140, %add3A_192 : i32
      %run_scoped3A_194 = arith.constant 1 : i32
      "tpu.region"() ({
        %run_scoped3A_195 = tpu.sem_alloc : memref<!tpu.dma_semaphore, #tpu.memory_space<semaphore_mem>>
        %dma_start3A_196 = arith.constant 0 : i32
        %dma_start3A_197 = arith.constant 0 : i32
        %dma_start3A_198 = tpu.memref_slice %arg8[%run_scoped3A_194, %dma_start3A_196, %dma_start3A_197] : memref<2x128x128xf32, #tpu.memory_space<vmem>> -> memref<1x128x128xf32, #tpu.memory_space<vmem>>
        %dma_start3A_199 = tpu.memref_squeeze %dma_start3A_198 : memref<1x128x128xf32, #tpu.memory_space<vmem>> -> memref<128x128xf32, #tpu.memory_space<vmem>>
        %dma_start3A_200 = arith.constant 0 : i32
        %dma_start3A_201 = tpu.memref_slice %arg7[%add3A_193, %dma_start3A_200] : memref<40x128xi32, #tpu.memory_space<vmem>> -> memref<1x128xi32, #tpu.memory_space<vmem>>
        %dma_start3A_202 = tpu.memref_squeeze %dma_start3A_201 : memref<1x128xi32, #tpu.memory_space<vmem>> -> memref<128xi32, #tpu.memory_space<vmem>>
        %dma_start3A_203 = arith.constant 0 : i32
        %dma_start3A_204 = arith.constant 0 : i32
        %dma_start3A_205 = tpu.memref_slice %arg9[%dma_start3A_203, %dma_start3A_204] : memref<10112x128xf32, #tpu.memory_space<vmem_shared>> -> memref<10112x128xf32, #tpu.memory_space<vmem_shared>>
        tpu.enqueue_indirect_dma source(%dma_start3A_199 : memref<128x128xf32, #tpu.memory_space<vmem>>) target(%dma_start3A_205 : memref<10112x128xf32, #tpu.memory_space<vmem_shared>>) offsets(%dma_start3A_202 : memref<128xi32, #tpu.memory_space<vmem>>) semaphore(%run_scoped3A_195 : memref<!tpu.dma_semaphore, #tpu.memory_space<semaphore_mem>>) {add = true}
        %dma_wait3A_206 = arith.constant 0 : i32
        %dma_wait3A_207 = arith.constant 0 : i32
        %dma_wait3A_208 = tpu.memref_slice %arg8[%run_scoped3A_194, %dma_wait3A_206, %dma_wait3A_207] : memref<2x128x128xf32, #tpu.memory_space<vmem>> -> memref<1x128x128xf32, #tpu.memory_space<vmem>>
        %dma_wait3A_209 = tpu.memref_squeeze %dma_wait3A_208 : memref<1x128x128xf32, #tpu.memory_space<vmem>> -> memref<128x128xf32, #tpu.memory_space<vmem>>
        %dma_wait3A_210 = arith.constant 0 : i32
        %dma_wait3A_211 = tpu.memref_slice %arg7[%add3A_193, %dma_wait3A_210] : memref<40x128xi32, #tpu.memory_space<vmem>> -> memref<1x128xi32, #tpu.memory_space<vmem>>
        %dma_wait3A_212 = tpu.memref_squeeze %dma_wait3A_211 : memref<1x128xi32, #tpu.memory_space<vmem>> -> memref<128xi32, #tpu.memory_space<vmem>>
        %dma_wait3A_213 = arith.constant 0 : i32
        %dma_wait3A_214 = arith.constant 0 : i32
        %dma_wait3A_215 = tpu.memref_slice %arg9[%dma_wait3A_213, %dma_wait3A_214] : memref<10112x128xf32, #tpu.memory_space<vmem_shared>> -> memref<10112x128xf32, #tpu.memory_space<vmem_shared>>
        tpu.wait_indirect_dma semaphore(%run_scoped3A_195 : memref<!tpu.dma_semaphore, #tpu.memory_space<semaphore_mem>>) src(%dma_wait3A_209 : memref<128x128xf32, #tpu.memory_space<vmem>>) dst(%dma_wait3A_215 : memref<10112x128xf32, #tpu.memory_space<vmem_shared>>)
        tpu.yield
      }) : () -> ()
    }
    %scan3A_39 = arith.constant 19 : i32
    %dma_start3A_40 = arith.constant 39 : i32
    %dma_start3A_41 = arith.constant 1 : i32
    %dma_start3A_42 = arith.constant 0 : i32
    %dma_start3A_43 = arith.constant 0 : i32
    %dma_start3A_44 = tpu.memref_slice %arg8[%dma_start3A_41, %dma_start3A_42, %dma_start3A_43] : memref<2x128x128xf32, #tpu.memory_space<vmem>> -> memref<1x128x128xf32, #tpu.memory_space<vmem>>
    %dma_start3A_45 = tpu.memref_squeeze %dma_start3A_44 : memref<1x128x128xf32, #tpu.memory_space<vmem>> -> memref<128x128xf32, #tpu.memory_space<vmem>>
    %dma_start3A_46 = arith.constant 0 : i32
    %dma_start3A_47 = tpu.memref_slice %arg6[%dma_start3A_40, %dma_start3A_46] : memref<40x128xi32, #tpu.memory_space<vmem>> -> memref<1x128xi32, #tpu.memory_space<vmem>>
    %dma_start3A_48 = tpu.memref_squeeze %dma_start3A_47 : memref<1x128xi32, #tpu.memory_space<vmem>> -> memref<128xi32, #tpu.memory_space<vmem>>
    %dma_start3A_49 = arith.constant 0 : i32
    %dma_start3A_50 = arith.constant 0 : i32
    %dma_start3A_51 = tpu.memref_slice %arg2[%dma_start3A_49, %dma_start3A_50] : memref<10000x128xf32, #tpu.memory_space<hbm>> -> memref<10000x128xf32, #tpu.memory_space<hbm>>
    tpu.enqueue_indirect_dma source(%dma_start3A_51 : memref<10000x128xf32, #tpu.memory_space<hbm>>) target(%dma_start3A_45 : memref<128x128xf32, #tpu.memory_space<vmem>>) offsets(%dma_start3A_48 : memref<128xi32, #tpu.memory_space<vmem>>) semaphore(%arg11 : memref<!tpu.dma_semaphore, #tpu.memory_space<semaphore_mem>>)
    %dma_wait3A = arith.constant 0 : i32
    %dma_wait3A_52 = arith.constant 0 : i32
    %dma_wait3A_53 = arith.constant 0 : i32
    %dma_wait3A_54 = arith.constant 0 : i32
    %dma_wait3A_55 = tpu.memref_slice %arg8[%dma_wait3A_52, %dma_wait3A_53, %dma_wait3A_54] : memref<2x128x128xf32, #tpu.memory_space<vmem>> -> memref<1x128x128xf32, #tpu.memory_space<vmem>>
    %dma_wait3A_56 = tpu.memref_squeeze %dma_wait3A_55 : memref<1x128x128xf32, #tpu.memory_space<vmem>> -> memref<128x128xf32, #tpu.memory_space<vmem>>
    %dma_wait3A_57 = arith.constant 0 : i32
    %dma_wait3A_58 = tpu.memref_slice %arg6[%dma_wait3A, %dma_wait3A_57] : memref<40x128xi32, #tpu.memory_space<vmem>> -> memref<1x128xi32, #tpu.memory_space<vmem>>
    %dma_wait3A_59 = tpu.memref_squeeze %dma_wait3A_58 : memref<1x128xi32, #tpu.memory_space<vmem>> -> memref<128xi32, #tpu.memory_space<vmem>>
    %dma_wait3A_60 = arith.constant 0 : i32
    %dma_wait3A_61 = arith.constant 0 : i32
    %dma_wait3A_62 = tpu.memref_slice %arg2[%dma_wait3A_60, %dma_wait3A_61] : memref<10000x128xf32, #tpu.memory_space<hbm>> -> memref<10000x128xf32, #tpu.memory_space<hbm>>
    tpu.wait_indirect_dma semaphore(%arg10 : memref<!tpu.dma_semaphore, #tpu.memory_space<semaphore_mem>>) src(%dma_wait3A_62 : memref<10000x128xf32, #tpu.memory_space<hbm>>) dst(%dma_wait3A_56 : memref<128x128xf32, #tpu.memory_space<vmem>>)
    %run_scoped3A_63 = arith.constant 0 : i32
    %run_scoped3A_64 = arith.constant 38 : i32
    "tpu.region"() ({
      %run_scoped3A_138 = tpu.sem_alloc : memref<!tpu.dma_semaphore, #tpu.memory_space<semaphore_mem>>
      %dma_start3A_139 = arith.constant 0 : i32
      %dma_start3A_140 = arith.constant 0 : i32
      %dma_start3A_141 = tpu.memref_slice %arg8[%run_scoped3A_63, %dma_start3A_139, %dma_start3A_140] : memref<2x128x128xf32, #tpu.memory_space<vmem>> -> memref<1x128x128xf32, #tpu.memory_space<vmem>>
      %dma_start3A_142 = tpu.memref_squeeze %dma_start3A_141 : memref<1x128x128xf32, #tpu.memory_space<vmem>> -> memref<128x128xf32, #tpu.memory_space<vmem>>
      %dma_start3A_143 = arith.constant 0 : i32
      %dma_start3A_144 = tpu.memref_slice %arg7[%run_scoped3A_64, %dma_start3A_143] : memref<40x128xi32, #tpu.memory_space<vmem>> -> memref<1x128xi32, #tpu.memory_space<vmem>>
      %dma_start3A_145 = tpu.memref_squeeze %dma_start3A_144 : memref<1x128xi32, #tpu.memory_space<vmem>> -> memref<128xi32, #tpu.memory_space<vmem>>
      %dma_start3A_146 = arith.constant 0 : i32
      %dma_start3A_147 = arith.constant 0 : i32
      %dma_start3A_148 = tpu.memref_slice %arg9[%dma_start3A_146, %dma_start3A_147] : memref<10112x128xf32, #tpu.memory_space<vmem_shared>> -> memref<10112x128xf32, #tpu.memory_space<vmem_shared>>
      tpu.enqueue_indirect_dma source(%dma_start3A_142 : memref<128x128xf32, #tpu.memory_space<vmem>>) target(%dma_start3A_148 : memref<10112x128xf32, #tpu.memory_space<vmem_shared>>) offsets(%dma_start3A_145 : memref<128xi32, #tpu.memory_space<vmem>>) semaphore(%run_scoped3A_138 : memref<!tpu.dma_semaphore, #tpu.memory_space<semaphore_mem>>) {add = true}
      %dma_wait3A_149 = arith.constant 0 : i32
      %dma_wait3A_150 = arith.constant 0 : i32
      %dma_wait3A_151 = tpu.memref_slice %arg8[%run_scoped3A_63, %dma_wait3A_149, %dma_wait3A_150] : memref<2x128x128xf32, #tpu.memory_space<vmem>> -> memref<1x128x128xf32, #tpu.memory_space<vmem>>
      %dma_wait3A_152 = tpu.memref_squeeze %dma_wait3A_151 : memref<1x128x128xf32, #tpu.memory_space<vmem>> -> memref<128x128xf32, #tpu.memory_space<vmem>>
      %dma_wait3A_153 = arith.constant 0 : i32
      %dma_wait3A_154 = tpu.memref_slice %arg7[%run_scoped3A_64, %dma_wait3A_153] : memref<40x128xi32, #tpu.memory_space<vmem>> -> memref<1x128xi32, #tpu.memory_space<vmem>>
      %dma_wait3A_155 = tpu.memref_squeeze %dma_wait3A_154 : memref<1x128xi32, #tpu.memory_space<vmem>> -> memref<128xi32, #tpu.memory_space<vmem>>
      %dma_wait3A_156 = arith.constant 0 : i32
      %dma_wait3A_157 = arith.constant 0 : i32
      %dma_wait3A_158 = tpu.memref_slice %arg9[%dma_wait3A_156, %dma_wait3A_157] : memref<10112x128xf32, #tpu.memory_space<vmem_shared>> -> memref<10112x128xf32, #tpu.memory_space<vmem_shared>>
      tpu.wait_indirect_dma semaphore(%run_scoped3A_138 : memref<!tpu.dma_semaphore, #tpu.memory_space<semaphore_mem>>) src(%dma_wait3A_152 : memref<128x128xf32, #tpu.memory_space<vmem>>) dst(%dma_wait3A_158 : memref<10112x128xf32, #tpu.memory_space<vmem_shared>>)
      tpu.yield
    }) : () -> ()
    %dma_wait3A_65 = arith.constant 0 : i32
    %dma_wait3A_66 = arith.constant 1 : i32
    %dma_wait3A_67 = arith.constant 0 : i32
    %dma_wait3A_68 = arith.constant 0 : i32
    %dma_wait3A_69 = tpu.memref_slice %arg8[%dma_wait3A_66, %dma_wait3A_67, %dma_wait3A_68] : memref<2x128x128xf32, #tpu.memory_space<vmem>> -> memref<1x128x128xf32, #tpu.memory_space<vmem>>
    %dma_wait3A_70 = tpu.memref_squeeze %dma_wait3A_69 : memref<1x128x128xf32, #tpu.memory_space<vmem>> -> memref<128x128xf32, #tpu.memory_space<vmem>>
    %dma_wait3A_71 = arith.constant 0 : i32
    %dma_wait3A_72 = tpu.memref_slice %arg6[%dma_wait3A_65, %dma_wait3A_71] : memref<40x128xi32, #tpu.memory_space<vmem>> -> memref<1x128xi32, #tpu.memory_space<vmem>>
    %dma_wait3A_73 = tpu.memref_squeeze %dma_wait3A_72 : memref<1x128xi32, #tpu.memory_space<vmem>> -> memref<128xi32, #tpu.memory_space<vmem>>
    %dma_wait3A_74 = arith.constant 0 : i32
    %dma_wait3A_75 = arith.constant 0 : i32
    %dma_wait3A_76 = tpu.memref_slice %arg2[%dma_wait3A_74, %dma_wait3A_75] : memref<10000x128xf32, #tpu.memory_space<hbm>> -> memref<10000x128xf32, #tpu.memory_space<hbm>>
    tpu.wait_indirect_dma semaphore(%arg11 : memref<!tpu.dma_semaphore, #tpu.memory_space<semaphore_mem>>) src(%dma_wait3A_76 : memref<10000x128xf32, #tpu.memory_space<hbm>>) dst(%dma_wait3A_70 : memref<128x128xf32, #tpu.memory_space<vmem>>)
    %run_scoped3A_77 = arith.constant 1 : i32
    %run_scoped3A_78 = arith.constant 39 : i32
    "tpu.region"() ({
      %run_scoped3A_138 = tpu.sem_alloc : memref<!tpu.dma_semaphore, #tpu.memory_space<semaphore_mem>>
      %dma_start3A_139 = arith.constant 0 : i32
      %dma_start3A_140 = arith.constant 0 : i32
      %dma_start3A_141 = tpu.memref_slice %arg8[%run_scoped3A_77, %dma_start3A_139, %dma_start3A_140] : memref<2x128x128xf32, #tpu.memory_space<vmem>> -> memref<1x128x128xf32, #tpu.memory_space<vmem>>
      %dma_start3A_142 = tpu.memref_squeeze %dma_start3A_141 : memref<1x128x128xf32, #tpu.memory_space<vmem>> -> memref<128x128xf32, #tpu.memory_space<vmem>>
      %dma_start3A_143 = arith.constant 0 : i32
      %dma_start3A_144 = tpu.memref_slice %arg7[%run_scoped3A_78, %dma_start3A_143] : memref<40x128xi32, #tpu.memory_space<vmem>> -> memref<1x128xi32, #tpu.memory_space<vmem>>
      %dma_start3A_145 = tpu.memref_squeeze %dma_start3A_144 : memref<1x128xi32, #tpu.memory_space<vmem>> -> memref<128xi32, #tpu.memory_space<vmem>>
      %dma_start3A_146 = arith.constant 0 : i32
      %dma_start3A_147 = arith.constant 0 : i32
      %dma_start3A_148 = tpu.memref_slice %arg9[%dma_start3A_146, %dma_start3A_147] : memref<10112x128xf32, #tpu.memory_space<vmem_shared>> -> memref<10112x128xf32, #tpu.memory_space<vmem_shared>>
      tpu.enqueue_indirect_dma source(%dma_start3A_142 : memref<128x128xf32, #tpu.memory_space<vmem>>) target(%dma_start3A_148 : memref<10112x128xf32, #tpu.memory_space<vmem_shared>>) offsets(%dma_start3A_145 : memref<128xi32, #tpu.memory_space<vmem>>) semaphore(%run_scoped3A_138 : memref<!tpu.dma_semaphore, #tpu.memory_space<semaphore_mem>>) {add = true}
      %dma_wait3A_149 = arith.constant 0 : i32
      %dma_wait3A_150 = arith.constant 0 : i32
      %dma_wait3A_151 = tpu.memref_slice %arg8[%run_scoped3A_77, %dma_wait3A_149, %dma_wait3A_150] : memref<2x128x128xf32, #tpu.memory_space<vmem>> -> memref<1x128x128xf32, #tpu.memory_space<vmem>>
      %dma_wait3A_152 = tpu.memref_squeeze %dma_wait3A_151 : memref<1x128x128xf32, #tpu.memory_space<vmem>> -> memref<128x128xf32, #tpu.memory_space<vmem>>
      %dma_wait3A_153 = arith.constant 0 : i32
      %dma_wait3A_154 = tpu.memref_slice %arg7[%run_scoped3A_78, %dma_wait3A_153] : memref<40x128xi32, #tpu.memory_space<vmem>> -> memref<1x128xi32, #tpu.memory_space<vmem>>
      %dma_wait3A_155 = tpu.memref_squeeze %dma_wait3A_154 : memref<1x128xi32, #tpu.memory_space<vmem>> -> memref<128xi32, #tpu.memory_space<vmem>>
      %dma_wait3A_156 = arith.constant 0 : i32
      %dma_wait3A_157 = arith.constant 0 : i32
      %dma_wait3A_158 = tpu.memref_slice %arg9[%dma_wait3A_156, %dma_wait3A_157] : memref<10112x128xf32, #tpu.memory_space<vmem_shared>> -> memref<10112x128xf32, #tpu.memory_space<vmem_shared>>
      tpu.wait_indirect_dma semaphore(%run_scoped3A_138 : memref<!tpu.dma_semaphore, #tpu.memory_space<semaphore_mem>>) src(%dma_wait3A_152 : memref<128x128xf32, #tpu.memory_space<vmem>>) dst(%dma_wait3A_158 : memref<10112x128xf32, #tpu.memory_space<vmem_shared>>)
      tpu.yield
    }) : () -> ()
    "tpu.region"() ({
      %run_scoped3A_138 = tpu.sem_alloc : memref<!tpu.dma_semaphore, #tpu.memory_space<semaphore_mem>>
      %dma_start3A_139 = arith.constant 40 : i32
      %dma_start3A_140 = arith.constant 0 : i32
      %dma_start3A_141 = tpu.memref_slice %arg3[%add3A, %dma_start3A_139, %dma_start3A_140] : memref<32x80x128xi32, #tpu.memory_space<hbm>> -> memref<1x40x128xi32, #tpu.memory_space<hbm>>
      %dma_start3A_142 = tpu.memref_squeeze %dma_start3A_141 : memref<1x40x128xi32, #tpu.memory_space<hbm>> -> memref<40x128xi32, #tpu.memory_space<hbm>>
      %dma_start3A_143 = arith.constant 40 : i32
      %dma_start3A_144 = arith.constant 0 : i32
      %dma_start3A_145 = tpu.memref_slice %arg3[%add3A, %dma_start3A_143, %dma_start3A_144] : memref<32x80x128xi32, #tpu.memory_space<hbm>> -> memref<1x40x128xi32, #tpu.memory_space<hbm>>
      %dma_start3A_146 = tpu.memref_squeeze %dma_start3A_145 : memref<1x40x128xi32, #tpu.memory_space<hbm>> -> memref<40x128xi32, #tpu.memory_space<hbm>>
      tpu.enqueue_dma source(%dma_start3A_146 : memref<40x128xi32, #tpu.memory_space<hbm>>) target(%arg6 : memref<40x128xi32, #tpu.memory_space<vmem>>) target_semaphore(%run_scoped3A_138 : memref<!tpu.dma_semaphore, #tpu.memory_space<semaphore_mem>>)
      %dma_wait3A_147 = arith.constant 40 : i32
      %dma_wait3A_148 = arith.constant 0 : i32
      %dma_wait3A_149 = tpu.memref_slice %arg3[%add3A, %dma_wait3A_147, %dma_wait3A_148] : memref<32x80x128xi32, #tpu.memory_space<hbm>> -> memref<1x40x128xi32, #tpu.memory_space<hbm>>
      %dma_wait3A_150 = tpu.memref_squeeze %dma_wait3A_149 : memref<1x40x128xi32, #tpu.memory_space<hbm>> -> memref<40x128xi32, #tpu.memory_space<hbm>>
      %dma_wait3A_151 = arith.constant 40 : i32
      %dma_wait3A_152 = arith.constant 0 : i32
      %dma_wait3A_153 = tpu.memref_slice %arg3[%add3A, %dma_wait3A_151, %dma_wait3A_152] : memref<32x80x128xi32, #tpu.memory_space<hbm>> -> memref<1x40x128xi32, #tpu.memory_space<hbm>>
      %dma_wait3A_154 = tpu.memref_squeeze %dma_wait3A_153 : memref<1x40x128xi32, #tpu.memory_space<hbm>> -> memref<40x128xi32, #tpu.memory_space<hbm>>
      tpu.wait_dma2 semaphore(%run_scoped3A_138 : memref<!tpu.dma_semaphore, #tpu.memory_space<semaphore_mem>>) src(%dma_wait3A_154 : memref<40x128xi32, #tpu.memory_space<hbm>>) dst(%arg6 : memref<40x128xi32, #tpu.memory_space<vmem>>)
      tpu.yield
    }) : () -> ()
    "tpu.region"() ({
      %run_scoped3A_138 = tpu.sem_alloc : memref<!tpu.dma_semaphore, #tpu.memory_space<semaphore_mem>>
      %dma_start3A_139 = arith.constant 40 : i32
      %dma_start3A_140 = arith.constant 0 : i32
      %dma_start3A_141 = tpu.memref_slice %arg4[%add3A, %dma_start3A_139, %dma_start3A_140] : memref<32x80x128xi32, #tpu.memory_space<hbm>> -> memref<1x40x128xi32, #tpu.memory_space<hbm>>
      %dma_start3A_142 = tpu.memref_squeeze %dma_start3A_141 : memref<1x40x128xi32, #tpu.memory_space<hbm>> -> memref<40x128xi32, #tpu.memory_space<hbm>>
      %dma_start3A_143 = arith.constant 40 : i32
      %dma_start3A_144 = arith.constant 0 : i32
      %dma_start3A_145 = tpu.memref_slice %arg4[%add3A, %dma_start3A_143, %dma_start3A_144] : memref<32x80x128xi32, #tpu.memory_space<hbm>> -> memref<1x40x128xi32, #tpu.memory_space<hbm>>
      %dma_start3A_146 = tpu.memref_squeeze %dma_start3A_145 : memref<1x40x128xi32, #tpu.memory_space<hbm>> -> memref<40x128xi32, #tpu.memory_space<hbm>>
      tpu.enqueue_dma source(%dma_start3A_146 : memref<40x128xi32, #tpu.memory_space<hbm>>) target(%arg7 : memref<40x128xi32, #tpu.memory_space<vmem>>) target_semaphore(%run_scoped3A_138 : memref<!tpu.dma_semaphore, #tpu.memory_space<semaphore_mem>>)
      %dma_wait3A_147 = arith.constant 40 : i32
      %dma_wait3A_148 = arith.constant 0 : i32
      %dma_wait3A_149 = tpu.memref_slice %arg4[%add3A, %dma_wait3A_147, %dma_wait3A_148] : memref<32x80x128xi32, #tpu.memory_space<hbm>> -> memref<1x40x128xi32, #tpu.memory_space<hbm>>
      %dma_wait3A_150 = tpu.memref_squeeze %dma_wait3A_149 : memref<1x40x128xi32, #tpu.memory_space<hbm>> -> memref<40x128xi32, #tpu.memory_space<hbm>>
      %dma_wait3A_151 = arith.constant 40 : i32
      %dma_wait3A_152 = arith.constant 0 : i32
      %dma_wait3A_153 = tpu.memref_slice %arg4[%add3A, %dma_wait3A_151, %dma_wait3A_152] : memref<32x80x128xi32, #tpu.memory_space<hbm>> -> memref<1x40x128xi32, #tpu.memory_space<hbm>>
      %dma_wait3A_154 = tpu.memref_squeeze %dma_wait3A_153 : memref<1x40x128xi32, #tpu.memory_space<hbm>> -> memref<40x128xi32, #tpu.memory_space<hbm>>
      tpu.wait_dma2 semaphore(%run_scoped3A_138 : memref<!tpu.dma_semaphore, #tpu.memory_space<semaphore_mem>>) src(%dma_wait3A_154 : memref<40x128xi32, #tpu.memory_space<hbm>>) dst(%arg7 : memref<40x128xi32, #tpu.memory_space<vmem>>)
      tpu.yield
    }) : () -> ()
    %dma_start3A_79 = arith.constant 0 : i32
    %dma_start3A_80 = arith.constant 0 : i32
    %dma_start3A_81 = arith.constant 0 : i32
    %dma_start3A_82 = arith.constant 0 : i32
    %dma_start3A_83 = tpu.memref_slice %arg8[%dma_start3A_80, %dma_start3A_81, %dma_start3A_82] : memref<2x128x128xf32, #tpu.memory_space<vmem>> -> memref<1x128x128xf32, #tpu.memory_space<vmem>>
    %dma_start3A_84 = tpu.memref_squeeze %dma_start3A_83 : memref<1x128x128xf32, #tpu.memory_space<vmem>> -> memref<128x128xf32, #tpu.memory_space<vmem>>
    %dma_start3A_85 = arith.constant 0 : i32
    %dma_start3A_86 = tpu.memref_slice %arg6[%dma_start3A_79, %dma_start3A_85] : memref<40x128xi32, #tpu.memory_space<vmem>> -> memref<1x128xi32, #tpu.memory_space<vmem>>
    %dma_start3A_87 = tpu.memref_squeeze %dma_start3A_86 : memref<1x128xi32, #tpu.memory_space<vmem>> -> memref<128xi32, #tpu.memory_space<vmem>>
    %dma_start3A_88 = arith.constant 0 : i32
    %dma_start3A_89 = arith.constant 0 : i32
    %dma_start3A_90 = tpu.memref_slice %arg2[%dma_start3A_88, %dma_start3A_89] : memref<10000x128xf32, #tpu.memory_space<hbm>> -> memref<10000x128xf32, #tpu.memory_space<hbm>>
    tpu.enqueue_indirect_dma source(%dma_start3A_90 : memref<10000x128xf32, #tpu.memory_space<hbm>>) target(%dma_start3A_84 : memref<128x128xf32, #tpu.memory_space<vmem>>) offsets(%dma_start3A_87 : memref<128xi32, #tpu.memory_space<vmem>>) semaphore(%arg10 : memref<!tpu.dma_semaphore, #tpu.memory_space<semaphore_mem>>)
    %scan3A_91 = arith.constant 0 : i32
    %scan3A_92 = arith.constant 0 : i32
    %scan3A_93 = arith.constant 19 : i32
    %scan3A_94 = arith.addi %scan3A_92, %scan3A_93 : i32
    %scan3A_95 = arith.constant 1 : i32
    scf.for %scan3A_138 = %scan3A_92 to %scan3A_94 step %scan3A_95  : i32 {
      %mul3A_139 = arith.constant 2 : i32
      %mul3A_140 = arith.muli %mul3A_139, %scan3A_138 : i32
      %add3A_141 = arith.constant 1 : i32
      %add3A_142 = arith.addi %mul3A_140, %add3A_141 : i32
      %dma_start3A_143 = arith.constant 1 : i32
      %dma_start3A_144 = arith.constant 0 : i32
      %dma_start3A_145 = arith.constant 0 : i32
      %dma_start3A_146 = tpu.memref_slice %arg8[%dma_start3A_143, %dma_start3A_144, %dma_start3A_145] : memref<2x128x128xf32, #tpu.memory_space<vmem>> -> memref<1x128x128xf32, #tpu.memory_space<vmem>>
      %dma_start3A_147 = tpu.memref_squeeze %dma_start3A_146 : memref<1x128x128xf32, #tpu.memory_space<vmem>> -> memref<128x128xf32, #tpu.memory_space<vmem>>
      %dma_start3A_148 = arith.constant 0 : i32
      %dma_start3A_149 = tpu.memref_slice %arg6[%add3A_142, %dma_start3A_148] : memref<40x128xi32, #tpu.memory_space<vmem>> -> memref<1x128xi32, #tpu.memory_space<vmem>>
      %dma_start3A_150 = tpu.memref_squeeze %dma_start3A_149 : memref<1x128xi32, #tpu.memory_space<vmem>> -> memref<128xi32, #tpu.memory_space<vmem>>
      %dma_start3A_151 = arith.constant 0 : i32
      %dma_start3A_152 = arith.constant 0 : i32
      %dma_start3A_153 = tpu.memref_slice %arg2[%dma_start3A_151, %dma_start3A_152] : memref<10000x128xf32, #tpu.memory_space<hbm>> -> memref<10000x128xf32, #tpu.memory_space<hbm>>
      tpu.enqueue_indirect_dma source(%dma_start3A_153 : memref<10000x128xf32, #tpu.memory_space<hbm>>) target(%dma_start3A_147 : memref<128x128xf32, #tpu.memory_space<vmem>>) offsets(%dma_start3A_150 : memref<128xi32, #tpu.memory_space<vmem>>) semaphore(%arg11 : memref<!tpu.dma_semaphore, #tpu.memory_space<semaphore_mem>>)
      %dma_wait3A_154 = arith.constant 0 : i32
      %dma_wait3A_155 = arith.constant 0 : i32
      %dma_wait3A_156 = arith.constant 0 : i32
      %dma_wait3A_157 = arith.constant 0 : i32
      %dma_wait3A_158 = tpu.memref_slice %arg8[%dma_wait3A_155, %dma_wait3A_156, %dma_wait3A_157] : memref<2x128x128xf32, #tpu.memory_space<vmem>> -> memref<1x128x128xf32, #tpu.memory_space<vmem>>
      %dma_wait3A_159 = tpu.memref_squeeze %dma_wait3A_158 : memref<1x128x128xf32, #tpu.memory_space<vmem>> -> memref<128x128xf32, #tpu.memory_space<vmem>>
      %dma_wait3A_160 = arith.constant 0 : i32
      %dma_wait3A_161 = tpu.memref_slice %arg6[%dma_wait3A_154, %dma_wait3A_160] : memref<40x128xi32, #tpu.memory_space<vmem>> -> memref<1x128xi32, #tpu.memory_space<vmem>>
      %dma_wait3A_162 = tpu.memref_squeeze %dma_wait3A_161 : memref<1x128xi32, #tpu.memory_space<vmem>> -> memref<128xi32, #tpu.memory_space<vmem>>
      %dma_wait3A_163 = arith.constant 0 : i32
      %dma_wait3A_164 = arith.constant 0 : i32
      %dma_wait3A_165 = tpu.memref_slice %arg2[%dma_wait3A_163, %dma_wait3A_164] : memref<10000x128xf32, #tpu.memory_space<hbm>> -> memref<10000x128xf32, #tpu.memory_space<hbm>>
      tpu.wait_indirect_dma semaphore(%arg10 : memref<!tpu.dma_semaphore, #tpu.memory_space<semaphore_mem>>) src(%dma_wait3A_165 : memref<10000x128xf32, #tpu.memory_space<hbm>>) dst(%dma_wait3A_159 : memref<128x128xf32, #tpu.memory_space<vmem>>)
      %run_scoped3A_166 = arith.constant 0 : i32
      "tpu.region"() ({
        %run_scoped3A_195 = tpu.sem_alloc : memref<!tpu.dma_semaphore, #tpu.memory_space<semaphore_mem>>
        %dma_start3A_196 = arith.constant 0 : i32
        %dma_start3A_197 = arith.constant 0 : i32
        %dma_start3A_198 = tpu.memref_slice %arg8[%run_scoped3A_166, %dma_start3A_196, %dma_start3A_197] : memref<2x128x128xf32, #tpu.memory_space<vmem>> -> memref<1x128x128xf32, #tpu.memory_space<vmem>>
        %dma_start3A_199 = tpu.memref_squeeze %dma_start3A_198 : memref<1x128x128xf32, #tpu.memory_space<vmem>> -> memref<128x128xf32, #tpu.memory_space<vmem>>
        %dma_start3A_200 = arith.constant 0 : i32
        %dma_start3A_201 = tpu.memref_slice %arg7[%mul3A_140, %dma_start3A_200] : memref<40x128xi32, #tpu.memory_space<vmem>> -> memref<1x128xi32, #tpu.memory_space<vmem>>
        %dma_start3A_202 = tpu.memref_squeeze %dma_start3A_201 : memref<1x128xi32, #tpu.memory_space<vmem>> -> memref<128xi32, #tpu.memory_space<vmem>>
        %dma_start3A_203 = arith.constant 0 : i32
        %dma_start3A_204 = arith.constant 0 : i32
        %dma_start3A_205 = tpu.memref_slice %arg9[%dma_start3A_203, %dma_start3A_204] : memref<10112x128xf32, #tpu.memory_space<vmem_shared>> -> memref<10112x128xf32, #tpu.memory_space<vmem_shared>>
        tpu.enqueue_indirect_dma source(%dma_start3A_199 : memref<128x128xf32, #tpu.memory_space<vmem>>) target(%dma_start3A_205 : memref<10112x128xf32, #tpu.memory_space<vmem_shared>>) offsets(%dma_start3A_202 : memref<128xi32, #tpu.memory_space<vmem>>) semaphore(%run_scoped3A_195 : memref<!tpu.dma_semaphore, #tpu.memory_space<semaphore_mem>>) {add = true}
        %dma_wait3A_206 = arith.constant 0 : i32
        %dma_wait3A_207 = arith.constant 0 : i32
        %dma_wait3A_208 = tpu.memref_slice %arg8[%run_scoped3A_166, %dma_wait3A_206, %dma_wait3A_207] : memref<2x128x128xf32, #tpu.memory_space<vmem>> -> memref<1x128x128xf32, #tpu.memory_space<vmem>>
        %dma_wait3A_209 = tpu.memref_squeeze %dma_wait3A_208 : memref<1x128x128xf32, #tpu.memory_space<vmem>> -> memref<128x128xf32, #tpu.memory_space<vmem>>
        %dma_wait3A_210 = arith.constant 0 : i32
        %dma_wait3A_211 = tpu.memref_slice %arg7[%mul3A_140, %dma_wait3A_210] : memref<40x128xi32, #tpu.memory_space<vmem>> -> memref<1x128xi32, #tpu.memory_space<vmem>>
        %dma_wait3A_212 = tpu.memref_squeeze %dma_wait3A_211 : memref<1x128xi32, #tpu.memory_space<vmem>> -> memref<128xi32, #tpu.memory_space<vmem>>
        %dma_wait3A_213 = arith.constant 0 : i32
        %dma_wait3A_214 = arith.constant 0 : i32
        %dma_wait3A_215 = tpu.memref_slice %arg9[%dma_wait3A_213, %dma_wait3A_214] : memref<10112x128xf32, #tpu.memory_space<vmem_shared>> -> memref<10112x128xf32, #tpu.memory_space<vmem_shared>>
        tpu.wait_indirect_dma semaphore(%run_scoped3A_195 : memref<!tpu.dma_semaphore, #tpu.memory_space<semaphore_mem>>) src(%dma_wait3A_209 : memref<128x128xf32, #tpu.memory_space<vmem>>) dst(%dma_wait3A_215 : memref<10112x128xf32, #tpu.memory_space<vmem_shared>>)
        tpu.yield
      }) : () -> ()
      %add3A_167 = arith.constant 2 : i32
      %add3A_168 = arith.addi %mul3A_140, %add3A_167 : i32
      %dma_start3A_169 = arith.constant 0 : i32
      %dma_start3A_170 = arith.constant 0 : i32
      %dma_start3A_171 = arith.constant 0 : i32
      %dma_start3A_172 = tpu.memref_slice %arg8[%dma_start3A_169, %dma_start3A_170, %dma_start3A_171] : memref<2x128x128xf32, #tpu.memory_space<vmem>> -> memref<1x128x128xf32, #tpu.memory_space<vmem>>
      %dma_start3A_173 = tpu.memref_squeeze %dma_start3A_172 : memref<1x128x128xf32, #tpu.memory_space<vmem>> -> memref<128x128xf32, #tpu.memory_space<vmem>>
      %dma_start3A_174 = arith.constant 0 : i32
      %dma_start3A_175 = tpu.memref_slice %arg6[%add3A_168, %dma_start3A_174] : memref<40x128xi32, #tpu.memory_space<vmem>> -> memref<1x128xi32, #tpu.memory_space<vmem>>
      %dma_start3A_176 = tpu.memref_squeeze %dma_start3A_175 : memref<1x128xi32, #tpu.memory_space<vmem>> -> memref<128xi32, #tpu.memory_space<vmem>>
      %dma_start3A_177 = arith.constant 0 : i32
      %dma_start3A_178 = arith.constant 0 : i32
      %dma_start3A_179 = tpu.memref_slice %arg2[%dma_start3A_177, %dma_start3A_178] : memref<10000x128xf32, #tpu.memory_space<hbm>> -> memref<10000x128xf32, #tpu.memory_space<hbm>>
      tpu.enqueue_indirect_dma source(%dma_start3A_179 : memref<10000x128xf32, #tpu.memory_space<hbm>>) target(%dma_start3A_173 : memref<128x128xf32, #tpu.memory_space<vmem>>) offsets(%dma_start3A_176 : memref<128xi32, #tpu.memory_space<vmem>>) semaphore(%arg10 : memref<!tpu.dma_semaphore, #tpu.memory_space<semaphore_mem>>)
      %dma_wait3A_180 = arith.constant 0 : i32
      %dma_wait3A_181 = arith.constant 1 : i32
      %dma_wait3A_182 = arith.constant 0 : i32
      %dma_wait3A_183 = arith.constant 0 : i32
      %dma_wait3A_184 = tpu.memref_slice %arg8[%dma_wait3A_181, %dma_wait3A_182, %dma_wait3A_183] : memref<2x128x128xf32, #tpu.memory_space<vmem>> -> memref<1x128x128xf32, #tpu.memory_space<vmem>>
      %dma_wait3A_185 = tpu.memref_squeeze %dma_wait3A_184 : memref<1x128x128xf32, #tpu.memory_space<vmem>> -> memref<128x128xf32, #tpu.memory_space<vmem>>
      %dma_wait3A_186 = arith.constant 0 : i32
      %dma_wait3A_187 = tpu.memref_slice %arg6[%dma_wait3A_180, %dma_wait3A_186] : memref<40x128xi32, #tpu.memory_space<vmem>> -> memref<1x128xi32, #tpu.memory_space<vmem>>
      %dma_wait3A_188 = tpu.memref_squeeze %dma_wait3A_187 : memref<1x128xi32, #tpu.memory_space<vmem>> -> memref<128xi32, #tpu.memory_space<vmem>>
      %dma_wait3A_189 = arith.constant 0 : i32
      %dma_wait3A_190 = arith.constant 0 : i32
      %dma_wait3A_191 = tpu.memref_slice %arg2[%dma_wait3A_189, %dma_wait3A_190] : memref<10000x128xf32, #tpu.memory_space<hbm>> -> memref<10000x128xf32, #tpu.memory_space<hbm>>
      tpu.wait_indirect_dma semaphore(%arg11 : memref<!tpu.dma_semaphore, #tpu.memory_space<semaphore_mem>>) src(%dma_wait3A_191 : memref<10000x128xf32, #tpu.memory_space<hbm>>) dst(%dma_wait3A_185 : memref<128x128xf32, #tpu.memory_space<vmem>>)
      %add3A_192 = arith.constant 1 : i32
      %add3A_193 = arith.addi %mul3A_140, %add3A_192 : i32
      %run_scoped3A_194 = arith.constant 1 : i32
      "tpu.region"() ({
        %run_scoped3A_195 = tpu.sem_alloc : memref<!tpu.dma_semaphore, #tpu.memory_space<semaphore_mem>>
        %dma_start3A_196 = arith.constant 0 : i32
        %dma_start3A_197 = arith.constant 0 : i32
        %dma_start3A_198 = tpu.memref_slice %arg8[%run_scoped3A_194, %dma_start3A_196, %dma_start3A_197] : memref<2x128x128xf32, #tpu.memory_space<vmem>> -> memref<1x128x128xf32, #tpu.memory_space<vmem>>
        %dma_start3A_199 = tpu.memref_squeeze %dma_start3A_198 : memref<1x128x128xf32, #tpu.memory_space<vmem>> -> memref<128x128xf32, #tpu.memory_space<vmem>>
        %dma_start3A_200 = arith.constant 0 : i32
        %dma_start3A_201 = tpu.memref_slice %arg7[%add3A_193, %dma_start3A_200] : memref<40x128xi32, #tpu.memory_space<vmem>> -> memref<1x128xi32, #tpu.memory_space<vmem>>
        %dma_start3A_202 = tpu.memref_squeeze %dma_start3A_201 : memref<1x128xi32, #tpu.memory_space<vmem>> -> memref<128xi32, #tpu.memory_space<vmem>>
        %dma_start3A_203 = arith.constant 0 : i32
        %dma_start3A_204 = arith.constant 0 : i32
        %dma_start3A_205 = tpu.memref_slice %arg9[%dma_start3A_203, %dma_start3A_204] : memref<10112x128xf32, #tpu.memory_space<vmem_shared>> -> memref<10112x128xf32, #tpu.memory_space<vmem_shared>>
        tpu.enqueue_indirect_dma source(%dma_start3A_199 : memref<128x128xf32, #tpu.memory_space<vmem>>) target(%dma_start3A_205 : memref<10112x128xf32, #tpu.memory_space<vmem_shared>>) offsets(%dma_start3A_202 : memref<128xi32, #tpu.memory_space<vmem>>) semaphore(%run_scoped3A_195 : memref<!tpu.dma_semaphore, #tpu.memory_space<semaphore_mem>>) {add = true}
        %dma_wait3A_206 = arith.constant 0 : i32
        %dma_wait3A_207 = arith.constant 0 : i32
        %dma_wait3A_208 = tpu.memref_slice %arg8[%run_scoped3A_194, %dma_wait3A_206, %dma_wait3A_207] : memref<2x128x128xf32, #tpu.memory_space<vmem>> -> memref<1x128x128xf32, #tpu.memory_space<vmem>>
        %dma_wait3A_209 = tpu.memref_squeeze %dma_wait3A_208 : memref<1x128x128xf32, #tpu.memory_space<vmem>> -> memref<128x128xf32, #tpu.memory_space<vmem>>
        %dma_wait3A_210 = arith.constant 0 : i32
        %dma_wait3A_211 = tpu.memref_slice %arg7[%add3A_193, %dma_wait3A_210] : memref<40x128xi32, #tpu.memory_space<vmem>> -> memref<1x128xi32, #tpu.memory_space<vmem>>
        %dma_wait3A_212 = tpu.memref_squeeze %dma_wait3A_211 : memref<1x128xi32, #tpu.memory_space<vmem>> -> memref<128xi32, #tpu.memory_space<vmem>>
        %dma_wait3A_213 = arith.constant 0 : i32
        %dma_wait3A_214 = arith.constant 0 : i32
        %dma_wait3A_215 = tpu.memref_slice %arg9[%dma_wait3A_213, %dma_wait3A_214] : memref<10112x128xf32, #tpu.memory_space<vmem_shared>> -> memref<10112x128xf32, #tpu.memory_space<vmem_shared>>
        tpu.wait_indirect_dma semaphore(%run_scoped3A_195 : memref<!tpu.dma_semaphore, #tpu.memory_space<semaphore_mem>>) src(%dma_wait3A_209 : memref<128x128xf32, #tpu.memory_space<vmem>>) dst(%dma_wait3A_215 : memref<10112x128xf32, #tpu.memory_space<vmem_shared>>)
        tpu.yield
      }) : () -> ()
    }
    %scan3A_96 = arith.constant 19 : i32
    %dma_start3A_97 = arith.constant 39 : i32
    %dma_start3A_98 = arith.constant 1 : i32
    %dma_start3A_99 = arith.constant 0 : i32
    %dma_start3A_100 = arith.constant 0 : i32
    %dma_start3A_101 = tpu.memref_slice %arg8[%dma_start3A_98, %dma_start3A_99, %dma_start3A_100] : memref<2x128x128xf32, #tpu.memory_space<vmem>> -> memref<1x128x128xf32, #tpu.memory_space<vmem>>
    %dma_start3A_102 = tpu.memref_squeeze %dma_start3A_101 : memref<1x128x128xf32, #tpu.memory_space<vmem>> -> memref<128x128xf32, #tpu.memory_space<vmem>>
    %dma_start3A_103 = arith.constant 0 : i32
    %dma_start3A_104 = tpu.memref_slice %arg6[%dma_start3A_97, %dma_start3A_103] : memref<40x128xi32, #tpu.memory_space<vmem>> -> memref<1x128xi32, #tpu.memory_space<vmem>>
    %dma_start3A_105 = tpu.memref_squeeze %dma_start3A_104 : memref<1x128xi32, #tpu.memory_space<vmem>> -> memref<128xi32, #tpu.memory_space<vmem>>
    %dma_start3A_106 = arith.constant 0 : i32
    %dma_start3A_107 = arith.constant 0 : i32
    %dma_start3A_108 = tpu.memref_slice %arg2[%dma_start3A_106, %dma_start3A_107] : memref<10000x128xf32, #tpu.memory_space<hbm>> -> memref<10000x128xf32, #tpu.memory_space<hbm>>
    tpu.enqueue_indirect_dma source(%dma_start3A_108 : memref<10000x128xf32, #tpu.memory_space<hbm>>) target(%dma_start3A_102 : memref<128x128xf32, #tpu.memory_space<vmem>>) offsets(%dma_start3A_105 : memref<128xi32, #tpu.memory_space<vmem>>) semaphore(%arg11 : memref<!tpu.dma_semaphore, #tpu.memory_space<semaphore_mem>>)
    %dma_wait3A_109 = arith.constant 0 : i32
    %dma_wait3A_110 = arith.constant 0 : i32
    %dma_wait3A_111 = arith.constant 0 : i32
    %dma_wait3A_112 = arith.constant 0 : i32
    %dma_wait3A_113 = tpu.memref_slice %arg8[%dma_wait3A_110, %dma_wait3A_111, %dma_wait3A_112] : memref<2x128x128xf32, #tpu.memory_space<vmem>> -> memref<1x128x128xf32, #tpu.memory_space<vmem>>
    %dma_wait3A_114 = tpu.memref_squeeze %dma_wait3A_113 : memref<1x128x128xf32, #tpu.memory_space<vmem>> -> memref<128x128xf32, #tpu.memory_space<vmem>>
    %dma_wait3A_115 = arith.constant 0 : i32
    %dma_wait3A_116 = tpu.memref_slice %arg6[%dma_wait3A_109, %dma_wait3A_115] : memref<40x128xi32, #tpu.memory_space<vmem>> -> memref<1x128xi32, #tpu.memory_space<vmem>>
    %dma_wait3A_117 = tpu.memref_squeeze %dma_wait3A_116 : memref<1x128xi32, #tpu.memory_space<vmem>> -> memref<128xi32, #tpu.memory_space<vmem>>
    %dma_wait3A_118 = arith.constant 0 : i32
    %dma_wait3A_119 = arith.constant 0 : i32
    %dma_wait3A_120 = tpu.memref_slice %arg2[%dma_wait3A_118, %dma_wait3A_119] : memref<10000x128xf32, #tpu.memory_space<hbm>> -> memref<10000x128xf32, #tpu.memory_space<hbm>>
    tpu.wait_indirect_dma semaphore(%arg10 : memref<!tpu.dma_semaphore, #tpu.memory_space<semaphore_mem>>) src(%dma_wait3A_120 : memref<10000x128xf32, #tpu.memory_space<hbm>>) dst(%dma_wait3A_114 : memref<128x128xf32, #tpu.memory_space<vmem>>)
    %run_scoped3A_121 = arith.constant 0 : i32
    %run_scoped3A_122 = arith.constant 38 : i32
    "tpu.region"() ({
      %run_scoped3A_138 = tpu.sem_alloc : memref<!tpu.dma_semaphore, #tpu.memory_space<semaphore_mem>>
      %dma_start3A_139 = arith.constant 0 : i32
      %dma_start3A_140 = arith.constant 0 : i32
      %dma_start3A_141 = tpu.memref_slice %arg8[%run_scoped3A_121, %dma_start3A_139, %dma_start3A_140] : memref<2x128x128xf32, #tpu.memory_space<vmem>> -> memref<1x128x128xf32, #tpu.memory_space<vmem>>
      %dma_start3A_142 = tpu.memref_squeeze %dma_start3A_141 : memref<1x128x128xf32, #tpu.memory_space<vmem>> -> memref<128x128xf32, #tpu.memory_space<vmem>>
      %dma_start3A_143 = arith.constant 0 : i32
      %dma_start3A_144 = tpu.memref_slice %arg7[%run_scoped3A_122, %dma_start3A_143] : memref<40x128xi32, #tpu.memory_space<vmem>> -> memref<1x128xi32, #tpu.memory_space<vmem>>
      %dma_start3A_145 = tpu.memref_squeeze %dma_start3A_144 : memref<1x128xi32, #tpu.memory_space<vmem>> -> memref<128xi32, #tpu.memory_space<vmem>>
      %dma_start3A_146 = arith.constant 0 : i32
      %dma_start3A_147 = arith.constant 0 : i32
      %dma_start3A_148 = tpu.memref_slice %arg9[%dma_start3A_146, %dma_start3A_147] : memref<10112x128xf32, #tpu.memory_space<vmem_shared>> -> memref<10112x128xf32, #tpu.memory_space<vmem_shared>>
      tpu.enqueue_indirect_dma source(%dma_start3A_142 : memref<128x128xf32, #tpu.memory_space<vmem>>) target(%dma_start3A_148 : memref<10112x128xf32, #tpu.memory_space<vmem_shared>>) offsets(%dma_start3A_145 : memref<128xi32, #tpu.memory_space<vmem>>) semaphore(%run_scoped3A_138 : memref<!tpu.dma_semaphore, #tpu.memory_space<semaphore_mem>>) {add = true}
      %dma_wait3A_149 = arith.constant 0 : i32
      %dma_wait3A_150 = arith.constant 0 : i32
      %dma_wait3A_151 = tpu.memref_slice %arg8[%run_scoped3A_121, %dma_wait3A_149, %dma_wait3A_150] : memref<2x128x128xf32, #tpu.memory_space<vmem>> -> memref<1x128x128xf32, #tpu.memory_space<vmem>>
      %dma_wait3A_152 = tpu.memref_squeeze %dma_wait3A_151 : memref<1x128x128xf32, #tpu.memory_space<vmem>> -> memref<128x128xf32, #tpu.memory_space<vmem>>
      %dma_wait3A_153 = arith.constant 0 : i32
      %dma_wait3A_154 = tpu.memref_slice %arg7[%run_scoped3A_122, %dma_wait3A_153] : memref<40x128xi32, #tpu.memory_space<vmem>> -> memref<1x128xi32, #tpu.memory_space<vmem>>
      %dma_wait3A_155 = tpu.memref_squeeze %dma_wait3A_154 : memref<1x128xi32, #tpu.memory_space<vmem>> -> memref<128xi32, #tpu.memory_space<vmem>>
      %dma_wait3A_156 = arith.constant 0 : i32
      %dma_wait3A_157 = arith.constant 0 : i32
      %dma_wait3A_158 = tpu.memref_slice %arg9[%dma_wait3A_156, %dma_wait3A_157] : memref<10112x128xf32, #tpu.memory_space<vmem_shared>> -> memref<10112x128xf32, #tpu.memory_space<vmem_shared>>
      tpu.wait_indirect_dma semaphore(%run_scoped3A_138 : memref<!tpu.dma_semaphore, #tpu.memory_space<semaphore_mem>>) src(%dma_wait3A_152 : memref<128x128xf32, #tpu.memory_space<vmem>>) dst(%dma_wait3A_158 : memref<10112x128xf32, #tpu.memory_space<vmem_shared>>)
      tpu.yield
    }) : () -> ()
    %dma_wait3A_123 = arith.constant 0 : i32
    %dma_wait3A_124 = arith.constant 1 : i32
    %dma_wait3A_125 = arith.constant 0 : i32
    %dma_wait3A_126 = arith.constant 0 : i32
    %dma_wait3A_127 = tpu.memref_slice %arg8[%dma_wait3A_124, %dma_wait3A_125, %dma_wait3A_126] : memref<2x128x128xf32, #tpu.memory_space<vmem>> -> memref<1x128x128xf32, #tpu.memory_space<vmem>>
    %dma_wait3A_128 = tpu.memref_squeeze %dma_wait3A_127 : memref<1x128x128xf32, #tpu.memory_space<vmem>> -> memref<128x128xf32, #tpu.memory_space<vmem>>
    %dma_wait3A_129 = arith.constant 0 : i32
    %dma_wait3A_130 = tpu.memref_slice %arg6[%dma_wait3A_123, %dma_wait3A_129] : memref<40x128xi32, #tpu.memory_space<vmem>> -> memref<1x128xi32, #tpu.memory_space<vmem>>
    %dma_wait3A_131 = tpu.memref_squeeze %dma_wait3A_130 : memref<1x128xi32, #tpu.memory_space<vmem>> -> memref<128xi32, #tpu.memory_space<vmem>>
    %dma_wait3A_132 = arith.constant 0 : i32
    %dma_wait3A_133 = arith.constant 0 : i32
    %dma_wait3A_134 = tpu.memref_slice %arg2[%dma_wait3A_132, %dma_wait3A_133] : memref<10000x128xf32, #tpu.memory_space<hbm>> -> memref<10000x128xf32, #tpu.memory_space<hbm>>
    tpu.wait_indirect_dma semaphore(%arg11 : memref<!tpu.dma_semaphore, #tpu.memory_space<semaphore_mem>>) src(%dma_wait3A_134 : memref<10000x128xf32, #tpu.memory_space<hbm>>) dst(%dma_wait3A_128 : memref<128x128xf32, #tpu.memory_space<vmem>>)
    %run_scoped3A_135 = arith.constant 1 : i32
    %run_scoped3A_136 = arith.constant 39 : i32
    "tpu.region"() ({
      %run_scoped3A_138 = tpu.sem_alloc : memref<!tpu.dma_semaphore, #tpu.memory_space<semaphore_mem>>
      %dma_start3A_139 = arith.constant 0 : i32
      %dma_start3A_140 = arith.constant 0 : i32
      %dma_start3A_141 = tpu.memref_slice %arg8[%run_scoped3A_135, %dma_start3A_139, %dma_start3A_140] : memref<2x128x128xf32, #tpu.memory_space<vmem>> -> memref<1x128x128xf32, #tpu.memory_space<vmem>>
      %dma_start3A_142 = tpu.memref_squeeze %dma_start3A_141 : memref<1x128x128xf32, #tpu.memory_space<vmem>> -> memref<128x128xf32, #tpu.memory_space<vmem>>
      %dma_start3A_143 = arith.constant 0 : i32
      %dma_start3A_144 = tpu.memref_slice %arg7[%run_scoped3A_136, %dma_start3A_143] : memref<40x128xi32, #tpu.memory_space<vmem>> -> memref<1x128xi32, #tpu.memory_space<vmem>>
      %dma_start3A_145 = tpu.memref_squeeze %dma_start3A_144 : memref<1x128xi32, #tpu.memory_space<vmem>> -> memref<128xi32, #tpu.memory_space<vmem>>
      %dma_start3A_146 = arith.constant 0 : i32
      %dma_start3A_147 = arith.constant 0 : i32
      %dma_start3A_148 = tpu.memref_slice %arg9[%dma_start3A_146, %dma_start3A_147] : memref<10112x128xf32, #tpu.memory_space<vmem_shared>> -> memref<10112x128xf32, #tpu.memory_space<vmem_shared>>
      tpu.enqueue_indirect_dma source(%dma_start3A_142 : memref<128x128xf32, #tpu.memory_space<vmem>>) target(%dma_start3A_148 : memref<10112x128xf32, #tpu.memory_space<vmem_shared>>) offsets(%dma_start3A_145 : memref<128xi32, #tpu.memory_space<vmem>>) semaphore(%run_scoped3A_138 : memref<!tpu.dma_semaphore, #tpu.memory_space<semaphore_mem>>) {add = true}
      %dma_wait3A_149 = arith.constant 0 : i32
      %dma_wait3A_150 = arith.constant 0 : i32
      %dma_wait3A_151 = tpu.memref_slice %arg8[%run_scoped3A_135, %dma_wait3A_149, %dma_wait3A_150] : memref<2x128x128xf32, #tpu.memory_space<vmem>> -> memref<1x128x128xf32, #tpu.memory_space<vmem>>
      %dma_wait3A_152 = tpu.memref_squeeze %dma_wait3A_151 : memref<1x128x128xf32, #tpu.memory_space<vmem>> -> memref<128x128xf32, #tpu.memory_space<vmem>>
      %dma_wait3A_153 = arith.constant 0 : i32
      %dma_wait3A_154 = tpu.memref_slice %arg7[%run_scoped3A_136, %dma_wait3A_153] : memref<40x128xi32, #tpu.memory_space<vmem>> -> memref<1x128xi32, #tpu.memory_space<vmem>>
      %dma_wait3A_155 = tpu.memref_squeeze %dma_wait3A_154 : memref<1x128xi32, #tpu.memory_space<vmem>> -> memref<128xi32, #tpu.memory_space<vmem>>
      %dma_wait3A_156 = arith.constant 0 : i32
      %dma_wait3A_157 = arith.constant 0 : i32
      %dma_wait3A_158 = tpu.memref_slice %arg9[%dma_wait3A_156, %dma_wait3A_157] : memref<10112x128xf32, #tpu.memory_space<vmem_shared>> -> memref<10112x128xf32, #tpu.memory_space<vmem_shared>>
      tpu.wait_indirect_dma semaphore(%run_scoped3A_138 : memref<!tpu.dma_semaphore, #tpu.memory_space<semaphore_mem>>) src(%dma_wait3A_152 : memref<128x128xf32, #tpu.memory_space<vmem>>) dst(%dma_wait3A_158 : memref<10112x128xf32, #tpu.memory_space<vmem_shared>>)
      tpu.yield
    }) : () -> ()
    %barrier3A_137 = arith.constant 0 : index
    tpu.barrier barrier_id(%barrier3A_137)
    "tpu.region"() ({
      %run_scoped3A_138 = tpu.sem_alloc : memref<!tpu.dma_semaphore, #tpu.memory_space<semaphore_mem>>
      %dma_start3A_139 = arith.constant 0 : i32
      %dma_start3A_140 = tpu.memref_slice %arg5[%arg0, %mul3A_8, %dma_start3A_139] : memref<2x10112x128xf32, #tpu.memory_space<hbm>> -> memref<1x632x128xf32, #tpu.memory_space<hbm>>
      %dma_start3A_141 = tpu.memref_squeeze %dma_start3A_140 : memref<1x632x128xf32, #tpu.memory_space<hbm>> -> memref<632x128xf32, #tpu.memory_space<hbm>>
      %dma_start3A_142 = arith.constant 0 : i32
      %dma_start3A_143 = tpu.memref_slice %arg9[%mul3A_8, %dma_start3A_142] : memref<10112x128xf32, #tpu.memory_space<vmem_shared>> -> memref<632x128xf32, #tpu.memory_space<vmem_shared>>
      tpu.enqueue_dma source(%dma_start3A_143 : memref<632x128xf32, #tpu.memory_space<vmem_shared>>) target(%dma_start3A_141 : memref<632x128xf32, #tpu.memory_space<hbm>>) target_semaphore(%run_scoped3A_138 : memref<!tpu.dma_semaphore, #tpu.memory_space<semaphore_mem>>)
      %dma_wait3A_144 = arith.constant 0 : i32
      %dma_wait3A_145 = tpu.memref_slice %arg5[%arg0, %mul3A_8, %dma_wait3A_144] : memref<2x10112x128xf32, #tpu.memory_space<hbm>> -> memref<1x632x128xf32, #tpu.memory_space<hbm>>
      %dma_wait3A_146 = tpu.memref_squeeze %dma_wait3A_145 : memref<1x632x128xf32, #tpu.memory_space<hbm>> -> memref<632x128xf32, #tpu.memory_space<hbm>>
      %dma_wait3A_147 = arith.constant 0 : i32
      %dma_wait3A_148 = tpu.memref_slice %arg9[%mul3A_8, %dma_wait3A_147] : memref<10112x128xf32, #tpu.memory_space<vmem_shared>> -> memref<632x128xf32, #tpu.memory_space<vmem_shared>>
      tpu.wait_dma2 semaphore(%run_scoped3A_138 : memref<!tpu.dma_semaphore, #tpu.memory_space<semaphore_mem>>) src(%dma_wait3A_148 : memref<632x128xf32, #tpu.memory_space<vmem_shared>>) dst(%dma_wait3A_146 : memref<632x128xf32, #tpu.memory_space<hbm>>)
      tpu.yield
    }) : () -> ()
    return
  }
}

#map = affine_map<(d0, d1) -> (0, 0)>
#map1 = affine_map<(d0, d1) -> (0, 0, 0)>
module attributes {stable_mosaic.version = 14 : i64} {
  func.func @_sc_msg_body(%arg0: i32, %arg1: i32, %arg2: memref<10000x128xf32, #tpu.memory_space<hbm>>, %arg3: memref<32x80x128xi32, #tpu.memory_space<hbm>>, %arg4: memref<32x80x128xi32, #tpu.memory_space<hbm>>, %arg5: memref<2x10112x128xf32, #tpu.memory_space<hbm>>, %arg6: memref<40x128xi32, #tpu.memory_space<vmem>>, %arg7: memref<40x128xi32, #tpu.memory_space<vmem>>, %arg8: memref<2x128x128xf32, #tpu.memory_space<vmem>>, %arg9: memref<10112x128xf32, #tpu.memory_space<vmem_shared>>, %arg10: memref<!tpu.dma_semaphore, #tpu.memory_space<semaphore_mem>>, %arg11: memref<!tpu.dma_semaphore, #tpu.memory_space<semaphore_mem>>) attributes {dimension_semantics = [#tpu.dimension_semantics<core_parallel>, #tpu.dimension_semantics<subcore_parallel>], iteration_bounds = array<i64: 2, 16>, scalar_prefetch = 0 : i64, scratch_operands = 6 : i64, tpu.core_type = #tpu.core_type<sc_vector_subcore>, window_params = [{transform_indices = #map}, {transform_indices = #map1}, {transform_indices = #map1}, {transform_indices = #map1}]} {
    %mul3A = arith.constant 2 : i32
    %mul3A_0 = arith.muli %arg1, %mul3A : i32
    %add3A = arith.addi %mul3A_0, %arg0 : i32
    %broadcast_in_dim3A = arith.constant 0.000000e+00 : f32
    %broadcast_in_dim3A_1 = vector.broadcast %broadcast_in_dim3A : f32 to vector<16xf32>
    %scan3A = arith.constant 0 : i32
    %scan3A_2 = arith.constant 0 : i32
    %scan3A_3 = arith.constant 128 : i32
    %scan3A_4 = arith.addi %scan3A_2, %scan3A_3 : i32
    %scan3A_5 = arith.constant 1 : i32
    scf.for %scan3A_138 = %scan3A_2 to %scan3A_4 step %scan3A_5  : i32 {
      %swap3A = arith.constant 0 : i32
      %swap3A_139 = arith.index_cast %swap3A : i32 to index
      %swap3A_140 = arith.index_cast %scan3A_138 : i32 to index
      %swap3A_141 = arith.constant 0 : index
      %swap3A_142 = tpu.vector_load %arg8[%swap3A_139, %swap3A_140, %swap3A_141] {strides = array<i32>} : memref<2x128x128xf32, #tpu.memory_space<vmem>>, vector<1x1x16xf32>,
      %swap3A_143 = vector.shape_cast %swap3A_142 : vector<1x1x16xf32> to vector<16xf32>
      %swap3A_144 = vector.shape_cast %broadcast_in_dim3A_1 : vector<16xf32> to vector<1x1x16xf32>
      tpu.vector_store %arg8[%swap3A_139, %swap3A_140, %swap3A_141], %swap3A_144 {strides = array<i32>} : memref<2x128x128xf32, #tpu.memory_space<vmem>>, vector<1x1x16xf32>,
      %swap3A_145 = arith.constant 0 : i32
      %swap3A_146 = arith.index_cast %swap3A_145 : i32 to index
      %swap3A_147 = arith.index_cast %scan3A_138 : i32 to index
      %swap3A_148 = arith.constant 16 : index
      %swap3A_149 = tpu.vector_load %arg8[%swap3A_146, %swap3A_147, %swap3A_148] {strides = array<i32>} : memref<2x128x128xf32, #tpu.memory_space<vmem>>, vector<1x1x16xf32>,
      %swap3A_150 = vector.shape_cast %swap3A_149 : vector<1x1x16xf32> to vector<16xf32>
      %swap3A_151 = vector.shape_cast %broadcast_in_dim3A_1 : vector<16xf32> to vector<1x1x16xf32>
      tpu.vector_store %arg8[%swap3A_146, %swap3A_147, %swap3A_148], %swap3A_151 {strides = array<i32>} : memref<2x128x128xf32, #tpu.memory_space<vmem>>, vector<1x1x16xf32>,
      %swap3A_152 = arith.constant 0 : i32
      %swap3A_153 = arith.index_cast %swap3A_152 : i32 to index
      %swap3A_154 = arith.index_cast %scan3A_138 : i32 to index
      %swap3A_155 = arith.constant 32 : index
      %swap3A_156 = tpu.vector_load %arg8[%swap3A_153, %swap3A_154, %swap3A_155] {strides = array<i32>} : memref<2x128x128xf32, #tpu.memory_space<vmem>>, vector<1x1x16xf32>,
      %swap3A_157 = vector.shape_cast %swap3A_156 : vector<1x1x16xf32> to vector<16xf32>
      %swap3A_158 = vector.shape_cast %broadcast_in_dim3A_1 : vector<16xf32> to vector<1x1x16xf32>
      tpu.vector_store %arg8[%swap3A_153, %swap3A_154, %swap3A_155], %swap3A_158 {strides = array<i32>} : memref<2x128x128xf32, #tpu.memory_space<vmem>>, vector<1x1x16xf32>,
      %swap3A_159 = arith.constant 0 : i32
      %swap3A_160 = arith.index_cast %swap3A_159 : i32 to index
      %swap3A_161 = arith.index_cast %scan3A_138 : i32 to index
      %swap3A_162 = arith.constant 48 : index
      %swap3A_163 = tpu.vector_load %arg8[%swap3A_160, %swap3A_161, %swap3A_162] {strides = array<i32>} : memref<2x128x128xf32, #tpu.memory_space<vmem>>, vector<1x1x16xf32>,
      %swap3A_164 = vector.shape_cast %swap3A_163 : vector<1x1x16xf32> to vector<16xf32>
      %swap3A_165 = vector.shape_cast %broadcast_in_dim3A_1 : vector<16xf32> to vector<1x1x16xf32>
      tpu.vector_store %arg8[%swap3A_160, %swap3A_161, %swap3A_162], %swap3A_165 {strides = array<i32>} : memref<2x128x128xf32, #tpu.memory_space<vmem>>, vector<1x1x16xf32>,
      %swap3A_166 = arith.constant 0 : i32
      %swap3A_167 = arith.index_cast %swap3A_166 : i32 to index
      %swap3A_168 = arith.index_cast %scan3A_138 : i32 to index
      %swap3A_169 = arith.constant 64 : index
      %swap3A_170 = tpu.vector_load %arg8[%swap3A_167, %swap3A_168, %swap3A_169] {strides = array<i32>} : memref<2x128x128xf32, #tpu.memory_space<vmem>>, vector<1x1x16xf32>,
      %swap3A_171 = vector.shape_cast %swap3A_170 : vector<1x1x16xf32> to vector<16xf32>
      %swap3A_172 = vector.shape_cast %broadcast_in_dim3A_1 : vector<16xf32> to vector<1x1x16xf32>
      tpu.vector_store %arg8[%swap3A_167, %swap3A_168, %swap3A_169], %swap3A_172 {strides = array<i32>} : memref<2x128x128xf32, #tpu.memory_space<vmem>>, vector<1x1x16xf32>,
      %swap3A_173 = arith.constant 0 : i32
      %swap3A_174 = arith.index_cast %swap3A_173 : i32 to index
      %swap3A_175 = arith.index_cast %scan3A_138 : i32 to index
      %swap3A_176 = arith.constant 80 : index
      %swap3A_177 = tpu.vector_load %arg8[%swap3A_174, %swap3A_175, %swap3A_176] {strides = array<i32>} : memref<2x128x128xf32, #tpu.memory_space<vmem>>, vector<1x1x16xf32>,
      %swap3A_178 = vector.shape_cast %swap3A_177 : vector<1x1x16xf32> to vector<16xf32>
      %swap3A_179 = vector.shape_cast %broadcast_in_dim3A_1 : vector<16xf32> to vector<1x1x16xf32>
      tpu.vector_store %arg8[%swap3A_174, %swap3A_175, %swap3A_176], %swap3A_179 {strides = array<i32>} : memref<2x128x128xf32, #tpu.memory_space<vmem>>, vector<1x1x16xf32>,
      %swap3A_180 = arith.constant 0 : i32
      %swap3A_181 = arith.index_cast %swap3A_180 : i32 to index
      %swap3A_182 = arith.index_cast %scan3A_138 : i32 to index
      %swap3A_183 = arith.constant 96 : index
      %swap3A_184 = tpu.vector_load %arg8[%swap3A_181, %swap3A_182, %swap3A_183] {strides = array<i32>} : memref<2x128x128xf32, #tpu.memory_space<vmem>>, vector<1x1x16xf32>,
      %swap3A_185 = vector.shape_cast %swap3A_184 : vector<1x1x16xf32> to vector<16xf32>
      %swap3A_186 = vector.shape_cast %broadcast_in_dim3A_1 : vector<16xf32> to vector<1x1x16xf32>
      tpu.vector_store %arg8[%swap3A_181, %swap3A_182, %swap3A_183], %swap3A_186 {strides = array<i32>} : memref<2x128x128xf32, #tpu.memory_space<vmem>>, vector<1x1x16xf32>,
      %swap3A_187 = arith.constant 0 : i32
      %swap3A_188 = arith.index_cast %swap3A_187 : i32 to index
      %swap3A_189 = arith.index_cast %scan3A_138 : i32 to index
      %swap3A_190 = arith.constant 112 : index
      %swap3A_191 = tpu.vector_load %arg8[%swap3A_188, %swap3A_189, %swap3A_190] {strides = array<i32>} : memref<2x128x128xf32, #tpu.memory_space<vmem>>, vector<1x1x16xf32>,
      %swap3A_192 = vector.shape_cast %swap3A_191 : vector<1x1x16xf32> to vector<16xf32>
      %swap3A_193 = vector.shape_cast %broadcast_in_dim3A_1 : vector<16xf32> to vector<1x1x16xf32>
      tpu.vector_store %arg8[%swap3A_188, %swap3A_189, %swap3A_190], %swap3A_193 {strides = array<i32>} : memref<2x128x128xf32, #tpu.memory_space<vmem>>, vector<1x1x16xf32>,
    }
    %scan3A_6 = arith.constant 128 : i32
    %mul3A_7 = arith.constant 632 : i32
    %mul3A_8 = arith.muli %arg1, %mul3A_7 : i32
    %add3A_9 = arith.constant 0 : i32
    %add3A_10 = arith.addi %mul3A_8, %add3A_9 : i32
    %run_scoped3A = arith.constant 0 : i32
    "tpu.region"() ({
      %run_scoped3A_138 = tpu.sem_alloc : memref<!tpu.dma_semaphore, #tpu.memory_space<semaphore_mem>>
      %dma_start3A_139 = arith.constant 0 : i32
      %dma_start3A_140 = arith.constant 0 : i32
      %dma_start3A_141 = tpu.memref_slice %arg8[%run_scoped3A, %dma_start3A_139, %dma_start3A_140] : memref<2x128x128xf32, #tpu.memory_space<vmem>> -> memref<1x128x128xf32, #tpu.memory_space<vmem>>
      %dma_start3A_142 = tpu.memref_squeeze %dma_start3A_141 : memref<1x128x128xf32, #tpu.memory_space<vmem>> -> memref<128x128xf32, #tpu.memory_space<vmem>>
      %dma_start3A_143 = arith.constant 0 : i32
      %dma_start3A_144 = tpu.memref_slice %arg9[%add3A_10, %dma_start3A_143] : memref<10112x128xf32, #tpu.memory_space<vmem_shared>> -> memref<128x128xf32, #tpu.memory_space<vmem_shared>>
      %dma_start3A_145 = arith.constant 0 : i32
      %dma_start3A_146 = tpu.memref_slice %arg9[%add3A_10, %dma_start3A_145] : memref<10112x128xf32, #tpu.memory_space<vmem_shared>> -> memref<128x128xf32, #tpu.memory_space<vmem_shared>>
      %dma_start3A_147 = arith.constant 0 : i32
      %dma_start3A_148 = arith.constant 0 : i32
      %dma_start3A_149 = tpu.memref_slice %arg8[%run_scoped3A, %dma_start3A_147, %dma_start3A_148] : memref<2x128x128xf32, #tpu.memory_space<vmem>> -> memref<1x128x128xf32, #tpu.memory_space<vmem>>
      %dma_start3A_150 = tpu.memref_squeeze %dma_start3A_149 : memref<1x128x128xf32, #tpu.memory_space<vmem>> -> memref<128x128xf32, #tpu.memory_space<vmem>>
      tpu.enqueue_dma source(%dma_start3A_150 : memref<128x128xf32, #tpu.memory_space<vmem>>) target(%dma_start3A_146 : memref<128x128xf32, #tpu.memory_space<vmem_shared>>) target_semaphore(%run_scoped3A_138 : memref<!tpu.dma_semaphore, #tpu.memory_space<semaphore_mem>>)
      %dma_wait3A_151 = arith.constant 0 : i32
      %dma_wait3A_152 = arith.constant 0 : i32
      %dma_wait3A_153 = tpu.memref_slice %arg8[%run_scoped3A, %dma_wait3A_151, %dma_wait3A_152] : memref<2x128x128xf32, #tpu.memory_space<vmem>> -> memref<1x128x128xf32, #tpu.memory_space<vmem>>
      %dma_wait3A_154 = tpu.memref_squeeze %dma_wait3A_153 : memref<1x128x128xf32, #tpu.memory_space<vmem>> -> memref<128x128xf32, #tpu.memory_space<vmem>>
      %dma_wait3A_155 = arith.constant 0 : i32
      %dma_wait3A_156 = tpu.memref_slice %arg9[%add3A_10, %dma_wait3A_155] : memref<10112x128xf32, #tpu.memory_space<vmem_shared>> -> memref<128x128xf32, #tpu.memory_space<vmem_shared>>
      %dma_wait3A_157 = arith.constant 0 : i32
      %dma_wait3A_158 = tpu.memref_slice %arg9[%add3A_10, %dma_wait3A_157] : memref<10112x128xf32, #tpu.memory_space<vmem_shared>> -> memref<128x128xf32, #tpu.memory_space<vmem_shared>>
      %dma_wait3A_159 = arith.constant 0 : i32
      %dma_wait3A_160 = arith.constant 0 : i32
      %dma_wait3A_161 = tpu.memref_slice %arg8[%run_scoped3A, %dma_wait3A_159, %dma_wait3A_160] : memref<2x128x128xf32, #tpu.memory_space<vmem>> -> memref<1x128x128xf32, #tpu.memory_space<vmem>>
      %dma_wait3A_162 = tpu.memref_squeeze %dma_wait3A_161 : memref<1x128x128xf32, #tpu.memory_space<vmem>> -> memref<128x128xf32, #tpu.memory_space<vmem>>
      tpu.wait_dma2 semaphore(%run_scoped3A_138 : memref<!tpu.dma_semaphore, #tpu.memory_space<semaphore_mem>>) src(%dma_wait3A_162 : memref<128x128xf32, #tpu.memory_space<vmem>>) dst(%dma_wait3A_158 : memref<128x128xf32, #tpu.memory_space<vmem_shared>>)
      tpu.yield
    }) : () -> ()
    %add3A_11 = arith.constant 128 : i32
    %add3A_12 = arith.addi %mul3A_8, %add3A_11 : i32
    %run_scoped3A_13 = arith.constant 0 : i32
    "tpu.region"() ({
      %run_scoped3A_138 = tpu.sem_alloc : memref<!tpu.dma_semaphore, #tpu.memory_space<semaphore_mem>>
      %dma_start3A_139 = arith.constant 0 : i32
      %dma_start3A_140 = arith.constant 0 : i32
      %dma_start3A_141 = tpu.memref_slice %arg8[%run_scoped3A_13, %dma_start3A_139, %dma_start3A_140] : memref<2x128x128xf32, #tpu.memory_space<vmem>> -> memref<1x128x128xf32, #tpu.memory_space<vmem>>
      %dma_start3A_142 = tpu.memref_squeeze %dma_start3A_141 : memref<1x128x128xf32, #tpu.memory_space<vmem>> -> memref<128x128xf32, #tpu.memory_space<vmem>>
      %dma_start3A_143 = arith.constant 0 : i32
      %dma_start3A_144 = tpu.memref_slice %arg9[%add3A_12, %dma_start3A_143] : memref<10112x128xf32, #tpu.memory_space<vmem_shared>> -> memref<128x128xf32, #tpu.memory_space<vmem_shared>>
      %dma_start3A_145 = arith.constant 0 : i32
      %dma_start3A_146 = tpu.memref_slice %arg9[%add3A_12, %dma_start3A_145] : memref<10112x128xf32, #tpu.memory_space<vmem_shared>> -> memref<128x128xf32, #tpu.memory_space<vmem_shared>>
      %dma_start3A_147 = arith.constant 0 : i32
      %dma_start3A_148 = arith.constant 0 : i32
      %dma_start3A_149 = tpu.memref_slice %arg8[%run_scoped3A_13, %dma_start3A_147, %dma_start3A_148] : memref<2x128x128xf32, #tpu.memory_space<vmem>> -> memref<1x128x128xf32, #tpu.memory_space<vmem>>
      %dma_start3A_150 = tpu.memref_squeeze %dma_start3A_149 : memref<1x128x128xf32, #tpu.memory_space<vmem>> -> memref<128x128xf32, #tpu.memory_space<vmem>>
      tpu.enqueue_dma source(%dma_start3A_150 : memref<128x128xf32, #tpu.memory_space<vmem>>) target(%dma_start3A_146 : memref<128x128xf32, #tpu.memory_space<vmem_shared>>) target_semaphore(%run_scoped3A_138 : memref<!tpu.dma_semaphore, #tpu.memory_space<semaphore_mem>>)
      %dma_wait3A_151 = arith.constant 0 : i32
      %dma_wait3A_152 = arith.constant 0 : i32
      %dma_wait3A_153 = tpu.memref_slice %arg8[%run_scoped3A_13, %dma_wait3A_151, %dma_wait3A_152] : memref<2x128x128xf32, #tpu.memory_space<vmem>> -> memref<1x128x128xf32, #tpu.memory_space<vmem>>
      %dma_wait3A_154 = tpu.memref_squeeze %dma_wait3A_153 : memref<1x128x128xf32, #tpu.memory_space<vmem>> -> memref<128x128xf32, #tpu.memory_space<vmem>>
      %dma_wait3A_155 = arith.constant 0 : i32
      %dma_wait3A_156 = tpu.memref_slice %arg9[%add3A_12, %dma_wait3A_155] : memref<10112x128xf32, #tpu.memory_space<vmem_shared>> -> memref<128x128xf32, #tpu.memory_space<vmem_shared>>
      %dma_wait3A_157 = arith.constant 0 : i32
      %dma_wait3A_158 = tpu.memref_slice %arg9[%add3A_12, %dma_wait3A_157] : memref<10112x128xf32, #tpu.memory_space<vmem_shared>> -> memref<128x128xf32, #tpu.memory_space<vmem_shared>>
      %dma_wait3A_159 = arith.constant 0 : i32
      %dma_wait3A_160 = arith.constant 0 : i32
      %dma_wait3A_161 = tpu.memref_slice %arg8[%run_scoped3A_13, %dma_wait3A_159, %dma_wait3A_160] : memref<2x128x128xf32, #tpu.memory_space<vmem>> -> memref<1x128x128xf32, #tpu.memory_space<vmem>>
      %dma_wait3A_162 = tpu.memref_squeeze %dma_wait3A_161 : memref<1x128x128xf32, #tpu.memory_space<vmem>> -> memref<128x128xf32, #tpu.memory_space<vmem>>
      tpu.wait_dma2 semaphore(%run_scoped3A_138 : memref<!tpu.dma_semaphore, #tpu.memory_space<semaphore_mem>>) src(%dma_wait3A_162 : memref<128x128xf32, #tpu.memory_space<vmem>>) dst(%dma_wait3A_158 : memref<128x128xf32, #tpu.memory_space<vmem_shared>>)
      tpu.yield
    }) : () -> ()
    %add3A_14 = arith.constant 256 : i32
    %add3A_15 = arith.addi %mul3A_8, %add3A_14 : i32
    %run_scoped3A_16 = arith.constant 0 : i32
    "tpu.region"() ({
      %run_scoped3A_138 = tpu.sem_alloc : memref<!tpu.dma_semaphore, #tpu.memory_space<semaphore_mem>>
      %dma_start3A_139 = arith.constant 0 : i32
      %dma_start3A_140 = arith.constant 0 : i32
      %dma_start3A_141 = tpu.memref_slice %arg8[%run_scoped3A_16, %dma_start3A_139, %dma_start3A_140] : memref<2x128x128xf32, #tpu.memory_space<vmem>> -> memref<1x128x128xf32, #tpu.memory_space<vmem>>
      %dma_start3A_142 = tpu.memref_squeeze %dma_start3A_141 : memref<1x128x128xf32, #tpu.memory_space<vmem>> -> memref<128x128xf32, #tpu.memory_space<vmem>>
      %dma_start3A_143 = arith.constant 0 : i32
      %dma_start3A_144 = tpu.memref_slice %arg9[%add3A_15, %dma_start3A_143] : memref<10112x128xf32, #tpu.memory_space<vmem_shared>> -> memref<128x128xf32, #tpu.memory_space<vmem_shared>>
      %dma_start3A_145 = arith.constant 0 : i32
      %dma_start3A_146 = tpu.memref_slice %arg9[%add3A_15, %dma_start3A_145] : memref<10112x128xf32, #tpu.memory_space<vmem_shared>> -> memref<128x128xf32, #tpu.memory_space<vmem_shared>>
      %dma_start3A_147 = arith.constant 0 : i32
      %dma_start3A_148 = arith.constant 0 : i32
      %dma_start3A_149 = tpu.memref_slice %arg8[%run_scoped3A_16, %dma_start3A_147, %dma_start3A_148] : memref<2x128x128xf32, #tpu.memory_space<vmem>> -> memref<1x128x128xf32, #tpu.memory_space<vmem>>
      %dma_start3A_150 = tpu.memref_squeeze %dma_start3A_149 : memref<1x128x128xf32, #tpu.memory_space<vmem>> -> memref<128x128xf32, #tpu.memory_space<vmem>>
      tpu.enqueue_dma source(%dma_start3A_150 : memref<128x128xf32, #tpu.memory_space<vmem>>) target(%dma_start3A_146 : memref<128x128xf32, #tpu.memory_space<vmem_shared>>) target_semaphore(%run_scoped3A_138 : memref<!tpu.dma_semaphore, #tpu.memory_space<semaphore_mem>>)
      %dma_wait3A_151 = arith.constant 0 : i32
      %dma_wait3A_152 = arith.constant 0 : i32
      %dma_wait3A_153 = tpu.memref_slice %arg8[%run_scoped3A_16, %dma_wait3A_151, %dma_wait3A_152] : memref<2x128x128xf32, #tpu.memory_space<vmem>> -> memref<1x128x128xf32, #tpu.memory_space<vmem>>
      %dma_wait3A_154 = tpu.memref_squeeze %dma_wait3A_153 : memref<1x128x128xf32, #tpu.memory_space<vmem>> -> memref<128x128xf32, #tpu.memory_space<vmem>>
      %dma_wait3A_155 = arith.constant 0 : i32
      %dma_wait3A_156 = tpu.memref_slice %arg9[%add3A_15, %dma_wait3A_155] : memref<10112x128xf32, #tpu.memory_space<vmem_shared>> -> memref<128x128xf32, #tpu.memory_space<vmem_shared>>
      %dma_wait3A_157 = arith.constant 0 : i32
      %dma_wait3A_158 = tpu.memref_slice %arg9[%add3A_15, %dma_wait3A_157] : memref<10112x128xf32, #tpu.memory_space<vmem_shared>> -> memref<128x128xf32, #tpu.memory_space<vmem_shared>>
      %dma_wait3A_159 = arith.constant 0 : i32
      %dma_wait3A_160 = arith.constant 0 : i32
      %dma_wait3A_161 = tpu.memref_slice %arg8[%run_scoped3A_16, %dma_wait3A_159, %dma_wait3A_160] : memref<2x128x128xf32, #tpu.memory_space<vmem>> -> memref<1x128x128xf32, #tpu.memory_space<vmem>>
      %dma_wait3A_162 = tpu.memref_squeeze %dma_wait3A_161 : memref<1x128x128xf32, #tpu.memory_space<vmem>> -> memref<128x128xf32, #tpu.memory_space<vmem>>
      tpu.wait_dma2 semaphore(%run_scoped3A_138 : memref<!tpu.dma_semaphore, #tpu.memory_space<semaphore_mem>>) src(%dma_wait3A_162 : memref<128x128xf32, #tpu.memory_space<vmem>>) dst(%dma_wait3A_158 : memref<128x128xf32, #tpu.memory_space<vmem_shared>>)
      tpu.yield
    }) : () -> ()
    %add3A_17 = arith.constant 384 : i32
    %add3A_18 = arith.addi %mul3A_8, %add3A_17 : i32
    %run_scoped3A_19 = arith.constant 0 : i32
    "tpu.region"() ({
      %run_scoped3A_138 = tpu.sem_alloc : memref<!tpu.dma_semaphore, #tpu.memory_space<semaphore_mem>>
      %dma_start3A_139 = arith.constant 0 : i32
      %dma_start3A_140 = arith.constant 0 : i32
      %dma_start3A_141 = tpu.memref_slice %arg8[%run_scoped3A_19, %dma_start3A_139, %dma_start3A_140] : memref<2x128x128xf32, #tpu.memory_space<vmem>> -> memref<1x128x128xf32, #tpu.memory_space<vmem>>
      %dma_start3A_142 = tpu.memref_squeeze %dma_start3A_141 : memref<1x128x128xf32, #tpu.memory_space<vmem>> -> memref<128x128xf32, #tpu.memory_space<vmem>>
      %dma_start3A_143 = arith.constant 0 : i32
      %dma_start3A_144 = tpu.memref_slice %arg9[%add3A_18, %dma_start3A_143] : memref<10112x128xf32, #tpu.memory_space<vmem_shared>> -> memref<128x128xf32, #tpu.memory_space<vmem_shared>>
      %dma_start3A_145 = arith.constant 0 : i32
      %dma_start3A_146 = tpu.memref_slice %arg9[%add3A_18, %dma_start3A_145] : memref<10112x128xf32, #tpu.memory_space<vmem_shared>> -> memref<128x128xf32, #tpu.memory_space<vmem_shared>>
      %dma_start3A_147 = arith.constant 0 : i32
      %dma_start3A_148 = arith.constant 0 : i32
      %dma_start3A_149 = tpu.memref_slice %arg8[%run_scoped3A_19, %dma_start3A_147, %dma_start3A_148] : memref<2x128x128xf32, #tpu.memory_space<vmem>> -> memref<1x128x128xf32, #tpu.memory_space<vmem>>
      %dma_start3A_150 = tpu.memref_squeeze %dma_start3A_149 : memref<1x128x128xf32, #tpu.memory_space<vmem>> -> memref<128x128xf32, #tpu.memory_space<vmem>>
      tpu.enqueue_dma source(%dma_start3A_150 : memref<128x128xf32, #tpu.memory_space<vmem>>) target(%dma_start3A_146 : memref<128x128xf32, #tpu.memory_space<vmem_shared>>) target_semaphore(%run_scoped3A_138 : memref<!tpu.dma_semaphore, #tpu.memory_space<semaphore_mem>>)
      %dma_wait3A_151 = arith.constant 0 : i32
      %dma_wait3A_152 = arith.constant 0 : i32
      %dma_wait3A_153 = tpu.memref_slice %arg8[%run_scoped3A_19, %dma_wait3A_151, %dma_wait3A_152] : memref<2x128x128xf32, #tpu.memory_space<vmem>> -> memref<1x128x128xf32, #tpu.memory_space<vmem>>
      %dma_wait3A_154 = tpu.memref_squeeze %dma_wait3A_153 : memref<1x128x128xf32, #tpu.memory_space<vmem>> -> memref<128x128xf32, #tpu.memory_space<vmem>>
      %dma_wait3A_155 = arith.constant 0 : i32
      %dma_wait3A_156 = tpu.memref_slice %arg9[%add3A_18, %dma_wait3A_155] : memref<10112x128xf32, #tpu.memory_space<vmem_shared>> -> memref<128x128xf32, #tpu.memory_space<vmem_shared>>
      %dma_wait3A_157 = arith.constant 0 : i32
      %dma_wait3A_158 = tpu.memref_slice %arg9[%add3A_18, %dma_wait3A_157] : memref<10112x128xf32, #tpu.memory_space<vmem_shared>> -> memref<128x128xf32, #tpu.memory_space<vmem_shared>>
      %dma_wait3A_159 = arith.constant 0 : i32
      %dma_wait3A_160 = arith.constant 0 : i32
      %dma_wait3A_161 = tpu.memref_slice %arg8[%run_scoped3A_19, %dma_wait3A_159, %dma_wait3A_160] : memref<2x128x128xf32, #tpu.memory_space<vmem>> -> memref<1x128x128xf32, #tpu.memory_space<vmem>>
      %dma_wait3A_162 = tpu.memref_squeeze %dma_wait3A_161 : memref<1x128x128xf32, #tpu.memory_space<vmem>> -> memref<128x128xf32, #tpu.memory_space<vmem>>
      tpu.wait_dma2 semaphore(%run_scoped3A_138 : memref<!tpu.dma_semaphore, #tpu.memory_space<semaphore_mem>>) src(%dma_wait3A_162 : memref<128x128xf32, #tpu.memory_space<vmem>>) dst(%dma_wait3A_158 : memref<128x128xf32, #tpu.memory_space<vmem_shared>>)
      tpu.yield
    }) : () -> ()
    %add3A_20 = arith.constant 512 : i32
    %add3A_21 = arith.addi %mul3A_8, %add3A_20 : i32
    %run_scoped3A_22 = arith.constant 0 : i32
    "tpu.region"() ({
      %run_scoped3A_138 = tpu.sem_alloc : memref<!tpu.dma_semaphore, #tpu.memory_space<semaphore_mem>>
      %dma_start3A_139 = arith.constant 0 : i32
      %dma_start3A_140 = arith.constant 0 : i32
      %dma_start3A_141 = tpu.memref_slice %arg8[%run_scoped3A_22, %dma_start3A_139, %dma_start3A_140] : memref<2x128x128xf32, #tpu.memory_space<vmem>> -> memref<1x120x128xf32, #tpu.memory_space<vmem>>
      %dma_start3A_142 = tpu.memref_squeeze %dma_start3A_141 : memref<1x120x128xf32, #tpu.memory_space<vmem>> -> memref<120x128xf32, #tpu.memory_space<vmem>>
      %dma_start3A_143 = arith.constant 0 : i32
      %dma_start3A_144 = tpu.memref_slice %arg9[%add3A_21, %dma_start3A_143] : memref<10112x128xf32, #tpu.memory_space<vmem_shared>> -> memref<120x128xf32, #tpu.memory_space<vmem_shared>>
      %dma_start3A_145 = arith.constant 0 : i32
      %dma_start3A_146 = tpu.memref_slice %arg9[%add3A_21, %dma_start3A_145] : memref<10112x128xf32, #tpu.memory_space<vmem_shared>> -> memref<120x128xf32, #tpu.memory_space<vmem_shared>>
      %dma_start3A_147 = arith.constant 0 : i32
      %dma_start3A_148 = arith.constant 0 : i32
      %dma_start3A_149 = tpu.memref_slice %arg8[%run_scoped3A_22, %dma_start3A_147, %dma_start3A_148] : memref<2x128x128xf32, #tpu.memory_space<vmem>> -> memref<1x120x128xf32, #tpu.memory_space<vmem>>
      %dma_start3A_150 = tpu.memref_squeeze %dma_start3A_149 : memref<1x120x128xf32, #tpu.memory_space<vmem>> -> memref<120x128xf32, #tpu.memory_space<vmem>>
      tpu.enqueue_dma source(%dma_start3A_150 : memref<120x128xf32, #tpu.memory_space<vmem>>) target(%dma_start3A_146 : memref<120x128xf32, #tpu.memory_space<vmem_shared>>) target_semaphore(%run_scoped3A_138 : memref<!tpu.dma_semaphore, #tpu.memory_space<semaphore_mem>>)
      %dma_wait3A_151 = arith.constant 0 : i32
      %dma_wait3A_152 = arith.constant 0 : i32
      %dma_wait3A_153 = tpu.memref_slice %arg8[%run_scoped3A_22, %dma_wait3A_151, %dma_wait3A_152] : memref<2x128x128xf32, #tpu.memory_space<vmem>> -> memref<1x120x128xf32, #tpu.memory_space<vmem>>
      %dma_wait3A_154 = tpu.memref_squeeze %dma_wait3A_153 : memref<1x120x128xf32, #tpu.memory_space<vmem>> -> memref<120x128xf32, #tpu.memory_space<vmem>>
      %dma_wait3A_155 = arith.constant 0 : i32
      %dma_wait3A_156 = tpu.memref_slice %arg9[%add3A_21, %dma_wait3A_155] : memref<10112x128xf32, #tpu.memory_space<vmem_shared>> -> memref<120x128xf32, #tpu.memory_space<vmem_shared>>
      %dma_wait3A_157 = arith.constant 0 : i32
      %dma_wait3A_158 = tpu.memref_slice %arg9[%add3A_21, %dma_wait3A_157] : memref<10112x128xf32, #tpu.memory_space<vmem_shared>> -> memref<120x128xf32, #tpu.memory_space<vmem_shared>>
      %dma_wait3A_159 = arith.constant 0 : i32
      %dma_wait3A_160 = arith.constant 0 : i32
      %dma_wait3A_161 = tpu.memref_slice %arg8[%run_scoped3A_22, %dma_wait3A_159, %dma_wait3A_160] : memref<2x128x128xf32, #tpu.memory_space<vmem>> -> memref<1x120x128xf32, #tpu.memory_space<vmem>>
      %dma_wait3A_162 = tpu.memref_squeeze %dma_wait3A_161 : memref<1x120x128xf32, #tpu.memory_space<vmem>> -> memref<120x128xf32, #tpu.memory_space<vmem>>
      tpu.wait_dma2 semaphore(%run_scoped3A_138 : memref<!tpu.dma_semaphore, #tpu.memory_space<semaphore_mem>>) src(%dma_wait3A_162 : memref<120x128xf32, #tpu.memory_space<vmem>>) dst(%dma_wait3A_158 : memref<120x128xf32, #tpu.memory_space<vmem_shared>>)
      tpu.yield
    }) : () -> ()
    %barrier3A = arith.constant 0 : index
    tpu.barrier barrier_id(%barrier3A)
    "tpu.region"() ({
      %run_scoped3A_138 = tpu.sem_alloc : memref<!tpu.dma_semaphore, #tpu.memory_space<semaphore_mem>>
      %dma_start3A_139 = arith.constant 0 : i32
      %dma_start3A_140 = arith.constant 0 : i32
      %dma_start3A_141 = tpu.memref_slice %arg3[%add3A, %dma_start3A_139, %dma_start3A_140] : memref<32x80x128xi32, #tpu.memory_space<hbm>> -> memref<1x40x128xi32, #tpu.memory_space<hbm>>
      %dma_start3A_142 = tpu.memref_squeeze %dma_start3A_141 : memref<1x40x128xi32, #tpu.memory_space<hbm>> -> memref<40x128xi32, #tpu.memory_space<hbm>>
      %dma_start3A_143 = arith.constant 0 : i32
      %dma_start3A_144 = arith.constant 0 : i32
      %dma_start3A_145 = tpu.memref_slice %arg3[%add3A, %dma_start3A_143, %dma_start3A_144] : memref<32x80x128xi32, #tpu.memory_space<hbm>> -> memref<1x40x128xi32, #tpu.memory_space<hbm>>
      %dma_start3A_146 = tpu.memref_squeeze %dma_start3A_145 : memref<1x40x128xi32, #tpu.memory_space<hbm>> -> memref<40x128xi32, #tpu.memory_space<hbm>>
      tpu.enqueue_dma source(%dma_start3A_146 : memref<40x128xi32, #tpu.memory_space<hbm>>) target(%arg6 : memref<40x128xi32, #tpu.memory_space<vmem>>) target_semaphore(%run_scoped3A_138 : memref<!tpu.dma_semaphore, #tpu.memory_space<semaphore_mem>>)
      %dma_wait3A_147 = arith.constant 0 : i32
      %dma_wait3A_148 = arith.constant 0 : i32
      %dma_wait3A_149 = tpu.memref_slice %arg3[%add3A, %dma_wait3A_147, %dma_wait3A_148] : memref<32x80x128xi32, #tpu.memory_space<hbm>> -> memref<1x40x128xi32, #tpu.memory_space<hbm>>
      %dma_wait3A_150 = tpu.memref_squeeze %dma_wait3A_149 : memref<1x40x128xi32, #tpu.memory_space<hbm>> -> memref<40x128xi32, #tpu.memory_space<hbm>>
      %dma_wait3A_151 = arith.constant 0 : i32
      %dma_wait3A_152 = arith.constant 0 : i32
      %dma_wait3A_153 = tpu.memref_slice %arg3[%add3A, %dma_wait3A_151, %dma_wait3A_152] : memref<32x80x128xi32, #tpu.memory_space<hbm>> -> memref<1x40x128xi32, #tpu.memory_space<hbm>>
      %dma_wait3A_154 = tpu.memref_squeeze %dma_wait3A_153 : memref<1x40x128xi32, #tpu.memory_space<hbm>> -> memref<40x128xi32, #tpu.memory_space<hbm>>
      tpu.wait_dma2 semaphore(%run_scoped3A_138 : memref<!tpu.dma_semaphore, #tpu.memory_space<semaphore_mem>>) src(%dma_wait3A_154 : memref<40x128xi32, #tpu.memory_space<hbm>>) dst(%arg6 : memref<40x128xi32, #tpu.memory_space<vmem>>)
      tpu.yield
    }) : () -> ()
    "tpu.region"() ({
      %run_scoped3A_138 = tpu.sem_alloc : memref<!tpu.dma_semaphore, #tpu.memory_space<semaphore_mem>>
      %dma_start3A_139 = arith.constant 0 : i32
      %dma_start3A_140 = arith.constant 0 : i32
      %dma_start3A_141 = tpu.memref_slice %arg4[%add3A, %dma_start3A_139, %dma_start3A_140] : memref<32x80x128xi32, #tpu.memory_space<hbm>> -> memref<1x40x128xi32, #tpu.memory_space<hbm>>
      %dma_start3A_142 = tpu.memref_squeeze %dma_start3A_141 : memref<1x40x128xi32, #tpu.memory_space<hbm>> -> memref<40x128xi32, #tpu.memory_space<hbm>>
      %dma_start3A_143 = arith.constant 0 : i32
      %dma_start3A_144 = arith.constant 0 : i32
      %dma_start3A_145 = tpu.memref_slice %arg4[%add3A, %dma_start3A_143, %dma_start3A_144] : memref<32x80x128xi32, #tpu.memory_space<hbm>> -> memref<1x40x128xi32, #tpu.memory_space<hbm>>
      %dma_start3A_146 = tpu.memref_squeeze %dma_start3A_145 : memref<1x40x128xi32, #tpu.memory_space<hbm>> -> memref<40x128xi32, #tpu.memory_space<hbm>>
      tpu.enqueue_dma source(%dma_start3A_146 : memref<40x128xi32, #tpu.memory_space<hbm>>) target(%arg7 : memref<40x128xi32, #tpu.memory_space<vmem>>) target_semaphore(%run_scoped3A_138 : memref<!tpu.dma_semaphore, #tpu.memory_space<semaphore_mem>>)
      %dma_wait3A_147 = arith.constant 0 : i32
      %dma_wait3A_148 = arith.constant 0 : i32
      %dma_wait3A_149 = tpu.memref_slice %arg4[%add3A, %dma_wait3A_147, %dma_wait3A_148] : memref<32x80x128xi32, #tpu.memory_space<hbm>> -> memref<1x40x128xi32, #tpu.memory_space<hbm>>
      %dma_wait3A_150 = tpu.memref_squeeze %dma_wait3A_149 : memref<1x40x128xi32, #tpu.memory_space<hbm>> -> memref<40x128xi32, #tpu.memory_space<hbm>>
      %dma_wait3A_151 = arith.constant 0 : i32
      %dma_wait3A_152 = arith.constant 0 : i32
      %dma_wait3A_153 = tpu.memref_slice %arg4[%add3A, %dma_wait3A_151, %dma_wait3A_152] : memref<32x80x128xi32, #tpu.memory_space<hbm>> -> memref<1x40x128xi32, #tpu.memory_space<hbm>>
      %dma_wait3A_154 = tpu.memref_squeeze %dma_wait3A_153 : memref<1x40x128xi32, #tpu.memory_space<hbm>> -> memref<40x128xi32, #tpu.memory_space<hbm>>
      tpu.wait_dma2 semaphore(%run_scoped3A_138 : memref<!tpu.dma_semaphore, #tpu.memory_space<semaphore_mem>>) src(%dma_wait3A_154 : memref<40x128xi32, #tpu.memory_space<hbm>>) dst(%arg7 : memref<40x128xi32, #tpu.memory_space<vmem>>)
      tpu.yield
    }) : () -> ()
    %dma_start3A = arith.constant 0 : i32
    %dma_start3A_23 = arith.constant 0 : i32
    %dma_start3A_24 = arith.constant 0 : i32
    %dma_start3A_25 = arith.constant 0 : i32
    %dma_start3A_26 = tpu.memref_slice %arg8[%dma_start3A_23, %dma_start3A_24, %dma_start3A_25] : memref<2x128x128xf32, #tpu.memory_space<vmem>> -> memref<1x128x128xf32, #tpu.memory_space<vmem>>
    %dma_start3A_27 = tpu.memref_squeeze %dma_start3A_26 : memref<1x128x128xf32, #tpu.memory_space<vmem>> -> memref<128x128xf32, #tpu.memory_space<vmem>>
    %dma_start3A_28 = arith.constant 0 : i32
    %dma_start3A_29 = tpu.memref_slice %arg6[%dma_start3A, %dma_start3A_28] : memref<40x128xi32, #tpu.memory_space<vmem>> -> memref<1x128xi32, #tpu.memory_space<vmem>>
    %dma_start3A_30 = tpu.memref_squeeze %dma_start3A_29 : memref<1x128xi32, #tpu.memory_space<vmem>> -> memref<128xi32, #tpu.memory_space<vmem>>
    %dma_start3A_31 = arith.constant 0 : i32
    %dma_start3A_32 = arith.constant 0 : i32
    %dma_start3A_33 = tpu.memref_slice %arg2[%dma_start3A_31, %dma_start3A_32] : memref<10000x128xf32, #tpu.memory_space<hbm>> -> memref<10000x128xf32, #tpu.memory_space<hbm>>
    tpu.enqueue_indirect_dma source(%dma_start3A_33 : memref<10000x128xf32, #tpu.memory_space<hbm>>) target(%dma_start3A_27 : memref<128x128xf32, #tpu.memory_space<vmem>>) offsets(%dma_start3A_30 : memref<128xi32, #tpu.memory_space<vmem>>) semaphore(%arg10 : memref<!tpu.dma_semaphore, #tpu.memory_space<semaphore_mem>>)
    %scan3A_34 = arith.constant 0 : i32
    %scan3A_35 = arith.constant 0 : i32
    %scan3A_36 = arith.constant 19 : i32
    %scan3A_37 = arith.addi %scan3A_35, %scan3A_36 : i32
    %scan3A_38 = arith.constant 1 : i32
    scf.for %scan3A_138 = %scan3A_35 to %scan3A_37 step %scan3A_38  : i32 {
      %mul3A_139 = arith.constant 2 : i32
      %mul3A_140 = arith.muli %mul3A_139, %scan3A_138 : i32
      %add3A_141 = arith.constant 1 : i32
      %add3A_142 = arith.addi %mul3A_140, %add3A_141 : i32
      %dma_start3A_143 = arith.constant 1 : i32
      %dma_start3A_144 = arith.constant 0 : i32
      %dma_start3A_145 = arith.constant 0 : i32
      %dma_start3A_146 = tpu.memref_slice %arg8[%dma_start3A_143, %dma_start3A_144, %dma_start3A_145] : memref<2x128x128xf32, #tpu.memory_space<vmem>> -> memref<1x128x128xf32, #tpu.memory_space<vmem>>
      %dma_start3A_147 = tpu.memref_squeeze %dma_start3A_146 : memref<1x128x128xf32, #tpu.memory_space<vmem>> -> memref<128x128xf32, #tpu.memory_space<vmem>>
      %dma_start3A_148 = arith.constant 0 : i32
      %dma_start3A_149 = tpu.memref_slice %arg6[%add3A_142, %dma_start3A_148] : memref<40x128xi32, #tpu.memory_space<vmem>> -> memref<1x128xi32, #tpu.memory_space<vmem>>
      %dma_start3A_150 = tpu.memref_squeeze %dma_start3A_149 : memref<1x128xi32, #tpu.memory_space<vmem>> -> memref<128xi32, #tpu.memory_space<vmem>>
      %dma_start3A_151 = arith.constant 0 : i32
      %dma_start3A_152 = arith.constant 0 : i32
      %dma_start3A_153 = tpu.memref_slice %arg2[%dma_start3A_151, %dma_start3A_152] : memref<10000x128xf32, #tpu.memory_space<hbm>> -> memref<10000x128xf32, #tpu.memory_space<hbm>>
      tpu.enqueue_indirect_dma source(%dma_start3A_153 : memref<10000x128xf32, #tpu.memory_space<hbm>>) target(%dma_start3A_147 : memref<128x128xf32, #tpu.memory_space<vmem>>) offsets(%dma_start3A_150 : memref<128xi32, #tpu.memory_space<vmem>>) semaphore(%arg11 : memref<!tpu.dma_semaphore, #tpu.memory_space<semaphore_mem>>)
      %dma_wait3A_154 = arith.constant 0 : i32
      %dma_wait3A_155 = arith.constant 0 : i32
      %dma_wait3A_156 = arith.constant 0 : i32
      %dma_wait3A_157 = arith.constant 0 : i32
      %dma_wait3A_158 = tpu.memref_slice %arg8[%dma_wait3A_155, %dma_wait3A_156, %dma_wait3A_157] : memref<2x128x128xf32, #tpu.memory_space<vmem>> -> memref<1x128x128xf32, #tpu.memory_space<vmem>>
      %dma_wait3A_159 = tpu.memref_squeeze %dma_wait3A_158 : memref<1x128x128xf32, #tpu.memory_space<vmem>> -> memref<128x128xf32, #tpu.memory_space<vmem>>
      %dma_wait3A_160 = arith.constant 0 : i32
      %dma_wait3A_161 = tpu.memref_slice %arg6[%dma_wait3A_154, %dma_wait3A_160] : memref<40x128xi32, #tpu.memory_space<vmem>> -> memref<1x128xi32, #tpu.memory_space<vmem>>
      %dma_wait3A_162 = tpu.memref_squeeze %dma_wait3A_161 : memref<1x128xi32, #tpu.memory_space<vmem>> -> memref<128xi32, #tpu.memory_space<vmem>>
      %dma_wait3A_163 = arith.constant 0 : i32
      %dma_wait3A_164 = arith.constant 0 : i32
      %dma_wait3A_165 = tpu.memref_slice %arg2[%dma_wait3A_163, %dma_wait3A_164] : memref<10000x128xf32, #tpu.memory_space<hbm>> -> memref<10000x128xf32, #tpu.memory_space<hbm>>
      tpu.wait_indirect_dma semaphore(%arg10 : memref<!tpu.dma_semaphore, #tpu.memory_space<semaphore_mem>>) src(%dma_wait3A_165 : memref<10000x128xf32, #tpu.memory_space<hbm>>) dst(%dma_wait3A_159 : memref<128x128xf32, #tpu.memory_space<vmem>>)
      %run_scoped3A_166 = arith.constant 0 : i32
      "tpu.region"() ({
        %run_scoped3A_195 = tpu.sem_alloc : memref<!tpu.dma_semaphore, #tpu.memory_space<semaphore_mem>>
        %dma_start3A_196 = arith.constant 0 : i32
        %dma_start3A_197 = arith.constant 0 : i32
        %dma_start3A_198 = tpu.memref_slice %arg8[%run_scoped3A_166, %dma_start3A_196, %dma_start3A_197] : memref<2x128x128xf32, #tpu.memory_space<vmem>> -> memref<1x128x128xf32, #tpu.memory_space<vmem>>
        %dma_start3A_199 = tpu.memref_squeeze %dma_start3A_198 : memref<1x128x128xf32, #tpu.memory_space<vmem>> -> memref<128x128xf32, #tpu.memory_space<vmem>>
        %dma_start3A_200 = arith.constant 0 : i32
        %dma_start3A_201 = tpu.memref_slice %arg7[%mul3A_140, %dma_start3A_200] : memref<40x128xi32, #tpu.memory_space<vmem>> -> memref<1x128xi32, #tpu.memory_space<vmem>>
        %dma_start3A_202 = tpu.memref_squeeze %dma_start3A_201 : memref<1x128xi32, #tpu.memory_space<vmem>> -> memref<128xi32, #tpu.memory_space<vmem>>
        %dma_start3A_203 = arith.constant 0 : i32
        %dma_start3A_204 = arith.constant 0 : i32
        %dma_start3A_205 = tpu.memref_slice %arg9[%dma_start3A_203, %dma_start3A_204] : memref<10112x128xf32, #tpu.memory_space<vmem_shared>> -> memref<10112x128xf32, #tpu.memory_space<vmem_shared>>
        tpu.enqueue_indirect_dma source(%dma_start3A_199 : memref<128x128xf32, #tpu.memory_space<vmem>>) target(%dma_start3A_205 : memref<10112x128xf32, #tpu.memory_space<vmem_shared>>) offsets(%dma_start3A_202 : memref<128xi32, #tpu.memory_space<vmem>>) semaphore(%run_scoped3A_195 : memref<!tpu.dma_semaphore, #tpu.memory_space<semaphore_mem>>) {add = true}
        %dma_wait3A_206 = arith.constant 0 : i32
        %dma_wait3A_207 = arith.constant 0 : i32
        %dma_wait3A_208 = tpu.memref_slice %arg8[%run_scoped3A_166, %dma_wait3A_206, %dma_wait3A_207] : memref<2x128x128xf32, #tpu.memory_space<vmem>> -> memref<1x128x128xf32, #tpu.memory_space<vmem>>
        %dma_wait3A_209 = tpu.memref_squeeze %dma_wait3A_208 : memref<1x128x128xf32, #tpu.memory_space<vmem>> -> memref<128x128xf32, #tpu.memory_space<vmem>>
        %dma_wait3A_210 = arith.constant 0 : i32
        %dma_wait3A_211 = tpu.memref_slice %arg7[%mul3A_140, %dma_wait3A_210] : memref<40x128xi32, #tpu.memory_space<vmem>> -> memref<1x128xi32, #tpu.memory_space<vmem>>
        %dma_wait3A_212 = tpu.memref_squeeze %dma_wait3A_211 : memref<1x128xi32, #tpu.memory_space<vmem>> -> memref<128xi32, #tpu.memory_space<vmem>>
        %dma_wait3A_213 = arith.constant 0 : i32
        %dma_wait3A_214 = arith.constant 0 : i32
        %dma_wait3A_215 = tpu.memref_slice %arg9[%dma_wait3A_213, %dma_wait3A_214] : memref<10112x128xf32, #tpu.memory_space<vmem_shared>> -> memref<10112x128xf32, #tpu.memory_space<vmem_shared>>
        tpu.wait_indirect_dma semaphore(%run_scoped3A_195 : memref<!tpu.dma_semaphore, #tpu.memory_space<semaphore_mem>>) src(%dma_wait3A_209 : memref<128x128xf32, #tpu.memory_space<vmem>>) dst(%dma_wait3A_215 : memref<10112x128xf32, #tpu.memory_space<vmem_shared>>)
        tpu.yield
      }) : () -> ()
      %add3A_167 = arith.constant 2 : i32
      %add3A_168 = arith.addi %mul3A_140, %add3A_167 : i32
      %dma_start3A_169 = arith.constant 0 : i32
      %dma_start3A_170 = arith.constant 0 : i32
      %dma_start3A_171 = arith.constant 0 : i32
      %dma_start3A_172 = tpu.memref_slice %arg8[%dma_start3A_169, %dma_start3A_170, %dma_start3A_171] : memref<2x128x128xf32, #tpu.memory_space<vmem>> -> memref<1x128x128xf32, #tpu.memory_space<vmem>>
      %dma_start3A_173 = tpu.memref_squeeze %dma_start3A_172 : memref<1x128x128xf32, #tpu.memory_space<vmem>> -> memref<128x128xf32, #tpu.memory_space<vmem>>
      %dma_start3A_174 = arith.constant 0 : i32
      %dma_start3A_175 = tpu.memref_slice %arg6[%add3A_168, %dma_start3A_174] : memref<40x128xi32, #tpu.memory_space<vmem>> -> memref<1x128xi32, #tpu.memory_space<vmem>>
      %dma_start3A_176 = tpu.memref_squeeze %dma_start3A_175 : memref<1x128xi32, #tpu.memory_space<vmem>> -> memref<128xi32, #tpu.memory_space<vmem>>
      %dma_start3A_177 = arith.constant 0 : i32
      %dma_start3A_178 = arith.constant 0 : i32
      %dma_start3A_179 = tpu.memref_slice %arg2[%dma_start3A_177, %dma_start3A_178] : memref<10000x128xf32, #tpu.memory_space<hbm>> -> memref<10000x128xf32, #tpu.memory_space<hbm>>
      tpu.enqueue_indirect_dma source(%dma_start3A_179 : memref<10000x128xf32, #tpu.memory_space<hbm>>) target(%dma_start3A_173 : memref<128x128xf32, #tpu.memory_space<vmem>>) offsets(%dma_start3A_176 : memref<128xi32, #tpu.memory_space<vmem>>) semaphore(%arg10 : memref<!tpu.dma_semaphore, #tpu.memory_space<semaphore_mem>>)
      %dma_wait3A_180 = arith.constant 0 : i32
      %dma_wait3A_181 = arith.constant 1 : i32
      %dma_wait3A_182 = arith.constant 0 : i32
      %dma_wait3A_183 = arith.constant 0 : i32
      %dma_wait3A_184 = tpu.memref_slice %arg8[%dma_wait3A_181, %dma_wait3A_182, %dma_wait3A_183] : memref<2x128x128xf32, #tpu.memory_space<vmem>> -> memref<1x128x128xf32, #tpu.memory_space<vmem>>
      %dma_wait3A_185 = tpu.memref_squeeze %dma_wait3A_184 : memref<1x128x128xf32, #tpu.memory_space<vmem>> -> memref<128x128xf32, #tpu.memory_space<vmem>>
      %dma_wait3A_186 = arith.constant 0 : i32
      %dma_wait3A_187 = tpu.memref_slice %arg6[%dma_wait3A_180, %dma_wait3A_186] : memref<40x128xi32, #tpu.memory_space<vmem>> -> memref<1x128xi32, #tpu.memory_space<vmem>>
      %dma_wait3A_188 = tpu.memref_squeeze %dma_wait3A_187 : memref<1x128xi32, #tpu.memory_space<vmem>> -> memref<128xi32, #tpu.memory_space<vmem>>
      %dma_wait3A_189 = arith.constant 0 : i32
      %dma_wait3A_190 = arith.constant 0 : i32
      %dma_wait3A_191 = tpu.memref_slice %arg2[%dma_wait3A_189, %dma_wait3A_190] : memref<10000x128xf32, #tpu.memory_space<hbm>> -> memref<10000x128xf32, #tpu.memory_space<hbm>>
      tpu.wait_indirect_dma semaphore(%arg11 : memref<!tpu.dma_semaphore, #tpu.memory_space<semaphore_mem>>) src(%dma_wait3A_191 : memref<10000x128xf32, #tpu.memory_space<hbm>>) dst(%dma_wait3A_185 : memref<128x128xf32, #tpu.memory_space<vmem>>)
      %add3A_192 = arith.constant 1 : i32
      %add3A_193 = arith.addi %mul3A_140, %add3A_192 : i32
      %run_scoped3A_194 = arith.constant 1 : i32
      "tpu.region"() ({
        %run_scoped3A_195 = tpu.sem_alloc : memref<!tpu.dma_semaphore, #tpu.memory_space<semaphore_mem>>
        %dma_start3A_196 = arith.constant 0 : i32
        %dma_start3A_197 = arith.constant 0 : i32
        %dma_start3A_198 = tpu.memref_slice %arg8[%run_scoped3A_194, %dma_start3A_196, %dma_start3A_197] : memref<2x128x128xf32, #tpu.memory_space<vmem>> -> memref<1x128x128xf32, #tpu.memory_space<vmem>>
        %dma_start3A_199 = tpu.memref_squeeze %dma_start3A_198 : memref<1x128x128xf32, #tpu.memory_space<vmem>> -> memref<128x128xf32, #tpu.memory_space<vmem>>
        %dma_start3A_200 = arith.constant 0 : i32
        %dma_start3A_201 = tpu.memref_slice %arg7[%add3A_193, %dma_start3A_200] : memref<40x128xi32, #tpu.memory_space<vmem>> -> memref<1x128xi32, #tpu.memory_space<vmem>>
        %dma_start3A_202 = tpu.memref_squeeze %dma_start3A_201 : memref<1x128xi32, #tpu.memory_space<vmem>> -> memref<128xi32, #tpu.memory_space<vmem>>
        %dma_start3A_203 = arith.constant 0 : i32
        %dma_start3A_204 = arith.constant 0 : i32
        %dma_start3A_205 = tpu.memref_slice %arg9[%dma_start3A_203, %dma_start3A_204] : memref<10112x128xf32, #tpu.memory_space<vmem_shared>> -> memref<10112x128xf32, #tpu.memory_space<vmem_shared>>
        tpu.enqueue_indirect_dma source(%dma_start3A_199 : memref<128x128xf32, #tpu.memory_space<vmem>>) target(%dma_start3A_205 : memref<10112x128xf32, #tpu.memory_space<vmem_shared>>) offsets(%dma_start3A_202 : memref<128xi32, #tpu.memory_space<vmem>>) semaphore(%run_scoped3A_195 : memref<!tpu.dma_semaphore, #tpu.memory_space<semaphore_mem>>) {add = true}
        %dma_wait3A_206 = arith.constant 0 : i32
        %dma_wait3A_207 = arith.constant 0 : i32
        %dma_wait3A_208 = tpu.memref_slice %arg8[%run_scoped3A_194, %dma_wait3A_206, %dma_wait3A_207] : memref<2x128x128xf32, #tpu.memory_space<vmem>> -> memref<1x128x128xf32, #tpu.memory_space<vmem>>
        %dma_wait3A_209 = tpu.memref_squeeze %dma_wait3A_208 : memref<1x128x128xf32, #tpu.memory_space<vmem>> -> memref<128x128xf32, #tpu.memory_space<vmem>>
        %dma_wait3A_210 = arith.constant 0 : i32
        %dma_wait3A_211 = tpu.memref_slice %arg7[%add3A_193, %dma_wait3A_210] : memref<40x128xi32, #tpu.memory_space<vmem>> -> memref<1x128xi32, #tpu.memory_space<vmem>>
        %dma_wait3A_212 = tpu.memref_squeeze %dma_wait3A_211 : memref<1x128xi32, #tpu.memory_space<vmem>> -> memref<128xi32, #tpu.memory_space<vmem>>
        %dma_wait3A_213 = arith.constant 0 : i32
        %dma_wait3A_214 = arith.constant 0 : i32
        %dma_wait3A_215 = tpu.memref_slice %arg9[%dma_wait3A_213, %dma_wait3A_214] : memref<10112x128xf32, #tpu.memory_space<vmem_shared>> -> memref<10112x128xf32, #tpu.memory_space<vmem_shared>>
        tpu.wait_indirect_dma semaphore(%run_scoped3A_195 : memref<!tpu.dma_semaphore, #tpu.memory_space<semaphore_mem>>) src(%dma_wait3A_209 : memref<128x128xf32, #tpu.memory_space<vmem>>) dst(%dma_wait3A_215 : memref<10112x128xf32, #tpu.memory_space<vmem_shared>>)
        tpu.yield
      }) : () -> ()
    }
    %scan3A_39 = arith.constant 19 : i32
    %dma_start3A_40 = arith.constant 39 : i32
    %dma_start3A_41 = arith.constant 1 : i32
    %dma_start3A_42 = arith.constant 0 : i32
    %dma_start3A_43 = arith.constant 0 : i32
    %dma_start3A_44 = tpu.memref_slice %arg8[%dma_start3A_41, %dma_start3A_42, %dma_start3A_43] : memref<2x128x128xf32, #tpu.memory_space<vmem>> -> memref<1x128x128xf32, #tpu.memory_space<vmem>>
    %dma_start3A_45 = tpu.memref_squeeze %dma_start3A_44 : memref<1x128x128xf32, #tpu.memory_space<vmem>> -> memref<128x128xf32, #tpu.memory_space<vmem>>
    %dma_start3A_46 = arith.constant 0 : i32
    %dma_start3A_47 = tpu.memref_slice %arg6[%dma_start3A_40, %dma_start3A_46] : memref<40x128xi32, #tpu.memory_space<vmem>> -> memref<1x128xi32, #tpu.memory_space<vmem>>
    %dma_start3A_48 = tpu.memref_squeeze %dma_start3A_47 : memref<1x128xi32, #tpu.memory_space<vmem>> -> memref<128xi32, #tpu.memory_space<vmem>>
    %dma_start3A_49 = arith.constant 0 : i32
    %dma_start3A_50 = arith.constant 0 : i32
    %dma_start3A_51 = tpu.memref_slice %arg2[%dma_start3A_49, %dma_start3A_50] : memref<10000x128xf32, #tpu.memory_space<hbm>> -> memref<10000x128xf32, #tpu.memory_space<hbm>>
    tpu.enqueue_indirect_dma source(%dma_start3A_51 : memref<10000x128xf32, #tpu.memory_space<hbm>>) target(%dma_start3A_45 : memref<128x128xf32, #tpu.memory_space<vmem>>) offsets(%dma_start3A_48 : memref<128xi32, #tpu.memory_space<vmem>>) semaphore(%arg11 : memref<!tpu.dma_semaphore, #tpu.memory_space<semaphore_mem>>)
    %dma_wait3A = arith.constant 0 : i32
    %dma_wait3A_52 = arith.constant 0 : i32
    %dma_wait3A_53 = arith.constant 0 : i32
    %dma_wait3A_54 = arith.constant 0 : i32
    %dma_wait3A_55 = tpu.memref_slice %arg8[%dma_wait3A_52, %dma_wait3A_53, %dma_wait3A_54] : memref<2x128x128xf32, #tpu.memory_space<vmem>> -> memref<1x128x128xf32, #tpu.memory_space<vmem>>
    %dma_wait3A_56 = tpu.memref_squeeze %dma_wait3A_55 : memref<1x128x128xf32, #tpu.memory_space<vmem>> -> memref<128x128xf32, #tpu.memory_space<vmem>>
    %dma_wait3A_57 = arith.constant 0 : i32
    %dma_wait3A_58 = tpu.memref_slice %arg6[%dma_wait3A, %dma_wait3A_57] : memref<40x128xi32, #tpu.memory_space<vmem>> -> memref<1x128xi32, #tpu.memory_space<vmem>>
    %dma_wait3A_59 = tpu.memref_squeeze %dma_wait3A_58 : memref<1x128xi32, #tpu.memory_space<vmem>> -> memref<128xi32, #tpu.memory_space<vmem>>
    %dma_wait3A_60 = arith.constant 0 : i32
    %dma_wait3A_61 = arith.constant 0 : i32
    %dma_wait3A_62 = tpu.memref_slice %arg2[%dma_wait3A_60, %dma_wait3A_61] : memref<10000x128xf32, #tpu.memory_space<hbm>> -> memref<10000x128xf32, #tpu.memory_space<hbm>>
    tpu.wait_indirect_dma semaphore(%arg10 : memref<!tpu.dma_semaphore, #tpu.memory_space<semaphore_mem>>) src(%dma_wait3A_62 : memref<10000x128xf32, #tpu.memory_space<hbm>>) dst(%dma_wait3A_56 : memref<128x128xf32, #tpu.memory_space<vmem>>)
    %run_scoped3A_63 = arith.constant 0 : i32
    %run_scoped3A_64 = arith.constant 38 : i32
    "tpu.region"() ({
      %run_scoped3A_138 = tpu.sem_alloc : memref<!tpu.dma_semaphore, #tpu.memory_space<semaphore_mem>>
      %dma_start3A_139 = arith.constant 0 : i32
      %dma_start3A_140 = arith.constant 0 : i32
      %dma_start3A_141 = tpu.memref_slice %arg8[%run_scoped3A_63, %dma_start3A_139, %dma_start3A_140] : memref<2x128x128xf32, #tpu.memory_space<vmem>> -> memref<1x128x128xf32, #tpu.memory_space<vmem>>
      %dma_start3A_142 = tpu.memref_squeeze %dma_start3A_141 : memref<1x128x128xf32, #tpu.memory_space<vmem>> -> memref<128x128xf32, #tpu.memory_space<vmem>>
      %dma_start3A_143 = arith.constant 0 : i32
      %dma_start3A_144 = tpu.memref_slice %arg7[%run_scoped3A_64, %dma_start3A_143] : memref<40x128xi32, #tpu.memory_space<vmem>> -> memref<1x128xi32, #tpu.memory_space<vmem>>
      %dma_start3A_145 = tpu.memref_squeeze %dma_start3A_144 : memref<1x128xi32, #tpu.memory_space<vmem>> -> memref<128xi32, #tpu.memory_space<vmem>>
      %dma_start3A_146 = arith.constant 0 : i32
      %dma_start3A_147 = arith.constant 0 : i32
      %dma_start3A_148 = tpu.memref_slice %arg9[%dma_start3A_146, %dma_start3A_147] : memref<10112x128xf32, #tpu.memory_space<vmem_shared>> -> memref<10112x128xf32, #tpu.memory_space<vmem_shared>>
      tpu.enqueue_indirect_dma source(%dma_start3A_142 : memref<128x128xf32, #tpu.memory_space<vmem>>) target(%dma_start3A_148 : memref<10112x128xf32, #tpu.memory_space<vmem_shared>>) offsets(%dma_start3A_145 : memref<128xi32, #tpu.memory_space<vmem>>) semaphore(%run_scoped3A_138 : memref<!tpu.dma_semaphore, #tpu.memory_space<semaphore_mem>>) {add = true}
      %dma_wait3A_149 = arith.constant 0 : i32
      %dma_wait3A_150 = arith.constant 0 : i32
      %dma_wait3A_151 = tpu.memref_slice %arg8[%run_scoped3A_63, %dma_wait3A_149, %dma_wait3A_150] : memref<2x128x128xf32, #tpu.memory_space<vmem>> -> memref<1x128x128xf32, #tpu.memory_space<vmem>>
      %dma_wait3A_152 = tpu.memref_squeeze %dma_wait3A_151 : memref<1x128x128xf32, #tpu.memory_space<vmem>> -> memref<128x128xf32, #tpu.memory_space<vmem>>
      %dma_wait3A_153 = arith.constant 0 : i32
      %dma_wait3A_154 = tpu.memref_slice %arg7[%run_scoped3A_64, %dma_wait3A_153] : memref<40x128xi32, #tpu.memory_space<vmem>> -> memref<1x128xi32, #tpu.memory_space<vmem>>
      %dma_wait3A_155 = tpu.memref_squeeze %dma_wait3A_154 : memref<1x128xi32, #tpu.memory_space<vmem>> -> memref<128xi32, #tpu.memory_space<vmem>>
      %dma_wait3A_156 = arith.constant 0 : i32
      %dma_wait3A_157 = arith.constant 0 : i32
      %dma_wait3A_158 = tpu.memref_slice %arg9[%dma_wait3A_156, %dma_wait3A_157] : memref<10112x128xf32, #tpu.memory_space<vmem_shared>> -> memref<10112x128xf32, #tpu.memory_space<vmem_shared>>
      tpu.wait_indirect_dma semaphore(%run_scoped3A_138 : memref<!tpu.dma_semaphore, #tpu.memory_space<semaphore_mem>>) src(%dma_wait3A_152 : memref<128x128xf32, #tpu.memory_space<vmem>>) dst(%dma_wait3A_158 : memref<10112x128xf32, #tpu.memory_space<vmem_shared>>)
      tpu.yield
    }) : () -> ()
    %dma_wait3A_65 = arith.constant 0 : i32
    %dma_wait3A_66 = arith.constant 1 : i32
    %dma_wait3A_67 = arith.constant 0 : i32
    %dma_wait3A_68 = arith.constant 0 : i32
    %dma_wait3A_69 = tpu.memref_slice %arg8[%dma_wait3A_66, %dma_wait3A_67, %dma_wait3A_68] : memref<2x128x128xf32, #tpu.memory_space<vmem>> -> memref<1x128x128xf32, #tpu.memory_space<vmem>>
    %dma_wait3A_70 = tpu.memref_squeeze %dma_wait3A_69 : memref<1x128x128xf32, #tpu.memory_space<vmem>> -> memref<128x128xf32, #tpu.memory_space<vmem>>
    %dma_wait3A_71 = arith.constant 0 : i32
    %dma_wait3A_72 = tpu.memref_slice %arg6[%dma_wait3A_65, %dma_wait3A_71] : memref<40x128xi32, #tpu.memory_space<vmem>> -> memref<1x128xi32, #tpu.memory_space<vmem>>
    %dma_wait3A_73 = tpu.memref_squeeze %dma_wait3A_72 : memref<1x128xi32, #tpu.memory_space<vmem>> -> memref<128xi32, #tpu.memory_space<vmem>>
    %dma_wait3A_74 = arith.constant 0 : i32
    %dma_wait3A_75 = arith.constant 0 : i32
    %dma_wait3A_76 = tpu.memref_slice %arg2[%dma_wait3A_74, %dma_wait3A_75] : memref<10000x128xf32, #tpu.memory_space<hbm>> -> memref<10000x128xf32, #tpu.memory_space<hbm>>
    tpu.wait_indirect_dma semaphore(%arg11 : memref<!tpu.dma_semaphore, #tpu.memory_space<semaphore_mem>>) src(%dma_wait3A_76 : memref<10000x128xf32, #tpu.memory_space<hbm>>) dst(%dma_wait3A_70 : memref<128x128xf32, #tpu.memory_space<vmem>>)
    %run_scoped3A_77 = arith.constant 1 : i32
    %run_scoped3A_78 = arith.constant 39 : i32
    "tpu.region"() ({
      %run_scoped3A_138 = tpu.sem_alloc : memref<!tpu.dma_semaphore, #tpu.memory_space<semaphore_mem>>
      %dma_start3A_139 = arith.constant 0 : i32
      %dma_start3A_140 = arith.constant 0 : i32
      %dma_start3A_141 = tpu.memref_slice %arg8[%run_scoped3A_77, %dma_start3A_139, %dma_start3A_140] : memref<2x128x128xf32, #tpu.memory_space<vmem>> -> memref<1x128x128xf32, #tpu.memory_space<vmem>>
      %dma_start3A_142 = tpu.memref_squeeze %dma_start3A_141 : memref<1x128x128xf32, #tpu.memory_space<vmem>> -> memref<128x128xf32, #tpu.memory_space<vmem>>
      %dma_start3A_143 = arith.constant 0 : i32
      %dma_start3A_144 = tpu.memref_slice %arg7[%run_scoped3A_78, %dma_start3A_143] : memref<40x128xi32, #tpu.memory_space<vmem>> -> memref<1x128xi32, #tpu.memory_space<vmem>>
      %dma_start3A_145 = tpu.memref_squeeze %dma_start3A_144 : memref<1x128xi32, #tpu.memory_space<vmem>> -> memref<128xi32, #tpu.memory_space<vmem>>
      %dma_start3A_146 = arith.constant 0 : i32
      %dma_start3A_147 = arith.constant 0 : i32
      %dma_start3A_148 = tpu.memref_slice %arg9[%dma_start3A_146, %dma_start3A_147] : memref<10112x128xf32, #tpu.memory_space<vmem_shared>> -> memref<10112x128xf32, #tpu.memory_space<vmem_shared>>
      tpu.enqueue_indirect_dma source(%dma_start3A_142 : memref<128x128xf32, #tpu.memory_space<vmem>>) target(%dma_start3A_148 : memref<10112x128xf32, #tpu.memory_space<vmem_shared>>) offsets(%dma_start3A_145 : memref<128xi32, #tpu.memory_space<vmem>>) semaphore(%run_scoped3A_138 : memref<!tpu.dma_semaphore, #tpu.memory_space<semaphore_mem>>) {add = true}
      %dma_wait3A_149 = arith.constant 0 : i32
      %dma_wait3A_150 = arith.constant 0 : i32
      %dma_wait3A_151 = tpu.memref_slice %arg8[%run_scoped3A_77, %dma_wait3A_149, %dma_wait3A_150] : memref<2x128x128xf32, #tpu.memory_space<vmem>> -> memref<1x128x128xf32, #tpu.memory_space<vmem>>
      %dma_wait3A_152 = tpu.memref_squeeze %dma_wait3A_151 : memref<1x128x128xf32, #tpu.memory_space<vmem>> -> memref<128x128xf32, #tpu.memory_space<vmem>>
      %dma_wait3A_153 = arith.constant 0 : i32
      %dma_wait3A_154 = tpu.memref_slice %arg7[%run_scoped3A_78, %dma_wait3A_153] : memref<40x128xi32, #tpu.memory_space<vmem>> -> memref<1x128xi32, #tpu.memory_space<vmem>>
      %dma_wait3A_155 = tpu.memref_squeeze %dma_wait3A_154 : memref<1x128xi32, #tpu.memory_space<vmem>> -> memref<128xi32, #tpu.memory_space<vmem>>
      %dma_wait3A_156 = arith.constant 0 : i32
      %dma_wait3A_157 = arith.constant 0 : i32
      %dma_wait3A_158 = tpu.memref_slice %arg9[%dma_wait3A_156, %dma_wait3A_157] : memref<10112x128xf32, #tpu.memory_space<vmem_shared>> -> memref<10112x128xf32, #tpu.memory_space<vmem_shared>>
      tpu.wait_indirect_dma semaphore(%run_scoped3A_138 : memref<!tpu.dma_semaphore, #tpu.memory_space<semaphore_mem>>) src(%dma_wait3A_152 : memref<128x128xf32, #tpu.memory_space<vmem>>) dst(%dma_wait3A_158 : memref<10112x128xf32, #tpu.memory_space<vmem_shared>>)
      tpu.yield
    }) : () -> ()
    "tpu.region"() ({
      %run_scoped3A_138 = tpu.sem_alloc : memref<!tpu.dma_semaphore, #tpu.memory_space<semaphore_mem>>
      %dma_start3A_139 = arith.constant 40 : i32
      %dma_start3A_140 = arith.constant 0 : i32
      %dma_start3A_141 = tpu.memref_slice %arg3[%add3A, %dma_start3A_139, %dma_start3A_140] : memref<32x80x128xi32, #tpu.memory_space<hbm>> -> memref<1x40x128xi32, #tpu.memory_space<hbm>>
      %dma_start3A_142 = tpu.memref_squeeze %dma_start3A_141 : memref<1x40x128xi32, #tpu.memory_space<hbm>> -> memref<40x128xi32, #tpu.memory_space<hbm>>
      %dma_start3A_143 = arith.constant 40 : i32
      %dma_start3A_144 = arith.constant 0 : i32
      %dma_start3A_145 = tpu.memref_slice %arg3[%add3A, %dma_start3A_143, %dma_start3A_144] : memref<32x80x128xi32, #tpu.memory_space<hbm>> -> memref<1x40x128xi32, #tpu.memory_space<hbm>>
      %dma_start3A_146 = tpu.memref_squeeze %dma_start3A_145 : memref<1x40x128xi32, #tpu.memory_space<hbm>> -> memref<40x128xi32, #tpu.memory_space<hbm>>
      tpu.enqueue_dma source(%dma_start3A_146 : memref<40x128xi32, #tpu.memory_space<hbm>>) target(%arg6 : memref<40x128xi32, #tpu.memory_space<vmem>>) target_semaphore(%run_scoped3A_138 : memref<!tpu.dma_semaphore, #tpu.memory_space<semaphore_mem>>)
      %dma_wait3A_147 = arith.constant 40 : i32
      %dma_wait3A_148 = arith.constant 0 : i32
      %dma_wait3A_149 = tpu.memref_slice %arg3[%add3A, %dma_wait3A_147, %dma_wait3A_148] : memref<32x80x128xi32, #tpu.memory_space<hbm>> -> memref<1x40x128xi32, #tpu.memory_space<hbm>>
      %dma_wait3A_150 = tpu.memref_squeeze %dma_wait3A_149 : memref<1x40x128xi32, #tpu.memory_space<hbm>> -> memref<40x128xi32, #tpu.memory_space<hbm>>
      %dma_wait3A_151 = arith.constant 40 : i32
      %dma_wait3A_152 = arith.constant 0 : i32
      %dma_wait3A_153 = tpu.memref_slice %arg3[%add3A, %dma_wait3A_151, %dma_wait3A_152] : memref<32x80x128xi32, #tpu.memory_space<hbm>> -> memref<1x40x128xi32, #tpu.memory_space<hbm>>
      %dma_wait3A_154 = tpu.memref_squeeze %dma_wait3A_153 : memref<1x40x128xi32, #tpu.memory_space<hbm>> -> memref<40x128xi32, #tpu.memory_space<hbm>>
      tpu.wait_dma2 semaphore(%run_scoped3A_138 : memref<!tpu.dma_semaphore, #tpu.memory_space<semaphore_mem>>) src(%dma_wait3A_154 : memref<40x128xi32, #tpu.memory_space<hbm>>) dst(%arg6 : memref<40x128xi32, #tpu.memory_space<vmem>>)
      tpu.yield
    }) : () -> ()
    "tpu.region"() ({
      %run_scoped3A_138 = tpu.sem_alloc : memref<!tpu.dma_semaphore, #tpu.memory_space<semaphore_mem>>
      %dma_start3A_139 = arith.constant 40 : i32
      %dma_start3A_140 = arith.constant 0 : i32
      %dma_start3A_141 = tpu.memref_slice %arg4[%add3A, %dma_start3A_139, %dma_start3A_140] : memref<32x80x128xi32, #tpu.memory_space<hbm>> -> memref<1x40x128xi32, #tpu.memory_space<hbm>>
      %dma_start3A_142 = tpu.memref_squeeze %dma_start3A_141 : memref<1x40x128xi32, #tpu.memory_space<hbm>> -> memref<40x128xi32, #tpu.memory_space<hbm>>
      %dma_start3A_143 = arith.constant 40 : i32
      %dma_start3A_144 = arith.constant 0 : i32
      %dma_start3A_145 = tpu.memref_slice %arg4[%add3A, %dma_start3A_143, %dma_start3A_144] : memref<32x80x128xi32, #tpu.memory_space<hbm>> -> memref<1x40x128xi32, #tpu.memory_space<hbm>>
      %dma_start3A_146 = tpu.memref_squeeze %dma_start3A_145 : memref<1x40x128xi32, #tpu.memory_space<hbm>> -> memref<40x128xi32, #tpu.memory_space<hbm>>
      tpu.enqueue_dma source(%dma_start3A_146 : memref<40x128xi32, #tpu.memory_space<hbm>>) target(%arg7 : memref<40x128xi32, #tpu.memory_space<vmem>>) target_semaphore(%run_scoped3A_138 : memref<!tpu.dma_semaphore, #tpu.memory_space<semaphore_mem>>)
      %dma_wait3A_147 = arith.constant 40 : i32
      %dma_wait3A_148 = arith.constant 0 : i32
      %dma_wait3A_149 = tpu.memref_slice %arg4[%add3A, %dma_wait3A_147, %dma_wait3A_148] : memref<32x80x128xi32, #tpu.memory_space<hbm>> -> memref<1x40x128xi32, #tpu.memory_space<hbm>>
      %dma_wait3A_150 = tpu.memref_squeeze %dma_wait3A_149 : memref<1x40x128xi32, #tpu.memory_space<hbm>> -> memref<40x128xi32, #tpu.memory_space<hbm>>
      %dma_wait3A_151 = arith.constant 40 : i32
      %dma_wait3A_152 = arith.constant 0 : i32
      %dma_wait3A_153 = tpu.memref_slice %arg4[%add3A, %dma_wait3A_151, %dma_wait3A_152] : memref<32x80x128xi32, #tpu.memory_space<hbm>> -> memref<1x40x128xi32, #tpu.memory_space<hbm>>
      %dma_wait3A_154 = tpu.memref_squeeze %dma_wait3A_153 : memref<1x40x128xi32, #tpu.memory_space<hbm>> -> memref<40x128xi32, #tpu.memory_space<hbm>>
      tpu.wait_dma2 semaphore(%run_scoped3A_138 : memref<!tpu.dma_semaphore, #tpu.memory_space<semaphore_mem>>) src(%dma_wait3A_154 : memref<40x128xi32, #tpu.memory_space<hbm>>) dst(%arg7 : memref<40x128xi32, #tpu.memory_space<vmem>>)
      tpu.yield
    }) : () -> ()
    %dma_start3A_79 = arith.constant 0 : i32
    %dma_start3A_80 = arith.constant 0 : i32
    %dma_start3A_81 = arith.constant 0 : i32
    %dma_start3A_82 = arith.constant 0 : i32
    %dma_start3A_83 = tpu.memref_slice %arg8[%dma_start3A_80, %dma_start3A_81, %dma_start3A_82] : memref<2x128x128xf32, #tpu.memory_space<vmem>> -> memref<1x128x128xf32, #tpu.memory_space<vmem>>
    %dma_start3A_84 = tpu.memref_squeeze %dma_start3A_83 : memref<1x128x128xf32, #tpu.memory_space<vmem>> -> memref<128x128xf32, #tpu.memory_space<vmem>>
    %dma_start3A_85 = arith.constant 0 : i32
    %dma_start3A_86 = tpu.memref_slice %arg6[%dma_start3A_79, %dma_start3A_85] : memref<40x128xi32, #tpu.memory_space<vmem>> -> memref<1x128xi32, #tpu.memory_space<vmem>>
    %dma_start3A_87 = tpu.memref_squeeze %dma_start3A_86 : memref<1x128xi32, #tpu.memory_space<vmem>> -> memref<128xi32, #tpu.memory_space<vmem>>
    %dma_start3A_88 = arith.constant 0 : i32
    %dma_start3A_89 = arith.constant 0 : i32
    %dma_start3A_90 = tpu.memref_slice %arg2[%dma_start3A_88, %dma_start3A_89] : memref<10000x128xf32, #tpu.memory_space<hbm>> -> memref<10000x128xf32, #tpu.memory_space<hbm>>
    tpu.enqueue_indirect_dma source(%dma_start3A_90 : memref<10000x128xf32, #tpu.memory_space<hbm>>) target(%dma_start3A_84 : memref<128x128xf32, #tpu.memory_space<vmem>>) offsets(%dma_start3A_87 : memref<128xi32, #tpu.memory_space<vmem>>) semaphore(%arg10 : memref<!tpu.dma_semaphore, #tpu.memory_space<semaphore_mem>>)
    %scan3A_91 = arith.constant 0 : i32
    %scan3A_92 = arith.constant 0 : i32
    %scan3A_93 = arith.constant 19 : i32
    %scan3A_94 = arith.addi %scan3A_92, %scan3A_93 : i32
    %scan3A_95 = arith.constant 1 : i32
    scf.for %scan3A_138 = %scan3A_92 to %scan3A_94 step %scan3A_95  : i32 {
      %mul3A_139 = arith.constant 2 : i32
      %mul3A_140 = arith.muli %mul3A_139, %scan3A_138 : i32
      %add3A_141 = arith.constant 1 : i32
      %add3A_142 = arith.addi %mul3A_140, %add3A_141 : i32
      %dma_start3A_143 = arith.constant 1 : i32
      %dma_start3A_144 = arith.constant 0 : i32
      %dma_start3A_145 = arith.constant 0 : i32
      %dma_start3A_146 = tpu.memref_slice %arg8[%dma_start3A_143, %dma_start3A_144, %dma_start3A_145] : memref<2x128x128xf32, #tpu.memory_space<vmem>> -> memref<1x128x128xf32, #tpu.memory_space<vmem>>
      %dma_start3A_147 = tpu.memref_squeeze %dma_start3A_146 : memref<1x128x128xf32, #tpu.memory_space<vmem>> -> memref<128x128xf32, #tpu.memory_space<vmem>>
      %dma_start3A_148 = arith.constant 0 : i32
      %dma_start3A_149 = tpu.memref_slice %arg6[%add3A_142, %dma_start3A_148] : memref<40x128xi32, #tpu.memory_space<vmem>> -> memref<1x128xi32, #tpu.memory_space<vmem>>
      %dma_start3A_150 = tpu.memref_squeeze %dma_start3A_149 : memref<1x128xi32, #tpu.memory_space<vmem>> -> memref<128xi32, #tpu.memory_space<vmem>>
      %dma_start3A_151 = arith.constant 0 : i32
      %dma_start3A_152 = arith.constant 0 : i32
      %dma_start3A_153 = tpu.memref_slice %arg2[%dma_start3A_151, %dma_start3A_152] : memref<10000x128xf32, #tpu.memory_space<hbm>> -> memref<10000x128xf32, #tpu.memory_space<hbm>>
      tpu.enqueue_indirect_dma source(%dma_start3A_153 : memref<10000x128xf32, #tpu.memory_space<hbm>>) target(%dma_start3A_147 : memref<128x128xf32, #tpu.memory_space<vmem>>) offsets(%dma_start3A_150 : memref<128xi32, #tpu.memory_space<vmem>>) semaphore(%arg11 : memref<!tpu.dma_semaphore, #tpu.memory_space<semaphore_mem>>)
      %dma_wait3A_154 = arith.constant 0 : i32
      %dma_wait3A_155 = arith.constant 0 : i32
      %dma_wait3A_156 = arith.constant 0 : i32
      %dma_wait3A_157 = arith.constant 0 : i32
      %dma_wait3A_158 = tpu.memref_slice %arg8[%dma_wait3A_155, %dma_wait3A_156, %dma_wait3A_157] : memref<2x128x128xf32, #tpu.memory_space<vmem>> -> memref<1x128x128xf32, #tpu.memory_space<vmem>>
      %dma_wait3A_159 = tpu.memref_squeeze %dma_wait3A_158 : memref<1x128x128xf32, #tpu.memory_space<vmem>> -> memref<128x128xf32, #tpu.memory_space<vmem>>
      %dma_wait3A_160 = arith.constant 0 : i32
      %dma_wait3A_161 = tpu.memref_slice %arg6[%dma_wait3A_154, %dma_wait3A_160] : memref<40x128xi32, #tpu.memory_space<vmem>> -> memref<1x128xi32, #tpu.memory_space<vmem>>
      %dma_wait3A_162 = tpu.memref_squeeze %dma_wait3A_161 : memref<1x128xi32, #tpu.memory_space<vmem>> -> memref<128xi32, #tpu.memory_space<vmem>>
      %dma_wait3A_163 = arith.constant 0 : i32
      %dma_wait3A_164 = arith.constant 0 : i32
      %dma_wait3A_165 = tpu.memref_slice %arg2[%dma_wait3A_163, %dma_wait3A_164] : memref<10000x128xf32, #tpu.memory_space<hbm>> -> memref<10000x128xf32, #tpu.memory_space<hbm>>
      tpu.wait_indirect_dma semaphore(%arg10 : memref<!tpu.dma_semaphore, #tpu.memory_space<semaphore_mem>>) src(%dma_wait3A_165 : memref<10000x128xf32, #tpu.memory_space<hbm>>) dst(%dma_wait3A_159 : memref<128x128xf32, #tpu.memory_space<vmem>>)
      %run_scoped3A_166 = arith.constant 0 : i32
      "tpu.region"() ({
        %run_scoped3A_195 = tpu.sem_alloc : memref<!tpu.dma_semaphore, #tpu.memory_space<semaphore_mem>>
        %dma_start3A_196 = arith.constant 0 : i32
        %dma_start3A_197 = arith.constant 0 : i32
        %dma_start3A_198 = tpu.memref_slice %arg8[%run_scoped3A_166, %dma_start3A_196, %dma_start3A_197] : memref<2x128x128xf32, #tpu.memory_space<vmem>> -> memref<1x128x128xf32, #tpu.memory_space<vmem>>
        %dma_start3A_199 = tpu.memref_squeeze %dma_start3A_198 : memref<1x128x128xf32, #tpu.memory_space<vmem>> -> memref<128x128xf32, #tpu.memory_space<vmem>>
        %dma_start3A_200 = arith.constant 0 : i32
        %dma_start3A_201 = tpu.memref_slice %arg7[%mul3A_140, %dma_start3A_200] : memref<40x128xi32, #tpu.memory_space<vmem>> -> memref<1x128xi32, #tpu.memory_space<vmem>>
        %dma_start3A_202 = tpu.memref_squeeze %dma_start3A_201 : memref<1x128xi32, #tpu.memory_space<vmem>> -> memref<128xi32, #tpu.memory_space<vmem>>
        %dma_start3A_203 = arith.constant 0 : i32
        %dma_start3A_204 = arith.constant 0 : i32
        %dma_start3A_205 = tpu.memref_slice %arg9[%dma_start3A_203, %dma_start3A_204] : memref<10112x128xf32, #tpu.memory_space<vmem_shared>> -> memref<10112x128xf32, #tpu.memory_space<vmem_shared>>
        tpu.enqueue_indirect_dma source(%dma_start3A_199 : memref<128x128xf32, #tpu.memory_space<vmem>>) target(%dma_start3A_205 : memref<10112x128xf32, #tpu.memory_space<vmem_shared>>) offsets(%dma_start3A_202 : memref<128xi32, #tpu.memory_space<vmem>>) semaphore(%run_scoped3A_195 : memref<!tpu.dma_semaphore, #tpu.memory_space<semaphore_mem>>) {add = true}
        %dma_wait3A_206 = arith.constant 0 : i32
        %dma_wait3A_207 = arith.constant 0 : i32
        %dma_wait3A_208 = tpu.memref_slice %arg8[%run_scoped3A_166, %dma_wait3A_206, %dma_wait3A_207] : memref<2x128x128xf32, #tpu.memory_space<vmem>> -> memref<1x128x128xf32, #tpu.memory_space<vmem>>
        %dma_wait3A_209 = tpu.memref_squeeze %dma_wait3A_208 : memref<1x128x128xf32, #tpu.memory_space<vmem>> -> memref<128x128xf32, #tpu.memory_space<vmem>>
        %dma_wait3A_210 = arith.constant 0 : i32
        %dma_wait3A_211 = tpu.memref_slice %arg7[%mul3A_140, %dma_wait3A_210] : memref<40x128xi32, #tpu.memory_space<vmem>> -> memref<1x128xi32, #tpu.memory_space<vmem>>
        %dma_wait3A_212 = tpu.memref_squeeze %dma_wait3A_211 : memref<1x128xi32, #tpu.memory_space<vmem>> -> memref<128xi32, #tpu.memory_space<vmem>>
        %dma_wait3A_213 = arith.constant 0 : i32
        %dma_wait3A_214 = arith.constant 0 : i32
        %dma_wait3A_215 = tpu.memref_slice %arg9[%dma_wait3A_213, %dma_wait3A_214] : memref<10112x128xf32, #tpu.memory_space<vmem_shared>> -> memref<10112x128xf32, #tpu.memory_space<vmem_shared>>
        tpu.wait_indirect_dma semaphore(%run_scoped3A_195 : memref<!tpu.dma_semaphore, #tpu.memory_space<semaphore_mem>>) src(%dma_wait3A_209 : memref<128x128xf32, #tpu.memory_space<vmem>>) dst(%dma_wait3A_215 : memref<10112x128xf32, #tpu.memory_space<vmem_shared>>)
        tpu.yield
      }) : () -> ()
      %add3A_167 = arith.constant 2 : i32
      %add3A_168 = arith.addi %mul3A_140, %add3A_167 : i32
      %dma_start3A_169 = arith.constant 0 : i32
      %dma_start3A_170 = arith.constant 0 : i32
      %dma_start3A_171 = arith.constant 0 : i32
      %dma_start3A_172 = tpu.memref_slice %arg8[%dma_start3A_169, %dma_start3A_170, %dma_start3A_171] : memref<2x128x128xf32, #tpu.memory_space<vmem>> -> memref<1x128x128xf32, #tpu.memory_space<vmem>>
      %dma_start3A_173 = tpu.memref_squeeze %dma_start3A_172 : memref<1x128x128xf32, #tpu.memory_space<vmem>> -> memref<128x128xf32, #tpu.memory_space<vmem>>
      %dma_start3A_174 = arith.constant 0 : i32
      %dma_start3A_175 = tpu.memref_slice %arg6[%add3A_168, %dma_start3A_174] : memref<40x128xi32, #tpu.memory_space<vmem>> -> memref<1x128xi32, #tpu.memory_space<vmem>>
      %dma_start3A_176 = tpu.memref_squeeze %dma_start3A_175 : memref<1x128xi32, #tpu.memory_space<vmem>> -> memref<128xi32, #tpu.memory_space<vmem>>
      %dma_start3A_177 = arith.constant 0 : i32
      %dma_start3A_178 = arith.constant 0 : i32
      %dma_start3A_179 = tpu.memref_slice %arg2[%dma_start3A_177, %dma_start3A_178] : memref<10000x128xf32, #tpu.memory_space<hbm>> -> memref<10000x128xf32, #tpu.memory_space<hbm>>
      tpu.enqueue_indirect_dma source(%dma_start3A_179 : memref<10000x128xf32, #tpu.memory_space<hbm>>) target(%dma_start3A_173 : memref<128x128xf32, #tpu.memory_space<vmem>>) offsets(%dma_start3A_176 : memref<128xi32, #tpu.memory_space<vmem>>) semaphore(%arg10 : memref<!tpu.dma_semaphore, #tpu.memory_space<semaphore_mem>>)
      %dma_wait3A_180 = arith.constant 0 : i32
      %dma_wait3A_181 = arith.constant 1 : i32
      %dma_wait3A_182 = arith.constant 0 : i32
      %dma_wait3A_183 = arith.constant 0 : i32
      %dma_wait3A_184 = tpu.memref_slice %arg8[%dma_wait3A_181, %dma_wait3A_182, %dma_wait3A_183] : memref<2x128x128xf32, #tpu.memory_space<vmem>> -> memref<1x128x128xf32, #tpu.memory_space<vmem>>
      %dma_wait3A_185 = tpu.memref_squeeze %dma_wait3A_184 : memref<1x128x128xf32, #tpu.memory_space<vmem>> -> memref<128x128xf32, #tpu.memory_space<vmem>>
      %dma_wait3A_186 = arith.constant 0 : i32
      %dma_wait3A_187 = tpu.memref_slice %arg6[%dma_wait3A_180, %dma_wait3A_186] : memref<40x128xi32, #tpu.memory_space<vmem>> -> memref<1x128xi32, #tpu.memory_space<vmem>>
      %dma_wait3A_188 = tpu.memref_squeeze %dma_wait3A_187 : memref<1x128xi32, #tpu.memory_space<vmem>> -> memref<128xi32, #tpu.memory_space<vmem>>
      %dma_wait3A_189 = arith.constant 0 : i32
      %dma_wait3A_190 = arith.constant 0 : i32
      %dma_wait3A_191 = tpu.memref_slice %arg2[%dma_wait3A_189, %dma_wait3A_190] : memref<10000x128xf32, #tpu.memory_space<hbm>> -> memref<10000x128xf32, #tpu.memory_space<hbm>>
      tpu.wait_indirect_dma semaphore(%arg11 : memref<!tpu.dma_semaphore, #tpu.memory_space<semaphore_mem>>) src(%dma_wait3A_191 : memref<10000x128xf32, #tpu.memory_space<hbm>>) dst(%dma_wait3A_185 : memref<128x128xf32, #tpu.memory_space<vmem>>)
      %add3A_192 = arith.constant 1 : i32
      %add3A_193 = arith.addi %mul3A_140, %add3A_192 : i32
      %run_scoped3A_194 = arith.constant 1 : i32
      "tpu.region"() ({
        %run_scoped3A_195 = tpu.sem_alloc : memref<!tpu.dma_semaphore, #tpu.memory_space<semaphore_mem>>
        %dma_start3A_196 = arith.constant 0 : i32
        %dma_start3A_197 = arith.constant 0 : i32
        %dma_start3A_198 = tpu.memref_slice %arg8[%run_scoped3A_194, %dma_start3A_196, %dma_start3A_197] : memref<2x128x128xf32, #tpu.memory_space<vmem>> -> memref<1x128x128xf32, #tpu.memory_space<vmem>>
        %dma_start3A_199 = tpu.memref_squeeze %dma_start3A_198 : memref<1x128x128xf32, #tpu.memory_space<vmem>> -> memref<128x128xf32, #tpu.memory_space<vmem>>
        %dma_start3A_200 = arith.constant 0 : i32
        %dma_start3A_201 = tpu.memref_slice %arg7[%add3A_193, %dma_start3A_200] : memref<40x128xi32, #tpu.memory_space<vmem>> -> memref<1x128xi32, #tpu.memory_space<vmem>>
        %dma_start3A_202 = tpu.memref_squeeze %dma_start3A_201 : memref<1x128xi32, #tpu.memory_space<vmem>> -> memref<128xi32, #tpu.memory_space<vmem>>
        %dma_start3A_203 = arith.constant 0 : i32
        %dma_start3A_204 = arith.constant 0 : i32
        %dma_start3A_205 = tpu.memref_slice %arg9[%dma_start3A_203, %dma_start3A_204] : memref<10112x128xf32, #tpu.memory_space<vmem_shared>> -> memref<10112x128xf32, #tpu.memory_space<vmem_shared>>
        tpu.enqueue_indirect_dma source(%dma_start3A_199 : memref<128x128xf32, #tpu.memory_space<vmem>>) target(%dma_start3A_205 : memref<10112x128xf32, #tpu.memory_space<vmem_shared>>) offsets(%dma_start3A_202 : memref<128xi32, #tpu.memory_space<vmem>>) semaphore(%run_scoped3A_195 : memref<!tpu.dma_semaphore, #tpu.memory_space<semaphore_mem>>) {add = true}
        %dma_wait3A_206 = arith.constant 0 : i32
        %dma_wait3A_207 = arith.constant 0 : i32
        %dma_wait3A_208 = tpu.memref_slice %arg8[%run_scoped3A_194, %dma_wait3A_206, %dma_wait3A_207] : memref<2x128x128xf32, #tpu.memory_space<vmem>> -> memref<1x128x128xf32, #tpu.memory_space<vmem>>
        %dma_wait3A_209 = tpu.memref_squeeze %dma_wait3A_208 : memref<1x128x128xf32, #tpu.memory_space<vmem>> -> memref<128x128xf32, #tpu.memory_space<vmem>>
        %dma_wait3A_210 = arith.constant 0 : i32
        %dma_wait3A_211 = tpu.memref_slice %arg7[%add3A_193, %dma_wait3A_210] : memref<40x128xi32, #tpu.memory_space<vmem>> -> memref<1x128xi32, #tpu.memory_space<vmem>>
        %dma_wait3A_212 = tpu.memref_squeeze %dma_wait3A_211 : memref<1x128xi32, #tpu.memory_space<vmem>> -> memref<128xi32, #tpu.memory_space<vmem>>
        %dma_wait3A_213 = arith.constant 0 : i32
        %dma_wait3A_214 = arith.constant 0 : i32
        %dma_wait3A_215 = tpu.memref_slice %arg9[%dma_wait3A_213, %dma_wait3A_214] : memref<10112x128xf32, #tpu.memory_space<vmem_shared>> -> memref<10112x128xf32, #tpu.memory_space<vmem_shared>>
        tpu.wait_indirect_dma semaphore(%run_scoped3A_195 : memref<!tpu.dma_semaphore, #tpu.memory_space<semaphore_mem>>) src(%dma_wait3A_209 : memref<128x128xf32, #tpu.memory_space<vmem>>) dst(%dma_wait3A_215 : memref<10112x128xf32, #tpu.memory_space<vmem_shared>>)
        tpu.yield
      }) : () -> ()
    }
    %scan3A_96 = arith.constant 19 : i32
    %dma_start3A_97 = arith.constant 39 : i32
    %dma_start3A_98 = arith.constant 1 : i32
    %dma_start3A_99 = arith.constant 0 : i32
    %dma_start3A_100 = arith.constant 0 : i32
    %dma_start3A_101 = tpu.memref_slice %arg8[%dma_start3A_98, %dma_start3A_99, %dma_start3A_100] : memref<2x128x128xf32, #tpu.memory_space<vmem>> -> memref<1x128x128xf32, #tpu.memory_space<vmem>>
    %dma_start3A_102 = tpu.memref_squeeze %dma_start3A_101 : memref<1x128x128xf32, #tpu.memory_space<vmem>> -> memref<128x128xf32, #tpu.memory_space<vmem>>
    %dma_start3A_103 = arith.constant 0 : i32
    %dma_start3A_104 = tpu.memref_slice %arg6[%dma_start3A_97, %dma_start3A_103] : memref<40x128xi32, #tpu.memory_space<vmem>> -> memref<1x128xi32, #tpu.memory_space<vmem>>
    %dma_start3A_105 = tpu.memref_squeeze %dma_start3A_104 : memref<1x128xi32, #tpu.memory_space<vmem>> -> memref<128xi32, #tpu.memory_space<vmem>>
    %dma_start3A_106 = arith.constant 0 : i32
    %dma_start3A_107 = arith.constant 0 : i32
    %dma_start3A_108 = tpu.memref_slice %arg2[%dma_start3A_106, %dma_start3A_107] : memref<10000x128xf32, #tpu.memory_space<hbm>> -> memref<10000x128xf32, #tpu.memory_space<hbm>>
    tpu.enqueue_indirect_dma source(%dma_start3A_108 : memref<10000x128xf32, #tpu.memory_space<hbm>>) target(%dma_start3A_102 : memref<128x128xf32, #tpu.memory_space<vmem>>) offsets(%dma_start3A_105 : memref<128xi32, #tpu.memory_space<vmem>>) semaphore(%arg11 : memref<!tpu.dma_semaphore, #tpu.memory_space<semaphore_mem>>)
    %dma_wait3A_109 = arith.constant 0 : i32
    %dma_wait3A_110 = arith.constant 0 : i32
    %dma_wait3A_111 = arith.constant 0 : i32
    %dma_wait3A_112 = arith.constant 0 : i32
    %dma_wait3A_113 = tpu.memref_slice %arg8[%dma_wait3A_110, %dma_wait3A_111, %dma_wait3A_112] : memref<2x128x128xf32, #tpu.memory_space<vmem>> -> memref<1x128x128xf32, #tpu.memory_space<vmem>>
    %dma_wait3A_114 = tpu.memref_squeeze %dma_wait3A_113 : memref<1x128x128xf32, #tpu.memory_space<vmem>> -> memref<128x128xf32, #tpu.memory_space<vmem>>
    %dma_wait3A_115 = arith.constant 0 : i32
    %dma_wait3A_116 = tpu.memref_slice %arg6[%dma_wait3A_109, %dma_wait3A_115] : memref<40x128xi32, #tpu.memory_space<vmem>> -> memref<1x128xi32, #tpu.memory_space<vmem>>
    %dma_wait3A_117 = tpu.memref_squeeze %dma_wait3A_116 : memref<1x128xi32, #tpu.memory_space<vmem>> -> memref<128xi32, #tpu.memory_space<vmem>>
    %dma_wait3A_118 = arith.constant 0 : i32
    %dma_wait3A_119 = arith.constant 0 : i32
    %dma_wait3A_120 = tpu.memref_slice %arg2[%dma_wait3A_118, %dma_wait3A_119] : memref<10000x128xf32, #tpu.memory_space<hbm>> -> memref<10000x128xf32, #tpu.memory_space<hbm>>
    tpu.wait_indirect_dma semaphore(%arg10 : memref<!tpu.dma_semaphore, #tpu.memory_space<semaphore_mem>>) src(%dma_wait3A_120 : memref<10000x128xf32, #tpu.memory_space<hbm>>) dst(%dma_wait3A_114 : memref<128x128xf32, #tpu.memory_space<vmem>>)
    %run_scoped3A_121 = arith.constant 0 : i32
    %run_scoped3A_122 = arith.constant 38 : i32
    "tpu.region"() ({
      %run_scoped3A_138 = tpu.sem_alloc : memref<!tpu.dma_semaphore, #tpu.memory_space<semaphore_mem>>
      %dma_start3A_139 = arith.constant 0 : i32
      %dma_start3A_140 = arith.constant 0 : i32
      %dma_start3A_141 = tpu.memref_slice %arg8[%run_scoped3A_121, %dma_start3A_139, %dma_start3A_140] : memref<2x128x128xf32, #tpu.memory_space<vmem>> -> memref<1x128x128xf32, #tpu.memory_space<vmem>>
      %dma_start3A_142 = tpu.memref_squeeze %dma_start3A_141 : memref<1x128x128xf32, #tpu.memory_space<vmem>> -> memref<128x128xf32, #tpu.memory_space<vmem>>
      %dma_start3A_143 = arith.constant 0 : i32
      %dma_start3A_144 = tpu.memref_slice %arg7[%run_scoped3A_122, %dma_start3A_143] : memref<40x128xi32, #tpu.memory_space<vmem>> -> memref<1x128xi32, #tpu.memory_space<vmem>>
      %dma_start3A_145 = tpu.memref_squeeze %dma_start3A_144 : memref<1x128xi32, #tpu.memory_space<vmem>> -> memref<128xi32, #tpu.memory_space<vmem>>
      %dma_start3A_146 = arith.constant 0 : i32
      %dma_start3A_147 = arith.constant 0 : i32
      %dma_start3A_148 = tpu.memref_slice %arg9[%dma_start3A_146, %dma_start3A_147] : memref<10112x128xf32, #tpu.memory_space<vmem_shared>> -> memref<10112x128xf32, #tpu.memory_space<vmem_shared>>
      tpu.enqueue_indirect_dma source(%dma_start3A_142 : memref<128x128xf32, #tpu.memory_space<vmem>>) target(%dma_start3A_148 : memref<10112x128xf32, #tpu.memory_space<vmem_shared>>) offsets(%dma_start3A_145 : memref<128xi32, #tpu.memory_space<vmem>>) semaphore(%run_scoped3A_138 : memref<!tpu.dma_semaphore, #tpu.memory_space<semaphore_mem>>) {add = true}
      %dma_wait3A_149 = arith.constant 0 : i32
      %dma_wait3A_150 = arith.constant 0 : i32
      %dma_wait3A_151 = tpu.memref_slice %arg8[%run_scoped3A_121, %dma_wait3A_149, %dma_wait3A_150] : memref<2x128x128xf32, #tpu.memory_space<vmem>> -> memref<1x128x128xf32, #tpu.memory_space<vmem>>
      %dma_wait3A_152 = tpu.memref_squeeze %dma_wait3A_151 : memref<1x128x128xf32, #tpu.memory_space<vmem>> -> memref<128x128xf32, #tpu.memory_space<vmem>>
      %dma_wait3A_153 = arith.constant 0 : i32
      %dma_wait3A_154 = tpu.memref_slice %arg7[%run_scoped3A_122, %dma_wait3A_153] : memref<40x128xi32, #tpu.memory_space<vmem>> -> memref<1x128xi32, #tpu.memory_space<vmem>>
      %dma_wait3A_155 = tpu.memref_squeeze %dma_wait3A_154 : memref<1x128xi32, #tpu.memory_space<vmem>> -> memref<128xi32, #tpu.memory_space<vmem>>
      %dma_wait3A_156 = arith.constant 0 : i32
      %dma_wait3A_157 = arith.constant 0 : i32
      %dma_wait3A_158 = tpu.memref_slice %arg9[%dma_wait3A_156, %dma_wait3A_157] : memref<10112x128xf32, #tpu.memory_space<vmem_shared>> -> memref<10112x128xf32, #tpu.memory_space<vmem_shared>>
      tpu.wait_indirect_dma semaphore(%run_scoped3A_138 : memref<!tpu.dma_semaphore, #tpu.memory_space<semaphore_mem>>) src(%dma_wait3A_152 : memref<128x128xf32, #tpu.memory_space<vmem>>) dst(%dma_wait3A_158 : memref<10112x128xf32, #tpu.memory_space<vmem_shared>>)
      tpu.yield
    }) : () -> ()
    %dma_wait3A_123 = arith.constant 0 : i32
    %dma_wait3A_124 = arith.constant 1 : i32
    %dma_wait3A_125 = arith.constant 0 : i32
    %dma_wait3A_126 = arith.constant 0 : i32
    %dma_wait3A_127 = tpu.memref_slice %arg8[%dma_wait3A_124, %dma_wait3A_125, %dma_wait3A_126] : memref<2x128x128xf32, #tpu.memory_space<vmem>> -> memref<1x128x128xf32, #tpu.memory_space<vmem>>
    %dma_wait3A_128 = tpu.memref_squeeze %dma_wait3A_127 : memref<1x128x128xf32, #tpu.memory_space<vmem>> -> memref<128x128xf32, #tpu.memory_space<vmem>>
    %dma_wait3A_129 = arith.constant 0 : i32
    %dma_wait3A_130 = tpu.memref_slice %arg6[%dma_wait3A_123, %dma_wait3A_129] : memref<40x128xi32, #tpu.memory_space<vmem>> -> memref<1x128xi32, #tpu.memory_space<vmem>>
    %dma_wait3A_131 = tpu.memref_squeeze %dma_wait3A_130 : memref<1x128xi32, #tpu.memory_space<vmem>> -> memref<128xi32, #tpu.memory_space<vmem>>
    %dma_wait3A_132 = arith.constant 0 : i32
    %dma_wait3A_133 = arith.constant 0 : i32
    %dma_wait3A_134 = tpu.memref_slice %arg2[%dma_wait3A_132, %dma_wait3A_133] : memref<10000x128xf32, #tpu.memory_space<hbm>> -> memref<10000x128xf32, #tpu.memory_space<hbm>>
    tpu.wait_indirect_dma semaphore(%arg11 : memref<!tpu.dma_semaphore, #tpu.memory_space<semaphore_mem>>) src(%dma_wait3A_134 : memref<10000x128xf32, #tpu.memory_space<hbm>>) dst(%dma_wait3A_128 : memref<128x128xf32, #tpu.memory_space<vmem>>)
    %run_scoped3A_135 = arith.constant 1 : i32
    %run_scoped3A_136 = arith.constant 39 : i32
    "tpu.region"() ({
      %run_scoped3A_138 = tpu.sem_alloc : memref<!tpu.dma_semaphore, #tpu.memory_space<semaphore_mem>>
      %dma_start3A_139 = arith.constant 0 : i32
      %dma_start3A_140 = arith.constant 0 : i32
      %dma_start3A_141 = tpu.memref_slice %arg8[%run_scoped3A_135, %dma_start3A_139, %dma_start3A_140] : memref<2x128x128xf32, #tpu.memory_space<vmem>> -> memref<1x128x128xf32, #tpu.memory_space<vmem>>
      %dma_start3A_142 = tpu.memref_squeeze %dma_start3A_141 : memref<1x128x128xf32, #tpu.memory_space<vmem>> -> memref<128x128xf32, #tpu.memory_space<vmem>>
      %dma_start3A_143 = arith.constant 0 : i32
      %dma_start3A_144 = tpu.memref_slice %arg7[%run_scoped3A_136, %dma_start3A_143] : memref<40x128xi32, #tpu.memory_space<vmem>> -> memref<1x128xi32, #tpu.memory_space<vmem>>
      %dma_start3A_145 = tpu.memref_squeeze %dma_start3A_144 : memref<1x128xi32, #tpu.memory_space<vmem>> -> memref<128xi32, #tpu.memory_space<vmem>>
      %dma_start3A_146 = arith.constant 0 : i32
      %dma_start3A_147 = arith.constant 0 : i32
      %dma_start3A_148 = tpu.memref_slice %arg9[%dma_start3A_146, %dma_start3A_147] : memref<10112x128xf32, #tpu.memory_space<vmem_shared>> -> memref<10112x128xf32, #tpu.memory_space<vmem_shared>>
      tpu.enqueue_indirect_dma source(%dma_start3A_142 : memref<128x128xf32, #tpu.memory_space<vmem>>) target(%dma_start3A_148 : memref<10112x128xf32, #tpu.memory_space<vmem_shared>>) offsets(%dma_start3A_145 : memref<128xi32, #tpu.memory_space<vmem>>) semaphore(%run_scoped3A_138 : memref<!tpu.dma_semaphore, #tpu.memory_space<semaphore_mem>>) {add = true}
      %dma_wait3A_149 = arith.constant 0 : i32
      %dma_wait3A_150 = arith.constant 0 : i32
      %dma_wait3A_151 = tpu.memref_slice %arg8[%run_scoped3A_135, %dma_wait3A_149, %dma_wait3A_150] : memref<2x128x128xf32, #tpu.memory_space<vmem>> -> memref<1x128x128xf32, #tpu.memory_space<vmem>>
      %dma_wait3A_152 = tpu.memref_squeeze %dma_wait3A_151 : memref<1x128x128xf32, #tpu.memory_space<vmem>> -> memref<128x128xf32, #tpu.memory_space<vmem>>
      %dma_wait3A_153 = arith.constant 0 : i32
      %dma_wait3A_154 = tpu.memref_slice %arg7[%run_scoped3A_136, %dma_wait3A_153] : memref<40x128xi32, #tpu.memory_space<vmem>> -> memref<1x128xi32, #tpu.memory_space<vmem>>
      %dma_wait3A_155 = tpu.memref_squeeze %dma_wait3A_154 : memref<1x128xi32, #tpu.memory_space<vmem>> -> memref<128xi32, #tpu.memory_space<vmem>>
      %dma_wait3A_156 = arith.constant 0 : i32
      %dma_wait3A_157 = arith.constant 0 : i32
      %dma_wait3A_158 = tpu.memref_slice %arg9[%dma_wait3A_156, %dma_wait3A_157] : memref<10112x128xf32, #tpu.memory_space<vmem_shared>> -> memref<10112x128xf32, #tpu.memory_space<vmem_shared>>
      tpu.wait_indirect_dma semaphore(%run_scoped3A_138 : memref<!tpu.dma_semaphore, #tpu.memory_space<semaphore_mem>>) src(%dma_wait3A_152 : memref<128x128xf32, #tpu.memory_space<vmem>>) dst(%dma_wait3A_158 : memref<10112x128xf32, #tpu.memory_space<vmem_shared>>)
      tpu.yield
    }) : () -> ()
    %barrier3A_137 = arith.constant 0 : index
    tpu.barrier barrier_id(%barrier3A_137)
    "tpu.region"() ({
      %run_scoped3A_138 = tpu.sem_alloc : memref<!tpu.dma_semaphore, #tpu.memory_space<semaphore_mem>>
      %dma_start3A_139 = arith.constant 0 : i32
      %dma_start3A_140 = tpu.memref_slice %arg5[%arg0, %mul3A_8, %dma_start3A_139] : memref<2x10112x128xf32, #tpu.memory_space<hbm>> -> memref<1x632x128xf32, #tpu.memory_space<hbm>>
      %dma_start3A_141 = tpu.memref_squeeze %dma_start3A_140 : memref<1x632x128xf32, #tpu.memory_space<hbm>> -> memref<632x128xf32, #tpu.memory_space<hbm>>
      %dma_start3A_142 = arith.constant 0 : i32
      %dma_start3A_143 = tpu.memref_slice %arg9[%mul3A_8, %dma_start3A_142] : memref<10112x128xf32, #tpu.memory_space<vmem_shared>> -> memref<632x128xf32, #tpu.memory_space<vmem_shared>>
      tpu.enqueue_dma source(%dma_start3A_143 : memref<632x128xf32, #tpu.memory_space<vmem_shared>>) target(%dma_start3A_141 : memref<632x128xf32, #tpu.memory_space<hbm>>) target_semaphore(%run_scoped3A_138 : memref<!tpu.dma_semaphore, #tpu.memory_space<semaphore_mem>>)
      %dma_wait3A_144 = arith.constant 0 : i32
      %dma_wait3A_145 = tpu.memref_slice %arg5[%arg0, %mul3A_8, %dma_wait3A_144] : memref<2x10112x128xf32, #tpu.memory_space<hbm>> -> memref<1x632x128xf32, #tpu.memory_space<hbm>>
      %dma_wait3A_146 = tpu.memref_squeeze %dma_wait3A_145 : memref<1x632x128xf32, #tpu.memory_space<hbm>> -> memref<632x128xf32, #tpu.memory_space<hbm>>
      %dma_wait3A_147 = arith.constant 0 : i32
      %dma_wait3A_148 = tpu.memref_slice %arg9[%mul3A_8, %dma_wait3A_147] : memref<10112x128xf32, #tpu.memory_space<vmem_shared>> -> memref<632x128xf32, #tpu.memory_space<vmem_shared>>
      tpu.wait_dma2 semaphore(%run_scoped3A_138 : memref<!tpu.dma_semaphore, #tpu.memory_space<semaphore_mem>>) src(%dma_wait3A_148 : memref<632x128xf32, #tpu.memory_space<vmem_shared>>) dst(%dma_wait3A_146 : memref<632x128xf32, #tpu.memory_space<hbm>>)
      tpu.yield
    }) : () -> ()
    return
  }
}

module attributes {stable_mosaic.version = 14 : i64} {
  func.func @_tc_enc_body(%arg0: memref<10000x1xf32, #tpu.memory_space<vmem>>, %arg1: memref<1x128xf32, #tpu.memory_space<vmem>>, %arg2: memref<1x128xf32, #tpu.memory_space<vmem>>, %arg3: memref<128x128xf32, #tpu.memory_space<vmem>>, %arg4: memref<1x128xf32, #tpu.memory_space<vmem>>, %arg5: memref<10000x128xf32, #tpu.memory_space<vmem>>) attributes {dimension_semantics = [], scalar_prefetch = 0 : i64, scratch_operands = 0 : i64, tpu.core_type = #tpu.core_type<tc>} {
    %get3A = arith.constant 0 : index
    %get3A_0 = arith.constant 0 : index
    %get3A_1 = vector.load %arg0[%get3A, %get3A_0] : memref<10000x1xf32, #tpu.memory_space<vmem>>, vector<10000x1xf32>
    %get3A_2 = arith.constant 0 : index
    %get3A_3 = arith.constant 0 : index
    %get3A_4 = vector.load %arg1[%get3A_2, %get3A_3] : memref<1x128xf32, #tpu.memory_space<vmem>>, vector<1x128xf32>
    %mul3A = vector.broadcast %get3A_1 : vector<10000x1xf32> to vector<10000x128xf32>
    %mul3A_5 = vector.broadcast %get3A_4 : vector<1x128xf32> to vector<10000x128xf32>
    %mul3A_6 = arith.mulf %mul3A, %mul3A_5 : vector<10000x128xf32>
    %get3A_7 = arith.constant 0 : index
    %get3A_8 = arith.constant 0 : index
    %get3A_9 = vector.load %arg2[%get3A_7, %get3A_8] : memref<1x128xf32, #tpu.memory_space<vmem>>, vector<1x128xf32>
    %add3A = vector.broadcast %get3A_9 : vector<1x128xf32> to vector<10000x128xf32>
    %add3A_10 = arith.addf %mul3A_6, %add3A : vector<10000x128xf32>
    %max3A = arith.constant 0.000000e+00 : f32
    %max3A_11 = vector.broadcast %max3A : f32 to vector<10000x128xf32>
    %max3A_12 = arith.maximumf %add3A_10, %max3A_11 : vector<10000x128xf32>
    %get3A_13 = arith.constant 0 : index
    %get3A_14 = arith.constant 0 : index
    %get3A_15 = vector.load %arg3[%get3A_13, %get3A_14] : memref<128x128xf32, #tpu.memory_space<vmem>>, vector<128x128xf32>
    %dot_general3A = arith.constant dense<0.000000e+00> : vector<10000x128xf32>
    %dot_general3A_16 = tpu.matmul %max3A_12, %get3A_15, %dot_general3A {dimension_numbers = #tpu.dot_dimension_numbers<[1], [0], [0], [1], [0, 0, 1, 1], [], []>, transpose_lhs_hint = false} : vector<10000x128xf32>, vector<128x128xf32>, vector<10000x128xf32> -> vector<10000x128xf32>
    %get3A_17 = arith.constant 0 : index
    %get3A_18 = arith.constant 0 : index
    %get3A_19 = vector.load %arg4[%get3A_17, %get3A_18] : memref<1x128xf32, #tpu.memory_space<vmem>>, vector<1x128xf32>
    %add3A_20 = vector.broadcast %get3A_19 : vector<1x128xf32> to vector<10000x128xf32>
    %add3A_21 = arith.addf %dot_general3A_16, %add3A_20 : vector<10000x128xf32>
    %swap3A = arith.constant 0 : index
    %swap3A_22 = arith.constant 0 : index
    %swap3A_23 = vector.load %arg5[%swap3A, %swap3A_22] : memref<10000x128xf32, #tpu.memory_space<vmem>>, vector<10000x128xf32>
    tpu.vector_store %arg5[%swap3A, %swap3A_22], %add3A_21 {strides = array<i32>} : memref<10000x128xf32, #tpu.memory_space<vmem>>, vector<10000x128xf32>,
    return
  }
}

module attributes {stable_mosaic.version = 14 : i64} {
  func.func @_tc_pre_body(%arg0: memref<10000x128xf32, #tpu.memory_space<vmem>>, %arg1: memref<128x128xf32, #tpu.memory_space<vmem>>, %arg2: memref<2x10112x16xf32, #tpu.memory_space<vmem>>, %arg3: memref<10000x128xf32, #tpu.memory_space<vmem>>, %arg4: memref<10000x1xf32, #tpu.memory_space<vmem>>) attributes {dimension_semantics = [], scalar_prefetch = 0 : i64, scratch_operands = 0 : i64, tpu.core_type = #tpu.core_type<tc>} {
    %get3A = arith.constant 0 : index
    %get3A_0 = arith.constant 0 : index
    %get3A_1 = arith.constant 0 : index
    %get3A_2 = vector.load %arg2[%get3A, %get3A_0, %get3A_1] : memref<2x10112x16xf32, #tpu.memory_space<vmem>>, vector<1x10000x16xf32>
    %get3A_3 = vector.shape_cast %get3A_2 : vector<1x10000x16xf32> to vector<10000x16xf32>
    %reduce_sum3A = arith.constant dense<0.000000e+00> : vector<10000xf32>
    %reduce_sum3A_4 = vector.multi_reduction <add>, %get3A_3, %reduce_sum3A [1] : vector<10000x16xf32> to vector<10000xf32>
    %broadcast_in_dim3A = vector.shape_cast %reduce_sum3A_4 : vector<10000xf32> to vector<10000x1xf32>
    %get3A_5 = arith.constant 1 : index
    %get3A_6 = arith.constant 0 : index
    %get3A_7 = arith.constant 0 : index
    %get3A_8 = vector.load %arg2[%get3A_5, %get3A_6, %get3A_7] : memref<2x10112x16xf32, #tpu.memory_space<vmem>>, vector<1x10000x16xf32>
    %get3A_9 = vector.shape_cast %get3A_8 : vector<1x10000x16xf32> to vector<10000x16xf32>
    %reduce_sum3A_10 = arith.constant dense<0.000000e+00> : vector<10000xf32>
    %reduce_sum3A_11 = vector.multi_reduction <add>, %get3A_9, %reduce_sum3A_10 [1] : vector<10000x16xf32> to vector<10000xf32>
    %broadcast_in_dim3A_12 = vector.shape_cast %reduce_sum3A_11 : vector<10000xf32> to vector<10000x1xf32>
    %add3A = arith.addf %broadcast_in_dim3A, %broadcast_in_dim3A_12 : vector<10000x1xf32>
    %add3A_13 = arith.constant 1.000000e+00 : f32
    %add3A_14 = vector.broadcast %add3A_13 : f32 to vector<10000x1xf32>
    %add3A_15 = arith.addf %add3A, %add3A_14 : vector<10000x1xf32>
    %rsqrt3A = math.rsqrt %add3A_15 : vector<10000x1xf32>
    %get3A_16 = arith.constant 0 : index
    %get3A_17 = arith.constant 0 : index
    %get3A_18 = vector.load %arg0[%get3A_16, %get3A_17] : memref<10000x128xf32, #tpu.memory_space<vmem>>, vector<10000x128xf32>
    %get3A_19 = arith.constant 0 : index
    %get3A_20 = arith.constant 0 : index
    %get3A_21 = vector.load %arg1[%get3A_19, %get3A_20] : memref<128x128xf32, #tpu.memory_space<vmem>>, vector<128x128xf32>
    %dot_general3A = arith.constant dense<0.000000e+00> : vector<10000x128xf32>
    %dot_general3A_22 = tpu.matmul %get3A_18, %get3A_21, %dot_general3A {dimension_numbers = #tpu.dot_dimension_numbers<[1], [0], [0], [1], [0, 0, 1, 1], [], []>, transpose_lhs_hint = false} : vector<10000x128xf32>, vector<128x128xf32>, vector<10000x128xf32> -> vector<10000x128xf32>
    %mul3A = vector.broadcast %rsqrt3A : vector<10000x1xf32> to vector<10000x128xf32>
    %mul3A_23 = arith.mulf %mul3A, %dot_general3A_22 : vector<10000x128xf32>
    %swap3A = arith.constant 0 : index
    %swap3A_24 = arith.constant 0 : index
    %swap3A_25 = vector.load %arg3[%swap3A, %swap3A_24] : memref<10000x128xf32, #tpu.memory_space<vmem>>, vector<10000x128xf32>
    tpu.vector_store %arg3[%swap3A, %swap3A_24], %mul3A_23 {strides = array<i32>} : memref<10000x128xf32, #tpu.memory_space<vmem>>, vector<10000x128xf32>,
    %swap3A_26 = arith.constant 0 : index
    %swap3A_27 = arith.constant 0 : index
    %swap3A_28 = vector.load %arg4[%swap3A_26, %swap3A_27] : memref<10000x1xf32, #tpu.memory_space<vmem>>, vector<10000x1xf32>
    tpu.vector_store %arg4[%swap3A_26, %swap3A_27], %rsqrt3A {strides = array<i32>} : memref<10000x1xf32, #tpu.memory_space<vmem>>, vector<10000x1xf32>,
    return
  }
}

module attributes {stable_mosaic.version = 14 : i64} {
  func.func @_tc_mid_body(%arg0: memref<2x10112x128xf32, #tpu.memory_space<vmem>>, %arg1: memref<10000x128xf32, #tpu.memory_space<vmem>>, %arg2: memref<10000x1xf32, #tpu.memory_space<vmem>>, %arg3: memref<10000x128xf32, #tpu.memory_space<vmem>>, %arg4: memref<1x128xf32, #tpu.memory_space<vmem>>, %arg5: memref<1x128xf32, #tpu.memory_space<vmem>>, %arg6: memref<1x128xf32, #tpu.memory_space<vmem>>, %arg7: memref<128x128xf32, #tpu.memory_space<vmem>>, %arg8: memref<10000x128xf32, #tpu.memory_space<vmem>>, %arg9: memref<10000x128xf32, #tpu.memory_space<vmem>>) attributes {dimension_semantics = [], scalar_prefetch = 0 : i64, scratch_operands = 0 : i64, tpu.core_type = #tpu.core_type<tc>} {
    %get3A = arith.constant 0 : index
    %get3A_0 = arith.constant 0 : index
    %get3A_1 = arith.constant 0 : index
    %get3A_2 = vector.load %arg0[%get3A, %get3A_0, %get3A_1] : memref<2x10112x128xf32, #tpu.memory_space<vmem>>, vector<1x10000x128xf32>
    %get3A_3 = vector.shape_cast %get3A_2 : vector<1x10000x128xf32> to vector<10000x128xf32>
    %get3A_4 = arith.constant 1 : index
    %get3A_5 = arith.constant 0 : index
    %get3A_6 = arith.constant 0 : index
    %get3A_7 = vector.load %arg0[%get3A_4, %get3A_5, %get3A_6] : memref<2x10112x128xf32, #tpu.memory_space<vmem>>, vector<1x10000x128xf32>
    %get3A_8 = vector.shape_cast %get3A_7 : vector<1x10000x128xf32> to vector<10000x128xf32>
    %add3A = arith.addf %get3A_3, %get3A_8 : vector<10000x128xf32>
    %get3A_9 = arith.constant 0 : index
    %get3A_10 = arith.constant 0 : index
    %get3A_11 = vector.load %arg2[%get3A_9, %get3A_10] : memref<10000x1xf32, #tpu.memory_space<vmem>>, vector<10000x1xf32>
    %get3A_12 = arith.constant 0 : index
    %get3A_13 = arith.constant 0 : index
    %get3A_14 = vector.load %arg1[%get3A_12, %get3A_13] : memref<10000x128xf32, #tpu.memory_space<vmem>>, vector<10000x128xf32>
    %add3A_15 = arith.addf %add3A, %get3A_14 : vector<10000x128xf32>
    %mul3A = vector.broadcast %get3A_11 : vector<10000x1xf32> to vector<10000x128xf32>
    %mul3A_16 = arith.mulf %mul3A, %add3A_15 : vector<10000x128xf32>
    %get3A_17 = arith.constant 0 : index
    %get3A_18 = arith.constant 0 : index
    %get3A_19 = vector.load %arg4[%get3A_17, %get3A_18] : memref<1x128xf32, #tpu.memory_space<vmem>>, vector<1x128xf32>
    %add3A_20 = vector.broadcast %get3A_19 : vector<1x128xf32> to vector<10000x128xf32>
    %add3A_21 = arith.addf %mul3A_16, %add3A_20 : vector<10000x128xf32>
    %get3A_22 = arith.constant 0 : index
    %get3A_23 = arith.constant 0 : index
    %get3A_24 = vector.load %arg5[%get3A_22, %get3A_23] : memref<1x128xf32, #tpu.memory_space<vmem>>, vector<1x128xf32>
    %get3A_25 = arith.constant 0 : index
    %get3A_26 = arith.constant 0 : index
    %get3A_27 = vector.load %arg6[%get3A_25, %get3A_26] : memref<1x128xf32, #tpu.memory_space<vmem>>, vector<1x128xf32>
    %reduce_sum3A = arith.constant dense<0.000000e+00> : vector<10000xf32>
    %reduce_sum3A_28 = vector.multi_reduction <add>, %add3A_21, %reduce_sum3A [1] : vector<10000x128xf32> to vector<10000xf32>
    %broadcast_in_dim3A = vector.shape_cast %reduce_sum3A_28 : vector<10000xf32> to vector<10000x1xf32>
    %div3A = arith.constant 1.280000e+02 : f32
    %div3A_29 = vector.broadcast %div3A : f32 to vector<10000x1xf32>
    %div3A_30 = arith.divf %broadcast_in_dim3A, %div3A_29 : vector<10000x1xf32>
    %sub3A = vector.broadcast %div3A_30 : vector<10000x1xf32> to vector<10000x128xf32>
    %sub3A_31 = arith.subf %add3A_21, %sub3A : vector<10000x128xf32>
    %integer_pow3A = arith.mulf %sub3A_31, %sub3A_31 : vector<10000x128xf32>
    %reduce_sum3A_32 = arith.constant dense<0.000000e+00> : vector<10000xf32>
    %reduce_sum3A_33 = vector.multi_reduction <add>, %integer_pow3A, %reduce_sum3A_32 [1] : vector<10000x128xf32> to vector<10000xf32>
    %broadcast_in_dim3A_34 = vector.shape_cast %reduce_sum3A_33 : vector<10000xf32> to vector<10000x1xf32>
    %div3A_35 = arith.constant 1.280000e+02 : f32
    %div3A_36 = vector.broadcast %div3A_35 : f32 to vector<10000x1xf32>
    %div3A_37 = arith.divf %broadcast_in_dim3A_34, %div3A_36 : vector<10000x1xf32>
    %sub3A_38 = vector.broadcast %div3A_30 : vector<10000x1xf32> to vector<10000x128xf32>
    %sub3A_39 = arith.subf %add3A_21, %sub3A_38 : vector<10000x128xf32>
    %add3A_40 = arith.constant 9.99999974E-6 : f32
    %add3A_41 = vector.broadcast %add3A_40 : f32 to vector<10000x1xf32>
    %add3A_42 = arith.addf %div3A_37, %add3A_41 : vector<10000x1xf32>
    %rsqrt3A = math.rsqrt %add3A_42 : vector<10000x1xf32>
    %mul3A_43 = vector.broadcast %rsqrt3A : vector<10000x1xf32> to vector<10000x128xf32>
    %mul3A_44 = arith.mulf %sub3A_39, %mul3A_43 : vector<10000x128xf32>
    %mul3A_45 = vector.broadcast %get3A_24 : vector<1x128xf32> to vector<10000x128xf32>
    %mul3A_46 = arith.mulf %mul3A_44, %mul3A_45 : vector<10000x128xf32>
    %add3A_47 = vector.broadcast %get3A_27 : vector<1x128xf32> to vector<10000x128xf32>
    %add3A_48 = arith.addf %mul3A_46, %add3A_47 : vector<10000x128xf32>
    %max3A = arith.constant 0.000000e+00 : f32
    %max3A_49 = vector.broadcast %max3A : f32 to vector<10000x128xf32>
    %max3A_50 = arith.maximumf %add3A_48, %max3A_49 : vector<10000x128xf32>
    %swap3A = arith.constant 0 : index
    %swap3A_51 = arith.constant 0 : index
    %swap3A_52 = vector.load %arg8[%swap3A, %swap3A_51] : memref<10000x128xf32, #tpu.memory_space<vmem>>, vector<10000x128xf32>
    tpu.vector_store %arg8[%swap3A, %swap3A_51], %max3A_50 {strides = array<i32>} : memref<10000x128xf32, #tpu.memory_space<vmem>>, vector<10000x128xf32>,
    %get3A_53 = arith.constant 0 : index
    %get3A_54 = arith.constant 0 : index
    %get3A_55 = vector.load %arg2[%get3A_53, %get3A_54] : memref<10000x1xf32, #tpu.memory_space<vmem>>, vector<10000x1xf32>
    %get3A_56 = arith.constant 0 : index
    %get3A_57 = arith.constant 0 : index
    %get3A_58 = vector.load %arg7[%get3A_56, %get3A_57] : memref<128x128xf32, #tpu.memory_space<vmem>>, vector<128x128xf32>
    %dot_general3A = arith.constant dense<0.000000e+00> : vector<10000x128xf32>
    %dot_general3A_59 = tpu.matmul %max3A_50, %get3A_58, %dot_general3A {dimension_numbers = #tpu.dot_dimension_numbers<[1], [0], [0], [1], [0, 0, 1, 1], [], []>, transpose_lhs_hint = false} : vector<10000x128xf32>, vector<128x128xf32>, vector<10000x128xf32> -> vector<10000x128xf32>
    %mul3A_60 = vector.broadcast %get3A_55 : vector<10000x1xf32> to vector<10000x128xf32>
    %mul3A_61 = arith.mulf %mul3A_60, %dot_general3A_59 : vector<10000x128xf32>
    %swap3A_62 = arith.constant 0 : index
    %swap3A_63 = arith.constant 0 : index
    %swap3A_64 = vector.load %arg9[%swap3A_62, %swap3A_63] : memref<10000x128xf32, #tpu.memory_space<vmem>>, vector<10000x128xf32>
    tpu.vector_store %arg9[%swap3A_62, %swap3A_63], %mul3A_61 {strides = array<i32>} : memref<10000x128xf32, #tpu.memory_space<vmem>>, vector<10000x128xf32>,
    return
  }
}

module attributes {stable_mosaic.version = 14 : i64} {
  func.func @_tc_mid_body(%arg0: memref<2x10112x128xf32, #tpu.memory_space<vmem>>, %arg1: memref<10000x128xf32, #tpu.memory_space<vmem>>, %arg2: memref<10000x1xf32, #tpu.memory_space<vmem>>, %arg3: memref<10000x128xf32, #tpu.memory_space<vmem>>, %arg4: memref<1x128xf32, #tpu.memory_space<vmem>>, %arg5: memref<1x128xf32, #tpu.memory_space<vmem>>, %arg6: memref<1x128xf32, #tpu.memory_space<vmem>>, %arg7: memref<128x128xf32, #tpu.memory_space<vmem>>, %arg8: memref<10000x128xf32, #tpu.memory_space<vmem>>, %arg9: memref<10000x128xf32, #tpu.memory_space<vmem>>) attributes {dimension_semantics = [], scalar_prefetch = 0 : i64, scratch_operands = 0 : i64, tpu.core_type = #tpu.core_type<tc>} {
    %get3A = arith.constant 0 : index
    %get3A_0 = arith.constant 0 : index
    %get3A_1 = arith.constant 0 : index
    %get3A_2 = vector.load %arg0[%get3A, %get3A_0, %get3A_1] : memref<2x10112x128xf32, #tpu.memory_space<vmem>>, vector<1x10000x128xf32>
    %get3A_3 = vector.shape_cast %get3A_2 : vector<1x10000x128xf32> to vector<10000x128xf32>
    %get3A_4 = arith.constant 1 : index
    %get3A_5 = arith.constant 0 : index
    %get3A_6 = arith.constant 0 : index
    %get3A_7 = vector.load %arg0[%get3A_4, %get3A_5, %get3A_6] : memref<2x10112x128xf32, #tpu.memory_space<vmem>>, vector<1x10000x128xf32>
    %get3A_8 = vector.shape_cast %get3A_7 : vector<1x10000x128xf32> to vector<10000x128xf32>
    %add3A = arith.addf %get3A_3, %get3A_8 : vector<10000x128xf32>
    %get3A_9 = arith.constant 0 : index
    %get3A_10 = arith.constant 0 : index
    %get3A_11 = vector.load %arg2[%get3A_9, %get3A_10] : memref<10000x1xf32, #tpu.memory_space<vmem>>, vector<10000x1xf32>
    %get3A_12 = arith.constant 0 : index
    %get3A_13 = arith.constant 0 : index
    %get3A_14 = vector.load %arg1[%get3A_12, %get3A_13] : memref<10000x128xf32, #tpu.memory_space<vmem>>, vector<10000x128xf32>
    %add3A_15 = arith.addf %add3A, %get3A_14 : vector<10000x128xf32>
    %mul3A = vector.broadcast %get3A_11 : vector<10000x1xf32> to vector<10000x128xf32>
    %mul3A_16 = arith.mulf %mul3A, %add3A_15 : vector<10000x128xf32>
    %get3A_17 = arith.constant 0 : index
    %get3A_18 = arith.constant 0 : index
    %get3A_19 = vector.load %arg4[%get3A_17, %get3A_18] : memref<1x128xf32, #tpu.memory_space<vmem>>, vector<1x128xf32>
    %add3A_20 = vector.broadcast %get3A_19 : vector<1x128xf32> to vector<10000x128xf32>
    %add3A_21 = arith.addf %mul3A_16, %add3A_20 : vector<10000x128xf32>
    %get3A_22 = arith.constant 0 : index
    %get3A_23 = arith.constant 0 : index
    %get3A_24 = vector.load %arg5[%get3A_22, %get3A_23] : memref<1x128xf32, #tpu.memory_space<vmem>>, vector<1x128xf32>
    %get3A_25 = arith.constant 0 : index
    %get3A_26 = arith.constant 0 : index
    %get3A_27 = vector.load %arg6[%get3A_25, %get3A_26] : memref<1x128xf32, #tpu.memory_space<vmem>>, vector<1x128xf32>
    %reduce_sum3A = arith.constant dense<0.000000e+00> : vector<10000xf32>
    %reduce_sum3A_28 = vector.multi_reduction <add>, %add3A_21, %reduce_sum3A [1] : vector<10000x128xf32> to vector<10000xf32>
    %broadcast_in_dim3A = vector.shape_cast %reduce_sum3A_28 : vector<10000xf32> to vector<10000x1xf32>
    %div3A = arith.constant 1.280000e+02 : f32
    %div3A_29 = vector.broadcast %div3A : f32 to vector<10000x1xf32>
    %div3A_30 = arith.divf %broadcast_in_dim3A, %div3A_29 : vector<10000x1xf32>
    %sub3A = vector.broadcast %div3A_30 : vector<10000x1xf32> to vector<10000x128xf32>
    %sub3A_31 = arith.subf %add3A_21, %sub3A : vector<10000x128xf32>
    %integer_pow3A = arith.mulf %sub3A_31, %sub3A_31 : vector<10000x128xf32>
    %reduce_sum3A_32 = arith.constant dense<0.000000e+00> : vector<10000xf32>
    %reduce_sum3A_33 = vector.multi_reduction <add>, %integer_pow3A, %reduce_sum3A_32 [1] : vector<10000x128xf32> to vector<10000xf32>
    %broadcast_in_dim3A_34 = vector.shape_cast %reduce_sum3A_33 : vector<10000xf32> to vector<10000x1xf32>
    %div3A_35 = arith.constant 1.280000e+02 : f32
    %div3A_36 = vector.broadcast %div3A_35 : f32 to vector<10000x1xf32>
    %div3A_37 = arith.divf %broadcast_in_dim3A_34, %div3A_36 : vector<10000x1xf32>
    %sub3A_38 = vector.broadcast %div3A_30 : vector<10000x1xf32> to vector<10000x128xf32>
    %sub3A_39 = arith.subf %add3A_21, %sub3A_38 : vector<10000x128xf32>
    %add3A_40 = arith.constant 9.99999974E-6 : f32
    %add3A_41 = vector.broadcast %add3A_40 : f32 to vector<10000x1xf32>
    %add3A_42 = arith.addf %div3A_37, %add3A_41 : vector<10000x1xf32>
    %rsqrt3A = math.rsqrt %add3A_42 : vector<10000x1xf32>
    %mul3A_43 = vector.broadcast %rsqrt3A : vector<10000x1xf32> to vector<10000x128xf32>
    %mul3A_44 = arith.mulf %sub3A_39, %mul3A_43 : vector<10000x128xf32>
    %mul3A_45 = vector.broadcast %get3A_24 : vector<1x128xf32> to vector<10000x128xf32>
    %mul3A_46 = arith.mulf %mul3A_44, %mul3A_45 : vector<10000x128xf32>
    %add3A_47 = vector.broadcast %get3A_27 : vector<1x128xf32> to vector<10000x128xf32>
    %add3A_48 = arith.addf %mul3A_46, %add3A_47 : vector<10000x128xf32>
    %max3A = arith.constant 0.000000e+00 : f32
    %max3A_49 = vector.broadcast %max3A : f32 to vector<10000x128xf32>
    %max3A_50 = arith.maximumf %add3A_48, %max3A_49 : vector<10000x128xf32>
    %get3A_51 = arith.constant 0 : index
    %get3A_52 = arith.constant 0 : index
    %get3A_53 = vector.load %arg3[%get3A_51, %get3A_52] : memref<10000x128xf32, #tpu.memory_space<vmem>>, vector<10000x128xf32>
    %add3A_54 = arith.addf %max3A_50, %get3A_53 : vector<10000x128xf32>
    %swap3A = arith.constant 0 : index
    %swap3A_55 = arith.constant 0 : index
    %swap3A_56 = vector.load %arg8[%swap3A, %swap3A_55] : memref<10000x128xf32, #tpu.memory_space<vmem>>, vector<10000x128xf32>
    tpu.vector_store %arg8[%swap3A, %swap3A_55], %add3A_54 {strides = array<i32>} : memref<10000x128xf32, #tpu.memory_space<vmem>>, vector<10000x128xf32>,
    %get3A_57 = arith.constant 0 : index
    %get3A_58 = arith.constant 0 : index
    %get3A_59 = vector.load %arg2[%get3A_57, %get3A_58] : memref<10000x1xf32, #tpu.memory_space<vmem>>, vector<10000x1xf32>
    %get3A_60 = arith.constant 0 : index
    %get3A_61 = arith.constant 0 : index
    %get3A_62 = vector.load %arg7[%get3A_60, %get3A_61] : memref<128x128xf32, #tpu.memory_space<vmem>>, vector<128x128xf32>
    %dot_general3A = arith.constant dense<0.000000e+00> : vector<10000x128xf32>
    %dot_general3A_63 = tpu.matmul %add3A_54, %get3A_62, %dot_general3A {dimension_numbers = #tpu.dot_dimension_numbers<[1], [0], [0], [1], [0, 0, 1, 1], [], []>, transpose_lhs_hint = false} : vector<10000x128xf32>, vector<128x128xf32>, vector<10000x128xf32> -> vector<10000x128xf32>
    %mul3A_64 = vector.broadcast %get3A_59 : vector<10000x1xf32> to vector<10000x128xf32>
    %mul3A_65 = arith.mulf %mul3A_64, %dot_general3A_63 : vector<10000x128xf32>
    %swap3A_66 = arith.constant 0 : index
    %swap3A_67 = arith.constant 0 : index
    %swap3A_68 = vector.load %arg9[%swap3A_66, %swap3A_67] : memref<10000x128xf32, #tpu.memory_space<vmem>>, vector<10000x128xf32>
    tpu.vector_store %arg9[%swap3A_66, %swap3A_67], %mul3A_65 {strides = array<i32>} : memref<10000x128xf32, #tpu.memory_space<vmem>>, vector<10000x128xf32>,
    return
  }
}

module attributes {stable_mosaic.version = 14 : i64} {
  func.func @_tc_post_body(%arg0: memref<2x10112x128xf32, #tpu.memory_space<vmem>>, %arg1: memref<10000x128xf32, #tpu.memory_space<vmem>>, %arg2: memref<10000x1xf32, #tpu.memory_space<vmem>>, %arg3: memref<10000x128xf32, #tpu.memory_space<vmem>>, %arg4: memref<1x128xf32, #tpu.memory_space<vmem>>, %arg5: memref<1x128xf32, #tpu.memory_space<vmem>>, %arg6: memref<1x128xf32, #tpu.memory_space<vmem>>, %arg7: memref<1x10000xi32, #tpu.memory_space<vmem>>, %arg8: memref<128x64xf32, #tpu.memory_space<vmem>>, %arg9: memref<1x64xf32, #tpu.memory_space<vmem>>, %arg10: memref<64x32xf32, #tpu.memory_space<vmem>>, %arg11: memref<1x32xf32, #tpu.memory_space<vmem>>, %arg12: memref<32x1xf32, #tpu.memory_space<vmem>>, %arg13: memref<1x1xf32, #tpu.memory_space<vmem>>, %arg14: memref<16x1xf32, #tpu.memory_space<vmem>>) attributes {dimension_semantics = [], scalar_prefetch = 0 : i64, scratch_operands = 0 : i64, tpu.core_type = #tpu.core_type<tc>} {
    %get3A = arith.constant 0 : index
    %get3A_0 = arith.constant 0 : index
    %get3A_1 = arith.constant 0 : index
    %get3A_2 = vector.load %arg0[%get3A, %get3A_0, %get3A_1] : memref<2x10112x128xf32, #tpu.memory_space<vmem>>, vector<1x10000x128xf32>
    %get3A_3 = vector.shape_cast %get3A_2 : vector<1x10000x128xf32> to vector<10000x128xf32>
    %get3A_4 = arith.constant 1 : index
    %get3A_5 = arith.constant 0 : index
    %get3A_6 = arith.constant 0 : index
    %get3A_7 = vector.load %arg0[%get3A_4, %get3A_5, %get3A_6] : memref<2x10112x128xf32, #tpu.memory_space<vmem>>, vector<1x10000x128xf32>
    %get3A_8 = vector.shape_cast %get3A_7 : vector<1x10000x128xf32> to vector<10000x128xf32>
    %add3A = arith.addf %get3A_3, %get3A_8 : vector<10000x128xf32>
    %get3A_9 = arith.constant 0 : index
    %get3A_10 = arith.constant 0 : index
    %get3A_11 = vector.load %arg2[%get3A_9, %get3A_10] : memref<10000x1xf32, #tpu.memory_space<vmem>>, vector<10000x1xf32>
    %get3A_12 = arith.constant 0 : index
    %get3A_13 = arith.constant 0 : index
    %get3A_14 = vector.load %arg1[%get3A_12, %get3A_13] : memref<10000x128xf32, #tpu.memory_space<vmem>>, vector<10000x128xf32>
    %add3A_15 = arith.addf %add3A, %get3A_14 : vector<10000x128xf32>
    %mul3A = vector.broadcast %get3A_11 : vector<10000x1xf32> to vector<10000x128xf32>
    %mul3A_16 = arith.mulf %mul3A, %add3A_15 : vector<10000x128xf32>
    %get3A_17 = arith.constant 0 : index
    %get3A_18 = arith.constant 0 : index
    %get3A_19 = vector.load %arg4[%get3A_17, %get3A_18] : memref<1x128xf32, #tpu.memory_space<vmem>>, vector<1x128xf32>
    %add3A_20 = vector.broadcast %get3A_19 : vector<1x128xf32> to vector<10000x128xf32>
    %add3A_21 = arith.addf %mul3A_16, %add3A_20 : vector<10000x128xf32>
    %get3A_22 = arith.constant 0 : index
    %get3A_23 = arith.constant 0 : index
    %get3A_24 = vector.load %arg5[%get3A_22, %get3A_23] : memref<1x128xf32, #tpu.memory_space<vmem>>, vector<1x128xf32>
    %get3A_25 = arith.constant 0 : index
    %get3A_26 = arith.constant 0 : index
    %get3A_27 = vector.load %arg6[%get3A_25, %get3A_26] : memref<1x128xf32, #tpu.memory_space<vmem>>, vector<1x128xf32>
    %reduce_sum3A = arith.constant dense<0.000000e+00> : vector<10000xf32>
    %reduce_sum3A_28 = vector.multi_reduction <add>, %add3A_21, %reduce_sum3A [1] : vector<10000x128xf32> to vector<10000xf32>
    %broadcast_in_dim3A = vector.shape_cast %reduce_sum3A_28 : vector<10000xf32> to vector<10000x1xf32>
    %div3A = arith.constant 1.280000e+02 : f32
    %div3A_29 = vector.broadcast %div3A : f32 to vector<10000x1xf32>
    %div3A_30 = arith.divf %broadcast_in_dim3A, %div3A_29 : vector<10000x1xf32>
    %sub3A = vector.broadcast %div3A_30 : vector<10000x1xf32> to vector<10000x128xf32>
    %sub3A_31 = arith.subf %add3A_21, %sub3A : vector<10000x128xf32>
    %integer_pow3A = arith.mulf %sub3A_31, %sub3A_31 : vector<10000x128xf32>
    %reduce_sum3A_32 = arith.constant dense<0.000000e+00> : vector<10000xf32>
    %reduce_sum3A_33 = vector.multi_reduction <add>, %integer_pow3A, %reduce_sum3A_32 [1] : vector<10000x128xf32> to vector<10000xf32>
    %broadcast_in_dim3A_34 = vector.shape_cast %reduce_sum3A_33 : vector<10000xf32> to vector<10000x1xf32>
    %div3A_35 = arith.constant 1.280000e+02 : f32
    %div3A_36 = vector.broadcast %div3A_35 : f32 to vector<10000x1xf32>
    %div3A_37 = arith.divf %broadcast_in_dim3A_34, %div3A_36 : vector<10000x1xf32>
    %sub3A_38 = vector.broadcast %div3A_30 : vector<10000x1xf32> to vector<10000x128xf32>
    %sub3A_39 = arith.subf %add3A_21, %sub3A_38 : vector<10000x128xf32>
    %add3A_40 = arith.constant 9.99999974E-6 : f32
    %add3A_41 = vector.broadcast %add3A_40 : f32 to vector<10000x1xf32>
    %add3A_42 = arith.addf %div3A_37, %add3A_41 : vector<10000x1xf32>
    %rsqrt3A = math.rsqrt %add3A_42 : vector<10000x1xf32>
    %mul3A_43 = vector.broadcast %rsqrt3A : vector<10000x1xf32> to vector<10000x128xf32>
    %mul3A_44 = arith.mulf %sub3A_39, %mul3A_43 : vector<10000x128xf32>
    %mul3A_45 = vector.broadcast %get3A_24 : vector<1x128xf32> to vector<10000x128xf32>
    %mul3A_46 = arith.mulf %mul3A_44, %mul3A_45 : vector<10000x128xf32>
    %add3A_47 = vector.broadcast %get3A_27 : vector<1x128xf32> to vector<10000x128xf32>
    %add3A_48 = arith.addf %mul3A_46, %add3A_47 : vector<10000x128xf32>
    %max3A = arith.constant 0.000000e+00 : f32
    %max3A_49 = vector.broadcast %max3A : f32 to vector<10000x128xf32>
    %max3A_50 = arith.maximumf %add3A_48, %max3A_49 : vector<10000x128xf32>
    %get3A_51 = arith.constant 0 : index
    %get3A_52 = arith.constant 0 : index
    %get3A_53 = vector.load %arg3[%get3A_51, %get3A_52] : memref<10000x128xf32, #tpu.memory_space<vmem>>, vector<10000x128xf32>
    %add3A_54 = arith.addf %max3A_50, %get3A_53 : vector<10000x128xf32>
    %get3A_55 = arith.constant 0 : index
    %get3A_56 = arith.constant 0 : index
    %get3A_57 = vector.load %arg7[%get3A_55, %get3A_56] : memref<1x10000xi32, #tpu.memory_space<vmem>>, vector<1x10000xi32>
    %iota3A = tpu.iota {dimensions = array<i32: 0>} : vector<16x10000xi32>
    %eq3A = vector.broadcast %get3A_57 : vector<1x10000xi32> to vector<16x10000xi32>
    %eq3A_58 = arith.cmpi eq, %eq3A, %iota3A : vector<16x10000xi32>
    %convert_element_type3A = arith.extui %eq3A_58 : vector<16x10000xi1> to vector<16x10000xi32>
    %convert_element_type3A_59 = arith.sitofp %convert_element_type3A : vector<16x10000xi32> to vector<16x10000xf32>
    %reduce_sum3A_60 = arith.constant dense<0.000000e+00> : vector<16xf32>
    %reduce_sum3A_61 = vector.multi_reduction <add>, %convert_element_type3A_59, %reduce_sum3A_60 [1] : vector<16x10000xf32> to vector<16xf32>
    %broadcast_in_dim3A_62 = vector.shape_cast %reduce_sum3A_61 : vector<16xf32> to vector<16x1xf32>
    %dot_general3A = arith.constant dense<0.000000e+00> : vector<16x128xf32>
    %dot_general3A_63 = tpu.matmul %convert_element_type3A_59, %add3A_54, %dot_general3A {dimension_numbers = #tpu.dot_dimension_numbers<[1], [0], [0], [1], [0, 0, 1, 1], [], []>, transpose_lhs_hint = false} : vector<16x10000xf32>, vector<10000x128xf32>, vector<16x128xf32> -> vector<16x128xf32>
    %max3A_64 = arith.constant 1.000000e+00 : f32
    %max3A_65 = vector.broadcast %max3A_64 : f32 to vector<16x1xf32>
    %max3A_66 = arith.maximumf %broadcast_in_dim3A_62, %max3A_65 : vector<16x1xf32>
    %div3A_67 = vector.broadcast %max3A_66 : vector<16x1xf32> to vector<16x128xf32>
    %div3A_68 = arith.divf %dot_general3A_63, %div3A_67 : vector<16x128xf32>
    %get3A_69 = arith.constant 0 : index
    %get3A_70 = arith.constant 0 : index
    %get3A_71 = vector.load %arg8[%get3A_69, %get3A_70] : memref<128x64xf32, #tpu.memory_space<vmem>>, vector<128x64xf32>
    %dot_general3A_72 = arith.constant dense<0.000000e+00> : vector<16x64xf32>
    %dot_general3A_73 = tpu.matmul %div3A_68, %get3A_71, %dot_general3A_72 {dimension_numbers = #tpu.dot_dimension_numbers<[1], [0], [0], [1], [0, 0, 1, 1], [], []>, transpose_lhs_hint = false} : vector<16x128xf32>, vector<128x64xf32>, vector<16x64xf32> -> vector<16x64xf32>
    %get3A_74 = arith.constant 0 : index
    %get3A_75 = arith.constant 0 : index
    %get3A_76 = vector.load %arg9[%get3A_74, %get3A_75] : memref<1x64xf32, #tpu.memory_space<vmem>>, vector<1x64xf32>
    %add3A_77 = vector.broadcast %get3A_76 : vector<1x64xf32> to vector<16x64xf32>
    %add3A_78 = arith.addf %dot_general3A_73, %add3A_77 : vector<16x64xf32>
    %max3A_79 = arith.constant 0.000000e+00 : f32
    %max3A_80 = vector.broadcast %max3A_79 : f32 to vector<16x64xf32>
    %max3A_81 = arith.maximumf %add3A_78, %max3A_80 : vector<16x64xf32>
    %get3A_82 = arith.constant 0 : index
    %get3A_83 = arith.constant 0 : index
    %get3A_84 = vector.load %arg10[%get3A_82, %get3A_83] : memref<64x32xf32, #tpu.memory_space<vmem>>, vector<64x32xf32>
    %dot_general3A_85 = arith.constant dense<0.000000e+00> : vector<16x32xf32>
    %dot_general3A_86 = tpu.matmul %max3A_81, %get3A_84, %dot_general3A_85 {dimension_numbers = #tpu.dot_dimension_numbers<[1], [0], [0], [1], [0, 0, 1, 1], [], []>, transpose_lhs_hint = false} : vector<16x64xf32>, vector<64x32xf32>, vector<16x32xf32> -> vector<16x32xf32>
    %get3A_87 = arith.constant 0 : index
    %get3A_88 = arith.constant 0 : index
    %get3A_89 = vector.load %arg11[%get3A_87, %get3A_88] : memref<1x32xf32, #tpu.memory_space<vmem>>, vector<1x32xf32>
    %add3A_90 = vector.broadcast %get3A_89 : vector<1x32xf32> to vector<16x32xf32>
    %add3A_91 = arith.addf %dot_general3A_86, %add3A_90 : vector<16x32xf32>
    %max3A_92 = arith.constant 0.000000e+00 : f32
    %max3A_93 = vector.broadcast %max3A_92 : f32 to vector<16x32xf32>
    %max3A_94 = arith.maximumf %add3A_91, %max3A_93 : vector<16x32xf32>
    %get3A_95 = arith.constant 0 : index
    %get3A_96 = arith.constant 0 : index
    %get3A_97 = vector.load %arg12[%get3A_95, %get3A_96] : memref<32x1xf32, #tpu.memory_space<vmem>>, vector<32x1xf32>
    %dot_general3A_98 = arith.constant dense<0.000000e+00> : vector<16x1xf32>
    %dot_general3A_99 = tpu.matmul %max3A_94, %get3A_97, %dot_general3A_98 {dimension_numbers = #tpu.dot_dimension_numbers<[1], [0], [0], [1], [0, 0, 1, 1], [], []>, transpose_lhs_hint = false} : vector<16x32xf32>, vector<32x1xf32>, vector<16x1xf32> -> vector<16x1xf32>
    %get3A_100 = arith.constant 0 : index
    %get3A_101 = arith.constant 0 : index
    %get3A_102 = vector.load %arg13[%get3A_100, %get3A_101] : memref<1x1xf32, #tpu.memory_space<vmem>>, vector<1x1xf32>
    %add3A_103 = vector.broadcast %get3A_102 : vector<1x1xf32> to vector<16x1xf32>
    %add3A_104 = arith.addf %dot_general3A_99, %add3A_103 : vector<16x1xf32>
    %max3A_105 = arith.constant 0.000000e+00 : f32
    %max3A_106 = vector.broadcast %max3A_105 : f32 to vector<16x1xf32>
    %max3A_107 = arith.maximumf %add3A_104, %max3A_106 : vector<16x1xf32>
    %abs3A = math.absf %add3A_104 : vector<16x1xf32>
    %neg3A = arith.constant 0.000000e+00 : f32
    %neg3A_108 = vector.broadcast %neg3A : f32 to vector<16x1xf32>
    %neg3A_109 = arith.subf %neg3A_108, %abs3A : vector<16x1xf32>
    %exp3A = math.exp %neg3A_109 : vector<16x1xf32>
    %add3A_110 = arith.constant 1.000000e+00 : f32
    %add3A_111 = vector.broadcast %add3A_110 : f32 to vector<16x1xf32>
    %add3A_112 = arith.addf %add3A_111, %exp3A : vector<16x1xf32>
    %log3A = math.log %add3A_112 : vector<16x1xf32>
    %add3A_113 = arith.addf %max3A_107, %log3A : vector<16x1xf32>
    %swap3A = arith.constant 0 : index
    %swap3A_114 = arith.constant 0 : index
    %swap3A_115 = vector.load %arg14[%swap3A, %swap3A_114] : memref<16x1xf32, #tpu.memory_space<vmem>>, vector<16x1xf32>
    tpu.vector_store %arg14[%swap3A, %swap3A_114], %add3A_113 {strides = array<i32>} : memref<16x1xf32, #tpu.memory_space<vmem>>, vector<16x1xf32>,
    return
  }
}

</mosaic_0001>

<sc_bundles>
// kernel: kernel.11.cloned.1.call-start
scs
__scs_entry_jumppad:
0x0: {  	(pc) =	sbr.rel $0x88, $3  }
0x1: {  	(tag) =	ssettag $0x0;
	lr =	simm.s32 $0x1  }
0x2: {  	[smem:$0x3F88] =	sst lr;
	_ =	strace $0xD0000000  }
0x3: {  	_ = 	snop  }
0x4: {  	_ = 	snop  }
0x5: {  	_ = 	snop  }
0x6: {  	_ = 	snop  }
0x7: {  	_ = 	snop  }
__scs_overlays_trampoline_lowered:
0x8: {  	[smem:$0x3F97] =	sst s0  }
0x9: {  	[smem:$0x3F98] =	sst s1  }
0xa: {  	[smem:$0x3F99] =	sst s2  }
0xb: {  	[smem:$0x3F9A] =	sst s3  }
0xc: {  	[smem:$0x3F9B] =	sst s4  }
0xd: {  	[smem:$0x3F9C] =	sst s5  }
0xe: {  	[smem:$0x3F9D] =	sst s6  }
0xf: {  	[smem:$0x3F9E] =	sst s7  }
0x10: {  	[smem:$0x3F9F] =	sst s8  }
0x11: {  	[smem:$0x3FA0] =	sst s9;
	s0 =	simm.s32 @!p0 $0x0  }
0x12: {  	s1 =	sld [smem:$0x3F86];
	s0 =	simm.s32 @p0 $0x1  }
0x13: {  	[smem:$0x3FA1] =	sst s0;
	s0 =	simm.s32 @!p1 $0x0  }
0x14: {  	s2 =	sld [smem:$0x3F85];
	s0 =	simm.s32 @p1 $0x1  }
0x15: {  	[smem:$0x3FA2] =	sst s0;
	s0 =	simm.s32 @!p2 $0x0  }
0x16: {  	s3 =	sld [smem:$0x3FDB];
	s0 =	simm.s32 @p2 $0x1  }
0x17: {  	s4 =	simm.s32 $0x1BF5;
	[smem:$0x3FA4] =	sst s0  }
0x18: {  	s0 =	sld [smem:$0x3F87];
	_ =	swait.ge [sflag:s4], $0x0  }
0x19: {  	s7 =	sld [smem:$0x3F88]  }
0x1a: {  	s8 =	sadd.s32 $0xFFFFE003, lr  }
0x1b: {  	s9 =	sadd.s32 $0xFFFFFEF7, lr;
	s5 =	simm.s32 $0xFFFFFFFF;
	p2 =	slt.u32 s8, $0xFFFFF086  }
0x1c: {  	p1 =	slt.u32 s9, $0xF7A;
	s5 =	simm.s32 @!p2 $0x0  }
0x1d: {  	s5 =	simm.s32 @p1 $0x1;
	p0 =	seq.s32 s7, s2  }
0x1e: {  	s7 =	smul.u32 @!p0 $0xF7A, s2;
	p2 =	seq.s32 @!p0 s5, $0x0  }
0x1f: {  	s9 =	smul.u32 $0xF7A, s1;
	s8 =	simm.s32 @!p0 $0x1BF5;
	p2 =	por !p2, p0  }
0x20: {  	[sflag:s8] =	ssyncset.s32 @!p0 $0xFFFFF086;
	s6 =	sadd.s32 @!p0 s3, s7;
	s7 =	simm.s32 @!p0 $0x108  }
0x21: {  	s3 =	sadd.s32 s3, s9;
	s6 =	sadd.s32 @!p0 $0x88, s6;
	s7 =	simm.s32 @p2 $0x1082  }
0x22: {  	[simem:s7], [sflag:s8] =	dma.local @!p0 [hbm:s6], $0xF7A  }
0x23: {  	s9 =	sor.u32 $0xD0000000, s2;
	s6 =	simm.s32 $0x108;
	_ =	swait.ge @!p0 [sflag:s8], $0x0  }
0x24: {  	s3 =	sadd.s32 $0x88, s3;
	s6 =	simm.s32 @!p1 $0x1082;
	[sflag:s4] =	ssyncset.s32 $0xFFFFF086  }
0x25: {  	[simem:s6], [sflag:s4] =	dma.local [hbm:s3], $0xF7A  }
0x26: {  	[smem:$0x3F88] =	sst s1;
	(tag) =	ssettag s2;
	_ =	strace s9  }
0x27: {  	s1 =	sld [smem:$0x3F98]  }
0x28: {  	s2 =	sld [smem:$0x3F99]  }
0x29: {  	s4 =	sld [smem:$0x3F9B]  }
0x2a: {  	p0 =	seq.s32 s5, $0x0;
	s5 =	sld [smem:$0x3F9C]  }
0x2b: {  	s6 =	sld [smem:$0x3F9D]  }
0x2c: {  	s7 =	sld [smem:$0x3F9E]  }
0x2d: {  	s3 =	simm.s32 $0x108;
	s8 =	sld [smem:$0x3F9F]  }
0x2e: {  	s3 =	simm.s32 @!p0 $0x1082;
	s9 =	sld [smem:$0x3FA0]  }
0x2f: {  	lr =	sadd.s32 s0, s3;
	s0 =	sld [smem:$0x3F97]  }
0x30: {  	s3 =	sld [smem:$0x3F9A]  }
0x31: {  	[smem:$0x3FA3] =	sst s10  }
0x32: {  	s10 =	sld [smem:$0x3FA1];
	_ =	sdelay $0x3  }
0x33: {  	p0 =	seq.s32 s10, $0x1;
	s10 =	sld [smem:$0x3FA3];
	_ =	sdelay $0x3  }
0x34: {  	[smem:$0x3FA3] =	sst s10  }
0x35: {  	s10 =	sld [smem:$0x3FA2];
	_ =	sdelay $0x3  }
0x36: {  	p1 =	seq.s32 s10, $0x1;
	s10 =	sld [smem:$0x3FA3];
	_ =	sdelay $0x3  }
0x37: {  	[smem:$0x3FA3] =	sst s10  }
0x38: {  	s10 =	sld [smem:$0x3FA4]  }
0x39: {  	_ = 	snop;
	(pc) =	sbr.ind lr, $3  }
0x3a: {  	_ = 	snop  }
0x3b: {  	_ = 	snop  }
0x3c: {  	p2 =	seq.s32 s10, $0x1;
	s10 =	sld [smem:$0x3FA3]  }
0x3d: {  	_ =	shalt  }
0x3e: {  	_ =	shalt  }
0x3f: {  	_ =	shalt  }
0x40: {  	_ =	shalt  }
0x41: {  	_ =	shalt  }
0x42: {  	_ =	shalt  }
0x43: {  	_ =	shalt  }
0x44: {  	_ =	shalt  }
0x45: {  	_ =	shalt  }
0x46: {  	_ =	shalt  }
0x47: {  	_ =	shalt  }
0x48: {  	_ =	shalt  }
0x49: {  	_ =	shalt  }
0x4a: {  	_ =	shalt  }
0x4b: {  	_ =	shalt  }
0x4c: {  	_ =	shalt  }
0x4d: {  	_ =	shalt  }
0x4e: {  	_ =	shalt  }
0x4f: {  	_ =	shalt  }
0x50: {  	_ =	shalt  }
0x51: {  	_ =	shalt  }
0x52: {  	_ =	shalt  }
0x53: {  	_ =	shalt  }
0x54: {  	_ =	shalt  }
0x55: {  	_ =	shalt  }
0x56: {  	_ =	shalt  }
0x57: {  	_ =	shalt  }
0x58: {  	_ =	shalt  }
0x59: {  	_ =	shalt  }
0x5a: {  	_ =	shalt  }
0x5b: {  	_ =	shalt  }
0x5c: {  	_ =	shalt  }
0x5d: {  	_ =	shalt  }
0x5e: {  	_ =	shalt  }
0x5f: {  	_ =	shalt  }
0x60: {  	_ =	shalt  }
0x61: {  	_ =	shalt  }
0x62: {  	_ =	shalt  }
0x63: {  	_ =	shalt  }
0x64: {  	_ =	shalt  }
0x65: {  	_ =	shalt  }
0x66: {  	_ =	shalt  }
0x67: {  	_ =	shalt  }
0x68: {  	_ =	shalt  }
0x69: {  	_ =	shalt  }
0x6a: {  	_ =	shalt  }
0x6b: {  	_ =	shalt  }
0x6c: {  	_ =	shalt  }
0x6d: {  	_ =	shalt  }
0x6e: {  	_ =	shalt  }
0x6f: {  	_ =	shalt  }
0x70: {  	_ =	shalt  }
0x71: {  	_ =	shalt  }
0x72: {  	_ =	shalt  }
0x73: {  	_ =	shalt  }
0x74: {  	_ =	shalt  }
0x75: {  	_ =	shalt  }
0x76: {  	_ =	shalt  }
0x77: {  	_ =	shalt  }
0x78: {  	_ =	shalt  }
0x79: {  	_ =	shalt  }
0x7a: {  	_ =	shalt  }
0x7b: {  	_ =	shalt  }
0x7c: {  	_ =	shalt  }
0x7d: {  	_ =	shalt  }
0x7e: {  	_ =	shalt  }
0x7f: {  	_ =	shalt  }
0x80: {  	_ =	shalt  }
0x81: {  	_ =	shalt  }
0x82: {  	_ =	shalt  }
0x83: {  	_ =	shalt  }
0x84: {  	_ =	shalt  }
0x85: {  	_ =	shalt  }
0x86: {  	_ =	shalt  }
0x87: {  	_ =	shalt  }
.Lfunc_end0:
.L_simem_size_0:
called_computation_lowered:
.L_overlay_start_0:
0x88: {  	s2 =	sld [smem:$0x3FD9]  }
0x89: {  	s3 =	sld [smem:$0x3FFE];
	_ =	sdelay $0x1  }
0x8a: {  	s1 =	srdreg.scid  }
0x8b: {  	s0 =	sand.u32 $0x1, s1  }
0x8c: {  	s16 =	sshll.u32 s0, $0xA;
	s2 =	sadd.s32 s3, s2  }
0x8d: {  	s2 =	sadd.s32 s2, s16  }
0x8e: {  	[smem:$0x3FAF] =	sst s2  }
0x8f: {  	_ = 	snop  }
0x90: {  	(tm) =	ssettm $0x1  }
0x91: {  	s17 =	sld [smem:$0x3FFB];
	_ =	sdelay $0x3  }
0x92: {  	_ =	strace s17  }
0x93: {  	s2 =	sld [smem:$0x3FFC];
	_ =	sdelay $0x3  }
0x94: {  	_ =	strace s2  }
0x95: {  	s2 =	sld [smem:$0x3FFD];
	_ =	sdelay $0x3  }
0x96: {  	_ =	strace s2  }
0x97: {  	_ =	strace $0x8FFFFFFF  }
0x98: {  	s18 =	sld [smem:$0x3FDB];
	_ =	sdelay $0x1  }
0x99: {  	s19 =	simm.s32 $_scs_section_size  }
0x9a: {  	s4 =	simm.s32 $_size__tile_overlayer_lowered;
	s5 =	simm.s32 $_tile_overlayer_lowered  }
0x9b: {  	s22 =	simm.s32 $0x1BFF;
	s21 =	sshll.u32 s5, $0x1;
	s2 =	sadd.s32 s19, s18  }
0x9c: {  	s6 =	simm.s32 $0x0;
	s20 =	sshll.u32 s4, $0x1;
	s4 =	sadd.s32 s21, s2  }
0x9d: {  	[timem:s6], [sflag:s22] =	dma.local [hbm:s4], s20  }
0x9e: {  	_ =	swait.ge [sflag:s22], s20  }
0x9f: {  	s3 =	ssub.s32 $0x0, s20;
	[sflag:s22] =	ssyncset.done $0x0  }
0xa0: {  	[sflag:s22] =	ssyncadd.s32 s3;
	_ =	sdelay $0x1  }
0xa1: {  	s23 =	simm.s32 $0x1B8B  }
0xa2: {  	_ =	swait.ge [sflag:s23], $0x1  }
0xa3: {  	[sflag:s23] =	ssyncset.done $0x0  }
0xa4: {  	s25 =	simm.s32 $0x1B8E;
	s24 =	sld [smem:$0x3FFE];
	[sflag:s23] =	ssyncadd.s32 $0xFFFFFFFF  }
0xa5: {  	s26 =	simm.s32 $execute0_lowered;
	[smem:$0x3FD2] =	sst s25  }
0xa6: {  	s4 =	sshll.u32 s26, $0x1;
	_ =	strace $0x80000046;
	[dreg:$0x1] =	wrdreg $0xFFFFFFFF  }
0xa7: {  	s28 =	simm.s32 $_size_execute0_lowered;
	s2 =	sadd.s32 s2, s4;
	[dreg:$0x0] =	wrdreg $0x0  }
0xa8: {  	s4 =	sshll.u32 s28, $0x1;
	[dreg:$0x2] =	wrdreg s2  }
0xa9: {  	[dreg:$0x3] =	wrdreg s4  }
0xaa: {  	[dreg:$0x4] =	wrdreg $0xC0  }
0xab: {  	_ =	task [dreg:s6], $0x5FFFF  }
0xac: {  	[dreg:$0x1] =	wrdreg $0xFFFFFFFF  }
0xad: {  	[dreg:$0x0] =	wrdreg $0x60  }
0xae: {  	[dreg:$0x2] =	wrdreg s24  }
0xaf: {  	[dreg:$0x3] =	wrdreg $0xA8000  }
0xb0: {  	[dreg:$0x4] =	wrdreg $0x9  }
0xb1: {  	_ =	task.clear_ibuf [dreg:s6], $0x5FFFF;
	_ =	strace $0x90000046  }
0xb2: {  	s29 =	simm.s32 $0x9;
	_ =	strace $0x80000048  }
0xb3: {  	_ =	swait.ge [sflag:s29], $0x1  }
0xb4: {  	[sflag:s29] =	ssyncadd.s32 $0xFFFFFFFF  }
0xb5: {  	_ =	strace $0x90000048  }
0xb6: {  	_ =	sfence  }
0xb7: {  	s30 =	sld [smem:$0x0];
	_ =	sdelay $0x2  }
0xb8: {  	s31 =	sshll.u32 s1, $0xD;
	s1 =	sshrl.u32 s1, $0x2  }
0xb9: {  	s3 =	sand.u32 $0x4000, s31;
	s1 =	sadd.s32 s1, s30  }
0xba: {  	s0 =	sor.u32 s3, s0;
	s1 =	sshll.u32 s1, $0x11  }
0xbb: {  	s0 =	sor.u32 s1, s0  }
0xbc: {  	s0 =	sadd.s32 $0x8F2B, s0  }
0xbd: {  	[sflag:s0] =	ssyncadd.remote.s32 $0x1  }
0xbe: {  	_ =	sfence.sel $0xFFFF  }
0xbf: {  	[dreg:$0x0] =	wrdreg $0xFFFFFFFF;
	(pc) =	sbr.abs _section_cstart, $3  }
0xc0: {  	[dreg:$0x1] =	wrdreg $0xFFFFFFFF  }
0xc1: {  	_ =	task.clear_ibuf [dreg:s6], $0x2FFFF;
	_ =	strace $0x9FFFFFFF  }
0xc2: {  	(tm) =	ssettm $0x7FFFFFFF  }
0xc3: {  	_ =	shalt  }
tec
execute0_lowered:
.L_overlay_start_1:
0x0: {  	(tag) =	ssettag $0x1  }
0x1: {  	s1 =	srdreg.scid;
	s5 =	rddreg [dreg:$0x0]  }
0x2: {  	s0 =	stileid.u32;
	s2 =	rddreg [dreg:$0x1];
	s3 =	simm.s32 $0x0  }
0x3: {  	s13 =	simm.s32 $0x1;
	s14 =	simm.s32 $0x80;
	s15 =	simm.s32 $0x2800  }
0x4: {  	s4 =	sand.u32 $0x1, s1;
	s26 =	sshll.u32 s0, $0x1;
	s8 =	smul.u32 $0x13C00, s0  }
0x5: {  	[smem:$0x7FF] =	sst s3;
	s9 =	smul.u32 $0x4F000, s0;
	s16 =	sshll.u32 s0, $0x6  }
0x6: {  	s1 =	sor.u32 s4, s26;
	s7 =	smul.u32 $0x13C000, s4;
	s29 =	ssub.s32 $0x2, s4  }
0x7: {  	s16 =	sor.u32 $0x1C01, s16;
	s6 =	smul.u32 $0x500, s1;
	s1 =	rddreg [dreg:$0x2]  }
0x8: {  	_ =	strace $0x80000047;
	s30 =	sshrl.u32 s9, $0x2;
	s31 =	sshrl.u32 s29, $0x1  }
0x9: {  	s28 =	sadd.s32 s8, s7;
	s4 =	sadd.s32 s30, s2;
	s12 =	ssub.s32 s29, s31  }
0xa: {  	s10 =	sadd.s32 s6, s5;
	s6 =	sshrl.u32 s28, $0x3;
	s7 =	sadd.s32 $0xC000, s4  }
0xb: {  	s8 =	sadd.s32 $0x10000, s4;
	s17 =	sshrl.u32 s4, $0x3;
	s11 =	sadd.s32 s6, s5  }
0xc: {  	vm0 =	vcmask $0x300;
	v0 =	vimm.f32 $0.0e+00;
	s5 =	sadd.s32 $0x4000, s4;
	s6 =	sadd.s32 $0x8000, s4;
	s9 =	sadd.s32 $0x5C00, s10  }
0xd: {  	v1 =	vsel vm0, $0x3F800000, v0;
	s10 =	sadd.s32 $0xFC00, s11;
	s11 =	smax.u32 s12, $0x1;
	s12 =	simm.s32 $0x6800  }
.LBB2_1:
0xe: {  	s18 =	simm.s32 $0x200;
	s19 =	simm.s32 $0x0  }
.LBB2_2:
0xf: {  	p0 =	sne.s32 s18, $0xFE00;
	[tilespmem:s19+$0x2800] =	vst v1;
	s20 =	smov.u32 s18;
	s18 =	sadd.s32 $0x200, s18  }
.Ltmp0:
0x10: {  	[tilespmem:s19+$0x6800] =	vst v0;
	(pc) =	sbr.rel @p0 .LBB2_2-.Ltmp0, $2  }
0x11: {  	_ =	sdelay $0x2  }
0x12: {  	s19 =	sshra.s32 s20, $0x2  }
0x13: {  	[tilespmem:s19+$0x2800] =	vst v1  }
0x14: {  	[tilespmem:s19+$0x6800] =	vst v0  }
0x15: {  	[spmem:s4] =	stream.linear.scatter [tilespmem:s12], [sflag:$0x1], $0x4000, $0x38;
	[tilespmem:$0xCF80] =	vst v63  }
0x16: {  	_ =	swait.ge [sflag:s13], $0x4000  }
0x17: {  	[sflag:s13] =	ssyncset.done $0x0  }
0x18: {  	[sflag:s13] =	ssyncadd.s32 $0xFFFFC000  }
0x19: {  	[spmem:s5] =	stream.linear.scatter [tilespmem:s12], [sflag:$0x1], $0x4000, $0x38;
	[tilespmem:$0xCF80] =	vst v63  }
0x1a: {  	_ =	swait.ge [sflag:s13], $0x4000  }
0x1b: {  	[sflag:s13] =	ssyncset.done $0x0  }
0x1c: {  	[sflag:s13] =	ssyncadd.s32 $0xFFFFC000  }
0x1d: {  	[spmem:s6] =	stream.linear.scatter [tilespmem:s12], [sflag:$0x1], $0x4000, $0x38;
	[tilespmem:$0xCF80] =	vst v63  }
0x1e: {  	_ =	swait.ge [sflag:s13], $0x4000  }
0x1f: {  	[sflag:s13] =	ssyncset.done $0x0  }
0x20: {  	[sflag:s13] =	ssyncadd.s32 $0xFFFFC000  }
0x21: {  	[spmem:s7] =	stream.linear.scatter [tilespmem:s12], [sflag:$0x1], $0x4000, $0x38;
	[tilespmem:$0xCF80] =	vst v63  }
0x22: {  	_ =	swait.ge [sflag:s13], $0x4000  }
0x23: {  	[sflag:s13] =	ssyncset.done $0x0  }
0x24: {  	[sflag:s13] =	ssyncadd.s32 $0xFFFFC000  }
0x25: {  	[spmem:s8] =	stream.linear.scatter [tilespmem:s12], [sflag:$0x1], $0x3C00, $0x38;
	[tilespmem:$0xCF80] =	vst v63  }
0x26: {  	_ =	swait.ge [sflag:s13], $0x3C00  }
0x27: {  	[sflag:s13] =	ssyncset.done $0x0  }
0x28: {  	s18 =	simm.s32 $0x0;
	[sflag:s13] =	ssyncadd.s32 $0xFFFFC400  }
0x29: {  	[tilespmem:s18], [sflag:$0x1] =	stream.linear.gather [hbm4b:s9+s18], $0x2800, $0x38;
	[tilespmem:$0xCF80] =	vst v63  }
0x2a: {  	_ =	swait.ge [sflag:s13], $0x2800  }
0x2b: {  	[sflag:s13] =	ssyncset.done $0x0  }
0x2c: {  	[sflag:s13] =	ssyncadd.s32 $0xFFFFD800  }
0x2d: {  	s31 =	simm.s32 $0x0;
	[bflag:$0x0] =	sbarrier.arrive $0xFFFF  }
0x2e: {  	[spmem:s2] =	stream.indirect.scatter.add.f32 [tilespmem:s15], [sflag:$0x1], $0x10, s31, s14, $0xb8;
	[tilespmem:$0xCF80] =	vst v63  }
0x2f: {  	_ =	swait.ge [sflag:s13], $0x800  }
0x30: {  	s18 =	simm.s32 $0x200;
	[sflag:s13] =	ssyncset.done $0x0  }
.LBB2_4:
0x31: {  	s19 =	sshra.s32 s18, $0x2;
	[sflag:s13] =	ssyncadd.s32 $0xFFFFF800;
	p0 =	sne.s32 s18, $0x9E00  }
0x32: {  	[spmem:s2] =	stream.indirect.scatter.add.f32 [tilespmem:s15], [sflag:$0x1], $0x10, s19, s14, $0xb8;
	[tilespmem:$0xCF80] =	vst v63  }
.Ltmp1:
0x33: {  	_ = 	snop;
	(pc) =	sbr.rel @p0 .LBB2_4-.Ltmp1, $4  }
0x34: {  	_ = 	snop  }
0x35: {  	s18 =	sadd.s32 $0x200, s18  }
0x36: {  	_ =	swait.ge [sflag:s13], $0x800  }
0x37: {  	[sflag:s13] =	ssyncset.done $0x0  }
0x38: {  	s3 =	sadd.s32 $0x1, s3  }
0x39: {  	[sflag:s13] =	ssyncadd.s32 $0xFFFFF800;
	p0 =	sne.s32 s3, s11  }
.Ltmp2:
0x3a: {  	[bflag:$0x0] =	sbarrier.arrive $0xFFFF;
	(pc) =	sbr.rel @p0 .LBB2_1-.Ltmp2, $4  }
0x3b: {  	[hbm:s10], [sflag:s16] =	dma.local [spmem:s17], $0x2780  }
0x3c: {  	_ =	swait.ge [sflag:s13], $0x2780  }
0x3d: {  	[sflag:s13] =	ssyncset.done $0x0  }
0x3e: {  	[sflag:s13] =	ssyncadd.s32 $0xFFFFD880  }
0x3f: {  	_ =	sfence.sel $0x180000  }
0x40: {  	[bflag:$0x0] =	sbarrier.arrive $0xFFFF  }
0x41: {  	p0 =	sne.s32 s0, $0x0;
	_ =	strace $0x90000047  }
0x42: {  	s0 =	sadd.s32 @!p0 $0x100000, s1;
	[bflag:$0x2] =	sbarrier.arrive $0xFFFF  }
0x43: {  	[sflag:s0] =	ssyncadd.tile.s32 @!p0 $0x1;
	_ =	shalt  }
.Lfunc_end2:
_tile_overlayer_lowered:
.L_overlay_start_2:
0x44: {  	(tag) =	ssettag $0x2  }
0x45: {  	s0 =	rddreg [dreg:$0x0];
	s2 =	stileid.u32  }
0x46: {  	s1 =	rddreg [dreg:$0x1];
	p0 =	sne.s32 s2, $0x0  }
0x47: {  	s3 =	rddreg [dreg:$0x2];
	[bflag:$0x3] =	sbarrier.arrive $0xFFFF;
	s2 =	simm.s32 @!p0 $0x1C01  }
0x48: {  	[timem:s3], [sflag:s2] =	dma.local @!p0 [hbm:s0], s1  }
0x49: {  	s0 =	simm.s32 @!p0 $0x1  }
0x4a: {  	_ =	swait.ge @!p0 [sflag:s0], s1  }
0x4b: {  	s1 =	ssub.s32 @!p0 $0x0, s1;
	[sflag:s0] =	ssyncset.done @!p0 $0x0  }
0x4c: {  	[sflag:s0] =	ssyncadd.s32 @!p0 s1  }
0x4d: {  	[bflag:$0x3] =	sbarrier.arrive $0xFFFF  }
0x4e: {  	_ =	shalt  }

// kernel: kernel.14.cloned.1.call-start
scs
__scs_entry_jumppad:
0x0: {  	(pc) =	sbr.rel $0x88, $3  }
0x1: {  	(tag) =	ssettag $0x0;
	lr =	simm.s32 $0x1  }
0x2: {  	[smem:$0x3F88] =	sst lr;
	_ =	strace $0xD0000000  }
0x3: {  	_ = 	snop  }
0x4: {  	_ = 	snop  }
0x5: {  	_ = 	snop  }
0x6: {  	_ = 	snop  }
0x7: {  	_ = 	snop  }
__scs_overlays_trampoline_lowered:
0x8: {  	[smem:$0x3F97] =	sst s0  }
0x9: {  	[smem:$0x3F98] =	sst s1  }
0xa: {  	[smem:$0x3F99] =	sst s2  }
0xb: {  	[smem:$0x3F9A] =	sst s3  }
0xc: {  	[smem:$0x3F9B] =	sst s4  }
0xd: {  	[smem:$0x3F9C] =	sst s5  }
0xe: {  	[smem:$0x3F9D] =	sst s6  }
0xf: {  	[smem:$0x3F9E] =	sst s7  }
0x10: {  	[smem:$0x3F9F] =	sst s8  }
0x11: {  	[smem:$0x3FA0] =	sst s9;
	s0 =	simm.s32 @!p0 $0x0  }
0x12: {  	s1 =	sld [smem:$0x3F86];
	s0 =	simm.s32 @p0 $0x1  }
0x13: {  	[smem:$0x3FA1] =	sst s0;
	s0 =	simm.s32 @!p1 $0x0  }
0x14: {  	s2 =	sld [smem:$0x3F85];
	s0 =	simm.s32 @p1 $0x1  }
0x15: {  	[smem:$0x3FA2] =	sst s0;
	s0 =	simm.s32 @!p2 $0x0  }
0x16: {  	s3 =	sld [smem:$0x3FDB];
	s0 =	simm.s32 @p2 $0x1  }
0x17: {  	s4 =	simm.s32 $0x1BF5;
	[smem:$0x3FA4] =	sst s0  }
0x18: {  	s0 =	sld [smem:$0x3F87];
	_ =	swait.ge [sflag:s4], $0x0  }
0x19: {  	s7 =	sld [smem:$0x3F88]  }
0x1a: {  	s8 =	sadd.s32 $0xFFFFE003, lr  }
0x1b: {  	s9 =	sadd.s32 $0xFFFFFEF7, lr;
	s5 =	simm.s32 $0xFFFFFFFF;
	p2 =	slt.u32 s8, $0xFFFFF086  }
0x1c: {  	p1 =	slt.u32 s9, $0xF7A;
	s5 =	simm.s32 @!p2 $0x0  }
0x1d: {  	s5 =	simm.s32 @p1 $0x1;
	p0 =	seq.s32 s7, s2  }
0x1e: {  	s7 =	smul.u32 @!p0 $0xF7A, s2;
	p2 =	seq.s32 @!p0 s5, $0x0  }
0x1f: {  	s9 =	smul.u32 $0xF7A, s1;
	s8 =	simm.s32 @!p0 $0x1BF5;
	p2 =	por !p2, p0  }
0x20: {  	[sflag:s8] =	ssyncset.s32 @!p0 $0xFFFFF086;
	s6 =	sadd.s32 @!p0 s3, s7;
	s7 =	simm.s32 @!p0 $0x108  }
0x21: {  	s3 =	sadd.s32 s3, s9;
	s6 =	sadd.s32 @!p0 $0x88, s6;
	s7 =	simm.s32 @p2 $0x1082  }
0x22: {  	[simem:s7], [sflag:s8] =	dma.local @!p0 [hbm:s6], $0xF7A  }
0x23: {  	s9 =	sor.u32 $0xD0000000, s2;
	s6 =	simm.s32 $0x108;
	_ =	swait.ge @!p0 [sflag:s8], $0x0  }
0x24: {  	s3 =	sadd.s32 $0x88, s3;
	s6 =	simm.s32 @!p1 $0x1082;
	[sflag:s4] =	ssyncset.s32 $0xFFFFF086  }
0x25: {  	[simem:s6], [sflag:s4] =	dma.local [hbm:s3], $0xF7A  }
0x26: {  	[smem:$0x3F88] =	sst s1;
	(tag) =	ssettag s2;
	_ =	strace s9  }
0x27: {  	s1 =	sld [smem:$0x3F98]  }
0x28: {  	s2 =	sld [smem:$0x3F99]  }
0x29: {  	s4 =	sld [smem:$0x3F9B]  }
0x2a: {  	p0 =	seq.s32 s5, $0x0;
	s5 =	sld [smem:$0x3F9C]  }
0x2b: {  	s6 =	sld [smem:$0x3F9D]  }
0x2c: {  	s7 =	sld [smem:$0x3F9E]  }
0x2d: {  	s3 =	simm.s32 $0x108;
	s8 =	sld [smem:$0x3F9F]  }
0x2e: {  	s3 =	simm.s32 @!p0 $0x1082;
	s9 =	sld [smem:$0x3FA0]  }
0x2f: {  	lr =	sadd.s32 s0, s3;
	s0 =	sld [smem:$0x3F97]  }
0x30: {  	s3 =	sld [smem:$0x3F9A]  }
0x31: {  	[smem:$0x3FA3] =	sst s10  }
0x32: {  	s10 =	sld [smem:$0x3FA1];
	_ =	sdelay $0x3  }
0x33: {  	p0 =	seq.s32 s10, $0x1;
	s10 =	sld [smem:$0x3FA3];
	_ =	sdelay $0x3  }
0x34: {  	[smem:$0x3FA3] =	sst s10  }
0x35: {  	s10 =	sld [smem:$0x3FA2];
	_ =	sdelay $0x3  }
0x36: {  	p1 =	seq.s32 s10, $0x1;
	s10 =	sld [smem:$0x3FA3];
	_ =	sdelay $0x3  }
0x37: {  	[smem:$0x3FA3] =	sst s10  }
0x38: {  	s10 =	sld [smem:$0x3FA4]  }
0x39: {  	_ = 	snop;
	(pc) =	sbr.ind lr, $3  }
0x3a: {  	_ = 	snop  }
0x3b: {  	_ = 	snop  }
0x3c: {  	p2 =	seq.s32 s10, $0x1;
	s10 =	sld [smem:$0x3FA3]  }
0x3d: {  	_ =	shalt  }
0x3e: {  	_ =	shalt  }
0x3f: {  	_ =	shalt  }
0x40: {  	_ =	shalt  }
0x41: {  	_ =	shalt  }
0x42: {  	_ =	shalt  }
0x43: {  	_ =	shalt  }
0x44: {  	_ =	shalt  }
0x45: {  	_ =	shalt  }
0x46: {  	_ =	shalt  }
0x47: {  	_ =	shalt  }
0x48: {  	_ =	shalt  }
0x49: {  	_ =	shalt  }
0x4a: {  	_ =	shalt  }
0x4b: {  	_ =	shalt  }
0x4c: {  	_ =	shalt  }
0x4d: {  	_ =	shalt  }
0x4e: {  	_ =	shalt  }
0x4f: {  	_ =	shalt  }
0x50: {  	_ =	shalt  }
0x51: {  	_ =	shalt  }
0x52: {  	_ =	shalt  }
0x53: {  	_ =	shalt  }
0x54: {  	_ =	shalt  }
0x55: {  	_ =	shalt  }
0x56: {  	_ =	shalt  }
0x57: {  	_ =	shalt  }
0x58: {  	_ =	shalt  }
0x59: {  	_ =	shalt  }
0x5a: {  	_ =	shalt  }
0x5b: {  	_ =	shalt  }
0x5c: {  	_ =	shalt  }
0x5d: {  	_ =	shalt  }
0x5e: {  	_ =	shalt  }
0x5f: {  	_ =	shalt  }
0x60: {  	_ =	shalt  }
0x61: {  	_ =	shalt  }
0x62: {  	_ =	shalt  }
0x63: {  	_ =	shalt  }
0x64: {  	_ =	shalt  }
0x65: {  	_ =	shalt  }
0x66: {  	_ =	shalt  }
0x67: {  	_ =	shalt  }
0x68: {  	_ =	shalt  }
0x69: {  	_ =	shalt  }
0x6a: {  	_ =	shalt  }
0x6b: {  	_ =	shalt  }
0x6c: {  	_ =	shalt  }
0x6d: {  	_ =	shalt  }
0x6e: {  	_ =	shalt  }
0x6f: {  	_ =	shalt  }
0x70: {  	_ =	shalt  }
0x71: {  	_ =	shalt  }
0x72: {  	_ =	shalt  }
0x73: {  	_ =	shalt  }
0x74: {  	_ =	shalt  }
0x75: {  	_ =	shalt  }
0x76: {  	_ =	shalt  }
0x77: {  	_ =	shalt  }
0x78: {  	_ =	shalt  }
0x79: {  	_ =	shalt  }
0x7a: {  	_ =	shalt  }
0x7b: {  	_ =	shalt  }
0x7c: {  	_ =	shalt  }
0x7d: {  	_ =	shalt  }
0x7e: {  	_ =	shalt  }
0x7f: {  	_ =	shalt  }
0x80: {  	_ =	shalt  }
0x81: {  	_ =	shalt  }
0x82: {  	_ =	shalt  }
0x83: {  	_ =	shalt  }
0x84: {  	_ =	shalt  }
0x85: {  	_ =	shalt  }
0x86: {  	_ =	shalt  }
0x87: {  	_ =	shalt  }
.Lfunc_end0:
.L_simem_size_0:
called_computation.1_lowered:
.L_overlay_start_0:
0x88: {  	s2 =	sld [smem:$0x3FD9]  }
0x89: {  	s3 =	sld [smem:$0x3FFE];
	_ =	sdelay $0x1  }
0x8a: {  	s1 =	srdreg.scid  }
0x8b: {  	s0 =	sand.u32 $0x1, s1  }
0x8c: {  	s16 =	sshll.u32 s0, $0xA;
	s2 =	sadd.s32 s3, s2  }
0x8d: {  	s2 =	sadd.s32 s2, s16  }
0x8e: {  	[smem:$0x3FAF] =	sst s2  }
0x8f: {  	_ = 	snop  }
0x90: {  	(tm) =	ssettm $0x1  }
0x91: {  	s17 =	sld [smem:$0x3FFB];
	_ =	sdelay $0x3  }
0x92: {  	_ =	strace s17  }
0x93: {  	s2 =	sld [smem:$0x3FFC];
	_ =	sdelay $0x3  }
0x94: {  	_ =	strace s2  }
0x95: {  	s2 =	sld [smem:$0x3FFD];
	_ =	sdelay $0x3  }
0x96: {  	_ =	strace s2  }
0x97: {  	_ =	strace $0x8FFFFFFF  }
0x98: {  	s18 =	sld [smem:$0x3FDB];
	_ =	sdelay $0x1  }
0x99: {  	s19 =	simm.s32 $_scs_section_size  }
0x9a: {  	s4 =	simm.s32 $_size__tile_overlayer_lowered;
	s5 =	simm.s32 $_tile_overlayer_lowered  }
0x9b: {  	s22 =	simm.s32 $0x1BFF;
	s21 =	sshll.u32 s5, $0x1;
	s2 =	sadd.s32 s19, s18  }
0x9c: {  	s6 =	simm.s32 $0x0;
	s20 =	sshll.u32 s4, $0x1;
	s4 =	sadd.s32 s21, s2  }
0x9d: {  	[timem:s6], [sflag:s22] =	dma.local [hbm:s4], s20  }
0x9e: {  	_ =	swait.ge [sflag:s22], s20  }
0x9f: {  	s3 =	ssub.s32 $0x0, s20;
	[sflag:s22] =	ssyncset.done $0x0  }
0xa0: {  	[sflag:s22] =	ssyncadd.s32 s3;
	_ =	sdelay $0x1  }
0xa1: {  	s23 =	simm.s32 $0x1B8B  }
0xa2: {  	_ =	swait.ge [sflag:s23], $0x1  }
0xa3: {  	[sflag:s23] =	ssyncset.done $0x0  }
0xa4: {  	s25 =	simm.s32 $0x1B8E;
	s24 =	sld [smem:$0x3FFE];
	[sflag:s23] =	ssyncadd.s32 $0xFFFFFFFF  }
0xa5: {  	s26 =	simm.s32 $execute0_lowered;
	[smem:$0x3FD2] =	sst s25  }
0xa6: {  	s4 =	sshll.u32 s26, $0x1;
	_ =	strace $0x80000049;
	[dreg:$0x1] =	wrdreg $0xFFFFFFFF  }
0xa7: {  	s28 =	simm.s32 $_size_execute0_lowered;
	s2 =	sadd.s32 s2, s4;
	[dreg:$0x0] =	wrdreg $0x0  }
0xa8: {  	s4 =	sshll.u32 s28, $0x1;
	[dreg:$0x2] =	wrdreg s2  }
0xa9: {  	[dreg:$0x3] =	wrdreg s4  }
0xaa: {  	[dreg:$0x4] =	wrdreg $0xC0  }
0xab: {  	_ =	task [dreg:s6], $0x5FFFF  }
0xac: {  	[dreg:$0x1] =	wrdreg $0xFFFFFFFF  }
0xad: {  	[dreg:$0x0] =	wrdreg $0x60  }
0xae: {  	[dreg:$0x2] =	wrdreg s24  }
0xaf: {  	[dreg:$0x3] =	wrdreg $0xA8000  }
0xb0: {  	[dreg:$0x4] =	wrdreg $0x9  }
0xb1: {  	_ =	task.clear_ibuf [dreg:s6], $0x5FFFF;
	_ =	strace $0x90000049  }
0xb2: {  	s29 =	simm.s32 $0x9;
	_ =	strace $0x8000004B  }
0xb3: {  	_ =	swait.ge [sflag:s29], $0x1  }
0xb4: {  	[sflag:s29] =	ssyncadd.s32 $0xFFFFFFFF  }
0xb5: {  	_ =	strace $0x9000004B  }
0xb6: {  	_ =	sfence  }
0xb7: {  	s30 =	sld [smem:$0x0];
	_ =	sdelay $0x2  }
0xb8: {  	s31 =	sshll.u32 s1, $0xD;
	s1 =	sshrl.u32 s1, $0x2  }
0xb9: {  	s3 =	sand.u32 $0x4000, s31;
	s1 =	sadd.s32 s1, s30  }
0xba: {  	s0 =	sor.u32 s3, s0;
	s1 =	sshll.u32 s1, $0x11  }
0xbb: {  	s0 =	sor.u32 s1, s0  }
0xbc: {  	s0 =	sadd.s32 $0x8F2B, s0  }
0xbd: {  	[sflag:s0] =	ssyncadd.remote.s32 $0x1  }
0xbe: {  	_ =	sfence.sel $0xFFFF  }
0xbf: {  	[dreg:$0x0] =	wrdreg $0xFFFFFFFF;
	(pc) =	sbr.abs _section_cstart, $3  }
0xc0: {  	[dreg:$0x1] =	wrdreg $0xFFFFFFFF  }
0xc1: {  	_ =	task.clear_ibuf [dreg:s6], $0x2FFFF;
	_ =	strace $0x9FFFFFFF  }
0xc2: {  	(tm) =	ssettm $0x7FFFFFFF  }
0xc3: {  	_ =	shalt  }
tec
execute0_lowered:
.L_overlay_start_1:
0x0: {  	(tag) =	ssettag $0x1  }
0x1: {  	s6 =	rddreg [dreg:$0x0]  }
0x2: {  	s1 =	rddreg [dreg:$0x1];
	s2 =	srdreg.scid  }
0x3: {  	s0 =	rddreg [dreg:$0x2];
	s3 =	simm.s32 $0x0;
	s17 =	simm.s32 $0x3  }
0x4: {  	s18 =	simm.s32 $0x1400;
	s19 =	simm.s32 $0x80;
	s20 =	simm.s32 $0x6800  }
0x5: {  	s21 =	simm.s32 $0x1;
	s22 =	simm.s32 $0x2;
	s23 =	simm.s32 $0x1380  }
0x6: {  	s24 =	simm.s32 $0x2700;
	s5 =	sand.u32 $0x1, s2;
	s2 =	stileid.u32  }
0x7: {  	s25 =	simm.s32 $0x2780;
	[smem:$0x7FF] =	sst s3;
	s7 =	smul.u32 $0x13C000, s5  }
0x8: {  	s4 =	sadd.s32 $0xFC00, s6;
	s12 =	sadd.s32 $0x5EC00, s6;
	s8 =	smul.u32 $0x13C00, s2  }
0x9: {  	s13 =	sadd.s32 $0x5C00, s6;
	s29 =	smul.u32 $0x4F000, s2;
	s9 =	sshll.u32 s2, $0x1  }
0xa: {  	_ =	strace $0x8000004A;
	s10 =	ssub.s32 $0x2, s5;
	s9 =	sor.u32 s5, s9  }
0xb: {  	s31 =	sshrl.u32 s10, $0x1;
	s7 =	sadd.s32 s8, s7;
	s30 =	sshrl.u32 s29, $0x2  }
0xc: {  	s9 =	smul.u32 $0x2800, s9;
	s15 =	ssub.s32 s10, s31;
	s7 =	sshrl.u32 s7, $0x3  }
0xd: {  	s5 =	sadd.s32 s30, s1;
	s15 =	smax.u32 s15, $0x1;
	s14 =	sadd.s32 s7, s6  }
0xe: {  	s6 =	sadd.s32 $0x4000, s5;
	s7 =	sadd.s32 $0x8000, s5;
	s11 =	sshrl.u32 s9, $0x3  }
0xf: {  	s8 =	sadd.s32 $0xC000, s5;
	s9 =	sadd.s32 $0x10000, s5;
	s10 =	sadd.s32 s12, s11  }
0x10: {  	s16 =	sadd.s32 $0x280, s11;
	s11 =	sadd.s32 s13, s11;
	s14 =	sadd.s32 $0x68C00, s14  }
0x11: {  	v0 =	vimm.f32 $0.0e+00;
	s12 =	sadd.s32 s12, s16;
	s13 =	sadd.s32 s13, s16;
	s16 =	simm.s32 $0x2800  }
.LBB2_1:
0x12: {  	s26 =	simm.s32 $0x0;
	s28 =	simm.s32 $0x200  }
.LBB2_2:
0x13: {  	p0 =	sne.s32 s28, $0xFE00;
	[tilespmem:s26+$0x2870] =	vst v0  }
0x14: {  	[tilespmem:s26+$0x2800] =	vst v0  }
0x15: {  	[tilespmem:s26+$0x2810] =	vst v0  }
.Ltmp0:
0x16: {  	[tilespmem:s26+$0x2820] =	vst v0;
	(pc) =	sbr.rel @p0 .LBB2_2-.Ltmp0, $4  }
0x17: {  	[tilespmem:s26+$0x2830] =	vst v0  }
0x18: {  	[tilespmem:s26+$0x2840] =	vst v0  }
0x19: {  	[tilespmem:s26+$0x2850] =	vst v0  }
0x1a: {  	[tilespmem:s26+$0x2860] =	vst v0;
	s26 =	sshra.s32 s28, $0x2;
	s28 =	sadd.s32 $0x200, s28  }
0x1b: {  	[tilespmem:s26+$0x2870] =	vst v0  }
0x1c: {  	[tilespmem:s26+$0x2800] =	vst v0  }
0x1d: {  	[tilespmem:s26+$0x2810] =	vst v0  }
0x1e: {  	[tilespmem:s26+$0x2820] =	vst v0  }
0x1f: {  	[tilespmem:s26+$0x2830] =	vst v0  }
0x20: {  	[tilespmem:s26+$0x2840] =	vst v0  }
0x21: {  	[tilespmem:s26+$0x2850] =	vst v0  }
0x22: {  	[tilespmem:s26+$0x2860] =	vst v0  }
0x23: {  	[spmem:s5] =	stream.linear.scatter [tilespmem:s16], [sflag:$0x3], $0x4000, $0x38;
	[tilespmem:$0x1E400] =	vst v63  }
0x24: {  	_ =	swait.ge [sflag:s17], $0x4000  }
0x25: {  	[sflag:s17] =	ssyncset.done $0x0  }
0x26: {  	[sflag:s17] =	ssyncadd.s32 $0xFFFFC000  }
0x27: {  	[spmem:s6] =	stream.linear.scatter [tilespmem:s16], [sflag:$0x3], $0x4000, $0x38;
	[tilespmem:$0x1E400] =	vst v63  }
0x28: {  	_ =	swait.ge [sflag:s17], $0x4000  }
0x29: {  	[sflag:s17] =	ssyncset.done $0x0  }
0x2a: {  	[sflag:s17] =	ssyncadd.s32 $0xFFFFC000  }
0x2b: {  	[spmem:s7] =	stream.linear.scatter [tilespmem:s16], [sflag:$0x3], $0x4000, $0x38;
	[tilespmem:$0x1E400] =	vst v63  }
0x2c: {  	_ =	swait.ge [sflag:s17], $0x4000  }
0x2d: {  	[sflag:s17] =	ssyncset.done $0x0  }
0x2e: {  	[sflag:s17] =	ssyncadd.s32 $0xFFFFC000  }
0x2f: {  	[spmem:s8] =	stream.linear.scatter [tilespmem:s16], [sflag:$0x3], $0x4000, $0x38;
	[tilespmem:$0x1E400] =	vst v63  }
0x30: {  	_ =	swait.ge [sflag:s17], $0x4000  }
0x31: {  	[sflag:s17] =	ssyncset.done $0x0  }
0x32: {  	[sflag:s17] =	ssyncadd.s32 $0xFFFFC000  }
0x33: {  	[spmem:s9] =	stream.linear.scatter [tilespmem:s16], [sflag:$0x3], $0x3C00, $0x38;
	[tilespmem:$0x1E400] =	vst v63  }
0x34: {  	_ =	swait.ge [sflag:s17], $0x3C00  }
0x35: {  	[sflag:s17] =	ssyncset.done $0x0  }
0x36: {  	[sflag:s17] =	ssyncadd.s32 $0xFFFFC400  }
0x37: {  	s30 =	simm.s32 $0x0;
	[bflag:$0x0] =	sbarrier.arrive $0xFFFF  }
0x38: {  	[tilespmem:s30], [sflag:$0x3] =	stream.linear.gather [hbm4b:s10+s30], $0x1400, $0x38;
	[tilespmem:$0x1E400] =	vst v63  }
0x39: {  	_ =	swait.ge [sflag:s17], $0x1400  }
0x3a: {  	[sflag:s17] =	ssyncset.done $0x0  }
0x3b: {  	[sflag:s17] =	ssyncadd.s32 $0xFFFFEC00  }
0x3c: {  	[tilespmem:s18], [sflag:$0x3] =	stream.linear.gather [hbm4b:s11+s30], $0x1400, $0x38;
	[tilespmem:$0x1E400] =	vst v63  }
0x3d: {  	_ =	swait.ge [sflag:s17], $0x1400  }
0x3e: {  	[sflag:s17] =	ssyncset.done $0x0  }
0x3f: {  	[sflag:s17] =	ssyncadd.s32 $0xFFFFEC00  }
0x40: {  	[tilespmem:s16], [sflag:$0x1] =	stream.indirect.gather [hbm4b:s4+s19], $0x80, s30, s19, $0xb8;
	[tilespmem:$0x1E400] =	vst v63  }
0x41: {  	s31 =	simm.s32 $0x80  }
0x42: {  	[tilespmem:s20], [sflag:$0x2] =	stream.indirect.gather [hbm4b:s4+s19], $0x80, s31, s19, $0xb8;
	[tilespmem:$0x1E400] =	vst v63  }
0x43: {  	_ =	swait.ge [sflag:s21], $0x4000  }
0x44: {  	[sflag:s21] =	ssyncset.done $0x0  }
0x45: {  	s29 =	simm.s32 $0x1400;
	[sflag:s21] =	ssyncadd.s32 $0xFFFFC000  }
0x46: {  	[spmem:s1] =	stream.indirect.scatter.add.f32 [tilespmem:s16], [sflag:$0x3], $0x80, s29, s19, $0xb8;
	[tilespmem:$0x1E400] =	vst v63  }
0x47: {  	_ =	swait.ge [sflag:s17], $0x4000  }
0x48: {  	[sflag:s17] =	ssyncset.done $0x0  }
0x49: {  	s30 =	simm.s32 $0x100;
	[sflag:s17] =	ssyncadd.s32 $0xFFFFC000  }
0x4a: {  	[tilespmem:s16], [sflag:$0x1] =	stream.indirect.gather [hbm4b:s4+s19], $0x80, s30, s19, $0xb8;
	[tilespmem:$0x1E400] =	vst v63  }
0x4b: {  	_ =	swait.ge [sflag:s22], $0x4000  }
0x4c: {  	[sflag:s22] =	ssyncset.done $0x0  }
0x4d: {  	s31 =	simm.s32 $0x1480;
	[sflag:s22] =	ssyncadd.s32 $0xFFFFC000  }
0x4e: {  	[spmem:s1] =	stream.indirect.scatter.add.f32 [tilespmem:s20], [sflag:$0x3], $0x80, s31, s19, $0xb8;
	[tilespmem:$0x1E400] =	vst v63  }
0x4f: {  	_ =	swait.ge [sflag:s17], $0x4000  }
0x50: {  	s28 =	simm.s32 $0x800;
	s26 =	simm.s32 $0x100;
	[sflag:s17] =	ssyncset.done $0x0  }
.LBB2_4:
0x51: {  	s29 =	sadd.s32 $0x80, s26  }
0x52: {  	[sflag:s17] =	ssyncadd.s32 $0xFFFFC000;
	s30 =	smov.u32 s28;
	s31 =	sadd.s32 $0x400, s28  }
0x53: {  	[tilespmem:s20], [sflag:$0x2] =	stream.indirect.gather [hbm4b:s4+s19], $0x80, s29, s19, $0xb8;
	[tilespmem:$0x1E400] =	vst v63  }
0x54: {  	p0 =	sne.s32 s28, $0x4800;
	_ =	swait.ge [sflag:s21], $0x4000  }
0x55: {  	[sflag:s21] =	ssyncset.done $0x0  }
0x56: {  	s28 =	sadd.s32 $0x1400, s26;
	[sflag:s21] =	ssyncadd.s32 $0xFFFFC000  }
0x57: {  	[spmem:s1] =	stream.indirect.scatter.add.f32 [tilespmem:s16], [sflag:$0x3], $0x80, s28, s19, $0xb8;
	[tilespmem:$0x1E400] =	vst v63  }
0x58: {  	_ =	swait.ge [sflag:s17], $0x4000  }
0x59: {  	[sflag:s17] =	ssyncset.done $0x0  }
0x5a: {  	s28 =	sadd.s32 $0x100, s26;
	[sflag:s17] =	ssyncadd.s32 $0xFFFFC000  }
0x5b: {  	[tilespmem:s16], [sflag:$0x1] =	stream.indirect.gather [hbm4b:s4+s19], $0x80, s28, s19, $0xb8;
	[tilespmem:$0x1E400] =	vst v63  }
0x5c: {  	_ =	swait.ge [sflag:s22], $0x4000  }
.Ltmp1:
0x5d: {  	[sflag:s22] =	ssyncset.done $0x0;
	(pc) =	sbr.rel @p0 .LBB2_4-.Ltmp1, $4  }
0x5e: {  	s26 =	sadd.s32 $0x1480, s26;
	[sflag:s22] =	ssyncadd.s32 $0xFFFFC000  }
0x5f: {  	[spmem:s1] =	stream.indirect.scatter.add.f32 [tilespmem:s20], [sflag:$0x3], $0x80, s26, s19, $0xb8;
	[tilespmem:$0x1E400] =	vst v63  }
0x60: {  	_ =	swait.ge [sflag:s17], $0x4000  }
0x61: {  	s28 =	smov.u32 s31;
	s26 =	sshra.s32 s30, $0x2;
	[sflag:s17] =	ssyncset.done $0x0  }
0x62: {  	s28 =	sadd.s32 $0x80, s26;
	[sflag:s17] =	ssyncadd.s32 $0xFFFFC000  }
0x63: {  	[tilespmem:s20], [sflag:$0x2] =	stream.indirect.gather [hbm4b:s4+s19], $0x80, s28, s19, $0xb8;
	[tilespmem:$0x1E400] =	vst v63  }
0x64: {  	_ =	swait.ge [sflag:s21], $0x4000  }
0x65: {  	[sflag:s21] =	ssyncset.done $0x0  }
0x66: {  	s28 =	sadd.s32 $0x1400, s26;
	[sflag:s21] =	ssyncadd.s32 $0xFFFFC000  }
0x67: {  	[spmem:s1] =	stream.indirect.scatter.add.f32 [tilespmem:s16], [sflag:$0x3], $0x80, s28, s19, $0xb8;
	[tilespmem:$0x1E400] =	vst v63  }
0x68: {  	_ =	swait.ge [sflag:s17], $0x4000  }
0x69: {  	[sflag:s17] =	ssyncset.done $0x0  }
0x6a: {  	s28 =	sadd.s32 $0x100, s26;
	[sflag:s17] =	ssyncadd.s32 $0xFFFFC000  }
0x6b: {  	[tilespmem:s16], [sflag:$0x1] =	stream.indirect.gather [hbm4b:s4+s19], $0x80, s28, s19, $0xb8;
	[tilespmem:$0x1E400] =	vst v63  }
0x6c: {  	_ =	swait.ge [sflag:s22], $0x4000  }
0x6d: {  	[sflag:s22] =	ssyncset.done $0x0  }
0x6e: {  	s29 =	sadd.s32 $0x1480, s26;
	[sflag:s22] =	ssyncadd.s32 $0xFFFFC000  }
0x6f: {  	[spmem:s1] =	stream.indirect.scatter.add.f32 [tilespmem:s20], [sflag:$0x3], $0x80, s29, s19, $0xb8;
	[tilespmem:$0x1E400] =	vst v63  }
0x70: {  	_ =	swait.ge [sflag:s17], $0x4000  }
0x71: {  	[sflag:s17] =	ssyncset.done $0x0  }
0x72: {  	[sflag:s17] =	ssyncadd.s32 $0xFFFFC000  }
0x73: {  	[tilespmem:s20], [sflag:$0x2] =	stream.indirect.gather [hbm4b:s4+s19], $0x80, s23, s19, $0xb8;
	[tilespmem:$0x1E400] =	vst v63  }
0x74: {  	_ =	swait.ge [sflag:s21], $0x4000  }
0x75: {  	[sflag:s21] =	ssyncset.done $0x0  }
0x76: {  	[sflag:s21] =	ssyncadd.s32 $0xFFFFC000  }
0x77: {  	[spmem:s1] =	stream.indirect.scatter.add.f32 [tilespmem:s16], [sflag:$0x3], $0x80, s24, s19, $0xb8;
	[tilespmem:$0x1E400] =	vst v63  }
0x78: {  	_ =	swait.ge [sflag:s17], $0x4000  }
0x79: {  	[sflag:s17] =	ssyncset.done $0x0  }
0x7a: {  	[sflag:s17] =	ssyncadd.s32 $0xFFFFC000  }
0x7b: {  	_ =	swait.ge [sflag:s22], $0x4000  }
0x7c: {  	[sflag:s22] =	ssyncset.done $0x0  }
0x7d: {  	[sflag:s22] =	ssyncadd.s32 $0xFFFFC000  }
0x7e: {  	[spmem:s1] =	stream.indirect.scatter.add.f32 [tilespmem:s20], [sflag:$0x3], $0x80, s25, s19, $0xb8;
	[tilespmem:$0x1E400] =	vst v63  }
0x7f: {  	_ =	swait.ge [sflag:s17], $0x4000  }
0x80: {  	[sflag:s17] =	ssyncset.done $0x0  }
0x81: {  	s30 =	simm.s32 $0x0;
	[sflag:s17] =	ssyncadd.s32 $0xFFFFC000  }
0x82: {  	[tilespmem:s30], [sflag:$0x3] =	stream.linear.gather [hbm4b:s12+s30], $0x1400, $0x38;
	[tilespmem:$0x1E400] =	vst v63  }
0x83: {  	_ =	swait.ge [sflag:s17], $0x1400  }
0x84: {  	[sflag:s17] =	ssyncset.done $0x0  }
0x85: {  	[sflag:s17] =	ssyncadd.s32 $0xFFFFEC00  }
0x86: {  	[tilespmem:s18], [sflag:$0x3] =	stream.linear.gather [hbm4b:s13+s30], $0x1400, $0x38;
	[tilespmem:$0x1E400] =	vst v63  }
0x87: {  	_ =	swait.ge [sflag:s17], $0x1400  }
0x88: {  	[sflag:s17] =	ssyncset.done $0x0  }
0x89: {  	[sflag:s17] =	ssyncadd.s32 $0xFFFFEC00  }
0x8a: {  	[tilespmem:s16], [sflag:$0x1] =	stream.indirect.gather [hbm4b:s4+s19], $0x80, s30, s19, $0xb8;
	[tilespmem:$0x1E400] =	vst v63  }
0x8b: {  	s31 =	simm.s32 $0x80  }
0x8c: {  	[tilespmem:s20], [sflag:$0x2] =	stream.indirect.gather [hbm4b:s4+s19], $0x80, s31, s19, $0xb8;
	[tilespmem:$0x1E400] =	vst v63  }
0x8d: {  	_ =	swait.ge [sflag:s21], $0x4000  }
0x8e: {  	[sflag:s21] =	ssyncset.done $0x0  }
0x8f: {  	s29 =	simm.s32 $0x1400;
	[sflag:s21] =	ssyncadd.s32 $0xFFFFC000  }
0x90: {  	[spmem:s1] =	stream.indirect.scatter.add.f32 [tilespmem:s16], [sflag:$0x3], $0x80, s29, s19, $0xb8;
	[tilespmem:$0x1E400] =	vst v63  }
0x91: {  	_ =	swait.ge [sflag:s17], $0x4000  }
0x92: {  	[sflag:s17] =	ssyncset.done $0x0  }
0x93: {  	s30 =	simm.s32 $0x100;
	[sflag:s17] =	ssyncadd.s32 $0xFFFFC000  }
0x94: {  	[tilespmem:s16], [sflag:$0x1] =	stream.indirect.gather [hbm4b:s4+s19], $0x80, s30, s19, $0xb8;
	[tilespmem:$0x1E400] =	vst v63  }
0x95: {  	_ =	swait.ge [sflag:s22], $0x4000  }
0x96: {  	[sflag:s22] =	ssyncset.done $0x0  }
0x97: {  	s31 =	simm.s32 $0x1480;
	[sflag:s22] =	ssyncadd.s32 $0xFFFFC000  }
0x98: {  	[spmem:s1] =	stream.indirect.scatter.add.f32 [tilespmem:s20], [sflag:$0x3], $0x80, s31, s19, $0xb8;
	[tilespmem:$0x1E400] =	vst v63  }
0x99: {  	_ =	swait.ge [sflag:s17], $0x4000  }
0x9a: {  	s26 =	simm.s32 $0x100;
	s28 =	simm.s32 $0x800;
	[sflag:s17] =	ssyncset.done $0x0  }
.LBB2_6:
0x9b: {  	s29 =	sadd.s32 $0x80, s26  }
0x9c: {  	[sflag:s17] =	ssyncadd.s32 $0xFFFFC000;
	s30 =	smov.u32 s28;
	s31 =	sadd.s32 $0x400, s28  }
0x9d: {  	[tilespmem:s20], [sflag:$0x2] =	stream.indirect.gather [hbm4b:s4+s19], $0x80, s29, s19, $0xb8;
	[tilespmem:$0x1E400] =	vst v63  }
0x9e: {  	p0 =	sne.s32 s28, $0x4800;
	_ =	swait.ge [sflag:s21], $0x4000  }
0x9f: {  	[sflag:s21] =	ssyncset.done $0x0  }
0xa0: {  	s28 =	sadd.s32 $0x1400, s26;
	[sflag:s21] =	ssyncadd.s32 $0xFFFFC000  }
0xa1: {  	[spmem:s1] =	stream.indirect.scatter.add.f32 [tilespmem:s16], [sflag:$0x3], $0x80, s28, s19, $0xb8;
	[tilespmem:$0x1E400] =	vst v63  }
0xa2: {  	_ =	swait.ge [sflag:s17], $0x4000  }
0xa3: {  	[sflag:s17] =	ssyncset.done $0x0  }
0xa4: {  	s28 =	sadd.s32 $0x100, s26;
	[sflag:s17] =	ssyncadd.s32 $0xFFFFC000  }
0xa5: {  	[tilespmem:s16], [sflag:$0x1] =	stream.indirect.gather [hbm4b:s4+s19], $0x80, s28, s19, $0xb8;
	[tilespmem:$0x1E400] =	vst v63  }
0xa6: {  	_ =	swait.ge [sflag:s22], $0x4000  }
.Ltmp2:
0xa7: {  	[sflag:s22] =	ssyncset.done $0x0;
	(pc) =	sbr.rel @p0 .LBB2_6-.Ltmp2, $4  }
0xa8: {  	s26 =	sadd.s32 $0x1480, s26;
	[sflag:s22] =	ssyncadd.s32 $0xFFFFC000  }
0xa9: {  	[spmem:s1] =	stream.indirect.scatter.add.f32 [tilespmem:s20], [sflag:$0x3], $0x80, s26, s19, $0xb8;
	[tilespmem:$0x1E400] =	vst v63  }
0xaa: {  	_ =	swait.ge [sflag:s17], $0x4000  }
0xab: {  	s28 =	smov.u32 s31;
	s26 =	sshra.s32 s30, $0x2;
	[sflag:s17] =	ssyncset.done $0x0  }
0xac: {  	s28 =	sadd.s32 $0x80, s26;
	[sflag:s17] =	ssyncadd.s32 $0xFFFFC000  }
0xad: {  	[tilespmem:s20], [sflag:$0x2] =	stream.indirect.gather [hbm4b:s4+s19], $0x80, s28, s19, $0xb8;
	[tilespmem:$0x1E400] =	vst v63  }
0xae: {  	_ =	swait.ge [sflag:s21], $0x4000  }
0xaf: {  	[sflag:s21] =	ssyncset.done $0x0  }
0xb0: {  	s30 =	sadd.s32 $0x1400, s26;
	[sflag:s21] =	ssyncadd.s32 $0xFFFFC000  }
0xb1: {  	[spmem:s1] =	stream.indirect.scatter.add.f32 [tilespmem:s16], [sflag:$0x3], $0x80, s30, s19, $0xb8;
	[tilespmem:$0x1E400] =	vst v63  }
0xb2: {  	_ =	swait.ge [sflag:s17], $0x4000  }
0xb3: {  	[sflag:s17] =	ssyncset.done $0x0  }
0xb4: {  	s31 =	sadd.s32 $0x100, s26;
	[sflag:s17] =	ssyncadd.s32 $0xFFFFC000  }
0xb5: {  	[tilespmem:s16], [sflag:$0x1] =	stream.indirect.gather [hbm4b:s4+s19], $0x80, s31, s19, $0xb8;
	[tilespmem:$0x1E400] =	vst v63  }
0xb6: {  	_ =	swait.ge [sflag:s22], $0x4000  }
0xb7: {  	[sflag:s22] =	ssyncset.done $0x0  }
0xb8: {  	s29 =	sadd.s32 $0x1480, s26;
	[sflag:s22] =	ssyncadd.s32 $0xFFFFC000  }
0xb9: {  	[spmem:s1] =	stream.indirect.scatter.add.f32 [tilespmem:s20], [sflag:$0x3], $0x80, s29, s19, $0xb8;
	[tilespmem:$0x1E400] =	vst v63  }
0xba: {  	_ =	swait.ge [sflag:s17], $0x4000  }
0xbb: {  	[sflag:s17] =	ssyncset.done $0x0  }
0xbc: {  	[sflag:s17] =	ssyncadd.s32 $0xFFFFC000  }
0xbd: {  	[tilespmem:s20], [sflag:$0x2] =	stream.indirect.gather [hbm4b:s4+s19], $0x80, s23, s19, $0xb8;
	[tilespmem:$0x1E400] =	vst v63  }
0xbe: {  	_ =	swait.ge [sflag:s21], $0x4000  }
0xbf: {  	[sflag:s21] =	ssyncset.done $0x0  }
0xc0: {  	[sflag:s21] =	ssyncadd.s32 $0xFFFFC000  }
0xc1: {  	[spmem:s1] =	stream.indirect.scatter.add.f32 [tilespmem:s16], [sflag:$0x3], $0x80, s24, s19, $0xb8;
	[tilespmem:$0x1E400] =	vst v63  }
0xc2: {  	_ =	swait.ge [sflag:s17], $0x4000  }
0xc3: {  	[sflag:s17] =	ssyncset.done $0x0  }
0xc4: {  	[sflag:s17] =	ssyncadd.s32 $0xFFFFC000  }
0xc5: {  	_ =	swait.ge [sflag:s22], $0x4000  }
0xc6: {  	[sflag:s22] =	ssyncset.done $0x0  }
0xc7: {  	[sflag:s22] =	ssyncadd.s32 $0xFFFFC000  }
0xc8: {  	[spmem:s1] =	stream.indirect.scatter.add.f32 [tilespmem:s20], [sflag:$0x3], $0x80, s25, s19, $0xb8;
	[tilespmem:$0x1E400] =	vst v63  }
0xc9: {  	_ =	swait.ge [sflag:s17], $0x4000  }
0xca: {  	s3 =	sadd.s32 $0x1, s3;
	s30 =	sshll.u32 s2, $0x6;
	[sflag:s17] =	ssyncset.done $0x0  }
0xcb: {  	p0 =	sne.s32 s3, s15;
	s26 =	sor.u32 $0x1C03, s30;
	[sflag:s17] =	ssyncadd.s32 $0xFFFFC000  }
.Ltmp3:
0xcc: {  	s31 =	sshrl.u32 s5, $0x3;
	[bflag:$0x0] =	sbarrier.arrive $0xFFFF;
	(pc) =	sbr.rel @p0 .LBB2_1-.Ltmp3, $4  }
0xcd: {  	[hbm:s14], [sflag:s26] =	dma.local [spmem:s31], $0x2780  }
0xce: {  	_ =	swait.ge [sflag:s17], $0x2780  }
0xcf: {  	[sflag:s17] =	ssyncset.done $0x0  }
0xd0: {  	[sflag:s17] =	ssyncadd.s32 $0xFFFFD880  }
0xd1: {  	_ =	sfence.sel $0x180000  }
0xd2: {  	[bflag:$0x0] =	sbarrier.arrive $0xFFFF  }
0xd3: {  	p0 =	sne.s32 s2, $0x0;
	_ =	strace $0x9000004A  }
0xd4: {  	s0 =	sadd.s32 @!p0 $0x100000, s0;
	[bflag:$0x2] =	sbarrier.arrive $0xFFFF  }
0xd5: {  	[sflag:s0] =	ssyncadd.tile.s32 @!p0 $0x1;
	_ =	shalt  }
.Lfunc_end2:
_tile_overlayer_lowered:
.L_overlay_start_2:
0xd6: {  	(tag) =	ssettag $0x2  }
0xd7: {  	s0 =	rddreg [dreg:$0x0];
	s2 =	stileid.u32  }
0xd8: {  	s1 =	rddreg [dreg:$0x1];
	p0 =	sne.s32 s2, $0x0  }
0xd9: {  	s3 =	rddreg [dreg:$0x2];
	[bflag:$0x3] =	sbarrier.arrive $0xFFFF;
	s2 =	simm.s32 @!p0 $0x1C03  }
0xda: {  	[timem:s3], [sflag:s2] =	dma.local @!p0 [hbm:s0], s1  }
0xdb: {  	s0 =	simm.s32 @!p0 $0x3  }
0xdc: {  	_ =	swait.ge @!p0 [sflag:s0], s1  }
0xdd: {  	s1 =	ssub.s32 @!p0 $0x0, s1;
	[sflag:s0] =	ssyncset.done @!p0 $0x0  }
0xde: {  	[sflag:s0] =	ssyncadd.s32 @!p0 s1  }
0xdf: {  	[bflag:$0x3] =	sbarrier.arrive $0xFFFF  }
0xe0: {  	_ =	shalt  }

// kernel: kernel.17.cloned.1.call-start
scs
__scs_entry_jumppad:
0x0: {  	(pc) =	sbr.rel $0x88, $3  }
0x1: {  	(tag) =	ssettag $0x0;
	lr =	simm.s32 $0x1  }
0x2: {  	[smem:$0x3F88] =	sst lr;
	_ =	strace $0xD0000000  }
0x3: {  	_ = 	snop  }
0x4: {  	_ = 	snop  }
0x5: {  	_ = 	snop  }
0x6: {  	_ = 	snop  }
0x7: {  	_ = 	snop  }
__scs_overlays_trampoline_lowered:
0x8: {  	[smem:$0x3F97] =	sst s0  }
0x9: {  	[smem:$0x3F98] =	sst s1  }
0xa: {  	[smem:$0x3F99] =	sst s2  }
0xb: {  	[smem:$0x3F9A] =	sst s3  }
0xc: {  	[smem:$0x3F9B] =	sst s4  }
0xd: {  	[smem:$0x3F9C] =	sst s5  }
0xe: {  	[smem:$0x3F9D] =	sst s6  }
0xf: {  	[smem:$0x3F9E] =	sst s7  }
0x10: {  	[smem:$0x3F9F] =	sst s8  }
0x11: {  	[smem:$0x3FA0] =	sst s9;
	s0 =	simm.s32 @!p0 $0x0  }
0x12: {  	s1 =	sld [smem:$0x3F86];
	s0 =	simm.s32 @p0 $0x1  }
0x13: {  	[smem:$0x3FA1] =	sst s0;
	s0 =	simm.s32 @!p1 $0x0  }
0x14: {  	s2 =	sld [smem:$0x3F85];
	s0 =	simm.s32 @p1 $0x1  }
0x15: {  	[smem:$0x3FA2] =	sst s0;
	s0 =	simm.s32 @!p2 $0x0  }
0x16: {  	s3 =	sld [smem:$0x3FDB];
	s0 =	simm.s32 @p2 $0x1  }
0x17: {  	s4 =	simm.s32 $0x1BF5;
	[smem:$0x3FA4] =	sst s0  }
0x18: {  	s0 =	sld [smem:$0x3F87];
	_ =	swait.ge [sflag:s4], $0x0  }
0x19: {  	s7 =	sld [smem:$0x3F88]  }
0x1a: {  	s8 =	sadd.s32 $0xFFFFE003, lr  }
0x1b: {  	s9 =	sadd.s32 $0xFFFFFEF7, lr;
	s5 =	simm.s32 $0xFFFFFFFF;
	p2 =	slt.u32 s8, $0xFFFFF086  }
0x1c: {  	p1 =	slt.u32 s9, $0xF7A;
	s5 =	simm.s32 @!p2 $0x0  }
0x1d: {  	s5 =	simm.s32 @p1 $0x1;
	p0 =	seq.s32 s7, s2  }
0x1e: {  	s7 =	smul.u32 @!p0 $0xF7A, s2;
	p2 =	seq.s32 @!p0 s5, $0x0  }
0x1f: {  	s9 =	smul.u32 $0xF7A, s1;
	s8 =	simm.s32 @!p0 $0x1BF5;
	p2 =	por !p2, p0  }
0x20: {  	[sflag:s8] =	ssyncset.s32 @!p0 $0xFFFFF086;
	s6 =	sadd.s32 @!p0 s3, s7;
	s7 =	simm.s32 @!p0 $0x108  }
0x21: {  	s3 =	sadd.s32 s3, s9;
	s6 =	sadd.s32 @!p0 $0x88, s6;
	s7 =	simm.s32 @p2 $0x1082  }
0x22: {  	[simem:s7], [sflag:s8] =	dma.local @!p0 [hbm:s6], $0xF7A  }
0x23: {  	s9 =	sor.u32 $0xD0000000, s2;
	s6 =	simm.s32 $0x108;
	_ =	swait.ge @!p0 [sflag:s8], $0x0  }
0x24: {  	s3 =	sadd.s32 $0x88, s3;
	s6 =	simm.s32 @!p1 $0x1082;
	[sflag:s4] =	ssyncset.s32 $0xFFFFF086  }
0x25: {  	[simem:s6], [sflag:s4] =	dma.local [hbm:s3], $0xF7A  }
0x26: {  	[smem:$0x3F88] =	sst s1;
	(tag) =	ssettag s2;
	_ =	strace s9  }
0x27: {  	s1 =	sld [smem:$0x3F98]  }
0x28: {  	s2 =	sld [smem:$0x3F99]  }
0x29: {  	s4 =	sld [smem:$0x3F9B]  }
0x2a: {  	p0 =	seq.s32 s5, $0x0;
	s5 =	sld [smem:$0x3F9C]  }
0x2b: {  	s6 =	sld [smem:$0x3F9D]  }
0x2c: {  	s7 =	sld [smem:$0x3F9E]  }
0x2d: {  	s3 =	simm.s32 $0x108;
	s8 =	sld [smem:$0x3F9F]  }
0x2e: {  	s3 =	simm.s32 @!p0 $0x1082;
	s9 =	sld [smem:$0x3FA0]  }
0x2f: {  	lr =	sadd.s32 s0, s3;
	s0 =	sld [smem:$0x3F97]  }
0x30: {  	s3 =	sld [smem:$0x3F9A]  }
0x31: {  	[smem:$0x3FA3] =	sst s10  }
0x32: {  	s10 =	sld [smem:$0x3FA1];
	_ =	sdelay $0x3  }
0x33: {  	p0 =	seq.s32 s10, $0x1;
	s10 =	sld [smem:$0x3FA3];
	_ =	sdelay $0x3  }
0x34: {  	[smem:$0x3FA3] =	sst s10  }
0x35: {  	s10 =	sld [smem:$0x3FA2];
	_ =	sdelay $0x3  }
0x36: {  	p1 =	seq.s32 s10, $0x1;
	s10 =	sld [smem:$0x3FA3];
	_ =	sdelay $0x3  }
0x37: {  	[smem:$0x3FA3] =	sst s10  }
0x38: {  	s10 =	sld [smem:$0x3FA4]  }
0x39: {  	_ = 	snop;
	(pc) =	sbr.ind lr, $3  }
0x3a: {  	_ = 	snop  }
0x3b: {  	_ = 	snop  }
0x3c: {  	p2 =	seq.s32 s10, $0x1;
	s10 =	sld [smem:$0x3FA3]  }
0x3d: {  	_ =	shalt  }
0x3e: {  	_ =	shalt  }
0x3f: {  	_ =	shalt  }
0x40: {  	_ =	shalt  }
0x41: {  	_ =	shalt  }
0x42: {  	_ =	shalt  }
0x43: {  	_ =	shalt  }
0x44: {  	_ =	shalt  }
0x45: {  	_ =	shalt  }
0x46: {  	_ =	shalt  }
0x47: {  	_ =	shalt  }
0x48: {  	_ =	shalt  }
0x49: {  	_ =	shalt  }
0x4a: {  	_ =	shalt  }
0x4b: {  	_ =	shalt  }
0x4c: {  	_ =	shalt  }
0x4d: {  	_ =	shalt  }
0x4e: {  	_ =	shalt  }
0x4f: {  	_ =	shalt  }
0x50: {  	_ =	shalt  }
0x51: {  	_ =	shalt  }
0x52: {  	_ =	shalt  }
0x53: {  	_ =	shalt  }
0x54: {  	_ =	shalt  }
0x55: {  	_ =	shalt  }
0x56: {  	_ =	shalt  }
0x57: {  	_ =	shalt  }
0x58: {  	_ =	shalt  }
0x59: {  	_ =	shalt  }
0x5a: {  	_ =	shalt  }
0x5b: {  	_ =	shalt  }
0x5c: {  	_ =	shalt  }
0x5d: {  	_ =	shalt  }
0x5e: {  	_ =	shalt  }
0x5f: {  	_ =	shalt  }
0x60: {  	_ =	shalt  }
0x61: {  	_ =	shalt  }
0x62: {  	_ =	shalt  }
0x63: {  	_ =	shalt  }
0x64: {  	_ =	shalt  }
0x65: {  	_ =	shalt  }
0x66: {  	_ =	shalt  }
0x67: {  	_ =	shalt  }
0x68: {  	_ =	shalt  }
0x69: {  	_ =	shalt  }
0x6a: {  	_ =	shalt  }
0x6b: {  	_ =	shalt  }
0x6c: {  	_ =	shalt  }
0x6d: {  	_ =	shalt  }
0x6e: {  	_ =	shalt  }
0x6f: {  	_ =	shalt  }
0x70: {  	_ =	shalt  }
0x71: {  	_ =	shalt  }
0x72: {  	_ =	shalt  }
0x73: {  	_ =	shalt  }
0x74: {  	_ =	shalt  }
0x75: {  	_ =	shalt  }
0x76: {  	_ =	shalt  }
0x77: {  	_ =	shalt  }
0x78: {  	_ =	shalt  }
0x79: {  	_ =	shalt  }
0x7a: {  	_ =	shalt  }
0x7b: {  	_ =	shalt  }
0x7c: {  	_ =	shalt  }
0x7d: {  	_ =	shalt  }
0x7e: {  	_ =	shalt  }
0x7f: {  	_ =	shalt  }
0x80: {  	_ =	shalt  }
0x81: {  	_ =	shalt  }
0x82: {  	_ =	shalt  }
0x83: {  	_ =	shalt  }
0x84: {  	_ =	shalt  }
0x85: {  	_ =	shalt  }
0x86: {  	_ =	shalt  }
0x87: {  	_ =	shalt  }
.Lfunc_end0:
.L_simem_size_0:
called_computation.2_lowered:
.L_overlay_start_0:
0x88: {  	s2 =	sld [smem:$0x3FD9]  }
0x89: {  	s3 =	sld [smem:$0x3FFE];
	_ =	sdelay $0x1  }
0x8a: {  	s1 =	srdreg.scid  }
0x8b: {  	s0 =	sand.u32 $0x1, s1  }
0x8c: {  	s16 =	sshll.u32 s0, $0xA;
	s2 =	sadd.s32 s3, s2  }
0x8d: {  	s2 =	sadd.s32 s2, s16  }
0x8e: {  	[smem:$0x3FAF] =	sst s2  }
0x8f: {  	_ = 	snop  }
0x90: {  	(tm) =	ssettm $0x1  }
0x91: {  	s17 =	sld [smem:$0x3FFB];
	_ =	sdelay $0x3  }
0x92: {  	_ =	strace s17  }
0x93: {  	s2 =	sld [smem:$0x3FFC];
	_ =	sdelay $0x3  }
0x94: {  	_ =	strace s2  }
0x95: {  	s2 =	sld [smem:$0x3FFD];
	_ =	sdelay $0x3  }
0x96: {  	_ =	strace s2  }
0x97: {  	_ =	strace $0x8FFFFFFF  }
0x98: {  	s18 =	sld [smem:$0x3FDB];
	_ =	sdelay $0x1  }
0x99: {  	s19 =	simm.s32 $_scs_section_size  }
0x9a: {  	s4 =	simm.s32 $_size__tile_overlayer_lowered;
	s5 =	simm.s32 $_tile_overlayer_lowered  }
0x9b: {  	s22 =	simm.s32 $0x1BFF;
	s21 =	sshll.u32 s5, $0x1;
	s2 =	sadd.s32 s19, s18  }
0x9c: {  	s6 =	simm.s32 $0x0;
	s20 =	sshll.u32 s4, $0x1;
	s4 =	sadd.s32 s21, s2  }
0x9d: {  	[timem:s6], [sflag:s22] =	dma.local [hbm:s4], s20  }
0x9e: {  	_ =	swait.ge [sflag:s22], s20  }
0x9f: {  	s3 =	ssub.s32 $0x0, s20;
	[sflag:s22] =	ssyncset.done $0x0  }
0xa0: {  	[sflag:s22] =	ssyncadd.s32 s3;
	_ =	sdelay $0x1  }
0xa1: {  	s23 =	simm.s32 $0x1B8B  }
0xa2: {  	_ =	swait.ge [sflag:s23], $0x1  }
0xa3: {  	[sflag:s23] =	ssyncset.done $0x0  }
0xa4: {  	s25 =	simm.s32 $0x1B8E;
	s24 =	sld [smem:$0x3FFE];
	[sflag:s23] =	ssyncadd.s32 $0xFFFFFFFF  }
0xa5: {  	s26 =	simm.s32 $execute0_lowered;
	[smem:$0x3FD2] =	sst s25  }
0xa6: {  	s4 =	sshll.u32 s26, $0x1;
	_ =	strace $0x8000004C;
	[dreg:$0x1] =	wrdreg $0xFFFFFFFF  }
0xa7: {  	s28 =	simm.s32 $_size_execute0_lowered;
	s2 =	sadd.s32 s2, s4;
	[dreg:$0x0] =	wrdreg $0x0  }
0xa8: {  	s4 =	sshll.u32 s28, $0x1;
	[dreg:$0x2] =	wrdreg s2  }
0xa9: {  	[dreg:$0x3] =	wrdreg s4  }
0xaa: {  	[dreg:$0x4] =	wrdreg $0xC0  }
0xab: {  	_ =	task [dreg:s6], $0x5FFFF  }
0xac: {  	[dreg:$0x1] =	wrdreg $0xFFFFFFFF  }
0xad: {  	[dreg:$0x0] =	wrdreg $0x60  }
0xae: {  	[dreg:$0x2] =	wrdreg s24  }
0xaf: {  	[dreg:$0x3] =	wrdreg $0xA8000  }
0xb0: {  	[dreg:$0x4] =	wrdreg $0x9  }
0xb1: {  	_ =	task.clear_ibuf [dreg:s6], $0x5FFFF;
	_ =	strace $0x9000004C  }
0xb2: {  	s29 =	simm.s32 $0x9;
	_ =	strace $0x8000004E  }
0xb3: {  	_ =	swait.ge [sflag:s29], $0x1  }
0xb4: {  	[sflag:s29] =	ssyncadd.s32 $0xFFFFFFFF  }
0xb5: {  	_ =	strace $0x9000004E  }
0xb6: {  	_ =	sfence  }
0xb7: {  	s30 =	sld [smem:$0x0];
	_ =	sdelay $0x2  }
0xb8: {  	s31 =	sshll.u32 s1, $0xD;
	s1 =	sshrl.u32 s1, $0x2  }
0xb9: {  	s3 =	sand.u32 $0x4000, s31;
	s1 =	sadd.s32 s1, s30  }
0xba: {  	s0 =	sor.u32 s3, s0;
	s1 =	sshll.u32 s1, $0x11  }
0xbb: {  	s0 =	sor.u32 s1, s0  }
0xbc: {  	s0 =	sadd.s32 $0x8F2B, s0  }
0xbd: {  	[sflag:s0] =	ssyncadd.remote.s32 $0x1  }
0xbe: {  	_ =	sfence.sel $0xFFFF  }
0xbf: {  	[dreg:$0x0] =	wrdreg $0xFFFFFFFF;
	(pc) =	sbr.abs _section_cstart, $3  }
0xc0: {  	[dreg:$0x1] =	wrdreg $0xFFFFFFFF  }
0xc1: {  	_ =	task.clear_ibuf [dreg:s6], $0x2FFFF;
	_ =	strace $0x9FFFFFFF  }
0xc2: {  	(tm) =	ssettm $0x7FFFFFFF  }
0xc3: {  	_ =	shalt  }
tec
execute0_lowered:
.L_overlay_start_1:
0x0: {  	(tag) =	ssettag $0x1  }
0x1: {  	s6 =	rddreg [dreg:$0x0]  }
0x2: {  	s1 =	rddreg [dreg:$0x1];
	s2 =	srdreg.scid  }
0x3: {  	s0 =	rddreg [dreg:$0x2];
	s3 =	simm.s32 $0x0;
	s17 =	simm.s32 $0x3  }
0x4: {  	s18 =	simm.s32 $0x1400;
	s19 =	simm.s32 $0x80;
	s20 =	simm.s32 $0x6800  }
0x5: {  	s21 =	simm.s32 $0x1;
	s22 =	simm.s32 $0x2;
	s23 =	simm.s32 $0x1380  }
0x6: {  	s24 =	simm.s32 $0x2700;
	s5 =	sand.u32 $0x1, s2;
	s2 =	stileid.u32  }
0x7: {  	s25 =	simm.s32 $0x2780;
	[smem:$0x7FF] =	sst s3;
	s7 =	smul.u32 $0x13C000, s5  }
0x8: {  	s4 =	sadd.s32 $0xFC00, s6;
	s12 =	sadd.s32 $0x5EC00, s6;
	s8 =	smul.u32 $0x13C00, s2  }
0x9: {  	s13 =	sadd.s32 $0x5C00, s6;
	s29 =	smul.u32 $0x4F000, s2;
	s9 =	sshll.u32 s2, $0x1  }
0xa: {  	_ =	strace $0x8000004D;
	s10 =	ssub.s32 $0x2, s5;
	s9 =	sor.u32 s5, s9  }
0xb: {  	s31 =	sshrl.u32 s10, $0x1;
	s7 =	sadd.s32 s8, s7;
	s30 =	sshrl.u32 s29, $0x2  }
0xc: {  	s9 =	smul.u32 $0x2800, s9;
	s15 =	ssub.s32 s10, s31;
	s7 =	sshrl.u32 s7, $0x3  }
0xd: {  	s5 =	sadd.s32 s30, s1;
	s15 =	smax.u32 s15, $0x1;
	s14 =	sadd.s32 s7, s6  }
0xe: {  	s6 =	sadd.s32 $0x4000, s5;
	s7 =	sadd.s32 $0x8000, s5;
	s11 =	sshrl.u32 s9, $0x3  }
0xf: {  	s8 =	sadd.s32 $0xC000, s5;
	s9 =	sadd.s32 $0x10000, s5;
	s10 =	sadd.s32 s12, s11  }
0x10: {  	s16 =	sadd.s32 $0x280, s11;
	s11 =	sadd.s32 s13, s11;
	s14 =	sadd.s32 $0x68C00, s14  }
0x11: {  	v0 =	vimm.f32 $0.0e+00;
	s12 =	sadd.s32 s12, s16;
	s13 =	sadd.s32 s13, s16;
	s16 =	simm.s32 $0x2800  }
.LBB2_1:
0x12: {  	s26 =	simm.s32 $0x0;
	s28 =	simm.s32 $0x200  }
.LBB2_2:
0x13: {  	p0 =	sne.s32 s28, $0xFE00;
	[tilespmem:s26+$0x2870] =	vst v0  }
0x14: {  	[tilespmem:s26+$0x2800] =	vst v0  }
0x15: {  	[tilespmem:s26+$0x2810] =	vst v0  }
.Ltmp0:
0x16: {  	[tilespmem:s26+$0x2820] =	vst v0;
	(pc) =	sbr.rel @p0 .LBB2_2-.Ltmp0, $4  }
0x17: {  	[tilespmem:s26+$0x2830] =	vst v0  }
0x18: {  	[tilespmem:s26+$0x2840] =	vst v0  }
0x19: {  	[tilespmem:s26+$0x2850] =	vst v0  }
0x1a: {  	[tilespmem:s26+$0x2860] =	vst v0;
	s26 =	sshra.s32 s28, $0x2;
	s28 =	sadd.s32 $0x200, s28  }
0x1b: {  	[tilespmem:s26+$0x2870] =	vst v0  }
0x1c: {  	[tilespmem:s26+$0x2800] =	vst v0  }
0x1d: {  	[tilespmem:s26+$0x2810] =	vst v0  }
0x1e: {  	[tilespmem:s26+$0x2820] =	vst v0  }
0x1f: {  	[tilespmem:s26+$0x2830] =	vst v0  }
0x20: {  	[tilespmem:s26+$0x2840] =	vst v0  }
0x21: {  	[tilespmem:s26+$0x2850] =	vst v0  }
0x22: {  	[tilespmem:s26+$0x2860] =	vst v0  }
0x23: {  	[spmem:s5] =	stream.linear.scatter [tilespmem:s16], [sflag:$0x3], $0x4000, $0x38;
	[tilespmem:$0x1E400] =	vst v63  }
0x24: {  	_ =	swait.ge [sflag:s17], $0x4000  }
0x25: {  	[sflag:s17] =	ssyncset.done $0x0  }
0x26: {  	[sflag:s17] =	ssyncadd.s32 $0xFFFFC000  }
0x27: {  	[spmem:s6] =	stream.linear.scatter [tilespmem:s16], [sflag:$0x3], $0x4000, $0x38;
	[tilespmem:$0x1E400] =	vst v63  }
0x28: {  	_ =	swait.ge [sflag:s17], $0x4000  }
0x29: {  	[sflag:s17] =	ssyncset.done $0x0  }
0x2a: {  	[sflag:s17] =	ssyncadd.s32 $0xFFFFC000  }
0x2b: {  	[spmem:s7] =	stream.linear.scatter [tilespmem:s16], [sflag:$0x3], $0x4000, $0x38;
	[tilespmem:$0x1E400] =	vst v63  }
0x2c: {  	_ =	swait.ge [sflag:s17], $0x4000  }
0x2d: {  	[sflag:s17] =	ssyncset.done $0x0  }
0x2e: {  	[sflag:s17] =	ssyncadd.s32 $0xFFFFC000  }
0x2f: {  	[spmem:s8] =	stream.linear.scatter [tilespmem:s16], [sflag:$0x3], $0x4000, $0x38;
	[tilespmem:$0x1E400] =	vst v63  }
0x30: {  	_ =	swait.ge [sflag:s17], $0x4000  }
0x31: {  	[sflag:s17] =	ssyncset.done $0x0  }
0x32: {  	[sflag:s17] =	ssyncadd.s32 $0xFFFFC000  }
0x33: {  	[spmem:s9] =	stream.linear.scatter [tilespmem:s16], [sflag:$0x3], $0x3C00, $0x38;
	[tilespmem:$0x1E400] =	vst v63  }
0x34: {  	_ =	swait.ge [sflag:s17], $0x3C00  }
0x35: {  	[sflag:s17] =	ssyncset.done $0x0  }
0x36: {  	[sflag:s17] =	ssyncadd.s32 $0xFFFFC400  }
0x37: {  	s30 =	simm.s32 $0x0;
	[bflag:$0x0] =	sbarrier.arrive $0xFFFF  }
0x38: {  	[tilespmem:s30], [sflag:$0x3] =	stream.linear.gather [hbm4b:s10+s30], $0x1400, $0x38;
	[tilespmem:$0x1E400] =	vst v63  }
0x39: {  	_ =	swait.ge [sflag:s17], $0x1400  }
0x3a: {  	[sflag:s17] =	ssyncset.done $0x0  }
0x3b: {  	[sflag:s17] =	ssyncadd.s32 $0xFFFFEC00  }
0x3c: {  	[tilespmem:s18], [sflag:$0x3] =	stream.linear.gather [hbm4b:s11+s30], $0x1400, $0x38;
	[tilespmem:$0x1E400] =	vst v63  }
0x3d: {  	_ =	swait.ge [sflag:s17], $0x1400  }
0x3e: {  	[sflag:s17] =	ssyncset.done $0x0  }
0x3f: {  	[sflag:s17] =	ssyncadd.s32 $0xFFFFEC00  }
0x40: {  	[tilespmem:s16], [sflag:$0x1] =	stream.indirect.gather [hbm4b:s4+s19], $0x80, s30, s19, $0xb8;
	[tilespmem:$0x1E400] =	vst v63  }
0x41: {  	s31 =	simm.s32 $0x80  }
0x42: {  	[tilespmem:s20], [sflag:$0x2] =	stream.indirect.gather [hbm4b:s4+s19], $0x80, s31, s19, $0xb8;
	[tilespmem:$0x1E400] =	vst v63  }
0x43: {  	_ =	swait.ge [sflag:s21], $0x4000  }
0x44: {  	[sflag:s21] =	ssyncset.done $0x0  }
0x45: {  	s29 =	simm.s32 $0x1400;
	[sflag:s21] =	ssyncadd.s32 $0xFFFFC000  }
0x46: {  	[spmem:s1] =	stream.indirect.scatter.add.f32 [tilespmem:s16], [sflag:$0x3], $0x80, s29, s19, $0xb8;
	[tilespmem:$0x1E400] =	vst v63  }
0x47: {  	_ =	swait.ge [sflag:s17], $0x4000  }
0x48: {  	[sflag:s17] =	ssyncset.done $0x0  }
0x49: {  	s30 =	simm.s32 $0x100;
	[sflag:s17] =	ssyncadd.s32 $0xFFFFC000  }
0x4a: {  	[tilespmem:s16], [sflag:$0x1] =	stream.indirect.gather [hbm4b:s4+s19], $0x80, s30, s19, $0xb8;
	[tilespmem:$0x1E400] =	vst v63  }
0x4b: {  	_ =	swait.ge [sflag:s22], $0x4000  }
0x4c: {  	[sflag:s22] =	ssyncset.done $0x0  }
0x4d: {  	s31 =	simm.s32 $0x1480;
	[sflag:s22] =	ssyncadd.s32 $0xFFFFC000  }
0x4e: {  	[spmem:s1] =	stream.indirect.scatter.add.f32 [tilespmem:s20], [sflag:$0x3], $0x80, s31, s19, $0xb8;
	[tilespmem:$0x1E400] =	vst v63  }
0x4f: {  	_ =	swait.ge [sflag:s17], $0x4000  }
0x50: {  	s28 =	simm.s32 $0x800;
	s26 =	simm.s32 $0x100;
	[sflag:s17] =	ssyncset.done $0x0  }
.LBB2_4:
0x51: {  	s29 =	sadd.s32 $0x80, s26  }
0x52: {  	[sflag:s17] =	ssyncadd.s32 $0xFFFFC000;
	s30 =	smov.u32 s28;
	s31 =	sadd.s32 $0x400, s28  }
0x53: {  	[tilespmem:s20], [sflag:$0x2] =	stream.indirect.gather [hbm4b:s4+s19], $0x80, s29, s19, $0xb8;
	[tilespmem:$0x1E400] =	vst v63  }
0x54: {  	p0 =	sne.s32 s28, $0x4800;
	_ =	swait.ge [sflag:s21], $0x4000  }
0x55: {  	[sflag:s21] =	ssyncset.done $0x0  }
0x56: {  	s28 =	sadd.s32 $0x1400, s26;
	[sflag:s21] =	ssyncadd.s32 $0xFFFFC000  }
0x57: {  	[spmem:s1] =	stream.indirect.scatter.add.f32 [tilespmem:s16], [sflag:$0x3], $0x80, s28, s19, $0xb8;
	[tilespmem:$0x1E400] =	vst v63  }
0x58: {  	_ =	swait.ge [sflag:s17], $0x4000  }
0x59: {  	[sflag:s17] =	ssyncset.done $0x0  }
0x5a: {  	s28 =	sadd.s32 $0x100, s26;
	[sflag:s17] =	ssyncadd.s32 $0xFFFFC000  }
0x5b: {  	[tilespmem:s16], [sflag:$0x1] =	stream.indirect.gather [hbm4b:s4+s19], $0x80, s28, s19, $0xb8;
	[tilespmem:$0x1E400] =	vst v63  }
0x5c: {  	_ =	swait.ge [sflag:s22], $0x4000  }
.Ltmp1:
0x5d: {  	[sflag:s22] =	ssyncset.done $0x0;
	(pc) =	sbr.rel @p0 .LBB2_4-.Ltmp1, $4  }
0x5e: {  	s26 =	sadd.s32 $0x1480, s26;
	[sflag:s22] =	ssyncadd.s32 $0xFFFFC000  }
0x5f: {  	[spmem:s1] =	stream.indirect.scatter.add.f32 [tilespmem:s20], [sflag:$0x3], $0x80, s26, s19, $0xb8;
	[tilespmem:$0x1E400] =	vst v63  }
0x60: {  	_ =	swait.ge [sflag:s17], $0x4000  }
0x61: {  	s28 =	smov.u32 s31;
	s26 =	sshra.s32 s30, $0x2;
	[sflag:s17] =	ssyncset.done $0x0  }
0x62: {  	s28 =	sadd.s32 $0x80, s26;
	[sflag:s17] =	ssyncadd.s32 $0xFFFFC000  }
0x63: {  	[tilespmem:s20], [sflag:$0x2] =	stream.indirect.gather [hbm4b:s4+s19], $0x80, s28, s19, $0xb8;
	[tilespmem:$0x1E400] =	vst v63  }
0x64: {  	_ =	swait.ge [sflag:s21], $0x4000  }
0x65: {  	[sflag:s21] =	ssyncset.done $0x0  }
0x66: {  	s28 =	sadd.s32 $0x1400, s26;
	[sflag:s21] =	ssyncadd.s32 $0xFFFFC000  }
0x67: {  	[spmem:s1] =	stream.indirect.scatter.add.f32 [tilespmem:s16], [sflag:$0x3], $0x80, s28, s19, $0xb8;
	[tilespmem:$0x1E400] =	vst v63  }
0x68: {  	_ =	swait.ge [sflag:s17], $0x4000  }
0x69: {  	[sflag:s17] =	ssyncset.done $0x0  }
0x6a: {  	s28 =	sadd.s32 $0x100, s26;
	[sflag:s17] =	ssyncadd.s32 $0xFFFFC000  }
0x6b: {  	[tilespmem:s16], [sflag:$0x1] =	stream.indirect.gather [hbm4b:s4+s19], $0x80, s28, s19, $0xb8;
	[tilespmem:$0x1E400] =	vst v63  }
0x6c: {  	_ =	swait.ge [sflag:s22], $0x4000  }
0x6d: {  	[sflag:s22] =	ssyncset.done $0x0  }
0x6e: {  	s29 =	sadd.s32 $0x1480, s26;
	[sflag:s22] =	ssyncadd.s32 $0xFFFFC000  }
0x6f: {  	[spmem:s1] =	stream.indirect.scatter.add.f32 [tilespmem:s20], [sflag:$0x3], $0x80, s29, s19, $0xb8;
	[tilespmem:$0x1E400] =	vst v63  }
0x70: {  	_ =	swait.ge [sflag:s17], $0x4000  }
0x71: {  	[sflag:s17] =	ssyncset.done $0x0  }
0x72: {  	[sflag:s17] =	ssyncadd.s32 $0xFFFFC000  }
0x73: {  	[tilespmem:s20], [sflag:$0x2] =	stream.indirect.gather [hbm4b:s4+s19], $0x80, s23, s19, $0xb8;
	[tilespmem:$0x1E400] =	vst v63  }
0x74: {  	_ =	swait.ge [sflag:s21], $0x4000  }
0x75: {  	[sflag:s21] =	ssyncset.done $0x0  }
0x76: {  	[sflag:s21] =	ssyncadd.s32 $0xFFFFC000  }
0x77: {  	[spmem:s1] =	stream.indirect.scatter.add.f32 [tilespmem:s16], [sflag:$0x3], $0x80, s24, s19, $0xb8;
	[tilespmem:$0x1E400] =	vst v63  }
0x78: {  	_ =	swait.ge [sflag:s17], $0x4000  }
0x79: {  	[sflag:s17] =	ssyncset.done $0x0  }
0x7a: {  	[sflag:s17] =	ssyncadd.s32 $0xFFFFC000  }
0x7b: {  	_ =	swait.ge [sflag:s22], $0x4000  }
0x7c: {  	[sflag:s22] =	ssyncset.done $0x0  }
0x7d: {  	[sflag:s22] =	ssyncadd.s32 $0xFFFFC000  }
0x7e: {  	[spmem:s1] =	stream.indirect.scatter.add.f32 [tilespmem:s20], [sflag:$0x3], $0x80, s25, s19, $0xb8;
	[tilespmem:$0x1E400] =	vst v63  }
0x7f: {  	_ =	swait.ge [sflag:s17], $0x4000  }
0x80: {  	[sflag:s17] =	ssyncset.done $0x0  }
0x81: {  	s30 =	simm.s32 $0x0;
	[sflag:s17] =	ssyncadd.s32 $0xFFFFC000  }
0x82: {  	[tilespmem:s30], [sflag:$0x3] =	stream.linear.gather [hbm4b:s12+s30], $0x1400, $0x38;
	[tilespmem:$0x1E400] =	vst v63  }
0x83: {  	_ =	swait.ge [sflag:s17], $0x1400  }
0x84: {  	[sflag:s17] =	ssyncset.done $0x0  }
0x85: {  	[sflag:s17] =	ssyncadd.s32 $0xFFFFEC00  }
0x86: {  	[tilespmem:s18], [sflag:$0x3] =	stream.linear.gather [hbm4b:s13+s30], $0x1400, $0x38;
	[tilespmem:$0x1E400] =	vst v63  }
0x87: {  	_ =	swait.ge [sflag:s17], $0x1400  }
0x88: {  	[sflag:s17] =	ssyncset.done $0x0  }
0x89: {  	[sflag:s17] =	ssyncadd.s32 $0xFFFFEC00  }
0x8a: {  	[tilespmem:s16], [sflag:$0x1] =	stream.indirect.gather [hbm4b:s4+s19], $0x80, s30, s19, $0xb8;
	[tilespmem:$0x1E400] =	vst v63  }
0x8b: {  	s31 =	simm.s32 $0x80  }
0x8c: {  	[tilespmem:s20], [sflag:$0x2] =	stream.indirect.gather [hbm4b:s4+s19], $0x80, s31, s19, $0xb8;
	[tilespmem:$0x1E400] =	vst v63  }
0x8d: {  	_ =	swait.ge [sflag:s21], $0x4000  }
0x8e: {  	[sflag:s21] =	ssyncset.done $0x0  }
0x8f: {  	s29 =	simm.s32 $0x1400;
	[sflag:s21] =	ssyncadd.s32 $0xFFFFC000  }
0x90: {  	[spmem:s1] =	stream.indirect.scatter.add.f32 [tilespmem:s16], [sflag:$0x3], $0x80, s29, s19, $0xb8;
	[tilespmem:$0x1E400] =	vst v63  }
0x91: {  	_ =	swait.ge [sflag:s17], $0x4000  }
0x92: {  	[sflag:s17] =	ssyncset.done $0x0  }
0x93: {  	s30 =	simm.s32 $0x100;
	[sflag:s17] =	ssyncadd.s32 $0xFFFFC000  }
0x94: {  	[tilespmem:s16], [sflag:$0x1] =	stream.indirect.gather [hbm4b:s4+s19], $0x80, s30, s19, $0xb8;
	[tilespmem:$0x1E400] =	vst v63  }
0x95: {  	_ =	swait.ge [sflag:s22], $0x4000  }
0x96: {  	[sflag:s22] =	ssyncset.done $0x0  }
0x97: {  	s31 =	simm.s32 $0x1480;
	[sflag:s22] =	ssyncadd.s32 $0xFFFFC000  }
0x98: {  	[spmem:s1] =	stream.indirect.scatter.add.f32 [tilespmem:s20], [sflag:$0x3], $0x80, s31, s19, $0xb8;
	[tilespmem:$0x1E400] =	vst v63  }
0x99: {  	_ =	swait.ge [sflag:s17], $0x4000  }
0x9a: {  	s26 =	simm.s32 $0x100;
	s28 =	simm.s32 $0x800;
	[sflag:s17] =	ssyncset.done $0x0  }
.LBB2_6:
0x9b: {  	s29 =	sadd.s32 $0x80, s26  }
0x9c: {  	[sflag:s17] =	ssyncadd.s32 $0xFFFFC000;
	s30 =	smov.u32 s28;
	s31 =	sadd.s32 $0x400, s28  }
0x9d: {  	[tilespmem:s20], [sflag:$0x2] =	stream.indirect.gather [hbm4b:s4+s19], $0x80, s29, s19, $0xb8;
	[tilespmem:$0x1E400] =	vst v63  }
0x9e: {  	p0 =	sne.s32 s28, $0x4800;
	_ =	swait.ge [sflag:s21], $0x4000  }
0x9f: {  	[sflag:s21] =	ssyncset.done $0x0  }
0xa0: {  	s28 =	sadd.s32 $0x1400, s26;
	[sflag:s21] =	ssyncadd.s32 $0xFFFFC000  }
0xa1: {  	[spmem:s1] =	stream.indirect.scatter.add.f32 [tilespmem:s16], [sflag:$0x3], $0x80, s28, s19, $0xb8;
	[tilespmem:$0x1E400] =	vst v63  }
0xa2: {  	_ =	swait.ge [sflag:s17], $0x4000  }
0xa3: {  	[sflag:s17] =	ssyncset.done $0x0  }
0xa4: {  	s28 =	sadd.s32 $0x100, s26;
	[sflag:s17] =	ssyncadd.s32 $0xFFFFC000  }
0xa5: {  	[tilespmem:s16], [sflag:$0x1] =	stream.indirect.gather [hbm4b:s4+s19], $0x80, s28, s19, $0xb8;
	[tilespmem:$0x1E400] =	vst v63  }
0xa6: {  	_ =	swait.ge [sflag:s22], $0x4000  }
.Ltmp2:
0xa7: {  	[sflag:s22] =	ssyncset.done $0x0;
	(pc) =	sbr.rel @p0 .LBB2_6-.Ltmp2, $4  }
0xa8: {  	s26 =	sadd.s32 $0x1480, s26;
	[sflag:s22] =	ssyncadd.s32 $0xFFFFC000  }
0xa9: {  	[spmem:s1] =	stream.indirect.scatter.add.f32 [tilespmem:s20], [sflag:$0x3], $0x80, s26, s19, $0xb8;
	[tilespmem:$0x1E400] =	vst v63  }
0xaa: {  	_ =	swait.ge [sflag:s17], $0x4000  }
0xab: {  	s28 =	smov.u32 s31;
	s26 =	sshra.s32 s30, $0x2;
	[sflag:s17] =	ssyncset.done $0x0  }
0xac: {  	s28 =	sadd.s32 $0x80, s26;
	[sflag:s17] =	ssyncadd.s32 $0xFFFFC000  }
0xad: {  	[tilespmem:s20], [sflag:$0x2] =	stream.indirect.gather [hbm4b:s4+s19], $0x80, s28, s19, $0xb8;
	[tilespmem:$0x1E400] =	vst v63  }
0xae: {  	_ =	swait.ge [sflag:s21], $0x4000  }
0xaf: {  	[sflag:s21] =	ssyncset.done $0x0  }
0xb0: {  	s30 =	sadd.s32 $0x1400, s26;
	[sflag:s21] =	ssyncadd.s32 $0xFFFFC000  }
0xb1: {  	[spmem:s1] =	stream.indirect.scatter.add.f32 [tilespmem:s16], [sflag:$0x3], $0x80, s30, s19, $0xb8;
	[tilespmem:$0x1E400] =	vst v63  }
0xb2: {  	_ =	swait.ge [sflag:s17], $0x4000  }
0xb3: {  	[sflag:s17] =	ssyncset.done $0x0  }
0xb4: {  	s31 =	sadd.s32 $0x100, s26;
	[sflag:s17] =	ssyncadd.s32 $0xFFFFC000  }
0xb5: {  	[tilespmem:s16], [sflag:$0x1] =	stream.indirect.gather [hbm4b:s4+s19], $0x80, s31, s19, $0xb8;
	[tilespmem:$0x1E400] =	vst v63  }
0xb6: {  	_ =	swait.ge [sflag:s22], $0x4000  }
0xb7: {  	[sflag:s22] =	ssyncset.done $0x0  }
0xb8: {  	s29 =	sadd.s32 $0x1480, s26;
	[sflag:s22] =	ssyncadd.s32 $0xFFFFC000  }
0xb9: {  	[spmem:s1] =	stream.indirect.scatter.add.f32 [tilespmem:s20], [sflag:$0x3], $0x80, s29, s19, $0xb8;
	[tilespmem:$0x1E400] =	vst v63  }
0xba: {  	_ =	swait.ge [sflag:s17], $0x4000  }
0xbb: {  	[sflag:s17] =	ssyncset.done $0x0  }
0xbc: {  	[sflag:s17] =	ssyncadd.s32 $0xFFFFC000  }
0xbd: {  	[tilespmem:s20], [sflag:$0x2] =	stream.indirect.gather [hbm4b:s4+s19], $0x80, s23, s19, $0xb8;
	[tilespmem:$0x1E400] =	vst v63  }
0xbe: {  	_ =	swait.ge [sflag:s21], $0x4000  }
0xbf: {  	[sflag:s21] =	ssyncset.done $0x0  }
0xc0: {  	[sflag:s21] =	ssyncadd.s32 $0xFFFFC000  }
0xc1: {  	[spmem:s1] =	stream.indirect.scatter.add.f32 [tilespmem:s16], [sflag:$0x3], $0x80, s24, s19, $0xb8;
	[tilespmem:$0x1E400] =	vst v63  }
0xc2: {  	_ =	swait.ge [sflag:s17], $0x4000  }
0xc3: {  	[sflag:s17] =	ssyncset.done $0x0  }
0xc4: {  	[sflag:s17] =	ssyncadd.s32 $0xFFFFC000  }
0xc5: {  	_ =	swait.ge [sflag:s22], $0x4000  }
0xc6: {  	[sflag:s22] =	ssyncset.done $0x0  }
0xc7: {  	[sflag:s22] =	ssyncadd.s32 $0xFFFFC000  }
0xc8: {  	[spmem:s1] =	stream.indirect.scatter.add.f32 [tilespmem:s20], [sflag:$0x3], $0x80, s25, s19, $0xb8;
	[tilespmem:$0x1E400] =	vst v63  }
0xc9: {  	_ =	swait.ge [sflag:s17], $0x4000  }
0xca: {  	s3 =	sadd.s32 $0x1, s3;
	s30 =	sshll.u32 s2, $0x6;
	[sflag:s17] =	ssyncset.done $0x0  }
0xcb: {  	p0 =	sne.s32 s3, s15;
	s26 =	sor.u32 $0x1C03, s30;
	[sflag:s17] =	ssyncadd.s32 $0xFFFFC000  }
.Ltmp3:
0xcc: {  	s31 =	sshrl.u32 s5, $0x3;
	[bflag:$0x0] =	sbarrier.arrive $0xFFFF;
	(pc) =	sbr.rel @p0 .LBB2_1-.Ltmp3, $4  }
0xcd: {  	[hbm:s14], [sflag:s26] =	dma.local [spmem:s31], $0x2780  }
0xce: {  	_ =	swait.ge [sflag:s17], $0x2780  }
0xcf: {  	[sflag:s17] =	ssyncset.done $0x0  }
0xd0: {  	[sflag:s17] =	ssyncadd.s32 $0xFFFFD880  }
0xd1: {  	_ =	sfence.sel $0x180000  }
0xd2: {  	[bflag:$0x0] =	sbarrier.arrive $0xFFFF  }
0xd3: {  	p0 =	sne.s32 s2, $0x0;
	_ =	strace $0x9000004D  }
0xd4: {  	s0 =	sadd.s32 @!p0 $0x100000, s0;
	[bflag:$0x2] =	sbarrier.arrive $0xFFFF  }
0xd5: {  	[sflag:s0] =	ssyncadd.tile.s32 @!p0 $0x1;
	_ =	shalt  }
.Lfunc_end2:
_tile_overlayer_lowered:
.L_overlay_start_2:
0xd6: {  	(tag) =	ssettag $0x2  }
0xd7: {  	s0 =	rddreg [dreg:$0x0];
	s2 =	stileid.u32  }
0xd8: {  	s1 =	rddreg [dreg:$0x1];
	p0 =	sne.s32 s2, $0x0  }
0xd9: {  	s3 =	rddreg [dreg:$0x2];
	[bflag:$0x3] =	sbarrier.arrive $0xFFFF;
	s2 =	simm.s32 @!p0 $0x1C03  }
0xda: {  	[timem:s3], [sflag:s2] =	dma.local @!p0 [hbm:s0], s1  }
0xdb: {  	s0 =	simm.s32 @!p0 $0x3  }
0xdc: {  	_ =	swait.ge @!p0 [sflag:s0], s1  }
0xdd: {  	s1 =	ssub.s32 @!p0 $0x0, s1;
	[sflag:s0] =	ssyncset.done @!p0 $0x0  }
0xde: {  	[sflag:s0] =	ssyncadd.s32 @!p0 s1  }
0xdf: {  	[bflag:$0x3] =	sbarrier.arrive $0xFFFF  }
0xe0: {  	_ =	shalt  }

// kernel: kernel.20.cloned.1.call-start
scs
__scs_entry_jumppad:
0x0: {  	(pc) =	sbr.rel $0x88, $3  }
0x1: {  	(tag) =	ssettag $0x0;
	lr =	simm.s32 $0x1  }
0x2: {  	[smem:$0x3F88] =	sst lr;
	_ =	strace $0xD0000000  }
0x3: {  	_ = 	snop  }
0x4: {  	_ = 	snop  }
0x5: {  	_ = 	snop  }
0x6: {  	_ = 	snop  }
0x7: {  	_ = 	snop  }
__scs_overlays_trampoline_lowered:
0x8: {  	[smem:$0x3F97] =	sst s0  }
0x9: {  	[smem:$0x3F98] =	sst s1  }
0xa: {  	[smem:$0x3F99] =	sst s2  }
0xb: {  	[smem:$0x3F9A] =	sst s3  }
0xc: {  	[smem:$0x3F9B] =	sst s4  }
0xd: {  	[smem:$0x3F9C] =	sst s5  }
0xe: {  	[smem:$0x3F9D] =	sst s6  }
0xf: {  	[smem:$0x3F9E] =	sst s7  }
0x10: {  	[smem:$0x3F9F] =	sst s8  }
0x11: {  	[smem:$0x3FA0] =	sst s9;
	s0 =	simm.s32 @!p0 $0x0  }
0x12: {  	s1 =	sld [smem:$0x3F86];
	s0 =	simm.s32 @p0 $0x1  }
0x13: {  	[smem:$0x3FA1] =	sst s0;
	s0 =	simm.s32 @!p1 $0x0  }
0x14: {  	s2 =	sld [smem:$0x3F85];
	s0 =	simm.s32 @p1 $0x1  }
0x15: {  	[smem:$0x3FA2] =	sst s0;
	s0 =	simm.s32 @!p2 $0x0  }
0x16: {  	s3 =	sld [smem:$0x3FDB];
	s0 =	simm.s32 @p2 $0x1  }
0x17: {  	s4 =	simm.s32 $0x1BF5;
	[smem:$0x3FA4] =	sst s0  }
0x18: {  	s0 =	sld [smem:$0x3F87];
	_ =	swait.ge [sflag:s4], $0x0  }
0x19: {  	s7 =	sld [smem:$0x3F88]  }
0x1a: {  	s8 =	sadd.s32 $0xFFFFE003, lr  }
0x1b: {  	s9 =	sadd.s32 $0xFFFFFEF7, lr;
	s5 =	simm.s32 $0xFFFFFFFF;
	p2 =	slt.u32 s8, $0xFFFFF086  }
0x1c: {  	p1 =	slt.u32 s9, $0xF7A;
	s5 =	simm.s32 @!p2 $0x0  }
0x1d: {  	s5 =	simm.s32 @p1 $0x1;
	p0 =	seq.s32 s7, s2  }
0x1e: {  	s7 =	smul.u32 @!p0 $0xF7A, s2;
	p2 =	seq.s32 @!p0 s5, $0x0  }
0x1f: {  	s9 =	smul.u32 $0xF7A, s1;
	s8 =	simm.s32 @!p0 $0x1BF5;
	p2 =	por !p2, p0  }
0x20: {  	[sflag:s8] =	ssyncset.s32 @!p0 $0xFFFFF086;
	s6 =	sadd.s32 @!p0 s3, s7;
	s7 =	simm.s32 @!p0 $0x108  }
0x21: {  	s3 =	sadd.s32 s3, s9;
	s6 =	sadd.s32 @!p0 $0x88, s6;
	s7 =	simm.s32 @p2 $0x1082  }
0x22: {  	[simem:s7], [sflag:s8] =	dma.local @!p0 [hbm:s6], $0xF7A  }
0x23: {  	s9 =	sor.u32 $0xD0000000, s2;
	s6 =	simm.s32 $0x108;
	_ =	swait.ge @!p0 [sflag:s8], $0x0  }
0x24: {  	s3 =	sadd.s32 $0x88, s3;
	s6 =	simm.s32 @!p1 $0x1082;
	[sflag:s4] =	ssyncset.s32 $0xFFFFF086  }
0x25: {  	[simem:s6], [sflag:s4] =	dma.local [hbm:s3], $0xF7A  }
0x26: {  	[smem:$0x3F88] =	sst s1;
	(tag) =	ssettag s2;
	_ =	strace s9  }
0x27: {  	s1 =	sld [smem:$0x3F98]  }
0x28: {  	s2 =	sld [smem:$0x3F99]  }
0x29: {  	s4 =	sld [smem:$0x3F9B]  }
0x2a: {  	p0 =	seq.s32 s5, $0x0;
	s5 =	sld [smem:$0x3F9C]  }
0x2b: {  	s6 =	sld [smem:$0x3F9D]  }
0x2c: {  	s7 =	sld [smem:$0x3F9E]  }
0x2d: {  	s3 =	simm.s32 $0x108;
	s8 =	sld [smem:$0x3F9F]  }
0x2e: {  	s3 =	simm.s32 @!p0 $0x1082;
	s9 =	sld [smem:$0x3FA0]  }
0x2f: {  	lr =	sadd.s32 s0, s3;
	s0 =	sld [smem:$0x3F97]  }
0x30: {  	s3 =	sld [smem:$0x3F9A]  }
0x31: {  	[smem:$0x3FA3] =	sst s10  }
0x32: {  	s10 =	sld [smem:$0x3FA1];
	_ =	sdelay $0x3  }
0x33: {  	p0 =	seq.s32 s10, $0x1;
	s10 =	sld [smem:$0x3FA3];
	_ =	sdelay $0x3  }
0x34: {  	[smem:$0x3FA3] =	sst s10  }
0x35: {  	s10 =	sld [smem:$0x3FA2];
	_ =	sdelay $0x3  }
0x36: {  	p1 =	seq.s32 s10, $0x1;
	s10 =	sld [smem:$0x3FA3];
	_ =	sdelay $0x3  }
0x37: {  	[smem:$0x3FA3] =	sst s10  }
0x38: {  	s10 =	sld [smem:$0x3FA4]  }
0x39: {  	_ = 	snop;
	(pc) =	sbr.ind lr, $3  }
0x3a: {  	_ = 	snop  }
0x3b: {  	_ = 	snop  }
0x3c: {  	p2 =	seq.s32 s10, $0x1;
	s10 =	sld [smem:$0x3FA3]  }
0x3d: {  	_ =	shalt  }
0x3e: {  	_ =	shalt  }
0x3f: {  	_ =	shalt  }
0x40: {  	_ =	shalt  }
0x41: {  	_ =	shalt  }
0x42: {  	_ =	shalt  }
0x43: {  	_ =	shalt  }
0x44: {  	_ =	shalt  }
0x45: {  	_ =	shalt  }
0x46: {  	_ =	shalt  }
0x47: {  	_ =	shalt  }
0x48: {  	_ =	shalt  }
0x49: {  	_ =	shalt  }
0x4a: {  	_ =	shalt  }
0x4b: {  	_ =	shalt  }
0x4c: {  	_ =	shalt  }
0x4d: {  	_ =	shalt  }
0x4e: {  	_ =	shalt  }
0x4f: {  	_ =	shalt  }
0x50: {  	_ =	shalt  }
0x51: {  	_ =	shalt  }
0x52: {  	_ =	shalt  }
0x53: {  	_ =	shalt  }
0x54: {  	_ =	shalt  }
0x55: {  	_ =	shalt  }
0x56: {  	_ =	shalt  }
0x57: {  	_ =	shalt  }
0x58: {  	_ =	shalt  }
0x59: {  	_ =	shalt  }
0x5a: {  	_ =	shalt  }
0x5b: {  	_ =	shalt  }
0x5c: {  	_ =	shalt  }
0x5d: {  	_ =	shalt  }
0x5e: {  	_ =	shalt  }
0x5f: {  	_ =	shalt  }
0x60: {  	_ =	shalt  }
0x61: {  	_ =	shalt  }
0x62: {  	_ =	shalt  }
0x63: {  	_ =	shalt  }
0x64: {  	_ =	shalt  }
0x65: {  	_ =	shalt  }
0x66: {  	_ =	shalt  }
0x67: {  	_ =	shalt  }
0x68: {  	_ =	shalt  }
0x69: {  	_ =	shalt  }
0x6a: {  	_ =	shalt  }
0x6b: {  	_ =	shalt  }
0x6c: {  	_ =	shalt  }
0x6d: {  	_ =	shalt  }
0x6e: {  	_ =	shalt  }
0x6f: {  	_ =	shalt  }
0x70: {  	_ =	shalt  }
0x71: {  	_ =	shalt  }
0x72: {  	_ =	shalt  }
0x73: {  	_ =	shalt  }
0x74: {  	_ =	shalt  }
0x75: {  	_ =	shalt  }
0x76: {  	_ =	shalt  }
0x77: {  	_ =	shalt  }
0x78: {  	_ =	shalt  }
0x79: {  	_ =	shalt  }
0x7a: {  	_ =	shalt  }
0x7b: {  	_ =	shalt  }
0x7c: {  	_ =	shalt  }
0x7d: {  	_ =	shalt  }
0x7e: {  	_ =	shalt  }
0x7f: {  	_ =	shalt  }
0x80: {  	_ =	shalt  }
0x81: {  	_ =	shalt  }
0x82: {  	_ =	shalt  }
0x83: {  	_ =	shalt  }
0x84: {  	_ =	shalt  }
0x85: {  	_ =	shalt  }
0x86: {  	_ =	shalt  }
0x87: {  	_ =	shalt  }
.Lfunc_end0:
.L_simem_size_0:
called_computation.3_lowered:
.L_overlay_start_0:
0x88: {  	s2 =	sld [smem:$0x3FD9]  }
0x89: {  	s3 =	sld [smem:$0x3FFE];
	_ =	sdelay $0x1  }
0x8a: {  	s1 =	srdreg.scid  }
0x8b: {  	s0 =	sand.u32 $0x1, s1  }
0x8c: {  	s16 =	sshll.u32 s0, $0xA;
	s2 =	sadd.s32 s3, s2  }
0x8d: {  	s2 =	sadd.s32 s2, s16  }
0x8e: {  	[smem:$0x3FAF] =	sst s2  }
0x8f: {  	_ = 	snop  }
0x90: {  	(tm) =	ssettm $0x1  }
0x91: {  	s17 =	sld [smem:$0x3FFB];
	_ =	sdelay $0x3  }
0x92: {  	_ =	strace s17  }
0x93: {  	s2 =	sld [smem:$0x3FFC];
	_ =	sdelay $0x3  }
0x94: {  	_ =	strace s2  }
0x95: {  	s2 =	sld [smem:$0x3FFD];
	_ =	sdelay $0x3  }
0x96: {  	_ =	strace s2  }
0x97: {  	_ =	strace $0x8FFFFFFF  }
0x98: {  	s18 =	sld [smem:$0x3FDB];
	_ =	sdelay $0x1  }
0x99: {  	s19 =	simm.s32 $_scs_section_size  }
0x9a: {  	s4 =	simm.s32 $_size__tile_overlayer_lowered;
	s5 =	simm.s32 $_tile_overlayer_lowered  }
0x9b: {  	s22 =	simm.s32 $0x1BFF;
	s21 =	sshll.u32 s5, $0x1;
	s2 =	sadd.s32 s19, s18  }
0x9c: {  	s6 =	simm.s32 $0x0;
	s20 =	sshll.u32 s4, $0x1;
	s4 =	sadd.s32 s21, s2  }
0x9d: {  	[timem:s6], [sflag:s22] =	dma.local [hbm:s4], s20  }
0x9e: {  	_ =	swait.ge [sflag:s22], s20  }
0x9f: {  	s3 =	ssub.s32 $0x0, s20;
	[sflag:s22] =	ssyncset.done $0x0  }
0xa0: {  	[sflag:s22] =	ssyncadd.s32 s3;
	_ =	sdelay $0x1  }
0xa1: {  	s23 =	simm.s32 $0x1B8B  }
0xa2: {  	_ =	swait.ge [sflag:s23], $0x1  }
0xa3: {  	[sflag:s23] =	ssyncset.done $0x0  }
0xa4: {  	s25 =	simm.s32 $0x1B8E;
	s24 =	sld [smem:$0x3FFE];
	[sflag:s23] =	ssyncadd.s32 $0xFFFFFFFF  }
0xa5: {  	s26 =	simm.s32 $execute0_lowered;
	[smem:$0x3FD2] =	sst s25  }
0xa6: {  	s4 =	sshll.u32 s26, $0x1;
	_ =	strace $0x8000004F;
	[dreg:$0x1] =	wrdreg $0xFFFFFFFF  }
0xa7: {  	s28 =	simm.s32 $_size_execute0_lowered;
	s2 =	sadd.s32 s2, s4;
	[dreg:$0x0] =	wrdreg $0x0  }
0xa8: {  	s4 =	sshll.u32 s28, $0x1;
	[dreg:$0x2] =	wrdreg s2  }
0xa9: {  	[dreg:$0x3] =	wrdreg s4  }
0xaa: {  	[dreg:$0x4] =	wrdreg $0xC0  }
0xab: {  	_ =	task [dreg:s6], $0x5FFFF  }
0xac: {  	[dreg:$0x1] =	wrdreg $0xFFFFFFFF  }
0xad: {  	[dreg:$0x0] =	wrdreg $0x60  }
0xae: {  	[dreg:$0x2] =	wrdreg s24  }
0xaf: {  	[dreg:$0x3] =	wrdreg $0xA8000  }
0xb0: {  	[dreg:$0x4] =	wrdreg $0x9  }
0xb1: {  	_ =	task.clear_ibuf [dreg:s6], $0x5FFFF;
	_ =	strace $0x9000004F  }
0xb2: {  	s29 =	simm.s32 $0x9;
	_ =	strace $0x80000051  }
0xb3: {  	_ =	swait.ge [sflag:s29], $0x1  }
0xb4: {  	[sflag:s29] =	ssyncadd.s32 $0xFFFFFFFF  }
0xb5: {  	_ =	strace $0x90000051  }
0xb6: {  	_ =	sfence  }
0xb7: {  	s30 =	sld [smem:$0x0];
	_ =	sdelay $0x2  }
0xb8: {  	s31 =	sshll.u32 s1, $0xD;
	s1 =	sshrl.u32 s1, $0x2  }
0xb9: {  	s3 =	sand.u32 $0x4000, s31;
	s1 =	sadd.s32 s1, s30  }
0xba: {  	s0 =	sor.u32 s3, s0;
	s1 =	sshll.u32 s1, $0x11  }
0xbb: {  	s0 =	sor.u32 s1, s0  }
0xbc: {  	s0 =	sadd.s32 $0x8F2B, s0  }
0xbd: {  	[sflag:s0] =	ssyncadd.remote.s32 $0x1  }
0xbe: {  	_ =	sfence.sel $0xFFFF  }
0xbf: {  	[dreg:$0x0] =	wrdreg $0xFFFFFFFF;
	(pc) =	sbr.abs _section_cstart, $3  }
0xc0: {  	[dreg:$0x1] =	wrdreg $0xFFFFFFFF  }
0xc1: {  	_ =	task.clear_ibuf [dreg:s6], $0x2FFFF;
	_ =	strace $0x9FFFFFFF  }
0xc2: {  	(tm) =	ssettm $0x7FFFFFFF  }
0xc3: {  	_ =	shalt  }
tec
execute0_lowered:
.L_overlay_start_1:
0x0: {  	(tag) =	ssettag $0x1  }
0x1: {  	s6 =	rddreg [dreg:$0x0]  }
0x2: {  	s1 =	rddreg [dreg:$0x1];
	s2 =	srdreg.scid  }
0x3: {  	s0 =	rddreg [dreg:$0x2];
	s3 =	simm.s32 $0x0;
	s17 =	simm.s32 $0x3  }
0x4: {  	s18 =	simm.s32 $0x1400;
	s19 =	simm.s32 $0x80;
	s20 =	simm.s32 $0x6800  }
0x5: {  	s21 =	simm.s32 $0x1;
	s22 =	simm.s32 $0x2;
	s23 =	simm.s32 $0x1380  }
0x6: {  	s24 =	simm.s32 $0x2700;
	s5 =	sand.u32 $0x1, s2;
	s2 =	stileid.u32  }
0x7: {  	s25 =	simm.s32 $0x2780;
	[smem:$0x7FF] =	sst s3;
	s7 =	smul.u32 $0x13C000, s5  }
0x8: {  	s4 =	sadd.s32 $0xFC00, s6;
	s12 =	sadd.s32 $0x5EC00, s6;
	s8 =	smul.u32 $0x13C00, s2  }
0x9: {  	s13 =	sadd.s32 $0x5C00, s6;
	s29 =	smul.u32 $0x4F000, s2;
	s9 =	sshll.u32 s2, $0x1  }
0xa: {  	_ =	strace $0x80000050;
	s10 =	ssub.s32 $0x2, s5;
	s9 =	sor.u32 s5, s9  }
0xb: {  	s31 =	sshrl.u32 s10, $0x1;
	s7 =	sadd.s32 s8, s7;
	s30 =	sshrl.u32 s29, $0x2  }
0xc: {  	s9 =	smul.u32 $0x2800, s9;
	s15 =	ssub.s32 s10, s31;
	s7 =	sshrl.u32 s7, $0x3  }
0xd: {  	s5 =	sadd.s32 s30, s1;
	s15 =	smax.u32 s15, $0x1;
	s14 =	sadd.s32 s7, s6  }
0xe: {  	s6 =	sadd.s32 $0x4000, s5;
	s7 =	sadd.s32 $0x8000, s5;
	s11 =	sshrl.u32 s9, $0x3  }
0xf: {  	s8 =	sadd.s32 $0xC000, s5;
	s9 =	sadd.s32 $0x10000, s5;
	s10 =	sadd.s32 s12, s11  }
0x10: {  	s16 =	sadd.s32 $0x280, s11;
	s11 =	sadd.s32 s13, s11;
	s14 =	sadd.s32 $0x68C00, s14  }
0x11: {  	v0 =	vimm.f32 $0.0e+00;
	s12 =	sadd.s32 s12, s16;
	s13 =	sadd.s32 s13, s16;
	s16 =	simm.s32 $0x2800  }
.LBB2_1:
0x12: {  	s26 =	simm.s32 $0x0;
	s28 =	simm.s32 $0x200  }
.LBB2_2:
0x13: {  	p0 =	sne.s32 s28, $0xFE00;
	[tilespmem:s26+$0x2870] =	vst v0  }
0x14: {  	[tilespmem:s26+$0x2800] =	vst v0  }
0x15: {  	[tilespmem:s26+$0x2810] =	vst v0  }
.Ltmp0:
0x16: {  	[tilespmem:s26+$0x2820] =	vst v0;
	(pc) =	sbr.rel @p0 .LBB2_2-.Ltmp0, $4  }
0x17: {  	[tilespmem:s26+$0x2830] =	vst v0  }
0x18: {  	[tilespmem:s26+$0x2840] =	vst v0  }
0x19: {  	[tilespmem:s26+$0x2850] =	vst v0  }
0x1a: {  	[tilespmem:s26+$0x2860] =	vst v0;
	s26 =	sshra.s32 s28, $0x2;
	s28 =	sadd.s32 $0x200, s28  }
0x1b: {  	[tilespmem:s26+$0x2870] =	vst v0  }
0x1c: {  	[tilespmem:s26+$0x2800] =	vst v0  }
0x1d: {  	[tilespmem:s26+$0x2810] =	vst v0  }
0x1e: {  	[tilespmem:s26+$0x2820] =	vst v0  }
0x1f: {  	[tilespmem:s26+$0x2830] =	vst v0  }
0x20: {  	[tilespmem:s26+$0x2840] =	vst v0  }
0x21: {  	[tilespmem:s26+$0x2850] =	vst v0  }
0x22: {  	[tilespmem:s26+$0x2860] =	vst v0  }
0x23: {  	[spmem:s5] =	stream.linear.scatter [tilespmem:s16], [sflag:$0x3], $0x4000, $0x38;
	[tilespmem:$0x1E400] =	vst v63  }
0x24: {  	_ =	swait.ge [sflag:s17], $0x4000  }
0x25: {  	[sflag:s17] =	ssyncset.done $0x0  }
0x26: {  	[sflag:s17] =	ssyncadd.s32 $0xFFFFC000  }
0x27: {  	[spmem:s6] =	stream.linear.scatter [tilespmem:s16], [sflag:$0x3], $0x4000, $0x38;
	[tilespmem:$0x1E400] =	vst v63  }
0x28: {  	_ =	swait.ge [sflag:s17], $0x4000  }
0x29: {  	[sflag:s17] =	ssyncset.done $0x0  }
0x2a: {  	[sflag:s17] =	ssyncadd.s32 $0xFFFFC000  }
0x2b: {  	[spmem:s7] =	stream.linear.scatter [tilespmem:s16], [sflag:$0x3], $0x4000, $0x38;
	[tilespmem:$0x1E400] =	vst v63  }
0x2c: {  	_ =	swait.ge [sflag:s17], $0x4000  }
0x2d: {  	[sflag:s17] =	ssyncset.done $0x0  }
0x2e: {  	[sflag:s17] =	ssyncadd.s32 $0xFFFFC000  }
0x2f: {  	[spmem:s8] =	stream.linear.scatter [tilespmem:s16], [sflag:$0x3], $0x4000, $0x38;
	[tilespmem:$0x1E400] =	vst v63  }
0x30: {  	_ =	swait.ge [sflag:s17], $0x4000  }
0x31: {  	[sflag:s17] =	ssyncset.done $0x0  }
0x32: {  	[sflag:s17] =	ssyncadd.s32 $0xFFFFC000  }
0x33: {  	[spmem:s9] =	stream.linear.scatter [tilespmem:s16], [sflag:$0x3], $0x3C00, $0x38;
	[tilespmem:$0x1E400] =	vst v63  }
0x34: {  	_ =	swait.ge [sflag:s17], $0x3C00  }
0x35: {  	[sflag:s17] =	ssyncset.done $0x0  }
0x36: {  	[sflag:s17] =	ssyncadd.s32 $0xFFFFC400  }
0x37: {  	s30 =	simm.s32 $0x0;
	[bflag:$0x0] =	sbarrier.arrive $0xFFFF  }
0x38: {  	[tilespmem:s30], [sflag:$0x3] =	stream.linear.gather [hbm4b:s10+s30], $0x1400, $0x38;
	[tilespmem:$0x1E400] =	vst v63  }
0x39: {  	_ =	swait.ge [sflag:s17], $0x1400  }
0x3a: {  	[sflag:s17] =	ssyncset.done $0x0  }
0x3b: {  	[sflag:s17] =	ssyncadd.s32 $0xFFFFEC00  }
0x3c: {  	[tilespmem:s18], [sflag:$0x3] =	stream.linear.gather [hbm4b:s11+s30], $0x1400, $0x38;
	[tilespmem:$0x1E400] =	vst v63  }
0x3d: {  	_ =	swait.ge [sflag:s17], $0x1400  }
0x3e: {  	[sflag:s17] =	ssyncset.done $0x0  }
0x3f: {  	[sflag:s17] =	ssyncadd.s32 $0xFFFFEC00  }
0x40: {  	[tilespmem:s16], [sflag:$0x1] =	stream.indirect.gather [hbm4b:s4+s19], $0x80, s30, s19, $0xb8;
	[tilespmem:$0x1E400] =	vst v63  }
0x41: {  	s31 =	simm.s32 $0x80  }
0x42: {  	[tilespmem:s20], [sflag:$0x2] =	stream.indirect.gather [hbm4b:s4+s19], $0x80, s31, s19, $0xb8;
	[tilespmem:$0x1E400] =	vst v63  }
0x43: {  	_ =	swait.ge [sflag:s21], $0x4000  }
0x44: {  	[sflag:s21] =	ssyncset.done $0x0  }
0x45: {  	s29 =	simm.s32 $0x1400;
	[sflag:s21] =	ssyncadd.s32 $0xFFFFC000  }
0x46: {  	[spmem:s1] =	stream.indirect.scatter.add.f32 [tilespmem:s16], [sflag:$0x3], $0x80, s29, s19, $0xb8;
	[tilespmem:$0x1E400] =	vst v63  }
0x47: {  	_ =	swait.ge [sflag:s17], $0x4000  }
0x48: {  	[sflag:s17] =	ssyncset.done $0x0  }
0x49: {  	s30 =	simm.s32 $0x100;
	[sflag:s17] =	ssyncadd.s32 $0xFFFFC000  }
0x4a: {  	[tilespmem:s16], [sflag:$0x1] =	stream.indirect.gather [hbm4b:s4+s19], $0x80, s30, s19, $0xb8;
	[tilespmem:$0x1E400] =	vst v63  }
0x4b: {  	_ =	swait.ge [sflag:s22], $0x4000  }
0x4c: {  	[sflag:s22] =	ssyncset.done $0x0  }
0x4d: {  	s31 =	simm.s32 $0x1480;
	[sflag:s22] =	ssyncadd.s32 $0xFFFFC000  }
0x4e: {  	[spmem:s1] =	stream.indirect.scatter.add.f32 [tilespmem:s20], [sflag:$0x3], $0x80, s31, s19, $0xb8;
	[tilespmem:$0x1E400] =	vst v63  }
0x4f: {  	_ =	swait.ge [sflag:s17], $0x4000  }
0x50: {  	s28 =	simm.s32 $0x800;
	s26 =	simm.s32 $0x100;
	[sflag:s17] =	ssyncset.done $0x0  }
.LBB2_4:
0x51: {  	s29 =	sadd.s32 $0x80, s26  }
0x52: {  	[sflag:s17] =	ssyncadd.s32 $0xFFFFC000;
	s30 =	smov.u32 s28;
	s31 =	sadd.s32 $0x400, s28  }
0x53: {  	[tilespmem:s20], [sflag:$0x2] =	stream.indirect.gather [hbm4b:s4+s19], $0x80, s29, s19, $0xb8;
	[tilespmem:$0x1E400] =	vst v63  }
0x54: {  	p0 =	sne.s32 s28, $0x4800;
	_ =	swait.ge [sflag:s21], $0x4000  }
0x55: {  	[sflag:s21] =	ssyncset.done $0x0  }
0x56: {  	s28 =	sadd.s32 $0x1400, s26;
	[sflag:s21] =	ssyncadd.s32 $0xFFFFC000  }
0x57: {  	[spmem:s1] =	stream.indirect.scatter.add.f32 [tilespmem:s16], [sflag:$0x3], $0x80, s28, s19, $0xb8;
	[tilespmem:$0x1E400] =	vst v63  }
0x58: {  	_ =	swait.ge [sflag:s17], $0x4000  }
0x59: {  	[sflag:s17] =	ssyncset.done $0x0  }
0x5a: {  	s28 =	sadd.s32 $0x100, s26;
	[sflag:s17] =	ssyncadd.s32 $0xFFFFC000  }
0x5b: {  	[tilespmem:s16], [sflag:$0x1] =	stream.indirect.gather [hbm4b:s4+s19], $0x80, s28, s19, $0xb8;
	[tilespmem:$0x1E400] =	vst v63  }
0x5c: {  	_ =	swait.ge [sflag:s22], $0x4000  }
.Ltmp1:
0x5d: {  	[sflag:s22] =	ssyncset.done $0x0;
	(pc) =	sbr.rel @p0 .LBB2_4-.Ltmp1, $4  }
0x5e: {  	s26 =	sadd.s32 $0x1480, s26;
	[sflag:s22] =	ssyncadd.s32 $0xFFFFC000  }
0x5f: {  	[spmem:s1] =	stream.indirect.scatter.add.f32 [tilespmem:s20], [sflag:$0x3], $0x80, s26, s19, $0xb8;
	[tilespmem:$0x1E400] =	vst v63  }
0x60: {  	_ =	swait.ge [sflag:s17], $0x4000  }
0x61: {  	s28 =	smov.u32 s31;
	s26 =	sshra.s32 s30, $0x2;
	[sflag:s17] =	ssyncset.done $0x0  }
0x62: {  	s28 =	sadd.s32 $0x80, s26;
	[sflag:s17] =	ssyncadd.s32 $0xFFFFC000  }
0x63: {  	[tilespmem:s20], [sflag:$0x2] =	stream.indirect.gather [hbm4b:s4+s19], $0x80, s28, s19, $0xb8;
	[tilespmem:$0x1E400] =	vst v63  }
0x64: {  	_ =	swait.ge [sflag:s21], $0x4000  }
0x65: {  	[sflag:s21] =	ssyncset.done $0x0  }
0x66: {  	s28 =	sadd.s32 $0x1400, s26;
	[sflag:s21] =	ssyncadd.s32 $0xFFFFC000  }
0x67: {  	[spmem:s1] =	stream.indirect.scatter.add.f32 [tilespmem:s16], [sflag:$0x3], $0x80, s28, s19, $0xb8;
	[tilespmem:$0x1E400] =	vst v63  }
0x68: {  	_ =	swait.ge [sflag:s17], $0x4000  }
0x69: {  	[sflag:s17] =	ssyncset.done $0x0  }
0x6a: {  	s28 =	sadd.s32 $0x100, s26;
	[sflag:s17] =	ssyncadd.s32 $0xFFFFC000  }
0x6b: {  	[tilespmem:s16], [sflag:$0x1] =	stream.indirect.gather [hbm4b:s4+s19], $0x80, s28, s19, $0xb8;
	[tilespmem:$0x1E400] =	vst v63  }
0x6c: {  	_ =	swait.ge [sflag:s22], $0x4000  }
0x6d: {  	[sflag:s22] =	ssyncset.done $0x0  }
0x6e: {  	s29 =	sadd.s32 $0x1480, s26;
	[sflag:s22] =	ssyncadd.s32 $0xFFFFC000  }
0x6f: {  	[spmem:s1] =	stream.indirect.scatter.add.f32 [tilespmem:s20], [sflag:$0x3], $0x80, s29, s19, $0xb8;
	[tilespmem:$0x1E400] =	vst v63  }
0x70: {  	_ =	swait.ge [sflag:s17], $0x4000  }
0x71: {  	[sflag:s17] =	ssyncset.done $0x0  }
0x72: {  	[sflag:s17] =	ssyncadd.s32 $0xFFFFC000  }
0x73: {  	[tilespmem:s20], [sflag:$0x2] =	stream.indirect.gather [hbm4b:s4+s19], $0x80, s23, s19, $0xb8;
	[tilespmem:$0x1E400] =	vst v63  }
0x74: {  	_ =	swait.ge [sflag:s21], $0x4000  }
0x75: {  	[sflag:s21] =	ssyncset.done $0x0  }
0x76: {  	[sflag:s21] =	ssyncadd.s32 $0xFFFFC000  }
0x77: {  	[spmem:s1] =	stream.indirect.scatter.add.f32 [tilespmem:s16], [sflag:$0x3], $0x80, s24, s19, $0xb8;
	[tilespmem:$0x1E400] =	vst v63  }
0x78: {  	_ =	swait.ge [sflag:s17], $0x4000  }
0x79: {  	[sflag:s17] =	ssyncset.done $0x0  }
0x7a: {  	[sflag:s17] =	ssyncadd.s32 $0xFFFFC000  }
0x7b: {  	_ =	swait.ge [sflag:s22], $0x4000  }
0x7c: {  	[sflag:s22] =	ssyncset.done $0x0  }
0x7d: {  	[sflag:s22] =	ssyncadd.s32 $0xFFFFC000  }
0x7e: {  	[spmem:s1] =	stream.indirect.scatter.add.f32 [tilespmem:s20], [sflag:$0x3], $0x80, s25, s19, $0xb8;
	[tilespmem:$0x1E400] =	vst v63  }
0x7f: {  	_ =	swait.ge [sflag:s17], $0x4000  }
0x80: {  	[sflag:s17] =	ssyncset.done $0x0  }
0x81: {  	s30 =	simm.s32 $0x0;
	[sflag:s17] =	ssyncadd.s32 $0xFFFFC000  }
0x82: {  	[tilespmem:s30], [sflag:$0x3] =	stream.linear.gather [hbm4b:s12+s30], $0x1400, $0x38;
	[tilespmem:$0x1E400] =	vst v63  }
0x83: {  	_ =	swait.ge [sflag:s17], $0x1400  }
0x84: {  	[sflag:s17] =	ssyncset.done $0x0  }
0x85: {  	[sflag:s17] =	ssyncadd.s32 $0xFFFFEC00  }
0x86: {  	[tilespmem:s18], [sflag:$0x3] =	stream.linear.gather [hbm4b:s13+s30], $0x1400, $0x38;
	[tilespmem:$0x1E400] =	vst v63  }
0x87: {  	_ =	swait.ge [sflag:s17], $0x1400  }
0x88: {  	[sflag:s17] =	ssyncset.done $0x0  }
0x89: {  	[sflag:s17] =	ssyncadd.s32 $0xFFFFEC00  }
0x8a: {  	[tilespmem:s16], [sflag:$0x1] =	stream.indirect.gather [hbm4b:s4+s19], $0x80, s30, s19, $0xb8;
	[tilespmem:$0x1E400] =	vst v63  }
0x8b: {  	s31 =	simm.s32 $0x80  }
0x8c: {  	[tilespmem:s20], [sflag:$0x2] =	stream.indirect.gather [hbm4b:s4+s19], $0x80, s31, s19, $0xb8;
	[tilespmem:$0x1E400] =	vst v63  }
0x8d: {  	_ =	swait.ge [sflag:s21], $0x4000  }
0x8e: {  	[sflag:s21] =	ssyncset.done $0x0  }
0x8f: {  	s29 =	simm.s32 $0x1400;
	[sflag:s21] =	ssyncadd.s32 $0xFFFFC000  }
0x90: {  	[spmem:s1] =	stream.indirect.scatter.add.f32 [tilespmem:s16], [sflag:$0x3], $0x80, s29, s19, $0xb8;
	[tilespmem:$0x1E400] =	vst v63  }
0x91: {  	_ =	swait.ge [sflag:s17], $0x4000  }
0x92: {  	[sflag:s17] =	ssyncset.done $0x0  }
0x93: {  	s30 =	simm.s32 $0x100;
	[sflag:s17] =	ssyncadd.s32 $0xFFFFC000  }
0x94: {  	[tilespmem:s16], [sflag:$0x1] =	stream.indirect.gather [hbm4b:s4+s19], $0x80, s30, s19, $0xb8;
	[tilespmem:$0x1E400] =	vst v63  }
0x95: {  	_ =	swait.ge [sflag:s22], $0x4000  }
0x96: {  	[sflag:s22] =	ssyncset.done $0x0  }
0x97: {  	s31 =	simm.s32 $0x1480;
	[sflag:s22] =	ssyncadd.s32 $0xFFFFC000  }
0x98: {  	[spmem:s1] =	stream.indirect.scatter.add.f32 [tilespmem:s20], [sflag:$0x3], $0x80, s31, s19, $0xb8;
	[tilespmem:$0x1E400] =	vst v63  }
0x99: {  	_ =	swait.ge [sflag:s17], $0x4000  }
0x9a: {  	s26 =	simm.s32 $0x100;
	s28 =	simm.s32 $0x800;
	[sflag:s17] =	ssyncset.done $0x0  }
.LBB2_6:
0x9b: {  	s29 =	sadd.s32 $0x80, s26  }
0x9c: {  	[sflag:s17] =	ssyncadd.s32 $0xFFFFC000;
	s30 =	smov.u32 s28;
	s31 =	sadd.s32 $0x400, s28  }
0x9d: {  	[tilespmem:s20], [sflag:$0x2] =	stream.indirect.gather [hbm4b:s4+s19], $0x80, s29, s19, $0xb8;
	[tilespmem:$0x1E400] =	vst v63  }
0x9e: {  	p0 =	sne.s32 s28, $0x4800;
	_ =	swait.ge [sflag:s21], $0x4000  }
0x9f: {  	[sflag:s21] =	ssyncset.done $0x0  }
0xa0: {  	s28 =	sadd.s32 $0x1400, s26;
	[sflag:s21] =	ssyncadd.s32 $0xFFFFC000  }
0xa1: {  	[spmem:s1] =	stream.indirect.scatter.add.f32 [tilespmem:s16], [sflag:$0x3], $0x80, s28, s19, $0xb8;
	[tilespmem:$0x1E400] =	vst v63  }
0xa2: {  	_ =	swait.ge [sflag:s17], $0x4000  }
0xa3: {  	[sflag:s17] =	ssyncset.done $0x0  }
0xa4: {  	s28 =	sadd.s32 $0x100, s26;
	[sflag:s17] =	ssyncadd.s32 $0xFFFFC000  }
0xa5: {  	[tilespmem:s16], [sflag:$0x1] =	stream.indirect.gather [hbm4b:s4+s19], $0x80, s28, s19, $0xb8;
	[tilespmem:$0x1E400] =	vst v63  }
0xa6: {  	_ =	swait.ge [sflag:s22], $0x4000  }
.Ltmp2:
0xa7: {  	[sflag:s22] =	ssyncset.done $0x0;
	(pc) =	sbr.rel @p0 .LBB2_6-.Ltmp2, $4  }
0xa8: {  	s26 =	sadd.s32 $0x1480, s26;
	[sflag:s22] =	ssyncadd.s32 $0xFFFFC000  }
0xa9: {  	[spmem:s1] =	stream.indirect.scatter.add.f32 [tilespmem:s20], [sflag:$0x3], $0x80, s26, s19, $0xb8;
	[tilespmem:$0x1E400] =	vst v63  }
0xaa: {  	_ =	swait.ge [sflag:s17], $0x4000  }
0xab: {  	s28 =	smov.u32 s31;
	s26 =	sshra.s32 s30, $0x2;
	[sflag:s17] =	ssyncset.done $0x0  }
0xac: {  	s28 =	sadd.s32 $0x80, s26;
	[sflag:s17] =	ssyncadd.s32 $0xFFFFC000  }
0xad: {  	[tilespmem:s20], [sflag:$0x2] =	stream.indirect.gather [hbm4b:s4+s19], $0x80, s28, s19, $0xb8;
	[tilespmem:$0x1E400] =	vst v63  }
0xae: {  	_ =	swait.ge [sflag:s21], $0x4000  }
0xaf: {  	[sflag:s21] =	ssyncset.done $0x0  }
0xb0: {  	s30 =	sadd.s32 $0x1400, s26;
	[sflag:s21] =	ssyncadd.s32 $0xFFFFC000  }
0xb1: {  	[spmem:s1] =	stream.indirect.scatter.add.f32 [tilespmem:s16], [sflag:$0x3], $0x80, s30, s19, $0xb8;
	[tilespmem:$0x1E400] =	vst v63  }
0xb2: {  	_ =	swait.ge [sflag:s17], $0x4000  }
0xb3: {  	[sflag:s17] =	ssyncset.done $0x0  }
0xb4: {  	s31 =	sadd.s32 $0x100, s26;
	[sflag:s17] =	ssyncadd.s32 $0xFFFFC000  }
0xb5: {  	[tilespmem:s16], [sflag:$0x1] =	stream.indirect.gather [hbm4b:s4+s19], $0x80, s31, s19, $0xb8;
	[tilespmem:$0x1E400] =	vst v63  }
0xb6: {  	_ =	swait.ge [sflag:s22], $0x4000  }
0xb7: {  	[sflag:s22] =	ssyncset.done $0x0  }
0xb8: {  	s29 =	sadd.s32 $0x1480, s26;
	[sflag:s22] =	ssyncadd.s32 $0xFFFFC000  }
0xb9: {  	[spmem:s1] =	stream.indirect.scatter.add.f32 [tilespmem:s20], [sflag:$0x3], $0x80, s29, s19, $0xb8;
	[tilespmem:$0x1E400] =	vst v63  }
0xba: {  	_ =	swait.ge [sflag:s17], $0x4000  }
0xbb: {  	[sflag:s17] =	ssyncset.done $0x0  }
0xbc: {  	[sflag:s17] =	ssyncadd.s32 $0xFFFFC000  }
0xbd: {  	[tilespmem:s20], [sflag:$0x2] =	stream.indirect.gather [hbm4b:s4+s19], $0x80, s23, s19, $0xb8;
	[tilespmem:$0x1E400] =	vst v63  }
0xbe: {  	_ =	swait.ge [sflag:s21], $0x4000  }
0xbf: {  	[sflag:s21] =	ssyncset.done $0x0  }
0xc0: {  	[sflag:s21] =	ssyncadd.s32 $0xFFFFC000  }
0xc1: {  	[spmem:s1] =	stream.indirect.scatter.add.f32 [tilespmem:s16], [sflag:$0x3], $0x80, s24, s19, $0xb8;
	[tilespmem:$0x1E400] =	vst v63  }
0xc2: {  	_ =	swait.ge [sflag:s17], $0x4000  }
0xc3: {  	[sflag:s17] =	ssyncset.done $0x0  }
0xc4: {  	[sflag:s17] =	ssyncadd.s32 $0xFFFFC000  }
0xc5: {  	_ =	swait.ge [sflag:s22], $0x4000  }
0xc6: {  	[sflag:s22] =	ssyncset.done $0x0  }
0xc7: {  	[sflag:s22] =	ssyncadd.s32 $0xFFFFC000  }
0xc8: {  	[spmem:s1] =	stream.indirect.scatter.add.f32 [tilespmem:s20], [sflag:$0x3], $0x80, s25, s19, $0xb8;
	[tilespmem:$0x1E400] =	vst v63  }
0xc9: {  	_ =	swait.ge [sflag:s17], $0x4000  }
0xca: {  	s3 =	sadd.s32 $0x1, s3;
	s30 =	sshll.u32 s2, $0x6;
	[sflag:s17] =	ssyncset.done $0x0  }
0xcb: {  	p0 =	sne.s32 s3, s15;
	s26 =	sor.u32 $0x1C03, s30;
	[sflag:s17] =	ssyncadd.s32 $0xFFFFC000  }
.Ltmp3:
0xcc: {  	s31 =	sshrl.u32 s5, $0x3;
	[bflag:$0x0] =	sbarrier.arrive $0xFFFF;
	(pc) =	sbr.rel @p0 .LBB2_1-.Ltmp3, $4  }
0xcd: {  	[hbm:s14], [sflag:s26] =	dma.local [spmem:s31], $0x2780  }
0xce: {  	_ =	swait.ge [sflag:s17], $0x2780  }
0xcf: {  	[sflag:s17] =	ssyncset.done $0x0  }
0xd0: {  	[sflag:s17] =	ssyncadd.s32 $0xFFFFD880  }
0xd1: {  	_ =	sfence.sel $0x180000  }
0xd2: {  	[bflag:$0x0] =	sbarrier.arrive $0xFFFF  }
0xd3: {  	p0 =	sne.s32 s2, $0x0;
	_ =	strace $0x90000050  }
0xd4: {  	s0 =	sadd.s32 @!p0 $0x100000, s0;
	[bflag:$0x2] =	sbarrier.arrive $0xFFFF  }
0xd5: {  	[sflag:s0] =	ssyncadd.tile.s32 @!p0 $0x1;
	_ =	shalt  }
.Lfunc_end2:
_tile_overlayer_lowered:
.L_overlay_start_2:
0xd6: {  	(tag) =	ssettag $0x2  }
0xd7: {  	s0 =	rddreg [dreg:$0x0];
	s2 =	stileid.u32  }
0xd8: {  	s1 =	rddreg [dreg:$0x1];
	p0 =	sne.s32 s2, $0x0  }
0xd9: {  	s3 =	rddreg [dreg:$0x2];
	[bflag:$0x3] =	sbarrier.arrive $0xFFFF;
	s2 =	simm.s32 @!p0 $0x1C03  }
0xda: {  	[timem:s3], [sflag:s2] =	dma.local @!p0 [hbm:s0], s1  }
0xdb: {  	s0 =	simm.s32 @!p0 $0x3  }
0xdc: {  	_ =	swait.ge @!p0 [sflag:s0], s1  }
0xdd: {  	s1 =	ssub.s32 @!p0 $0x0, s1;
	[sflag:s0] =	ssyncset.done @!p0 $0x0  }
0xde: {  	[sflag:s0] =	ssyncadd.s32 @!p0 s1  }
0xdf: {  	[bflag:$0x3] =	sbarrier.arrive $0xFFFF  }
0xe0: {  	_ =	shalt  }

</sc_bundles>
